<compile_context>
chip_gen: v7x
topology: tpu7x:2x2x1
jax: 0.10.2.dev20260603
libtpu: 0.0.44.dev20260713+nightly
codegen_flags: <defaults>
</compile_context>

<pallas_src>
import functools

import jax
import jax.numpy as jnp
from jax import lax
from jax.experimental import pallas as pl
from jax.experimental.pallas import tpu as pltpu
from jax.experimental.pallas import tpu_sc as plsc

N_ATOM = 2048
E_ATOM = 65536
N_MOTIF = 512
E_MOTIF = 2048
HIDDEN = 256
HEADS = 4
HD = HIDDEN // HEADS

NW = 32
CH = 64
PCOL = N_ATOM // 2
CWORDS = CH * PCOL
EBLK = 4096
MCH = N_MOTIF // NW

RB = 512
NRB = N_ATOM // RB

_PREC = jax.lax.Precision.DEFAULT



@functools.cache
def _sc_atom_kernel():
    mesh = plsc.VectorSubcoreMesh(core_axis_name="c", subcore_axis_name="s")
    return pl.kernel(
        _sc_atom_body,
        mesh=mesh,
        compiler_params=pltpu.CompilerParams(needs_layout_passes=False),
        out_type=jax.ShapeDtypeStruct((N_ATOM, PCOL), jnp.int32),
        scratch_types=[
            pltpu.VMEM((CH, PCOL), jnp.int32),
            pltpu.VMEM((EBLK,), jnp.int32),
            pltpu.VMEM((EBLK,), jnp.int32),
            pltpu.VMEM((EBLK,), jnp.int32),
            pltpu.VMEM((EBLK,), jnp.int32),
            pltpu.SemaphoreType.DMA,
            pltpu.SemaphoreType.DMA,
        ],
    )


@functools.cache
def _sc_motif_kernel():
    mesh = plsc.VectorSubcoreMesh(core_axis_name="c", subcore_axis_name="s")
    return pl.kernel(
        _sc_motif_body,
        mesh=mesh,
        compiler_params=pltpu.CompilerParams(needs_layout_passes=False),
        out_type=jax.ShapeDtypeStruct((N_MOTIF, N_MOTIF), jnp.float32),
        scratch_types=[
            pltpu.VMEM((MCH, N_MOTIF), jnp.float32),
            pltpu.VMEM((E_MOTIF,), jnp.int32),
        ],
    )


def _sc_atom_body(flat_hbm, val_hbm, a_out,
                  buf, fbuf0, fbuf1, vbuf0, vbuf1, sem0, sem1):
    wid = lax.axis_index("s") * 2 + lax.axis_index("c")
    izeros = jnp.zeros((16,), jnp.int32)
    fbase = wid * CWORDS
    fbufs, vbufs, sems = (fbuf0, fbuf1), (vbuf0, vbuf1), (sem0, sem1)
    nblk = E_ATOM // EBLK

    def _start(blk):
        slot = blk % 2
        return (
            pltpu.async_copy(flat_hbm.at[pl.ds(blk * EBLK, EBLK)],
                             fbufs[slot], sems[slot]),
            pltpu.async_copy(val_hbm.at[pl.ds(blk * EBLK, EBLK)],
                             vbufs[slot], sems[slot]),
        )

    pending = _start(0)

    def zbody(i, _):
        r = i >> 3
        cb = (i & 7) * 128
        for k in range(8):
            buf[r, pl.ds(cb + k * 16, 16)] = izeros
        return _
    lax.fori_loop(0, CWORDS // 128, zbody, 0)

    for blk in range(nblk):
        slot = blk % 2
        for h in pending:
            h.wait()
        if blk + 1 < nblk:
            pending = _start(blk + 1)
        fbuf, vbuf = fbufs[slot], vbufs[slot]

        def ebody(i, _):
            for k in range(8):
                off = i * 128 + k * 16
                rel = fbuf[pl.ds(off, 16)] - fbase
                m = rel.astype(jnp.uint32) < CWORDS
                plsc.addupdate_scatter(
                    buf, [rel >> 10, rel & (PCOL - 1)],
                    vbuf[pl.ds(off, 16)], mask=m)
            return _
        lax.fori_loop(0, EBLK // 128, ebody, 0)

    pltpu.sync_copy(buf, a_out.at[pl.ds(wid * CH, CH)])


def _sc_motif_body(mflat_hbm, am_out, mbuf, mfbuf):
    wid = lax.axis_index("s") * 2 + lax.axis_index("c")
    ones = jnp.ones((16,), jnp.float32)
    zeros = jnp.zeros((16,), jnp.float32)
    mwords = MCH * N_MOTIF
    mfbase = wid * mwords
    pltpu.sync_copy(mflat_hbm, mfbuf)

    def mzbody(i, _):
        r = i >> 2
        cb = (i & 3) * 128
        for k in range(8):
            mbuf[r, pl.ds(cb + k * 16, 16)] = zeros
        return _
    lax.fori_loop(0, mwords // 128, mzbody, 0)

    def mebody(i, _):
        for k in range(4):
            rel = mfbuf[pl.ds(i * 64 + k * 16, 16)] - mfbase
            m = rel.astype(jnp.uint32) < mwords
            plsc.addupdate_scatter(mbuf, [rel >> 9, rel & (N_MOTIF - 1)],
                                   ones, mask=m)
        return _
    lax.fori_loop(0, E_MOTIF // 64, mebody, 0)

    pltpu.sync_copy(mbuf, am_out.at[pl.ds(wid * MCH, MCH)])



def _dot(a, b, ca=1, cb=0):
    return lax.dot_general(a, b, (((ca,), (cb,)), ((), ())), precision=_PREC)


def _full(shape):
    return pl.BlockSpec(shape, lambda *_: (0,) * len(shape))


def _flat_body(e_ref, me_ref, f_ref, v_ref, mf_ref):
    src, dst = e_ref[0], e_ref[1]
    f_ref[...] = dst * PCOL + (src & (PCOL - 1))
    v_ref[...] = 1 << ((src >> 10) << 4)
    mf_ref[...] = me_ref[1] * N_MOTIF + me_ref[0]


def _flat_ids(edge_index, motif_edge_index):
    f, v, mf = pl.pallas_call(
        _flat_body,
        out_shape=[
            jax.ShapeDtypeStruct((E_ATOM // 128, 128), jnp.int32),
            jax.ShapeDtypeStruct((E_ATOM // 128, 128), jnp.int32),
            jax.ShapeDtypeStruct((E_MOTIF // 128, 128), jnp.int32),
        ],
    )(edge_index.reshape(2, E_ATOM // 128, 128),
      motif_edge_index.reshape(2, E_MOTIF // 128, 128))
    return f.reshape(E_ATOM), v.reshape(E_ATOM), mf.reshape(E_MOTIF)


def _gcn_pre_body(a_ref, xf_ref, aw_ref, ab_ref, w0_ref,
                  abf_ref, dinv_ref, hd_ref, hdb_ref):
    ap = a_ref[...]
    low = ap & 0xFFFF
    high = ap >> 16
    abf_ref[:, :PCOL] = low.astype(jnp.bfloat16)
    abf_ref[:, PCOL:] = high.astype(jnp.bfloat16)
    deg = (jnp.sum(low, axis=1, keepdims=True)
           + jnp.sum(high, axis=1, keepdims=True)).astype(jnp.float32) + 1.0
    dinv = lax.rsqrt(deg)
    dinv_ref[...] = dinv
    x0 = _dot(xf_ref[...], aw_ref[...]) + ab_ref[...]
    hd = dinv * _dot(x0, w0_ref[...])
    hd_ref[...] = hd
    hdb_ref[...] = hd.astype(jnp.bfloat16)


def _gcn_pre(A, atom_f, aw, ab, w0):
    return pl.pallas_call(
        _gcn_pre_body,
        grid=(NRB,),
        in_specs=[pl.BlockSpec((RB, PCOL), lambda i: (i, 0)),
                  pl.BlockSpec((RB, 128), lambda i: (i, 0)),
                  _full((128, HIDDEN)), _full((1, HIDDEN)),
                  _full((HIDDEN, HIDDEN))],
        out_specs=[pl.BlockSpec((RB, N_ATOM), lambda i: (i, 0)),
                   pl.BlockSpec((RB, 1), lambda i: (i, 0)),
                   pl.BlockSpec((RB, HIDDEN), lambda i: (i, 0)),
                   pl.BlockSpec((RB, HIDDEN), lambda i: (i, 0))],
        out_shape=[jax.ShapeDtypeStruct((N_ATOM, N_ATOM), jnp.bfloat16),
                   jax.ShapeDtypeStruct((N_ATOM, 1), jnp.float32),
                   jax.ShapeDtypeStruct((N_ATOM, HIDDEN), jnp.float32),
                   jax.ShapeDtypeStruct((N_ATOM, HIDDEN), jnp.bfloat16)],
    )(A, atom_f, aw, ab.reshape(1, HIDDEN), w0)


def _gcn_agg(abf_ref, hdbf_ref, hd_ref):
    t = lax.dot_general(abf_ref[...], hdbf_ref[...],
                        (((1,), (0,)), ((), ())),
                        preferred_element_type=jnp.float32)
    return t + hd_ref[...]


def _gcn_fused_mid(abf_ref, hdbf_ref, hd_ref, dinv_ref, b_ref,
                   wn_ref, o_ref, ob_ref):
    t = _gcn_agg(abf_ref, hdbf_ref, hd_ref)
    x = jnp.maximum(dinv_ref[...] * t + b_ref[...], 0.0)
    hd = dinv_ref[...] * _dot(x, wn_ref[...])
    o_ref[...] = hd
    ob_ref[...] = hd.astype(jnp.bfloat16)


def _gcn_fused_last(abf_ref, hdbf_ref, hd_ref, dinv_ref, b_ref, o_ref):
    t = _gcn_agg(abf_ref, hdbf_ref, hd_ref)
    o_ref[...] = jnp.maximum(dinv_ref[...] * t + b_ref[...], 0.0)


def _gcn_fused(Abf, hd, hdb, dinv, b, w_next):
    specs = [pl.BlockSpec((RB, N_ATOM), lambda i: (i, 0)),
             _full((N_ATOM, HIDDEN)),
             pl.BlockSpec((RB, HIDDEN), lambda i: (i, 0)),
             pl.BlockSpec((RB, 1), lambda i: (i, 0)),
             _full((1, HIDDEN))]
    args = [Abf, hdb, hd, dinv, b.reshape(1, HIDDEN)]
    blk = pl.BlockSpec((RB, HIDDEN), lambda i: (i, 0))
    if w_next is None:
        return pl.pallas_call(
            _gcn_fused_last,
            grid=(NRB,),
            in_specs=specs,
            out_specs=blk,
            out_shape=jax.ShapeDtypeStruct((N_ATOM, HIDDEN), jnp.float32),
        )(*args)
    specs.append(_full((HIDDEN, HIDDEN)))
    args.append(w_next)
    return pl.pallas_call(
        _gcn_fused_mid,
        grid=(NRB,),
        in_specs=specs,
        out_specs=[blk, blk],
        out_shape=[jax.ShapeDtypeStruct((N_ATOM, HIDDEN), jnp.float32),
                   jax.ShapeDtypeStruct((N_ATOM, HIDDEN), jnp.bfloat16)],
    )(*args)


def _softmax_exp(s):
    return jnp.exp((s - jnp.max(s, axis=1, keepdims=True))
                   .astype(jnp.bfloat16))


def _motif_body(am_ref, mf_ref, mw_ref, mb_ref,
                w1_ref, b1_ref, w2_ref, b2_ref,
                wqkv_ref, bqkv_ref, o_ref):
    m = _dot(mf_ref[...], mw_ref[...]) + mb_ref[...]
    Am = am_ref[...]
    for i in range(3):
        h = m + _dot(Am, m)
        h1 = jnp.maximum(_dot(h, w1_ref[i]) + b1_ref[i][None, :], 0.0)
        m = jnp.maximum(_dot(h1, w2_ref[i]) + b2_ref[i][None, :], 0.0)
    qkv = _dot(m, wqkv_ref[...], 1, 1) + bqkv_ref[...]
    outs = []
    scale = 1.0 / float(HD) ** 0.5
    for h in range(HEADS):
        q = qkv[:, h * HD:(h + 1) * HD] * scale
        k = qkv[:, HIDDEN + h * HD:HIDDEN + (h + 1) * HD]
        v = qkv[:, 2 * HIDDEN + h * HD:2 * HIDDEN + (h + 1) * HD]
        s = lax.dot_general(q, k, (((1,), (1,)), ((), ())),
                            precision=_PREC)
        e = _softmax_exp(s)
        vx = jnp.concatenate(
            [v, jnp.ones((N_MOTIF, 16), jnp.float32)], axis=1)
        ox = lax.dot_general(e, vx.astype(jnp.bfloat16),
                             (((1,), (0,)), ((), ())),
                             preferred_element_type=jnp.float32)
        o = ox[:, :HD] * (1.0 / ox[:, HD:HD + 1])
        outs.append(jnp.sum(o, axis=0, keepdims=True) * (1.0 / N_MOTIF))
    o_ref[...] = jnp.concatenate(outs, axis=1)


def _motif_pooled(Am, motif_f, mw, mb, w1, b1, w2, b2, wqkv, bqkv):
    return pl.pallas_call(
        _motif_body,
        out_shape=jax.ShapeDtypeStruct((1, HIDDEN), jnp.float32),
    )(Am, motif_f, mw, mb.reshape(1, HIDDEN), w1, b1, w2, b2,
      wqkv, bqkv.reshape(1, 3 * HIDDEN))


def _attn_pool_body(xb_ref, xf_ref, wq_ref, wk_ref, wv_ref,
                    bq_ref, bk_ref, bv_ref, o_ref, k_s, v_s):
    j = pl.program_id(1)
    L = xf_ref.shape[0]

    @pl.when(j == 0)
    def _():
        k_s[...] = _dot(xf_ref[...], wk_ref[...], 1, 1) + bk_ref[0]
        v = _dot(xf_ref[...], wv_ref[...], 1, 1) + bv_ref[0]
        v_s[:, :HD] = v.astype(jnp.bfloat16)
        v_s[:, HD:HD + 16] = jnp.ones((L, 16), jnp.bfloat16)

    q = (_dot(xb_ref[...], wq_ref[...], 1, 1) + bq_ref[0]) \
        * (1.0 / float(HD) ** 0.5)
    s = lax.dot_general(q, k_s[...], (((1,), (1,)), ((), ())),
                        precision=_PREC)
    e = _softmax_exp(s)
    ox = lax.dot_general(e, v_s[...], (((1,), (0,)), ((), ())),
                         preferred_element_type=jnp.float32)
    o = ox[:, :HD] * (1.0 / ox[:, HD:HD + 1])
    colsum = jnp.sum(o, axis=0, keepdims=True) * (1.0 / float(L))

    @pl.when(j == 0)
    def _():
        o_ref[...] = jnp.zeros_like(o_ref)

    o_ref[0] += colsum


def _attn_pool(x, wqkv, bqkv):
    L = x.shape[0]
    b3 = bqkv.reshape(3 * HEADS, 1, HD)
    return pl.pallas_call(
        _attn_pool_body,
        grid=(HEADS, L // RB),
        in_specs=[
            pl.BlockSpec((RB, HIDDEN), lambda h, j: (j, 0)),
            _full((L, HIDDEN)),
            pl.BlockSpec((HD, HIDDEN), lambda h, j: (h, 0)),
            pl.BlockSpec((HD, HIDDEN), lambda h, j: (HEADS + h, 0)),
            pl.BlockSpec((HD, HIDDEN), lambda h, j: (2 * HEADS + h, 0)),
            pl.BlockSpec((1, 1, HD), lambda h, j: (h, 0, 0)),
            pl.BlockSpec((1, 1, HD), lambda h, j: (HEADS + h, 0, 0)),
            pl.BlockSpec((1, 1, HD), lambda h, j: (2 * HEADS + h, 0, 0)),
        ],
        out_specs=pl.BlockSpec((1, 1, HD), lambda h, j: (h, 0, 0)),
        out_shape=jax.ShapeDtypeStruct((HEADS, 1, HD), jnp.float32),
        scratch_shapes=[pltpu.VMEM((L, HD), jnp.float32),
                        pltpu.VMEM((L, HD + 16), jnp.bfloat16)],
    )(x, x, wqkv, wqkv, wqkv, b3, b3, b3)


def _final_body(am_ref, mm_ref, wo_ref, bo_ref,
                w1_ref, b1_ref, w2_ref, b2_ref, o_ref):
    ag = _dot(am_ref[...], wo_ref[...], 1, 1) + bo_ref[...]
    mg = _dot(mm_ref[...], wo_ref[...], 1, 1) + bo_ref[...]
    c = jnp.concatenate([ag, mg], axis=1)
    h = jnp.maximum(_dot(c, w1_ref[...]) + b1_ref[...], 0.0)
    o_ref[...] = _dot(h, w2_ref[...]) + b2_ref[...]


def _final(atom_mean, motif_mean, wo, bo, w1, b1, w2, b2):
    return pl.pallas_call(
        _final_body,
        out_shape=jax.ShapeDtypeStruct((1, 128), jnp.float32),
    )(atom_mean, motif_mean, wo, bo.reshape(1, HIDDEN),
      w1, b1.reshape(1, HIDDEN), w2, b2.reshape(1, 128))


def _build_adjacency(edge_index, motif_edge_index):
    flat, vals, mflat = _flat_ids(edge_index, motif_edge_index)
    Am = _sc_motif_kernel()(mflat)
    A = _sc_atom_kernel()(flat, vals)
    return A, Am


def kernel(atom_features, bond_features, motif_features, params,
           edge_index, motif_edge_index):
    del bond_features
    p = params
    A, Am = _build_adjacency(edge_index, motif_edge_index)

    mm = _motif_pooled(Am, motif_features, p['motif_W'], p['motif_b'],
                       p['gin_W1'], p['gin_b1'], p['gin_W2'], p['gin_b2'],
                       p['attn_Wqkv'], p['attn_bqkv'])

    Abf, dinv, hd, hdb = _gcn_pre(A, atom_features, p['atom_W'],
                                  p['atom_b'], p['gcn_W'][0])
    hd, hdb = _gcn_fused(Abf, hd, hdb, dinv, p['gcn_b'][0], p['gcn_W'][1])
    hd, hdb = _gcn_fused(Abf, hd, hdb, dinv, p['gcn_b'][1], p['gcn_W'][2])
    x = _gcn_fused(Abf, hd, hdb, dinv, p['gcn_b'][2], None)

    am = _attn_pool(x, p['attn_Wqkv'], p['attn_bqkv']).reshape(1, HIDDEN)

    latent = _final(am, mm, p['attn_Wo'], p['attn_bo'],
                    p['proj_W1'], p['proj_b1'], p['proj_W2'], p['proj_b2'])
    return latent.reshape(128)

# --- scband reference (transcript-rebuilt; emitter-appended) ---
"""Pipeline reference for scband-structure-encoder-66700842107560 (READ-ONLY COPY).

The authoritative reference and input builder live on the scoring server;
editing this copy changes nothing except your own understanding.
"""

import jax, jax.numpy as jnp
import numpy as np

N_ATOM = 2048
E_ATOM = 65536
N_MOTIF = 512
E_MOTIF = 2048
ATOM_FDIM = 128
BOND_FDIM = 16
MOTIF_FDIM = 64
HIDDEN = 256
LATENT = 128
HEADS = 4


def _lin_init(key, fan_in, shape):
    bound = 1.0 / np.sqrt(fan_in)
    return jax.random.uniform(key, shape, minval=-bound, maxval=bound, dtype=jnp.float32)


def setup_inputs(seed: int = 0):
    key = jax.random.key(seed)
    ks = iter(jax.random.split(key, 64))
    atom_features = jax.random.normal(next(ks), (N_ATOM, ATOM_FDIM), dtype=jnp.float32)
    bond_features = jax.random.normal(next(ks), (E_ATOM, BOND_FDIM), dtype=jnp.float32)
    motif_features = jax.random.normal(next(ks), (N_MOTIF, MOTIF_FDIM), dtype=jnp.float32)
    edge_index = jax.random.randint(next(ks), (2, E_ATOM), 0, N_ATOM, dtype=jnp.int32)
    motif_edge_index = jax.random.randint(next(ks), (2, E_MOTIF), 0, N_MOTIF, dtype=jnp.int32)
    params = {
        'atom_W': _lin_init(next(ks), ATOM_FDIM, (ATOM_FDIM, HIDDEN)),
        'atom_b': _lin_init(next(ks), ATOM_FDIM, (HIDDEN,)),
        'bond_W': _lin_init(next(ks), BOND_FDIM, (BOND_FDIM, HIDDEN)),
        'bond_b': _lin_init(next(ks), BOND_FDIM, (HIDDEN,)),
        'motif_W': _lin_init(next(ks), MOTIF_FDIM, (MOTIF_FDIM, HIDDEN)),
        'motif_b': _lin_init(next(ks), MOTIF_FDIM, (HIDDEN,)),
        'gcn_W': jnp.stack([_lin_init(next(ks), HIDDEN, (HIDDEN, HIDDEN)) for _ in range(3)]),
        'gcn_b': jnp.stack([_lin_init(next(ks), HIDDEN, (HIDDEN,)) for _ in range(3)]),
        'gin_W1': jnp.stack([_lin_init(next(ks), HIDDEN, (HIDDEN, 2 * HIDDEN)) for _ in range(3)]),
        'gin_b1': jnp.stack([_lin_init(next(ks), HIDDEN, (2 * HIDDEN,)) for _ in range(3)]),
        'gin_W2': jnp.stack([_lin_init(next(ks), 2 * HIDDEN, (2 * HIDDEN, HIDDEN)) for _ in range(3)]),
        'gin_b2': jnp.stack([_lin_init(next(ks), 2 * HIDDEN, (HIDDEN,)) for _ in range(3)]),
        'attn_Wqkv': _lin_init(next(ks), HIDDEN, (3 * HIDDEN, HIDDEN)),
        'attn_bqkv': jnp.zeros((3 * HIDDEN,), dtype=jnp.float32),
        'attn_Wo': _lin_init(next(ks), HIDDEN, (HIDDEN, HIDDEN)),
        'attn_bo': jnp.zeros((HIDDEN,), dtype=jnp.float32),
        'proj_W1': _lin_init(next(ks), 2 * HIDDEN, (2 * HIDDEN, HIDDEN)),
        'proj_b1': _lin_init(next(ks), 2 * HIDDEN, (HIDDEN,)),
        'proj_W2': _lin_init(next(ks), HIDDEN, (HIDDEN, LATENT)),
        'proj_b2': _lin_init(next(ks), HIDDEN, (LATENT,)),
    }
    return {
        'atom_features': atom_features,
        'bond_features': bond_features,
        'motif_features': motif_features,
        'params': params,
        'edge_index': edge_index,
        'motif_edge_index': motif_edge_index,
    }


def _gcn(x, W, b, src, dst, n):
    # PyG GCNConv: linear transform, add self-loops, symmetric deg^{-1/2} norm, scatter-add, + bias
    h = x @ W
    loop = jnp.arange(n, dtype=src.dtype)
    src2 = jnp.concatenate([src, loop])
    dst2 = jnp.concatenate([dst, loop])
    deg = jax.ops.segment_sum(jnp.ones(dst2.shape[0], dtype=h.dtype), dst2, num_segments=n)
    dinv = jnp.where(deg > 0, jax.lax.rsqrt(jnp.maximum(deg, 1e-12)), 0.0)
    norm = dinv[src2] * dinv[dst2]
    out = jax.ops.segment_sum(h[src2] * norm[:, None], dst2, num_segments=n)
    return out + b


def _gin(x, W1, b1, W2, b2, src, dst, n):
    # PyG GINConv (eps=0): mlp((1+eps)*x + sum_{j in N(i)} x_j)
    agg = jax.ops.segment_sum(x[src], dst, num_segments=n)
    h = x + agg
    h = jax.nn.relu(h @ W1 + b1)
    return h @ W2 + b2


def _mha(x, Wqkv, bqkv, Wo, bo):
    L, D = x.shape
    qkv = x @ Wqkv.T + bqkv
    q, k, v = jnp.split(qkv, 3, axis=-1)
    hd = D // HEADS
    q = q.reshape(L, HEADS, hd).transpose(1, 0, 2)
    k = k.reshape(L, HEADS, hd).transpose(1, 0, 2)
    v = v.reshape(L, HEADS, hd).transpose(1, 0, 2)
    scores = jnp.einsum('hld,hmd->hlm', q, k) / float(np.sqrt(hd))
    attn = jax.nn.softmax(scores, axis=-1)
    out = jnp.einsum('hlm,hmd->hld', attn, v).transpose(1, 0, 2).reshape(L, D)
    return out @ Wo.T + bo


def reference(atom_features, bond_features, motif_features, params, edge_index, motif_edge_index):
    p = params
    atom = atom_features @ p['atom_W'] + p['atom_b']
    bond = bond_features @ p['bond_W'] + p['bond_b']  # computed but unused downstream (faithful to torch code)
    motif = motif_features @ p['motif_W'] + p['motif_b']
    src, dst = edge_index[0], edge_index[1]
    for i in range(3):
        atom = jax.nn.relu(_gcn(atom, p['gcn_W'][i], p['gcn_b'][i], src, dst, N_ATOM))
    msrc, mdst = motif_edge_index[0], motif_edge_index[1]
    for i in range(3):
        motif = jax.nn.relu(_gin(motif, p['gin_W1'][i], p['gin_b1'][i], p['gin_W2'][i], p['gin_b2'][i], msrc, mdst, N_MOTIF))
    atom_attn = _mha(atom, p['attn_Wqkv'], p['attn_bqkv'], p['attn_Wo'], p['attn_bo'])
    motif_attn = _mha(motif, p['attn_Wqkv'], p['attn_bqkv'], p['attn_Wo'], p['attn_bo'])
    atom_global = jnp.mean(atom_attn, axis=0)
    motif_global = jnp.mean(motif_attn, axis=0)
    combined = jnp.concatenate([atom_global, motif_global], axis=0)
    h = jax.nn.relu(combined @ p['proj_W1'] + p['proj_b1'])
    latent = h @ p['proj_W2'] + p['proj_b2']
    return latent

if __name__ == "__main__":
    import jax
    _d = setup_inputs()
    print(jax.jit(kernel)(*tuple(_d.values())))

</pallas_src>

<mosaic_0001>
#map = affine_map<(d0, d1) -> (0)>
#map1 = affine_map<(d0, d1) -> (0, 0)>
module attributes {stable_mosaic.version = 14 : i64} {
  func.func @_sc_atom_body(%arg0: i32, %arg1: i32, %arg2: memref<65536xi32, #tpu.memory_space<hbm>>, %arg3: memref<65536xi32, #tpu.memory_space<hbm>>, %arg4: memref<2048x1024xi32, #tpu.memory_space<hbm>>, %arg5: memref<64x1024xi32, #tpu.memory_space<vmem>>, %arg6: memref<4096xi32, #tpu.memory_space<vmem>>, %arg7: memref<4096xi32, #tpu.memory_space<vmem>>, %arg8: memref<4096xi32, #tpu.memory_space<vmem>>, %arg9: memref<4096xi32, #tpu.memory_space<vmem>>, %arg10: memref<!tpu.dma_semaphore, #tpu.memory_space<semaphore_mem>>, %arg11: memref<!tpu.dma_semaphore, #tpu.memory_space<semaphore_mem>>) attributes {dimension_semantics = [#tpu.dimension_semantics<core_parallel>, #tpu.dimension_semantics<subcore_parallel>], iteration_bounds = array<i64: 2, 16>, scalar_prefetch = 0 : i64, scratch_operands = 7 : i64, tpu.core_type = #tpu.core_type<sc_vector_subcore>, window_params = [{transform_indices = #map}, {transform_indices = #map}, {transform_indices = #map1}]} {
    %mul3A = arith.constant 2 : i32
    %mul3A_0 = arith.muli %arg1, %mul3A : i32
    %add3A = arith.addi %mul3A_0, %arg0 : i32
    %broadcast_in_dim3A = arith.constant 0 : i32
    %broadcast_in_dim3A_1 = vector.broadcast %broadcast_in_dim3A : i32 to vector<16xi32>
    %mul3A_2 = arith.constant 65536 : i32
    %mul3A_3 = arith.muli %add3A, %mul3A_2 : i32
    %dma_start3A = arith.constant 0 : i32
    %dma_start3A_4 = tpu.memref_slice %arg2[%dma_start3A] : memref<65536xi32, #tpu.memory_space<hbm>> -> memref<4096xi32, #tpu.memory_space<hbm>>
    %dma_start3A_5 = arith.constant 0 : i32
    %dma_start3A_6 = tpu.memref_slice %arg2[%dma_start3A_5] : memref<65536xi32, #tpu.memory_space<hbm>> -> memref<4096xi32, #tpu.memory_space<hbm>>
    tpu.enqueue_dma source(%dma_start3A_6 : memref<4096xi32, #tpu.memory_space<hbm>>) target(%arg6 : memref<4096xi32, #tpu.memory_space<vmem>>) target_semaphore(%arg10 : memref<!tpu.dma_semaphore, #tpu.memory_space<semaphore_mem>>)
    %dma_start3A_7 = arith.constant 0 : i32
    %dma_start3A_8 = tpu.memref_slice %arg3[%dma_start3A_7] : memref<65536xi32, #tpu.memory_space<hbm>> -> memref<4096xi32, #tpu.memory_space<hbm>>
    %dma_start3A_9 = arith.constant 0 : i32
    %dma_start3A_10 = tpu.memref_slice %arg3[%dma_start3A_9] : memref<65536xi32, #tpu.memory_space<hbm>> -> memref<4096xi32, #tpu.memory_space<hbm>>
    tpu.enqueue_dma source(%dma_start3A_10 : memref<4096xi32, #tpu.memory_space<hbm>>) target(%arg8 : memref<4096xi32, #tpu.memory_space<vmem>>) target_semaphore(%arg10 : memref<!tpu.dma_semaphore, #tpu.memory_space<semaphore_mem>>)
    %scan3A = arith.constant 0 : i32
    %scan3A_11 = arith.constant 0 : i32
    %scan3A_12 = arith.constant 512 : i32
    %scan3A_13 = arith.addi %scan3A_11, %scan3A_12 : i32
    %scan3A_14 = arith.constant 1 : i32
    scf.for %scan3A_361 = %scan3A_11 to %scan3A_13 step %scan3A_14  : i32 {
      %shift_right_arithmetic3A = arith.constant 3 : i32
      %shift_right_arithmetic3A_362 = arith.shrsi %scan3A_361, %shift_right_arithmetic3A : i32
      %and3A = arith.constant 7 : i32
      %and3A_363 = arith.andi %scan3A_361, %and3A : i32
      %mul3A_364 = arith.constant 128 : i32
      %mul3A_365 = arith.muli %and3A_363, %mul3A_364 : i32
      %add3A_366 = arith.constant 0 : i32
      %add3A_367 = arith.addi %mul3A_365, %add3A_366 : i32
      %swap3A = arith.index_cast %shift_right_arithmetic3A_362 : i32 to index
      %swap3A_368 = arith.index_cast %add3A_367 : i32 to index
      %swap3A_369 = tpu.vector_load %arg5[%swap3A, %swap3A_368] {strides = array<i32>} : memref<64x1024xi32, #tpu.memory_space<vmem>>, vector<16xi32>,
      tpu.vector_store %arg5[%swap3A, %swap3A_368], %broadcast_in_dim3A_1 {strides = array<i32>} : memref<64x1024xi32, #tpu.memory_space<vmem>>, vector<16xi32>,
      %add3A_370 = arith.constant 16 : i32
      %add3A_371 = arith.addi %mul3A_365, %add3A_370 : i32
      %swap3A_372 = arith.index_cast %shift_right_arithmetic3A_362 : i32 to index
      %swap3A_373 = arith.index_cast %add3A_371 : i32 to index
      %swap3A_374 = tpu.vector_load %arg5[%swap3A_372, %swap3A_373] {strides = array<i32>} : memref<64x1024xi32, #tpu.memory_space<vmem>>, vector<16xi32>,
      tpu.vector_store %arg5[%swap3A_372, %swap3A_373], %broadcast_in_dim3A_1 {strides = array<i32>} : memref<64x1024xi32, #tpu.memory_space<vmem>>, vector<16xi32>,
      %add3A_375 = arith.constant 32 : i32
      %add3A_376 = arith.addi %mul3A_365, %add3A_375 : i32
      %swap3A_377 = arith.index_cast %shift_right_arithmetic3A_362 : i32 to index
      %swap3A_378 = arith.index_cast %add3A_376 : i32 to index
      %swap3A_379 = tpu.vector_load %arg5[%swap3A_377, %swap3A_378] {strides = array<i32>} : memref<64x1024xi32, #tpu.memory_space<vmem>>, vector<16xi32>,
      tpu.vector_store %arg5[%swap3A_377, %swap3A_378], %broadcast_in_dim3A_1 {strides = array<i32>} : memref<64x1024xi32, #tpu.memory_space<vmem>>, vector<16xi32>,
      %add3A_380 = arith.constant 48 : i32
      %add3A_381 = arith.addi %mul3A_365, %add3A_380 : i32
      %swap3A_382 = arith.index_cast %shift_right_arithmetic3A_362 : i32 to index
      %swap3A_383 = arith.index_cast %add3A_381 : i32 to index
      %swap3A_384 = tpu.vector_load %arg5[%swap3A_382, %swap3A_383] {strides = array<i32>} : memref<64x1024xi32, #tpu.memory_space<vmem>>, vector<16xi32>,
      tpu.vector_store %arg5[%swap3A_382, %swap3A_383], %broadcast_in_dim3A_1 {strides = array<i32>} : memref<64x1024xi32, #tpu.memory_space<vmem>>, vector<16xi32>,
      %add3A_385 = arith.constant 64 : i32
      %add3A_386 = arith.addi %mul3A_365, %add3A_385 : i32
      %swap3A_387 = arith.index_cast %shift_right_arithmetic3A_362 : i32 to index
      %swap3A_388 = arith.index_cast %add3A_386 : i32 to index
      %swap3A_389 = tpu.vector_load %arg5[%swap3A_387, %swap3A_388] {strides = array<i32>} : memref<64x1024xi32, #tpu.memory_space<vmem>>, vector<16xi32>,
      tpu.vector_store %arg5[%swap3A_387, %swap3A_388], %broadcast_in_dim3A_1 {strides = array<i32>} : memref<64x1024xi32, #tpu.memory_space<vmem>>, vector<16xi32>,
      %add3A_390 = arith.constant 80 : i32
      %add3A_391 = arith.addi %mul3A_365, %add3A_390 : i32
      %swap3A_392 = arith.index_cast %shift_right_arithmetic3A_362 : i32 to index
      %swap3A_393 = arith.index_cast %add3A_391 : i32 to index
      %swap3A_394 = tpu.vector_load %arg5[%swap3A_392, %swap3A_393] {strides = array<i32>} : memref<64x1024xi32, #tpu.memory_space<vmem>>, vector<16xi32>,
      tpu.vector_store %arg5[%swap3A_392, %swap3A_393], %broadcast_in_dim3A_1 {strides = array<i32>} : memref<64x1024xi32, #tpu.memory_space<vmem>>, vector<16xi32>,
      %add3A_395 = arith.constant 96 : i32
      %add3A_396 = arith.addi %mul3A_365, %add3A_395 : i32
      %swap3A_397 = arith.index_cast %shift_right_arithmetic3A_362 : i32 to index
      %swap3A_398 = arith.index_cast %add3A_396 : i32 to index
      %swap3A_399 = tpu.vector_load %arg5[%swap3A_397, %swap3A_398] {strides = array<i32>} : memref<64x1024xi32, #tpu.memory_space<vmem>>, vector<16xi32>,
      tpu.vector_store %arg5[%swap3A_397, %swap3A_398], %broadcast_in_dim3A_1 {strides = array<i32>} : memref<64x1024xi32, #tpu.memory_space<vmem>>, vector<16xi32>,
      %add3A_400 = arith.constant 112 : i32
      %add3A_401 = arith.addi %mul3A_365, %add3A_400 : i32
      %swap3A_402 = arith.index_cast %shift_right_arithmetic3A_362 : i32 to index
      %swap3A_403 = arith.index_cast %add3A_401 : i32 to index
      %swap3A_404 = tpu.vector_load %arg5[%swap3A_402, %swap3A_403] {strides = array<i32>} : memref<64x1024xi32, #tpu.memory_space<vmem>>, vector<16xi32>,
      tpu.vector_store %arg5[%swap3A_402, %swap3A_403], %broadcast_in_dim3A_1 {strides = array<i32>} : memref<64x1024xi32, #tpu.memory_space<vmem>>, vector<16xi32>,
    }
    %scan3A_15 = arith.constant 512 : i32
    %dma_wait3A = arith.constant 0 : i32
    %dma_wait3A_16 = tpu.memref_slice %arg2[%dma_wait3A] : memref<65536xi32, #tpu.memory_space<hbm>> -> memref<4096xi32, #tpu.memory_space<hbm>>
    %dma_wait3A_17 = arith.constant 0 : i32
    %dma_wait3A_18 = tpu.memref_slice %arg2[%dma_wait3A_17] : memref<65536xi32, #tpu.memory_space<hbm>> -> memref<4096xi32, #tpu.memory_space<hbm>>
    tpu.wait_dma2 semaphore(%arg10 : memref<!tpu.dma_semaphore, #tpu.memory_space<semaphore_mem>>) src(%dma_wait3A_18 : memref<4096xi32, #tpu.memory_space<hbm>>) dst(%arg6 : memref<4096xi32, #tpu.memory_space<vmem>>)
    %dma_wait3A_19 = arith.constant 0 : i32
    %dma_wait3A_20 = tpu.memref_slice %arg3[%dma_wait3A_19] : memref<65536xi32, #tpu.memory_space<hbm>> -> memref<4096xi32, #tpu.memory_space<hbm>>
    %dma_wait3A_21 = arith.constant 0 : i32
    %dma_wait3A_22 = tpu.memref_slice %arg3[%dma_wait3A_21] : memref<65536xi32, #tpu.memory_space<hbm>> -> memref<4096xi32, #tpu.memory_space<hbm>>
    tpu.wait_dma2 semaphore(%arg10 : memref<!tpu.dma_semaphore, #tpu.memory_space<semaphore_mem>>) src(%dma_wait3A_22 : memref<4096xi32, #tpu.memory_space<hbm>>) dst(%arg8 : memref<4096xi32, #tpu.memory_space<vmem>>)
    %dma_start3A_23 = arith.constant 4096 : i32
    %dma_start3A_24 = tpu.memref_slice %arg2[%dma_start3A_23] : memref<65536xi32, #tpu.memory_space<hbm>> -> memref<4096xi32, #tpu.memory_space<hbm>>
    %dma_start3A_25 = arith.constant 4096 : i32
    %dma_start3A_26 = tpu.memref_slice %arg2[%dma_start3A_25] : memref<65536xi32, #tpu.memory_space<hbm>> -> memref<4096xi32, #tpu.memory_space<hbm>>
    tpu.enqueue_dma source(%dma_start3A_26 : memref<4096xi32, #tpu.memory_space<hbm>>) target(%arg7 : memref<4096xi32, #tpu.memory_space<vmem>>) target_semaphore(%arg11 : memref<!tpu.dma_semaphore, #tpu.memory_space<semaphore_mem>>)
    %dma_start3A_27 = arith.constant 4096 : i32
    %dma_start3A_28 = tpu.memref_slice %arg3[%dma_start3A_27] : memref<65536xi32, #tpu.memory_space<hbm>> -> memref<4096xi32, #tpu.memory_space<hbm>>
    %dma_start3A_29 = arith.constant 4096 : i32
    %dma_start3A_30 = tpu.memref_slice %arg3[%dma_start3A_29] : memref<65536xi32, #tpu.memory_space<hbm>> -> memref<4096xi32, #tpu.memory_space<hbm>>
    tpu.enqueue_dma source(%dma_start3A_30 : memref<4096xi32, #tpu.memory_space<hbm>>) target(%arg9 : memref<4096xi32, #tpu.memory_space<vmem>>) target_semaphore(%arg11 : memref<!tpu.dma_semaphore, #tpu.memory_space<semaphore_mem>>)
    %scan3A_31 = arith.constant 0 : i32
    %scan3A_32 = arith.constant 0 : i32
    %scan3A_33 = arith.constant 32 : i32
    %scan3A_34 = arith.addi %scan3A_32, %scan3A_33 : i32
    %scan3A_35 = arith.constant 1 : i32
    scf.for %scan3A_361 = %scan3A_32 to %scan3A_34 step %scan3A_35  : i32 {
      %mul3A_362 = arith.constant 128 : i32
      %mul3A_363 = arith.muli %scan3A_361, %mul3A_362 : i32
      %add3A_364 = arith.constant 0 : i32
      %add3A_365 = arith.addi %mul3A_363, %add3A_364 : i32
      %get3A = arith.index_cast %add3A_365 : i32 to index
      %get3A_366 = tpu.vector_load %arg6[%get3A] {strides = array<i32>} : memref<4096xi32, #tpu.memory_space<vmem>>, vector<16xi32>,
      %sub3A = vector.broadcast %mul3A_3 : i32 to vector<16xi32>
      %sub3A_367 = arith.subi %get3A_366, %sub3A : vector<16xi32>
      %lt3A = arith.constant 65536 : i32
      %lt3A_368 = vector.broadcast %lt3A : i32 to vector<16xi32>
      %lt3A_369 = arith.cmpi ult, %sub3A_367, %lt3A_368 : vector<16xi32>
      %shift_right_arithmetic3A = arith.constant 10 : i32
      %shift_right_arithmetic3A_370 = vector.broadcast %shift_right_arithmetic3A : i32 to vector<16xi32>
      %shift_right_arithmetic3A_371 = arith.shrsi %sub3A_367, %shift_right_arithmetic3A_370 : vector<16xi32>
      %and3A = arith.constant 1023 : i32
      %and3A_372 = vector.broadcast %and3A : i32 to vector<16xi32>
      %and3A_373 = arith.andi %sub3A_367, %and3A_372 : vector<16xi32>
      %get3A_374 = arith.index_cast %add3A_365 : i32 to index
      %get3A_375 = tpu.vector_load %arg8[%get3A_374] {strides = array<i32>} : memref<4096xi32, #tpu.memory_space<vmem>>, vector<16xi32>,
      tpu.vector_store_idx %arg5[%shift_right_arithmetic3A_371, %and3A_373], %get3A_375 masked %lt3A_369 {add = true} : memref<64x1024xi32, #tpu.memory_space<vmem>>[vector<16xi32>, vector<16xi32>], vector<16xi32>, vector<16xi1>
      %mul3A_376 = arith.constant 128 : i32
      %mul3A_377 = arith.muli %scan3A_361, %mul3A_376 : i32
      %add3A_378 = arith.constant 16 : i32
      %add3A_379 = arith.addi %mul3A_377, %add3A_378 : i32
      %get3A_380 = arith.index_cast %add3A_379 : i32 to index
      %get3A_381 = tpu.vector_load %arg6[%get3A_380] {strides = array<i32>} : memref<4096xi32, #tpu.memory_space<vmem>>, vector<16xi32>,
      %sub3A_382 = vector.broadcast %mul3A_3 : i32 to vector<16xi32>
      %sub3A_383 = arith.subi %get3A_381, %sub3A_382 : vector<16xi32>
      %lt3A_384 = arith.constant 65536 : i32
      %lt3A_385 = vector.broadcast %lt3A_384 : i32 to vector<16xi32>
      %lt3A_386 = arith.cmpi ult, %sub3A_383, %lt3A_385 : vector<16xi32>
      %shift_right_arithmetic3A_387 = arith.constant 10 : i32
      %shift_right_arithmetic3A_388 = vector.broadcast %shift_right_arithmetic3A_387 : i32 to vector<16xi32>
      %shift_right_arithmetic3A_389 = arith.shrsi %sub3A_383, %shift_right_arithmetic3A_388 : vector<16xi32>
      %and3A_390 = arith.constant 1023 : i32
      %and3A_391 = vector.broadcast %and3A_390 : i32 to vector<16xi32>
      %and3A_392 = arith.andi %sub3A_383, %and3A_391 : vector<16xi32>
      %get3A_393 = arith.index_cast %add3A_379 : i32 to index
      %get3A_394 = tpu.vector_load %arg8[%get3A_393] {strides = array<i32>} : memref<4096xi32, #tpu.memory_space<vmem>>, vector<16xi32>,
      tpu.vector_store_idx %arg5[%shift_right_arithmetic3A_389, %and3A_392], %get3A_394 masked %lt3A_386 {add = true} : memref<64x1024xi32, #tpu.memory_space<vmem>>[vector<16xi32>, vector<16xi32>], vector<16xi32>, vector<16xi1>
      %mul3A_395 = arith.constant 128 : i32
      %mul3A_396 = arith.muli %scan3A_361, %mul3A_395 : i32
      %add3A_397 = arith.constant 32 : i32
      %add3A_398 = arith.addi %mul3A_396, %add3A_397 : i32
      %get3A_399 = arith.index_cast %add3A_398 : i32 to index
      %get3A_400 = tpu.vector_load %arg6[%get3A_399] {strides = array<i32>} : memref<4096xi32, #tpu.memory_space<vmem>>, vector<16xi32>,
      %sub3A_401 = vector.broadcast %mul3A_3 : i32 to vector<16xi32>
      %sub3A_402 = arith.subi %get3A_400, %sub3A_401 : vector<16xi32>
      %lt3A_403 = arith.constant 65536 : i32
      %lt3A_404 = vector.broadcast %lt3A_403 : i32 to vector<16xi32>
      %lt3A_405 = arith.cmpi ult, %sub3A_402, %lt3A_404 : vector<16xi32>
      %shift_right_arithmetic3A_406 = arith.constant 10 : i32
      %shift_right_arithmetic3A_407 = vector.broadcast %shift_right_arithmetic3A_406 : i32 to vector<16xi32>
      %shift_right_arithmetic3A_408 = arith.shrsi %sub3A_402, %shift_right_arithmetic3A_407 : vector<16xi32>
      %and3A_409 = arith.constant 1023 : i32
      %and3A_410 = vector.broadcast %and3A_409 : i32 to vector<16xi32>
      %and3A_411 = arith.andi %sub3A_402, %and3A_410 : vector<16xi32>
      %get3A_412 = arith.index_cast %add3A_398 : i32 to index
      %get3A_413 = tpu.vector_load %arg8[%get3A_412] {strides = array<i32>} : memref<4096xi32, #tpu.memory_space<vmem>>, vector<16xi32>,
      tpu.vector_store_idx %arg5[%shift_right_arithmetic3A_408, %and3A_411], %get3A_413 masked %lt3A_405 {add = true} : memref<64x1024xi32, #tpu.memory_space<vmem>>[vector<16xi32>, vector<16xi32>], vector<16xi32>, vector<16xi1>
      %mul3A_414 = arith.constant 128 : i32
      %mul3A_415 = arith.muli %scan3A_361, %mul3A_414 : i32
      %add3A_416 = arith.constant 48 : i32
      %add3A_417 = arith.addi %mul3A_415, %add3A_416 : i32
      %get3A_418 = arith.index_cast %add3A_417 : i32 to index
      %get3A_419 = tpu.vector_load %arg6[%get3A_418] {strides = array<i32>} : memref<4096xi32, #tpu.memory_space<vmem>>, vector<16xi32>,
      %sub3A_420 = vector.broadcast %mul3A_3 : i32 to vector<16xi32>
      %sub3A_421 = arith.subi %get3A_419, %sub3A_420 : vector<16xi32>
      %lt3A_422 = arith.constant 65536 : i32
      %lt3A_423 = vector.broadcast %lt3A_422 : i32 to vector<16xi32>
      %lt3A_424 = arith.cmpi ult, %sub3A_421, %lt3A_423 : vector<16xi32>
      %shift_right_arithmetic3A_425 = arith.constant 10 : i32
      %shift_right_arithmetic3A_426 = vector.broadcast %shift_right_arithmetic3A_425 : i32 to vector<16xi32>
      %shift_right_arithmetic3A_427 = arith.shrsi %sub3A_421, %shift_right_arithmetic3A_426 : vector<16xi32>
      %and3A_428 = arith.constant 1023 : i32
      %and3A_429 = vector.broadcast %and3A_428 : i32 to vector<16xi32>
      %and3A_430 = arith.andi %sub3A_421, %and3A_429 : vector<16xi32>
      %get3A_431 = arith.index_cast %add3A_417 : i32 to index
      %get3A_432 = tpu.vector_load %arg8[%get3A_431] {strides = array<i32>} : memref<4096xi32, #tpu.memory_space<vmem>>, vector<16xi32>,
      tpu.vector_store_idx %arg5[%shift_right_arithmetic3A_427, %and3A_430], %get3A_432 masked %lt3A_424 {add = true} : memref<64x1024xi32, #tpu.memory_space<vmem>>[vector<16xi32>, vector<16xi32>], vector<16xi32>, vector<16xi1>
      %mul3A_433 = arith.constant 128 : i32
      %mul3A_434 = arith.muli %scan3A_361, %mul3A_433 : i32
      %add3A_435 = arith.constant 64 : i32
      %add3A_436 = arith.addi %mul3A_434, %add3A_435 : i32
      %get3A_437 = arith.index_cast %add3A_436 : i32 to index
      %get3A_438 = tpu.vector_load %arg6[%get3A_437] {strides = array<i32>} : memref<4096xi32, #tpu.memory_space<vmem>>, vector<16xi32>,
      %sub3A_439 = vector.broadcast %mul3A_3 : i32 to vector<16xi32>
      %sub3A_440 = arith.subi %get3A_438, %sub3A_439 : vector<16xi32>
      %lt3A_441 = arith.constant 65536 : i32
      %lt3A_442 = vector.broadcast %lt3A_441 : i32 to vector<16xi32>
      %lt3A_443 = arith.cmpi ult, %sub3A_440, %lt3A_442 : vector<16xi32>
      %shift_right_arithmetic3A_444 = arith.constant 10 : i32
      %shift_right_arithmetic3A_445 = vector.broadcast %shift_right_arithmetic3A_444 : i32 to vector<16xi32>
      %shift_right_arithmetic3A_446 = arith.shrsi %sub3A_440, %shift_right_arithmetic3A_445 : vector<16xi32>
      %and3A_447 = arith.constant 1023 : i32
      %and3A_448 = vector.broadcast %and3A_447 : i32 to vector<16xi32>
      %and3A_449 = arith.andi %sub3A_440, %and3A_448 : vector<16xi32>
      %get3A_450 = arith.index_cast %add3A_436 : i32 to index
      %get3A_451 = tpu.vector_load %arg8[%get3A_450] {strides = array<i32>} : memref<4096xi32, #tpu.memory_space<vmem>>, vector<16xi32>,
      tpu.vector_store_idx %arg5[%shift_right_arithmetic3A_446, %and3A_449], %get3A_451 masked %lt3A_443 {add = true} : memref<64x1024xi32, #tpu.memory_space<vmem>>[vector<16xi32>, vector<16xi32>], vector<16xi32>, vector<16xi1>
      %mul3A_452 = arith.constant 128 : i32
      %mul3A_453 = arith.muli %scan3A_361, %mul3A_452 : i32
      %add3A_454 = arith.constant 80 : i32
      %add3A_455 = arith.addi %mul3A_453, %add3A_454 : i32
      %get3A_456 = arith.index_cast %add3A_455 : i32 to index
      %get3A_457 = tpu.vector_load %arg6[%get3A_456] {strides = array<i32>} : memref<4096xi32, #tpu.memory_space<vmem>>, vector<16xi32>,
      %sub3A_458 = vector.broadcast %mul3A_3 : i32 to vector<16xi32>
      %sub3A_459 = arith.subi %get3A_457, %sub3A_458 : vector<16xi32>
      %lt3A_460 = arith.constant 65536 : i32
      %lt3A_461 = vector.broadcast %lt3A_460 : i32 to vector<16xi32>
      %lt3A_462 = arith.cmpi ult, %sub3A_459, %lt3A_461 : vector<16xi32>
      %shift_right_arithmetic3A_463 = arith.constant 10 : i32
      %shift_right_arithmetic3A_464 = vector.broadcast %shift_right_arithmetic3A_463 : i32 to vector<16xi32>
      %shift_right_arithmetic3A_465 = arith.shrsi %sub3A_459, %shift_right_arithmetic3A_464 : vector<16xi32>
      %and3A_466 = arith.constant 1023 : i32
      %and3A_467 = vector.broadcast %and3A_466 : i32 to vector<16xi32>
      %and3A_468 = arith.andi %sub3A_459, %and3A_467 : vector<16xi32>
      %get3A_469 = arith.index_cast %add3A_455 : i32 to index
      %get3A_470 = tpu.vector_load %arg8[%get3A_469] {strides = array<i32>} : memref<4096xi32, #tpu.memory_space<vmem>>, vector<16xi32>,
      tpu.vector_store_idx %arg5[%shift_right_arithmetic3A_465, %and3A_468], %get3A_470 masked %lt3A_462 {add = true} : memref<64x1024xi32, #tpu.memory_space<vmem>>[vector<16xi32>, vector<16xi32>], vector<16xi32>, vector<16xi1>
      %mul3A_471 = arith.constant 128 : i32
      %mul3A_472 = arith.muli %scan3A_361, %mul3A_471 : i32
      %add3A_473 = arith.constant 96 : i32
      %add3A_474 = arith.addi %mul3A_472, %add3A_473 : i32
      %get3A_475 = arith.index_cast %add3A_474 : i32 to index
      %get3A_476 = tpu.vector_load %arg6[%get3A_475] {strides = array<i32>} : memref<4096xi32, #tpu.memory_space<vmem>>, vector<16xi32>,
      %sub3A_477 = vector.broadcast %mul3A_3 : i32 to vector<16xi32>
      %sub3A_478 = arith.subi %get3A_476, %sub3A_477 : vector<16xi32>
      %lt3A_479 = arith.constant 65536 : i32
      %lt3A_480 = vector.broadcast %lt3A_479 : i32 to vector<16xi32>
      %lt3A_481 = arith.cmpi ult, %sub3A_478, %lt3A_480 : vector<16xi32>
      %shift_right_arithmetic3A_482 = arith.constant 10 : i32
      %shift_right_arithmetic3A_483 = vector.broadcast %shift_right_arithmetic3A_482 : i32 to vector<16xi32>
      %shift_right_arithmetic3A_484 = arith.shrsi %sub3A_478, %shift_right_arithmetic3A_483 : vector<16xi32>
      %and3A_485 = arith.constant 1023 : i32
      %and3A_486 = vector.broadcast %and3A_485 : i32 to vector<16xi32>
      %and3A_487 = arith.andi %sub3A_478, %and3A_486 : vector<16xi32>
      %get3A_488 = arith.index_cast %add3A_474 : i32 to index
      %get3A_489 = tpu.vector_load %arg8[%get3A_488] {strides = array<i32>} : memref<4096xi32, #tpu.memory_space<vmem>>, vector<16xi32>,
      tpu.vector_store_idx %arg5[%shift_right_arithmetic3A_484, %and3A_487], %get3A_489 masked %lt3A_481 {add = true} : memref<64x1024xi32, #tpu.memory_space<vmem>>[vector<16xi32>, vector<16xi32>], vector<16xi32>, vector<16xi1>
      %mul3A_490 = arith.constant 128 : i32
      %mul3A_491 = arith.muli %scan3A_361, %mul3A_490 : i32
      %add3A_492 = arith.constant 112 : i32
      %add3A_493 = arith.addi %mul3A_491, %add3A_492 : i32
      %get3A_494 = arith.index_cast %add3A_493 : i32 to index
      %get3A_495 = tpu.vector_load %arg6[%get3A_494] {strides = array<i32>} : memref<4096xi32, #tpu.memory_space<vmem>>, vector<16xi32>,
      %sub3A_496 = vector.broadcast %mul3A_3 : i32 to vector<16xi32>
      %sub3A_497 = arith.subi %get3A_495, %sub3A_496 : vector<16xi32>
      %lt3A_498 = arith.constant 65536 : i32
      %lt3A_499 = vector.broadcast %lt3A_498 : i32 to vector<16xi32>
      %lt3A_500 = arith.cmpi ult, %sub3A_497, %lt3A_499 : vector<16xi32>
      %shift_right_arithmetic3A_501 = arith.constant 10 : i32
      %shift_right_arithmetic3A_502 = vector.broadcast %shift_right_arithmetic3A_501 : i32 to vector<16xi32>
      %shift_right_arithmetic3A_503 = arith.shrsi %sub3A_497, %shift_right_arithmetic3A_502 : vector<16xi32>
      %and3A_504 = arith.constant 1023 : i32
      %and3A_505 = vector.broadcast %and3A_504 : i32 to vector<16xi32>
      %and3A_506 = arith.andi %sub3A_497, %and3A_505 : vector<16xi32>
      %get3A_507 = arith.index_cast %add3A_493 : i32 to index
      %get3A_508 = tpu.vector_load %arg8[%get3A_507] {strides = array<i32>} : memref<4096xi32, #tpu.memory_space<vmem>>, vector<16xi32>,
      tpu.vector_store_idx %arg5[%shift_right_arithmetic3A_503, %and3A_506], %get3A_508 masked %lt3A_500 {add = true} : memref<64x1024xi32, #tpu.memory_space<vmem>>[vector<16xi32>, vector<16xi32>], vector<16xi32>, vector<16xi1>
    }
    %scan3A_36 = arith.constant 32 : i32
    %dma_wait3A_37 = arith.constant 4096 : i32
    %dma_wait3A_38 = tpu.memref_slice %arg2[%dma_wait3A_37] : memref<65536xi32, #tpu.memory_space<hbm>> -> memref<4096xi32, #tpu.memory_space<hbm>>
    %dma_wait3A_39 = arith.constant 4096 : i32
    %dma_wait3A_40 = tpu.memref_slice %arg2[%dma_wait3A_39] : memref<65536xi32, #tpu.memory_space<hbm>> -> memref<4096xi32, #tpu.memory_space<hbm>>
    tpu.wait_dma2 semaphore(%arg11 : memref<!tpu.dma_semaphore, #tpu.memory_space<semaphore_mem>>) src(%dma_wait3A_40 : memref<4096xi32, #tpu.memory_space<hbm>>) dst(%arg7 : memref<4096xi32, #tpu.memory_space<vmem>>)
    %dma_wait3A_41 = arith.constant 4096 : i32
    %dma_wait3A_42 = tpu.memref_slice %arg3[%dma_wait3A_41] : memref<65536xi32, #tpu.memory_space<hbm>> -> memref<4096xi32, #tpu.memory_space<hbm>>
    %dma_wait3A_43 = arith.constant 4096 : i32
    %dma_wait3A_44 = tpu.memref_slice %arg3[%dma_wait3A_43] : memref<65536xi32, #tpu.memory_space<hbm>> -> memref<4096xi32, #tpu.memory_space<hbm>>
    tpu.wait_dma2 semaphore(%arg11 : memref<!tpu.dma_semaphore, #tpu.memory_space<semaphore_mem>>) src(%dma_wait3A_44 : memref<4096xi32, #tpu.memory_space<hbm>>) dst(%arg9 : memref<4096xi32, #tpu.memory_space<vmem>>)
    %dma_start3A_45 = arith.constant 8192 : i32
    %dma_start3A_46 = tpu.memref_slice %arg2[%dma_start3A_45] : memref<65536xi32, #tpu.memory_space<hbm>> -> memref<4096xi32, #tpu.memory_space<hbm>>
    %dma_start3A_47 = arith.constant 8192 : i32
    %dma_start3A_48 = tpu.memref_slice %arg2[%dma_start3A_47] : memref<65536xi32, #tpu.memory_space<hbm>> -> memref<4096xi32, #tpu.memory_space<hbm>>
    tpu.enqueue_dma source(%dma_start3A_48 : memref<4096xi32, #tpu.memory_space<hbm>>) target(%arg6 : memref<4096xi32, #tpu.memory_space<vmem>>) target_semaphore(%arg10 : memref<!tpu.dma_semaphore, #tpu.memory_space<semaphore_mem>>)
    %dma_start3A_49 = arith.constant 8192 : i32
    %dma_start3A_50 = tpu.memref_slice %arg3[%dma_start3A_49] : memref<65536xi32, #tpu.memory_space<hbm>> -> memref<4096xi32, #tpu.memory_space<hbm>>
    %dma_start3A_51 = arith.constant 8192 : i32
    %dma_start3A_52 = tpu.memref_slice %arg3[%dma_start3A_51] : memref<65536xi32, #tpu.memory_space<hbm>> -> memref<4096xi32, #tpu.memory_space<hbm>>
    tpu.enqueue_dma source(%dma_start3A_52 : memref<4096xi32, #tpu.memory_space<hbm>>) target(%arg8 : memref<4096xi32, #tpu.memory_space<vmem>>) target_semaphore(%arg10 : memref<!tpu.dma_semaphore, #tpu.memory_space<semaphore_mem>>)
    %scan3A_53 = arith.constant 0 : i32
    %scan3A_54 = arith.constant 0 : i32
    %scan3A_55 = arith.constant 32 : i32
    %scan3A_56 = arith.addi %scan3A_54, %scan3A_55 : i32
    %scan3A_57 = arith.constant 1 : i32
    scf.for %scan3A_361 = %scan3A_54 to %scan3A_56 step %scan3A_57  : i32 {
      %mul3A_362 = arith.constant 128 : i32
      %mul3A_363 = arith.muli %scan3A_361, %mul3A_362 : i32
      %add3A_364 = arith.constant 0 : i32
      %add3A_365 = arith.addi %mul3A_363, %add3A_364 : i32
      %get3A = arith.index_cast %add3A_365 : i32 to index
      %get3A_366 = tpu.vector_load %arg7[%get3A] {strides = array<i32>} : memref<4096xi32, #tpu.memory_space<vmem>>, vector<16xi32>,
      %sub3A = vector.broadcast %mul3A_3 : i32 to vector<16xi32>
      %sub3A_367 = arith.subi %get3A_366, %sub3A : vector<16xi32>
      %lt3A = arith.constant 65536 : i32
      %lt3A_368 = vector.broadcast %lt3A : i32 to vector<16xi32>
      %lt3A_369 = arith.cmpi ult, %sub3A_367, %lt3A_368 : vector<16xi32>
      %shift_right_arithmetic3A = arith.constant 10 : i32
      %shift_right_arithmetic3A_370 = vector.broadcast %shift_right_arithmetic3A : i32 to vector<16xi32>
      %shift_right_arithmetic3A_371 = arith.shrsi %sub3A_367, %shift_right_arithmetic3A_370 : vector<16xi32>
      %and3A = arith.constant 1023 : i32
      %and3A_372 = vector.broadcast %and3A : i32 to vector<16xi32>
      %and3A_373 = arith.andi %sub3A_367, %and3A_372 : vector<16xi32>
      %get3A_374 = arith.index_cast %add3A_365 : i32 to index
      %get3A_375 = tpu.vector_load %arg9[%get3A_374] {strides = array<i32>} : memref<4096xi32, #tpu.memory_space<vmem>>, vector<16xi32>,
      tpu.vector_store_idx %arg5[%shift_right_arithmetic3A_371, %and3A_373], %get3A_375 masked %lt3A_369 {add = true} : memref<64x1024xi32, #tpu.memory_space<vmem>>[vector<16xi32>, vector<16xi32>], vector<16xi32>, vector<16xi1>
      %mul3A_376 = arith.constant 128 : i32
      %mul3A_377 = arith.muli %scan3A_361, %mul3A_376 : i32
      %add3A_378 = arith.constant 16 : i32
      %add3A_379 = arith.addi %mul3A_377, %add3A_378 : i32
      %get3A_380 = arith.index_cast %add3A_379 : i32 to index
      %get3A_381 = tpu.vector_load %arg7[%get3A_380] {strides = array<i32>} : memref<4096xi32, #tpu.memory_space<vmem>>, vector<16xi32>,
      %sub3A_382 = vector.broadcast %mul3A_3 : i32 to vector<16xi32>
      %sub3A_383 = arith.subi %get3A_381, %sub3A_382 : vector<16xi32>
      %lt3A_384 = arith.constant 65536 : i32
      %lt3A_385 = vector.broadcast %lt3A_384 : i32 to vector<16xi32>
      %lt3A_386 = arith.cmpi ult, %sub3A_383, %lt3A_385 : vector<16xi32>
      %shift_right_arithmetic3A_387 = arith.constant 10 : i32
      %shift_right_arithmetic3A_388 = vector.broadcast %shift_right_arithmetic3A_387 : i32 to vector<16xi32>
      %shift_right_arithmetic3A_389 = arith.shrsi %sub3A_383, %shift_right_arithmetic3A_388 : vector<16xi32>
      %and3A_390 = arith.constant 1023 : i32
      %and3A_391 = vector.broadcast %and3A_390 : i32 to vector<16xi32>
      %and3A_392 = arith.andi %sub3A_383, %and3A_391 : vector<16xi32>
      %get3A_393 = arith.index_cast %add3A_379 : i32 to index
      %get3A_394 = tpu.vector_load %arg9[%get3A_393] {strides = array<i32>} : memref<4096xi32, #tpu.memory_space<vmem>>, vector<16xi32>,
      tpu.vector_store_idx %arg5[%shift_right_arithmetic3A_389, %and3A_392], %get3A_394 masked %lt3A_386 {add = true} : memref<64x1024xi32, #tpu.memory_space<vmem>>[vector<16xi32>, vector<16xi32>], vector<16xi32>, vector<16xi1>
      %mul3A_395 = arith.constant 128 : i32
      %mul3A_396 = arith.muli %scan3A_361, %mul3A_395 : i32
      %add3A_397 = arith.constant 32 : i32
      %add3A_398 = arith.addi %mul3A_396, %add3A_397 : i32
      %get3A_399 = arith.index_cast %add3A_398 : i32 to index
      %get3A_400 = tpu.vector_load %arg7[%get3A_399] {strides = array<i32>} : memref<4096xi32, #tpu.memory_space<vmem>>, vector<16xi32>,
      %sub3A_401 = vector.broadcast %mul3A_3 : i32 to vector<16xi32>
      %sub3A_402 = arith.subi %get3A_400, %sub3A_401 : vector<16xi32>
      %lt3A_403 = arith.constant 65536 : i32
      %lt3A_404 = vector.broadcast %lt3A_403 : i32 to vector<16xi32>
      %lt3A_405 = arith.cmpi ult, %sub3A_402, %lt3A_404 : vector<16xi32>
      %shift_right_arithmetic3A_406 = arith.constant 10 : i32
      %shift_right_arithmetic3A_407 = vector.broadcast %shift_right_arithmetic3A_406 : i32 to vector<16xi32>
      %shift_right_arithmetic3A_408 = arith.shrsi %sub3A_402, %shift_right_arithmetic3A_407 : vector<16xi32>
      %and3A_409 = arith.constant 1023 : i32
      %and3A_410 = vector.broadcast %and3A_409 : i32 to vector<16xi32>
      %and3A_411 = arith.andi %sub3A_402, %and3A_410 : vector<16xi32>
      %get3A_412 = arith.index_cast %add3A_398 : i32 to index
      %get3A_413 = tpu.vector_load %arg9[%get3A_412] {strides = array<i32>} : memref<4096xi32, #tpu.memory_space<vmem>>, vector<16xi32>,
      tpu.vector_store_idx %arg5[%shift_right_arithmetic3A_408, %and3A_411], %get3A_413 masked %lt3A_405 {add = true} : memref<64x1024xi32, #tpu.memory_space<vmem>>[vector<16xi32>, vector<16xi32>], vector<16xi32>, vector<16xi1>
      %mul3A_414 = arith.constant 128 : i32
      %mul3A_415 = arith.muli %scan3A_361, %mul3A_414 : i32
      %add3A_416 = arith.constant 48 : i32
      %add3A_417 = arith.addi %mul3A_415, %add3A_416 : i32
      %get3A_418 = arith.index_cast %add3A_417 : i32 to index
      %get3A_419 = tpu.vector_load %arg7[%get3A_418] {strides = array<i32>} : memref<4096xi32, #tpu.memory_space<vmem>>, vector<16xi32>,
      %sub3A_420 = vector.broadcast %mul3A_3 : i32 to vector<16xi32>
      %sub3A_421 = arith.subi %get3A_419, %sub3A_420 : vector<16xi32>
      %lt3A_422 = arith.constant 65536 : i32
      %lt3A_423 = vector.broadcast %lt3A_422 : i32 to vector<16xi32>
      %lt3A_424 = arith.cmpi ult, %sub3A_421, %lt3A_423 : vector<16xi32>
      %shift_right_arithmetic3A_425 = arith.constant 10 : i32
      %shift_right_arithmetic3A_426 = vector.broadcast %shift_right_arithmetic3A_425 : i32 to vector<16xi32>
      %shift_right_arithmetic3A_427 = arith.shrsi %sub3A_421, %shift_right_arithmetic3A_426 : vector<16xi32>
      %and3A_428 = arith.constant 1023 : i32
      %and3A_429 = vector.broadcast %and3A_428 : i32 to vector<16xi32>
      %and3A_430 = arith.andi %sub3A_421, %and3A_429 : vector<16xi32>
      %get3A_431 = arith.index_cast %add3A_417 : i32 to index
      %get3A_432 = tpu.vector_load %arg9[%get3A_431] {strides = array<i32>} : memref<4096xi32, #tpu.memory_space<vmem>>, vector<16xi32>,
      tpu.vector_store_idx %arg5[%shift_right_arithmetic3A_427, %and3A_430], %get3A_432 masked %lt3A_424 {add = true} : memref<64x1024xi32, #tpu.memory_space<vmem>>[vector<16xi32>, vector<16xi32>], vector<16xi32>, vector<16xi1>
      %mul3A_433 = arith.constant 128 : i32
      %mul3A_434 = arith.muli %scan3A_361, %mul3A_433 : i32
      %add3A_435 = arith.constant 64 : i32
      %add3A_436 = arith.addi %mul3A_434, %add3A_435 : i32
      %get3A_437 = arith.index_cast %add3A_436 : i32 to index
      %get3A_438 = tpu.vector_load %arg7[%get3A_437] {strides = array<i32>} : memref<4096xi32, #tpu.memory_space<vmem>>, vector<16xi32>,
      %sub3A_439 = vector.broadcast %mul3A_3 : i32 to vector<16xi32>
      %sub3A_440 = arith.subi %get3A_438, %sub3A_439 : vector<16xi32>
      %lt3A_441 = arith.constant 65536 : i32
      %lt3A_442 = vector.broadcast %lt3A_441 : i32 to vector<16xi32>
      %lt3A_443 = arith.cmpi ult, %sub3A_440, %lt3A_442 : vector<16xi32>
      %shift_right_arithmetic3A_444 = arith.constant 10 : i32
      %shift_right_arithmetic3A_445 = vector.broadcast %shift_right_arithmetic3A_444 : i32 to vector<16xi32>
      %shift_right_arithmetic3A_446 = arith.shrsi %sub3A_440, %shift_right_arithmetic3A_445 : vector<16xi32>
      %and3A_447 = arith.constant 1023 : i32
      %and3A_448 = vector.broadcast %and3A_447 : i32 to vector<16xi32>
      %and3A_449 = arith.andi %sub3A_440, %and3A_448 : vector<16xi32>
      %get3A_450 = arith.index_cast %add3A_436 : i32 to index
      %get3A_451 = tpu.vector_load %arg9[%get3A_450] {strides = array<i32>} : memref<4096xi32, #tpu.memory_space<vmem>>, vector<16xi32>,
      tpu.vector_store_idx %arg5[%shift_right_arithmetic3A_446, %and3A_449], %get3A_451 masked %lt3A_443 {add = true} : memref<64x1024xi32, #tpu.memory_space<vmem>>[vector<16xi32>, vector<16xi32>], vector<16xi32>, vector<16xi1>
      %mul3A_452 = arith.constant 128 : i32
      %mul3A_453 = arith.muli %scan3A_361, %mul3A_452 : i32
      %add3A_454 = arith.constant 80 : i32
      %add3A_455 = arith.addi %mul3A_453, %add3A_454 : i32
      %get3A_456 = arith.index_cast %add3A_455 : i32 to index
      %get3A_457 = tpu.vector_load %arg7[%get3A_456] {strides = array<i32>} : memref<4096xi32, #tpu.memory_space<vmem>>, vector<16xi32>,
      %sub3A_458 = vector.broadcast %mul3A_3 : i32 to vector<16xi32>
      %sub3A_459 = arith.subi %get3A_457, %sub3A_458 : vector<16xi32>
      %lt3A_460 = arith.constant 65536 : i32
      %lt3A_461 = vector.broadcast %lt3A_460 : i32 to vector<16xi32>
      %lt3A_462 = arith.cmpi ult, %sub3A_459, %lt3A_461 : vector<16xi32>
      %shift_right_arithmetic3A_463 = arith.constant 10 : i32
      %shift_right_arithmetic3A_464 = vector.broadcast %shift_right_arithmetic3A_463 : i32 to vector<16xi32>
      %shift_right_arithmetic3A_465 = arith.shrsi %sub3A_459, %shift_right_arithmetic3A_464 : vector<16xi32>
      %and3A_466 = arith.constant 1023 : i32
      %and3A_467 = vector.broadcast %and3A_466 : i32 to vector<16xi32>
      %and3A_468 = arith.andi %sub3A_459, %and3A_467 : vector<16xi32>
      %get3A_469 = arith.index_cast %add3A_455 : i32 to index
      %get3A_470 = tpu.vector_load %arg9[%get3A_469] {strides = array<i32>} : memref<4096xi32, #tpu.memory_space<vmem>>, vector<16xi32>,
      tpu.vector_store_idx %arg5[%shift_right_arithmetic3A_465, %and3A_468], %get3A_470 masked %lt3A_462 {add = true} : memref<64x1024xi32, #tpu.memory_space<vmem>>[vector<16xi32>, vector<16xi32>], vector<16xi32>, vector<16xi1>
      %mul3A_471 = arith.constant 128 : i32
      %mul3A_472 = arith.muli %scan3A_361, %mul3A_471 : i32
      %add3A_473 = arith.constant 96 : i32
      %add3A_474 = arith.addi %mul3A_472, %add3A_473 : i32
      %get3A_475 = arith.index_cast %add3A_474 : i32 to index
      %get3A_476 = tpu.vector_load %arg7[%get3A_475] {strides = array<i32>} : memref<4096xi32, #tpu.memory_space<vmem>>, vector<16xi32>,
      %sub3A_477 = vector.broadcast %mul3A_3 : i32 to vector<16xi32>
      %sub3A_478 = arith.subi %get3A_476, %sub3A_477 : vector<16xi32>
      %lt3A_479 = arith.constant 65536 : i32
      %lt3A_480 = vector.broadcast %lt3A_479 : i32 to vector<16xi32>
      %lt3A_481 = arith.cmpi ult, %sub3A_478, %lt3A_480 : vector<16xi32>
      %shift_right_arithmetic3A_482 = arith.constant 10 : i32
      %shift_right_arithmetic3A_483 = vector.broadcast %shift_right_arithmetic3A_482 : i32 to vector<16xi32>
      %shift_right_arithmetic3A_484 = arith.shrsi %sub3A_478, %shift_right_arithmetic3A_483 : vector<16xi32>
      %and3A_485 = arith.constant 1023 : i32
      %and3A_486 = vector.broadcast %and3A_485 : i32 to vector<16xi32>
      %and3A_487 = arith.andi %sub3A_478, %and3A_486 : vector<16xi32>
      %get3A_488 = arith.index_cast %add3A_474 : i32 to index
      %get3A_489 = tpu.vector_load %arg9[%get3A_488] {strides = array<i32>} : memref<4096xi32, #tpu.memory_space<vmem>>, vector<16xi32>,
      tpu.vector_store_idx %arg5[%shift_right_arithmetic3A_484, %and3A_487], %get3A_489 masked %lt3A_481 {add = true} : memref<64x1024xi32, #tpu.memory_space<vmem>>[vector<16xi32>, vector<16xi32>], vector<16xi32>, vector<16xi1>
      %mul3A_490 = arith.constant 128 : i32
      %mul3A_491 = arith.muli %scan3A_361, %mul3A_490 : i32
      %add3A_492 = arith.constant 112 : i32
      %add3A_493 = arith.addi %mul3A_491, %add3A_492 : i32
      %get3A_494 = arith.index_cast %add3A_493 : i32 to index
      %get3A_495 = tpu.vector_load %arg7[%get3A_494] {strides = array<i32>} : memref<4096xi32, #tpu.memory_space<vmem>>, vector<16xi32>,
      %sub3A_496 = vector.broadcast %mul3A_3 : i32 to vector<16xi32>
      %sub3A_497 = arith.subi %get3A_495, %sub3A_496 : vector<16xi32>
      %lt3A_498 = arith.constant 65536 : i32
      %lt3A_499 = vector.broadcast %lt3A_498 : i32 to vector<16xi32>
      %lt3A_500 = arith.cmpi ult, %sub3A_497, %lt3A_499 : vector<16xi32>
      %shift_right_arithmetic3A_501 = arith.constant 10 : i32
      %shift_right_arithmetic3A_502 = vector.broadcast %shift_right_arithmetic3A_501 : i32 to vector<16xi32>
      %shift_right_arithmetic3A_503 = arith.shrsi %sub3A_497, %shift_right_arithmetic3A_502 : vector<16xi32>
      %and3A_504 = arith.constant 1023 : i32
      %and3A_505 = vector.broadcast %and3A_504 : i32 to vector<16xi32>
      %and3A_506 = arith.andi %sub3A_497, %and3A_505 : vector<16xi32>
      %get3A_507 = arith.index_cast %add3A_493 : i32 to index
      %get3A_508 = tpu.vector_load %arg9[%get3A_507] {strides = array<i32>} : memref<4096xi32, #tpu.memory_space<vmem>>, vector<16xi32>,
      tpu.vector_store_idx %arg5[%shift_right_arithmetic3A_503, %and3A_506], %get3A_508 masked %lt3A_500 {add = true} : memref<64x1024xi32, #tpu.memory_space<vmem>>[vector<16xi32>, vector<16xi32>], vector<16xi32>, vector<16xi1>
    }
    %scan3A_58 = arith.constant 32 : i32
    %dma_wait3A_59 = arith.constant 8192 : i32
    %dma_wait3A_60 = tpu.memref_slice %arg2[%dma_wait3A_59] : memref<65536xi32, #tpu.memory_space<hbm>> -> memref<4096xi32, #tpu.memory_space<hbm>>
    %dma_wait3A_61 = arith.constant 8192 : i32
    %dma_wait3A_62 = tpu.memref_slice %arg2[%dma_wait3A_61] : memref<65536xi32, #tpu.memory_space<hbm>> -> memref<4096xi32, #tpu.memory_space<hbm>>
    tpu.wait_dma2 semaphore(%arg10 : memref<!tpu.dma_semaphore, #tpu.memory_space<semaphore_mem>>) src(%dma_wait3A_62 : memref<4096xi32, #tpu.memory_space<hbm>>) dst(%arg6 : memref<4096xi32, #tpu.memory_space<vmem>>)
    %dma_wait3A_63 = arith.constant 8192 : i32
    %dma_wait3A_64 = tpu.memref_slice %arg3[%dma_wait3A_63] : memref<65536xi32, #tpu.memory_space<hbm>> -> memref<4096xi32, #tpu.memory_space<hbm>>
    %dma_wait3A_65 = arith.constant 8192 : i32
    %dma_wait3A_66 = tpu.memref_slice %arg3[%dma_wait3A_65] : memref<65536xi32, #tpu.memory_space<hbm>> -> memref<4096xi32, #tpu.memory_space<hbm>>
    tpu.wait_dma2 semaphore(%arg10 : memref<!tpu.dma_semaphore, #tpu.memory_space<semaphore_mem>>) src(%dma_wait3A_66 : memref<4096xi32, #tpu.memory_space<hbm>>) dst(%arg8 : memref<4096xi32, #tpu.memory_space<vmem>>)
    %dma_start3A_67 = arith.constant 12288 : i32
    %dma_start3A_68 = tpu.memref_slice %arg2[%dma_start3A_67] : memref<65536xi32, #tpu.memory_space<hbm>> -> memref<4096xi32, #tpu.memory_space<hbm>>
    %dma_start3A_69 = arith.constant 12288 : i32
    %dma_start3A_70 = tpu.memref_slice %arg2[%dma_start3A_69] : memref<65536xi32, #tpu.memory_space<hbm>> -> memref<4096xi32, #tpu.memory_space<hbm>>
    tpu.enqueue_dma source(%dma_start3A_70 : memref<4096xi32, #tpu.memory_space<hbm>>) target(%arg7 : memref<4096xi32, #tpu.memory_space<vmem>>) target_semaphore(%arg11 : memref<!tpu.dma_semaphore, #tpu.memory_space<semaphore_mem>>)
    %dma_start3A_71 = arith.constant 12288 : i32
    %dma_start3A_72 = tpu.memref_slice %arg3[%dma_start3A_71] : memref<65536xi32, #tpu.memory_space<hbm>> -> memref<4096xi32, #tpu.memory_space<hbm>>
    %dma_start3A_73 = arith.constant 12288 : i32
    %dma_start3A_74 = tpu.memref_slice %arg3[%dma_start3A_73] : memref<65536xi32, #tpu.memory_space<hbm>> -> memref<4096xi32, #tpu.memory_space<hbm>>
    tpu.enqueue_dma source(%dma_start3A_74 : memref<4096xi32, #tpu.memory_space<hbm>>) target(%arg9 : memref<4096xi32, #tpu.memory_space<vmem>>) target_semaphore(%arg11 : memref<!tpu.dma_semaphore, #tpu.memory_space<semaphore_mem>>)
    %scan3A_75 = arith.constant 0 : i32
    %scan3A_76 = arith.constant 0 : i32
    %scan3A_77 = arith.constant 32 : i32
    %scan3A_78 = arith.addi %scan3A_76, %scan3A_77 : i32
    %scan3A_79 = arith.constant 1 : i32
    scf.for %scan3A_361 = %scan3A_76 to %scan3A_78 step %scan3A_79  : i32 {
      %mul3A_362 = arith.constant 128 : i32
      %mul3A_363 = arith.muli %scan3A_361, %mul3A_362 : i32
      %add3A_364 = arith.constant 0 : i32
      %add3A_365 = arith.addi %mul3A_363, %add3A_364 : i32
      %get3A = arith.index_cast %add3A_365 : i32 to index
      %get3A_366 = tpu.vector_load %arg6[%get3A] {strides = array<i32>} : memref<4096xi32, #tpu.memory_space<vmem>>, vector<16xi32>,
      %sub3A = vector.broadcast %mul3A_3 : i32 to vector<16xi32>
      %sub3A_367 = arith.subi %get3A_366, %sub3A : vector<16xi32>
      %lt3A = arith.constant 65536 : i32
      %lt3A_368 = vector.broadcast %lt3A : i32 to vector<16xi32>
      %lt3A_369 = arith.cmpi ult, %sub3A_367, %lt3A_368 : vector<16xi32>
      %shift_right_arithmetic3A = arith.constant 10 : i32
      %shift_right_arithmetic3A_370 = vector.broadcast %shift_right_arithmetic3A : i32 to vector<16xi32>
      %shift_right_arithmetic3A_371 = arith.shrsi %sub3A_367, %shift_right_arithmetic3A_370 : vector<16xi32>
      %and3A = arith.constant 1023 : i32
      %and3A_372 = vector.broadcast %and3A : i32 to vector<16xi32>
      %and3A_373 = arith.andi %sub3A_367, %and3A_372 : vector<16xi32>
      %get3A_374 = arith.index_cast %add3A_365 : i32 to index
      %get3A_375 = tpu.vector_load %arg8[%get3A_374] {strides = array<i32>} : memref<4096xi32, #tpu.memory_space<vmem>>, vector<16xi32>,
      tpu.vector_store_idx %arg5[%shift_right_arithmetic3A_371, %and3A_373], %get3A_375 masked %lt3A_369 {add = true} : memref<64x1024xi32, #tpu.memory_space<vmem>>[vector<16xi32>, vector<16xi32>], vector<16xi32>, vector<16xi1>
      %mul3A_376 = arith.constant 128 : i32
      %mul3A_377 = arith.muli %scan3A_361, %mul3A_376 : i32
      %add3A_378 = arith.constant 16 : i32
      %add3A_379 = arith.addi %mul3A_377, %add3A_378 : i32
      %get3A_380 = arith.index_cast %add3A_379 : i32 to index
      %get3A_381 = tpu.vector_load %arg6[%get3A_380] {strides = array<i32>} : memref<4096xi32, #tpu.memory_space<vmem>>, vector<16xi32>,
      %sub3A_382 = vector.broadcast %mul3A_3 : i32 to vector<16xi32>
      %sub3A_383 = arith.subi %get3A_381, %sub3A_382 : vector<16xi32>
      %lt3A_384 = arith.constant 65536 : i32
      %lt3A_385 = vector.broadcast %lt3A_384 : i32 to vector<16xi32>
      %lt3A_386 = arith.cmpi ult, %sub3A_383, %lt3A_385 : vector<16xi32>
      %shift_right_arithmetic3A_387 = arith.constant 10 : i32
      %shift_right_arithmetic3A_388 = vector.broadcast %shift_right_arithmetic3A_387 : i32 to vector<16xi32>
      %shift_right_arithmetic3A_389 = arith.shrsi %sub3A_383, %shift_right_arithmetic3A_388 : vector<16xi32>
      %and3A_390 = arith.constant 1023 : i32
      %and3A_391 = vector.broadcast %and3A_390 : i32 to vector<16xi32>
      %and3A_392 = arith.andi %sub3A_383, %and3A_391 : vector<16xi32>
      %get3A_393 = arith.index_cast %add3A_379 : i32 to index
      %get3A_394 = tpu.vector_load %arg8[%get3A_393] {strides = array<i32>} : memref<4096xi32, #tpu.memory_space<vmem>>, vector<16xi32>,
      tpu.vector_store_idx %arg5[%shift_right_arithmetic3A_389, %and3A_392], %get3A_394 masked %lt3A_386 {add = true} : memref<64x1024xi32, #tpu.memory_space<vmem>>[vector<16xi32>, vector<16xi32>], vector<16xi32>, vector<16xi1>
      %mul3A_395 = arith.constant 128 : i32
      %mul3A_396 = arith.muli %scan3A_361, %mul3A_395 : i32
      %add3A_397 = arith.constant 32 : i32
      %add3A_398 = arith.addi %mul3A_396, %add3A_397 : i32
      %get3A_399 = arith.index_cast %add3A_398 : i32 to index
      %get3A_400 = tpu.vector_load %arg6[%get3A_399] {strides = array<i32>} : memref<4096xi32, #tpu.memory_space<vmem>>, vector<16xi32>,
      %sub3A_401 = vector.broadcast %mul3A_3 : i32 to vector<16xi32>
      %sub3A_402 = arith.subi %get3A_400, %sub3A_401 : vector<16xi32>
      %lt3A_403 = arith.constant 65536 : i32
      %lt3A_404 = vector.broadcast %lt3A_403 : i32 to vector<16xi32>
      %lt3A_405 = arith.cmpi ult, %sub3A_402, %lt3A_404 : vector<16xi32>
      %shift_right_arithmetic3A_406 = arith.constant 10 : i32
      %shift_right_arithmetic3A_407 = vector.broadcast %shift_right_arithmetic3A_406 : i32 to vector<16xi32>
      %shift_right_arithmetic3A_408 = arith.shrsi %sub3A_402, %shift_right_arithmetic3A_407 : vector<16xi32>
      %and3A_409 = arith.constant 1023 : i32
      %and3A_410 = vector.broadcast %and3A_409 : i32 to vector<16xi32>
      %and3A_411 = arith.andi %sub3A_402, %and3A_410 : vector<16xi32>
      %get3A_412 = arith.index_cast %add3A_398 : i32 to index
      %get3A_413 = tpu.vector_load %arg8[%get3A_412] {strides = array<i32>} : memref<4096xi32, #tpu.memory_space<vmem>>, vector<16xi32>,
      tpu.vector_store_idx %arg5[%shift_right_arithmetic3A_408, %and3A_411], %get3A_413 masked %lt3A_405 {add = true} : memref<64x1024xi32, #tpu.memory_space<vmem>>[vector<16xi32>, vector<16xi32>], vector<16xi32>, vector<16xi1>
      %mul3A_414 = arith.constant 128 : i32
      %mul3A_415 = arith.muli %scan3A_361, %mul3A_414 : i32
      %add3A_416 = arith.constant 48 : i32
      %add3A_417 = arith.addi %mul3A_415, %add3A_416 : i32
      %get3A_418 = arith.index_cast %add3A_417 : i32 to index
      %get3A_419 = tpu.vector_load %arg6[%get3A_418] {strides = array<i32>} : memref<4096xi32, #tpu.memory_space<vmem>>, vector<16xi32>,
      %sub3A_420 = vector.broadcast %mul3A_3 : i32 to vector<16xi32>
      %sub3A_421 = arith.subi %get3A_419, %sub3A_420 : vector<16xi32>
      %lt3A_422 = arith.constant 65536 : i32
      %lt3A_423 = vector.broadcast %lt3A_422 : i32 to vector<16xi32>
      %lt3A_424 = arith.cmpi ult, %sub3A_421, %lt3A_423 : vector<16xi32>
      %shift_right_arithmetic3A_425 = arith.constant 10 : i32
      %shift_right_arithmetic3A_426 = vector.broadcast %shift_right_arithmetic3A_425 : i32 to vector<16xi32>
      %shift_right_arithmetic3A_427 = arith.shrsi %sub3A_421, %shift_right_arithmetic3A_426 : vector<16xi32>
      %and3A_428 = arith.constant 1023 : i32
      %and3A_429 = vector.broadcast %and3A_428 : i32 to vector<16xi32>
      %and3A_430 = arith.andi %sub3A_421, %and3A_429 : vector<16xi32>
      %get3A_431 = arith.index_cast %add3A_417 : i32 to index
      %get3A_432 = tpu.vector_load %arg8[%get3A_431] {strides = array<i32>} : memref<4096xi32, #tpu.memory_space<vmem>>, vector<16xi32>,
      tpu.vector_store_idx %arg5[%shift_right_arithmetic3A_427, %and3A_430], %get3A_432 masked %lt3A_424 {add = true} : memref<64x1024xi32, #tpu.memory_space<vmem>>[vector<16xi32>, vector<16xi32>], vector<16xi32>, vector<16xi1>
      %mul3A_433 = arith.constant 128 : i32
      %mul3A_434 = arith.muli %scan3A_361, %mul3A_433 : i32
      %add3A_435 = arith.constant 64 : i32
      %add3A_436 = arith.addi %mul3A_434, %add3A_435 : i32
      %get3A_437 = arith.index_cast %add3A_436 : i32 to index
      %get3A_438 = tpu.vector_load %arg6[%get3A_437] {strides = array<i32>} : memref<4096xi32, #tpu.memory_space<vmem>>, vector<16xi32>,
      %sub3A_439 = vector.broadcast %mul3A_3 : i32 to vector<16xi32>
      %sub3A_440 = arith.subi %get3A_438, %sub3A_439 : vector<16xi32>
      %lt3A_441 = arith.constant 65536 : i32
      %lt3A_442 = vector.broadcast %lt3A_441 : i32 to vector<16xi32>
      %lt3A_443 = arith.cmpi ult, %sub3A_440, %lt3A_442 : vector<16xi32>
      %shift_right_arithmetic3A_444 = arith.constant 10 : i32
      %shift_right_arithmetic3A_445 = vector.broadcast %shift_right_arithmetic3A_444 : i32 to vector<16xi32>
      %shift_right_arithmetic3A_446 = arith.shrsi %sub3A_440, %shift_right_arithmetic3A_445 : vector<16xi32>
      %and3A_447 = arith.constant 1023 : i32
      %and3A_448 = vector.broadcast %and3A_447 : i32 to vector<16xi32>
      %and3A_449 = arith.andi %sub3A_440, %and3A_448 : vector<16xi32>
      %get3A_450 = arith.index_cast %add3A_436 : i32 to index
      %get3A_451 = tpu.vector_load %arg8[%get3A_450] {strides = array<i32>} : memref<4096xi32, #tpu.memory_space<vmem>>, vector<16xi32>,
      tpu.vector_store_idx %arg5[%shift_right_arithmetic3A_446, %and3A_449], %get3A_451 masked %lt3A_443 {add = true} : memref<64x1024xi32, #tpu.memory_space<vmem>>[vector<16xi32>, vector<16xi32>], vector<16xi32>, vector<16xi1>
      %mul3A_452 = arith.constant 128 : i32
      %mul3A_453 = arith.muli %scan3A_361, %mul3A_452 : i32
      %add3A_454 = arith.constant 80 : i32
      %add3A_455 = arith.addi %mul3A_453, %add3A_454 : i32
      %get3A_456 = arith.index_cast %add3A_455 : i32 to index
      %get3A_457 = tpu.vector_load %arg6[%get3A_456] {strides = array<i32>} : memref<4096xi32, #tpu.memory_space<vmem>>, vector<16xi32>,
      %sub3A_458 = vector.broadcast %mul3A_3 : i32 to vector<16xi32>
      %sub3A_459 = arith.subi %get3A_457, %sub3A_458 : vector<16xi32>
      %lt3A_460 = arith.constant 65536 : i32
      %lt3A_461 = vector.broadcast %lt3A_460 : i32 to vector<16xi32>
      %lt3A_462 = arith.cmpi ult, %sub3A_459, %lt3A_461 : vector<16xi32>
      %shift_right_arithmetic3A_463 = arith.constant 10 : i32
      %shift_right_arithmetic3A_464 = vector.broadcast %shift_right_arithmetic3A_463 : i32 to vector<16xi32>
      %shift_right_arithmetic3A_465 = arith.shrsi %sub3A_459, %shift_right_arithmetic3A_464 : vector<16xi32>
      %and3A_466 = arith.constant 1023 : i32
      %and3A_467 = vector.broadcast %and3A_466 : i32 to vector<16xi32>
      %and3A_468 = arith.andi %sub3A_459, %and3A_467 : vector<16xi32>
      %get3A_469 = arith.index_cast %add3A_455 : i32 to index
      %get3A_470 = tpu.vector_load %arg8[%get3A_469] {strides = array<i32>} : memref<4096xi32, #tpu.memory_space<vmem>>, vector<16xi32>,
      tpu.vector_store_idx %arg5[%shift_right_arithmetic3A_465, %and3A_468], %get3A_470 masked %lt3A_462 {add = true} : memref<64x1024xi32, #tpu.memory_space<vmem>>[vector<16xi32>, vector<16xi32>], vector<16xi32>, vector<16xi1>
      %mul3A_471 = arith.constant 128 : i32
      %mul3A_472 = arith.muli %scan3A_361, %mul3A_471 : i32
      %add3A_473 = arith.constant 96 : i32
      %add3A_474 = arith.addi %mul3A_472, %add3A_473 : i32
      %get3A_475 = arith.index_cast %add3A_474 : i32 to index
      %get3A_476 = tpu.vector_load %arg6[%get3A_475] {strides = array<i32>} : memref<4096xi32, #tpu.memory_space<vmem>>, vector<16xi32>,
      %sub3A_477 = vector.broadcast %mul3A_3 : i32 to vector<16xi32>
      %sub3A_478 = arith.subi %get3A_476, %sub3A_477 : vector<16xi32>
      %lt3A_479 = arith.constant 65536 : i32
      %lt3A_480 = vector.broadcast %lt3A_479 : i32 to vector<16xi32>
      %lt3A_481 = arith.cmpi ult, %sub3A_478, %lt3A_480 : vector<16xi32>
      %shift_right_arithmetic3A_482 = arith.constant 10 : i32
      %shift_right_arithmetic3A_483 = vector.broadcast %shift_right_arithmetic3A_482 : i32 to vector<16xi32>
      %shift_right_arithmetic3A_484 = arith.shrsi %sub3A_478, %shift_right_arithmetic3A_483 : vector<16xi32>
      %and3A_485 = arith.constant 1023 : i32
      %and3A_486 = vector.broadcast %and3A_485 : i32 to vector<16xi32>
      %and3A_487 = arith.andi %sub3A_478, %and3A_486 : vector<16xi32>
      %get3A_488 = arith.index_cast %add3A_474 : i32 to index
      %get3A_489 = tpu.vector_load %arg8[%get3A_488] {strides = array<i32>} : memref<4096xi32, #tpu.memory_space<vmem>>, vector<16xi32>,
      tpu.vector_store_idx %arg5[%shift_right_arithmetic3A_484, %and3A_487], %get3A_489 masked %lt3A_481 {add = true} : memref<64x1024xi32, #tpu.memory_space<vmem>>[vector<16xi32>, vector<16xi32>], vector<16xi32>, vector<16xi1>
      %mul3A_490 = arith.constant 128 : i32
      %mul3A_491 = arith.muli %scan3A_361, %mul3A_490 : i32
      %add3A_492 = arith.constant 112 : i32
      %add3A_493 = arith.addi %mul3A_491, %add3A_492 : i32
      %get3A_494 = arith.index_cast %add3A_493 : i32 to index
      %get3A_495 = tpu.vector_load %arg6[%get3A_494] {strides = array<i32>} : memref<4096xi32, #tpu.memory_space<vmem>>, vector<16xi32>,
      %sub3A_496 = vector.broadcast %mul3A_3 : i32 to vector<16xi32>
      %sub3A_497 = arith.subi %get3A_495, %sub3A_496 : vector<16xi32>
      %lt3A_498 = arith.constant 65536 : i32
      %lt3A_499 = vector.broadcast %lt3A_498 : i32 to vector<16xi32>
      %lt3A_500 = arith.cmpi ult, %sub3A_497, %lt3A_499 : vector<16xi32>
      %shift_right_arithmetic3A_501 = arith.constant 10 : i32
      %shift_right_arithmetic3A_502 = vector.broadcast %shift_right_arithmetic3A_501 : i32 to vector<16xi32>
      %shift_right_arithmetic3A_503 = arith.shrsi %sub3A_497, %shift_right_arithmetic3A_502 : vector<16xi32>
      %and3A_504 = arith.constant 1023 : i32
      %and3A_505 = vector.broadcast %and3A_504 : i32 to vector<16xi32>
      %and3A_506 = arith.andi %sub3A_497, %and3A_505 : vector<16xi32>
      %get3A_507 = arith.index_cast %add3A_493 : i32 to index
      %get3A_508 = tpu.vector_load %arg8[%get3A_507] {strides = array<i32>} : memref<4096xi32, #tpu.memory_space<vmem>>, vector<16xi32>,
      tpu.vector_store_idx %arg5[%shift_right_arithmetic3A_503, %and3A_506], %get3A_508 masked %lt3A_500 {add = true} : memref<64x1024xi32, #tpu.memory_space<vmem>>[vector<16xi32>, vector<16xi32>], vector<16xi32>, vector<16xi1>
    }
    %scan3A_80 = arith.constant 32 : i32
    %dma_wait3A_81 = arith.constant 12288 : i32
    %dma_wait3A_82 = tpu.memref_slice %arg2[%dma_wait3A_81] : memref<65536xi32, #tpu.memory_space<hbm>> -> memref<4096xi32, #tpu.memory_space<hbm>>
    %dma_wait3A_83 = arith.constant 12288 : i32
    %dma_wait3A_84 = tpu.memref_slice %arg2[%dma_wait3A_83] : memref<65536xi32, #tpu.memory_space<hbm>> -> memref<4096xi32, #tpu.memory_space<hbm>>
    tpu.wait_dma2 semaphore(%arg11 : memref<!tpu.dma_semaphore, #tpu.memory_space<semaphore_mem>>) src(%dma_wait3A_84 : memref<4096xi32, #tpu.memory_space<hbm>>) dst(%arg7 : memref<4096xi32, #tpu.memory_space<vmem>>)
    %dma_wait3A_85 = arith.constant 12288 : i32
    %dma_wait3A_86 = tpu.memref_slice %arg3[%dma_wait3A_85] : memref<65536xi32, #tpu.memory_space<hbm>> -> memref<4096xi32, #tpu.memory_space<hbm>>
    %dma_wait3A_87 = arith.constant 12288 : i32
    %dma_wait3A_88 = tpu.memref_slice %arg3[%dma_wait3A_87] : memref<65536xi32, #tpu.memory_space<hbm>> -> memref<4096xi32, #tpu.memory_space<hbm>>
    tpu.wait_dma2 semaphore(%arg11 : memref<!tpu.dma_semaphore, #tpu.memory_space<semaphore_mem>>) src(%dma_wait3A_88 : memref<4096xi32, #tpu.memory_space<hbm>>) dst(%arg9 : memref<4096xi32, #tpu.memory_space<vmem>>)
    %dma_start3A_89 = arith.constant 16384 : i32
    %dma_start3A_90 = tpu.memref_slice %arg2[%dma_start3A_89] : memref<65536xi32, #tpu.memory_space<hbm>> -> memref<4096xi32, #tpu.memory_space<hbm>>
    %dma_start3A_91 = arith.constant 16384 : i32
    %dma_start3A_92 = tpu.memref_slice %arg2[%dma_start3A_91] : memref<65536xi32, #tpu.memory_space<hbm>> -> memref<4096xi32, #tpu.memory_space<hbm>>
    tpu.enqueue_dma source(%dma_start3A_92 : memref<4096xi32, #tpu.memory_space<hbm>>) target(%arg6 : memref<4096xi32, #tpu.memory_space<vmem>>) target_semaphore(%arg10 : memref<!tpu.dma_semaphore, #tpu.memory_space<semaphore_mem>>)
    %dma_start3A_93 = arith.constant 16384 : i32
    %dma_start3A_94 = tpu.memref_slice %arg3[%dma_start3A_93] : memref<65536xi32, #tpu.memory_space<hbm>> -> memref<4096xi32, #tpu.memory_space<hbm>>
    %dma_start3A_95 = arith.constant 16384 : i32
    %dma_start3A_96 = tpu.memref_slice %arg3[%dma_start3A_95] : memref<65536xi32, #tpu.memory_space<hbm>> -> memref<4096xi32, #tpu.memory_space<hbm>>
    tpu.enqueue_dma source(%dma_start3A_96 : memref<4096xi32, #tpu.memory_space<hbm>>) target(%arg8 : memref<4096xi32, #tpu.memory_space<vmem>>) target_semaphore(%arg10 : memref<!tpu.dma_semaphore, #tpu.memory_space<semaphore_mem>>)
    %scan3A_97 = arith.constant 0 : i32
    %scan3A_98 = arith.constant 0 : i32
    %scan3A_99 = arith.constant 32 : i32
    %scan3A_100 = arith.addi %scan3A_98, %scan3A_99 : i32
    %scan3A_101 = arith.constant 1 : i32
    scf.for %scan3A_361 = %scan3A_98 to %scan3A_100 step %scan3A_101  : i32 {
      %mul3A_362 = arith.constant 128 : i32
      %mul3A_363 = arith.muli %scan3A_361, %mul3A_362 : i32
      %add3A_364 = arith.constant 0 : i32
      %add3A_365 = arith.addi %mul3A_363, %add3A_364 : i32
      %get3A = arith.index_cast %add3A_365 : i32 to index
      %get3A_366 = tpu.vector_load %arg7[%get3A] {strides = array<i32>} : memref<4096xi32, #tpu.memory_space<vmem>>, vector<16xi32>,
      %sub3A = vector.broadcast %mul3A_3 : i32 to vector<16xi32>
      %sub3A_367 = arith.subi %get3A_366, %sub3A : vector<16xi32>
      %lt3A = arith.constant 65536 : i32
      %lt3A_368 = vector.broadcast %lt3A : i32 to vector<16xi32>
      %lt3A_369 = arith.cmpi ult, %sub3A_367, %lt3A_368 : vector<16xi32>
      %shift_right_arithmetic3A = arith.constant 10 : i32
      %shift_right_arithmetic3A_370 = vector.broadcast %shift_right_arithmetic3A : i32 to vector<16xi32>
      %shift_right_arithmetic3A_371 = arith.shrsi %sub3A_367, %shift_right_arithmetic3A_370 : vector<16xi32>
      %and3A = arith.constant 1023 : i32
      %and3A_372 = vector.broadcast %and3A : i32 to vector<16xi32>
      %and3A_373 = arith.andi %sub3A_367, %and3A_372 : vector<16xi32>
      %get3A_374 = arith.index_cast %add3A_365 : i32 to index
      %get3A_375 = tpu.vector_load %arg9[%get3A_374] {strides = array<i32>} : memref<4096xi32, #tpu.memory_space<vmem>>, vector<16xi32>,
      tpu.vector_store_idx %arg5[%shift_right_arithmetic3A_371, %and3A_373], %get3A_375 masked %lt3A_369 {add = true} : memref<64x1024xi32, #tpu.memory_space<vmem>>[vector<16xi32>, vector<16xi32>], vector<16xi32>, vector<16xi1>
      %mul3A_376 = arith.constant 128 : i32
      %mul3A_377 = arith.muli %scan3A_361, %mul3A_376 : i32
      %add3A_378 = arith.constant 16 : i32
      %add3A_379 = arith.addi %mul3A_377, %add3A_378 : i32
      %get3A_380 = arith.index_cast %add3A_379 : i32 to index
      %get3A_381 = tpu.vector_load %arg7[%get3A_380] {strides = array<i32>} : memref<4096xi32, #tpu.memory_space<vmem>>, vector<16xi32>,
      %sub3A_382 = vector.broadcast %mul3A_3 : i32 to vector<16xi32>
      %sub3A_383 = arith.subi %get3A_381, %sub3A_382 : vector<16xi32>
      %lt3A_384 = arith.constant 65536 : i32
      %lt3A_385 = vector.broadcast %lt3A_384 : i32 to vector<16xi32>
      %lt3A_386 = arith.cmpi ult, %sub3A_383, %lt3A_385 : vector<16xi32>
      %shift_right_arithmetic3A_387 = arith.constant 10 : i32
      %shift_right_arithmetic3A_388 = vector.broadcast %shift_right_arithmetic3A_387 : i32 to vector<16xi32>
      %shift_right_arithmetic3A_389 = arith.shrsi %sub3A_383, %shift_right_arithmetic3A_388 : vector<16xi32>
      %and3A_390 = arith.constant 1023 : i32
      %and3A_391 = vector.broadcast %and3A_390 : i32 to vector<16xi32>
      %and3A_392 = arith.andi %sub3A_383, %and3A_391 : vector<16xi32>
      %get3A_393 = arith.index_cast %add3A_379 : i32 to index
      %get3A_394 = tpu.vector_load %arg9[%get3A_393] {strides = array<i32>} : memref<4096xi32, #tpu.memory_space<vmem>>, vector<16xi32>,
      tpu.vector_store_idx %arg5[%shift_right_arithmetic3A_389, %and3A_392], %get3A_394 masked %lt3A_386 {add = true} : memref<64x1024xi32, #tpu.memory_space<vmem>>[vector<16xi32>, vector<16xi32>], vector<16xi32>, vector<16xi1>
      %mul3A_395 = arith.constant 128 : i32
      %mul3A_396 = arith.muli %scan3A_361, %mul3A_395 : i32
      %add3A_397 = arith.constant 32 : i32
      %add3A_398 = arith.addi %mul3A_396, %add3A_397 : i32
      %get3A_399 = arith.index_cast %add3A_398 : i32 to index
      %get3A_400 = tpu.vector_load %arg7[%get3A_399] {strides = array<i32>} : memref<4096xi32, #tpu.memory_space<vmem>>, vector<16xi32>,
      %sub3A_401 = vector.broadcast %mul3A_3 : i32 to vector<16xi32>
      %sub3A_402 = arith.subi %get3A_400, %sub3A_401 : vector<16xi32>
      %lt3A_403 = arith.constant 65536 : i32
      %lt3A_404 = vector.broadcast %lt3A_403 : i32 to vector<16xi32>
      %lt3A_405 = arith.cmpi ult, %sub3A_402, %lt3A_404 : vector<16xi32>
      %shift_right_arithmetic3A_406 = arith.constant 10 : i32
      %shift_right_arithmetic3A_407 = vector.broadcast %shift_right_arithmetic3A_406 : i32 to vector<16xi32>
      %shift_right_arithmetic3A_408 = arith.shrsi %sub3A_402, %shift_right_arithmetic3A_407 : vector<16xi32>
      %and3A_409 = arith.constant 1023 : i32
      %and3A_410 = vector.broadcast %and3A_409 : i32 to vector<16xi32>
      %and3A_411 = arith.andi %sub3A_402, %and3A_410 : vector<16xi32>
      %get3A_412 = arith.index_cast %add3A_398 : i32 to index
      %get3A_413 = tpu.vector_load %arg9[%get3A_412] {strides = array<i32>} : memref<4096xi32, #tpu.memory_space<vmem>>, vector<16xi32>,
      tpu.vector_store_idx %arg5[%shift_right_arithmetic3A_408, %and3A_411], %get3A_413 masked %lt3A_405 {add = true} : memref<64x1024xi32, #tpu.memory_space<vmem>>[vector<16xi32>, vector<16xi32>], vector<16xi32>, vector<16xi1>
      %mul3A_414 = arith.constant 128 : i32
      %mul3A_415 = arith.muli %scan3A_361, %mul3A_414 : i32
      %add3A_416 = arith.constant 48 : i32
      %add3A_417 = arith.addi %mul3A_415, %add3A_416 : i32
      %get3A_418 = arith.index_cast %add3A_417 : i32 to index
      %get3A_419 = tpu.vector_load %arg7[%get3A_418] {strides = array<i32>} : memref<4096xi32, #tpu.memory_space<vmem>>, vector<16xi32>,
      %sub3A_420 = vector.broadcast %mul3A_3 : i32 to vector<16xi32>
      %sub3A_421 = arith.subi %get3A_419, %sub3A_420 : vector<16xi32>
      %lt3A_422 = arith.constant 65536 : i32
      %lt3A_423 = vector.broadcast %lt3A_422 : i32 to vector<16xi32>
      %lt3A_424 = arith.cmpi ult, %sub3A_421, %lt3A_423 : vector<16xi32>
      %shift_right_arithmetic3A_425 = arith.constant 10 : i32
      %shift_right_arithmetic3A_426 = vector.broadcast %shift_right_arithmetic3A_425 : i32 to vector<16xi32>
      %shift_right_arithmetic3A_427 = arith.shrsi %sub3A_421, %shift_right_arithmetic3A_426 : vector<16xi32>
      %and3A_428 = arith.constant 1023 : i32
      %and3A_429 = vector.broadcast %and3A_428 : i32 to vector<16xi32>
      %and3A_430 = arith.andi %sub3A_421, %and3A_429 : vector<16xi32>
      %get3A_431 = arith.index_cast %add3A_417 : i32 to index
      %get3A_432 = tpu.vector_load %arg9[%get3A_431] {strides = array<i32>} : memref<4096xi32, #tpu.memory_space<vmem>>, vector<16xi32>,
      tpu.vector_store_idx %arg5[%shift_right_arithmetic3A_427, %and3A_430], %get3A_432 masked %lt3A_424 {add = true} : memref<64x1024xi32, #tpu.memory_space<vmem>>[vector<16xi32>, vector<16xi32>], vector<16xi32>, vector<16xi1>
      %mul3A_433 = arith.constant 128 : i32
      %mul3A_434 = arith.muli %scan3A_361, %mul3A_433 : i32
      %add3A_435 = arith.constant 64 : i32
      %add3A_436 = arith.addi %mul3A_434, %add3A_435 : i32
      %get3A_437 = arith.index_cast %add3A_436 : i32 to index
      %get3A_438 = tpu.vector_load %arg7[%get3A_437] {strides = array<i32>} : memref<4096xi32, #tpu.memory_space<vmem>>, vector<16xi32>,
      %sub3A_439 = vector.broadcast %mul3A_3 : i32 to vector<16xi32>
      %sub3A_440 = arith.subi %get3A_438, %sub3A_439 : vector<16xi32>
      %lt3A_441 = arith.constant 65536 : i32
      %lt3A_442 = vector.broadcast %lt3A_441 : i32 to vector<16xi32>
      %lt3A_443 = arith.cmpi ult, %sub3A_440, %lt3A_442 : vector<16xi32>
      %shift_right_arithmetic3A_444 = arith.constant 10 : i32
      %shift_right_arithmetic3A_445 = vector.broadcast %shift_right_arithmetic3A_444 : i32 to vector<16xi32>
      %shift_right_arithmetic3A_446 = arith.shrsi %sub3A_440, %shift_right_arithmetic3A_445 : vector<16xi32>
      %and3A_447 = arith.constant 1023 : i32
      %and3A_448 = vector.broadcast %and3A_447 : i32 to vector<16xi32>
      %and3A_449 = arith.andi %sub3A_440, %and3A_448 : vector<16xi32>
      %get3A_450 = arith.index_cast %add3A_436 : i32 to index
      %get3A_451 = tpu.vector_load %arg9[%get3A_450] {strides = array<i32>} : memref<4096xi32, #tpu.memory_space<vmem>>, vector<16xi32>,
      tpu.vector_store_idx %arg5[%shift_right_arithmetic3A_446, %and3A_449], %get3A_451 masked %lt3A_443 {add = true} : memref<64x1024xi32, #tpu.memory_space<vmem>>[vector<16xi32>, vector<16xi32>], vector<16xi32>, vector<16xi1>
      %mul3A_452 = arith.constant 128 : i32
      %mul3A_453 = arith.muli %scan3A_361, %mul3A_452 : i32
      %add3A_454 = arith.constant 80 : i32
      %add3A_455 = arith.addi %mul3A_453, %add3A_454 : i32
      %get3A_456 = arith.index_cast %add3A_455 : i32 to index
      %get3A_457 = tpu.vector_load %arg7[%get3A_456] {strides = array<i32>} : memref<4096xi32, #tpu.memory_space<vmem>>, vector<16xi32>,
      %sub3A_458 = vector.broadcast %mul3A_3 : i32 to vector<16xi32>
      %sub3A_459 = arith.subi %get3A_457, %sub3A_458 : vector<16xi32>
      %lt3A_460 = arith.constant 65536 : i32
      %lt3A_461 = vector.broadcast %lt3A_460 : i32 to vector<16xi32>
      %lt3A_462 = arith.cmpi ult, %sub3A_459, %lt3A_461 : vector<16xi32>
      %shift_right_arithmetic3A_463 = arith.constant 10 : i32
      %shift_right_arithmetic3A_464 = vector.broadcast %shift_right_arithmetic3A_463 : i32 to vector<16xi32>
      %shift_right_arithmetic3A_465 = arith.shrsi %sub3A_459, %shift_right_arithmetic3A_464 : vector<16xi32>
      %and3A_466 = arith.constant 1023 : i32
      %and3A_467 = vector.broadcast %and3A_466 : i32 to vector<16xi32>
      %and3A_468 = arith.andi %sub3A_459, %and3A_467 : vector<16xi32>
      %get3A_469 = arith.index_cast %add3A_455 : i32 to index
      %get3A_470 = tpu.vector_load %arg9[%get3A_469] {strides = array<i32>} : memref<4096xi32, #tpu.memory_space<vmem>>, vector<16xi32>,
      tpu.vector_store_idx %arg5[%shift_right_arithmetic3A_465, %and3A_468], %get3A_470 masked %lt3A_462 {add = true} : memref<64x1024xi32, #tpu.memory_space<vmem>>[vector<16xi32>, vector<16xi32>], vector<16xi32>, vector<16xi1>
      %mul3A_471 = arith.constant 128 : i32
      %mul3A_472 = arith.muli %scan3A_361, %mul3A_471 : i32
      %add3A_473 = arith.constant 96 : i32
      %add3A_474 = arith.addi %mul3A_472, %add3A_473 : i32
      %get3A_475 = arith.index_cast %add3A_474 : i32 to index
      %get3A_476 = tpu.vector_load %arg7[%get3A_475] {strides = array<i32>} : memref<4096xi32, #tpu.memory_space<vmem>>, vector<16xi32>,
      %sub3A_477 = vector.broadcast %mul3A_3 : i32 to vector<16xi32>
      %sub3A_478 = arith.subi %get3A_476, %sub3A_477 : vector<16xi32>
      %lt3A_479 = arith.constant 65536 : i32
      %lt3A_480 = vector.broadcast %lt3A_479 : i32 to vector<16xi32>
      %lt3A_481 = arith.cmpi ult, %sub3A_478, %lt3A_480 : vector<16xi32>
      %shift_right_arithmetic3A_482 = arith.constant 10 : i32
      %shift_right_arithmetic3A_483 = vector.broadcast %shift_right_arithmetic3A_482 : i32 to vector<16xi32>
      %shift_right_arithmetic3A_484 = arith.shrsi %sub3A_478, %shift_right_arithmetic3A_483 : vector<16xi32>
      %and3A_485 = arith.constant 1023 : i32
      %and3A_486 = vector.broadcast %and3A_485 : i32 to vector<16xi32>
      %and3A_487 = arith.andi %sub3A_478, %and3A_486 : vector<16xi32>
      %get3A_488 = arith.index_cast %add3A_474 : i32 to index
      %get3A_489 = tpu.vector_load %arg9[%get3A_488] {strides = array<i32>} : memref<4096xi32, #tpu.memory_space<vmem>>, vector<16xi32>,
      tpu.vector_store_idx %arg5[%shift_right_arithmetic3A_484, %and3A_487], %get3A_489 masked %lt3A_481 {add = true} : memref<64x1024xi32, #tpu.memory_space<vmem>>[vector<16xi32>, vector<16xi32>], vector<16xi32>, vector<16xi1>
      %mul3A_490 = arith.constant 128 : i32
      %mul3A_491 = arith.muli %scan3A_361, %mul3A_490 : i32
      %add3A_492 = arith.constant 112 : i32
      %add3A_493 = arith.addi %mul3A_491, %add3A_492 : i32
      %get3A_494 = arith.index_cast %add3A_493 : i32 to index
      %get3A_495 = tpu.vector_load %arg7[%get3A_494] {strides = array<i32>} : memref<4096xi32, #tpu.memory_space<vmem>>, vector<16xi32>,
      %sub3A_496 = vector.broadcast %mul3A_3 : i32 to vector<16xi32>
      %sub3A_497 = arith.subi %get3A_495, %sub3A_496 : vector<16xi32>
      %lt3A_498 = arith.constant 65536 : i32
      %lt3A_499 = vector.broadcast %lt3A_498 : i32 to vector<16xi32>
      %lt3A_500 = arith.cmpi ult, %sub3A_497, %lt3A_499 : vector<16xi32>
      %shift_right_arithmetic3A_501 = arith.constant 10 : i32
      %shift_right_arithmetic3A_502 = vector.broadcast %shift_right_arithmetic3A_501 : i32 to vector<16xi32>
      %shift_right_arithmetic3A_503 = arith.shrsi %sub3A_497, %shift_right_arithmetic3A_502 : vector<16xi32>
      %and3A_504 = arith.constant 1023 : i32
      %and3A_505 = vector.broadcast %and3A_504 : i32 to vector<16xi32>
      %and3A_506 = arith.andi %sub3A_497, %and3A_505 : vector<16xi32>
      %get3A_507 = arith.index_cast %add3A_493 : i32 to index
      %get3A_508 = tpu.vector_load %arg9[%get3A_507] {strides = array<i32>} : memref<4096xi32, #tpu.memory_space<vmem>>, vector<16xi32>,
      tpu.vector_store_idx %arg5[%shift_right_arithmetic3A_503, %and3A_506], %get3A_508 masked %lt3A_500 {add = true} : memref<64x1024xi32, #tpu.memory_space<vmem>>[vector<16xi32>, vector<16xi32>], vector<16xi32>, vector<16xi1>
    }
    %scan3A_102 = arith.constant 32 : i32
    %dma_wait3A_103 = arith.constant 16384 : i32
    %dma_wait3A_104 = tpu.memref_slice %arg2[%dma_wait3A_103] : memref<65536xi32, #tpu.memory_space<hbm>> -> memref<4096xi32, #tpu.memory_space<hbm>>
    %dma_wait3A_105 = arith.constant 16384 : i32
    %dma_wait3A_106 = tpu.memref_slice %arg2[%dma_wait3A_105] : memref<65536xi32, #tpu.memory_space<hbm>> -> memref<4096xi32, #tpu.memory_space<hbm>>
    tpu.wait_dma2 semaphore(%arg10 : memref<!tpu.dma_semaphore, #tpu.memory_space<semaphore_mem>>) src(%dma_wait3A_106 : memref<4096xi32, #tpu.memory_space<hbm>>) dst(%arg6 : memref<4096xi32, #tpu.memory_space<vmem>>)
    %dma_wait3A_107 = arith.constant 16384 : i32
    %dma_wait3A_108 = tpu.memref_slice %arg3[%dma_wait3A_107] : memref<65536xi32, #tpu.memory_space<hbm>> -> memref<4096xi32, #tpu.memory_space<hbm>>
    %dma_wait3A_109 = arith.constant 16384 : i32
    %dma_wait3A_110 = tpu.memref_slice %arg3[%dma_wait3A_109] : memref<65536xi32, #tpu.memory_space<hbm>> -> memref<4096xi32, #tpu.memory_space<hbm>>
    tpu.wait_dma2 semaphore(%arg10 : memref<!tpu.dma_semaphore, #tpu.memory_space<semaphore_mem>>) src(%dma_wait3A_110 : memref<4096xi32, #tpu.memory_space<hbm>>) dst(%arg8 : memref<4096xi32, #tpu.memory_space<vmem>>)
    %dma_start3A_111 = arith.constant 20480 : i32
    %dma_start3A_112 = tpu.memref_slice %arg2[%dma_start3A_111] : memref<65536xi32, #tpu.memory_space<hbm>> -> memref<4096xi32, #tpu.memory_space<hbm>>
    %dma_start3A_113 = arith.constant 20480 : i32
    %dma_start3A_114 = tpu.memref_slice %arg2[%dma_start3A_113] : memref<65536xi32, #tpu.memory_space<hbm>> -> memref<4096xi32, #tpu.memory_space<hbm>>
    tpu.enqueue_dma source(%dma_start3A_114 : memref<4096xi32, #tpu.memory_space<hbm>>) target(%arg7 : memref<4096xi32, #tpu.memory_space<vmem>>) target_semaphore(%arg11 : memref<!tpu.dma_semaphore, #tpu.memory_space<semaphore_mem>>)
    %dma_start3A_115 = arith.constant 20480 : i32
    %dma_start3A_116 = tpu.memref_slice %arg3[%dma_start3A_115] : memref<65536xi32, #tpu.memory_space<hbm>> -> memref<4096xi32, #tpu.memory_space<hbm>>
    %dma_start3A_117 = arith.constant 20480 : i32
    %dma_start3A_118 = tpu.memref_slice %arg3[%dma_start3A_117] : memref<65536xi32, #tpu.memory_space<hbm>> -> memref<4096xi32, #tpu.memory_space<hbm>>
    tpu.enqueue_dma source(%dma_start3A_118 : memref<4096xi32, #tpu.memory_space<hbm>>) target(%arg9 : memref<4096xi32, #tpu.memory_space<vmem>>) target_semaphore(%arg11 : memref<!tpu.dma_semaphore, #tpu.memory_space<semaphore_mem>>)
    %scan3A_119 = arith.constant 0 : i32
    %scan3A_120 = arith.constant 0 : i32
    %scan3A_121 = arith.constant 32 : i32
    %scan3A_122 = arith.addi %scan3A_120, %scan3A_121 : i32
    %scan3A_123 = arith.constant 1 : i32
    scf.for %scan3A_361 = %scan3A_120 to %scan3A_122 step %scan3A_123  : i32 {
      %mul3A_362 = arith.constant 128 : i32
      %mul3A_363 = arith.muli %scan3A_361, %mul3A_362 : i32
      %add3A_364 = arith.constant 0 : i32
      %add3A_365 = arith.addi %mul3A_363, %add3A_364 : i32
      %get3A = arith.index_cast %add3A_365 : i32 to index
      %get3A_366 = tpu.vector_load %arg6[%get3A] {strides = array<i32>} : memref<4096xi32, #tpu.memory_space<vmem>>, vector<16xi32>,
      %sub3A = vector.broadcast %mul3A_3 : i32 to vector<16xi32>
      %sub3A_367 = arith.subi %get3A_366, %sub3A : vector<16xi32>
      %lt3A = arith.constant 65536 : i32
      %lt3A_368 = vector.broadcast %lt3A : i32 to vector<16xi32>
      %lt3A_369 = arith.cmpi ult, %sub3A_367, %lt3A_368 : vector<16xi32>
      %shift_right_arithmetic3A = arith.constant 10 : i32
      %shift_right_arithmetic3A_370 = vector.broadcast %shift_right_arithmetic3A : i32 to vector<16xi32>
      %shift_right_arithmetic3A_371 = arith.shrsi %sub3A_367, %shift_right_arithmetic3A_370 : vector<16xi32>
      %and3A = arith.constant 1023 : i32
      %and3A_372 = vector.broadcast %and3A : i32 to vector<16xi32>
      %and3A_373 = arith.andi %sub3A_367, %and3A_372 : vector<16xi32>
      %get3A_374 = arith.index_cast %add3A_365 : i32 to index
      %get3A_375 = tpu.vector_load %arg8[%get3A_374] {strides = array<i32>} : memref<4096xi32, #tpu.memory_space<vmem>>, vector<16xi32>,
      tpu.vector_store_idx %arg5[%shift_right_arithmetic3A_371, %and3A_373], %get3A_375 masked %lt3A_369 {add = true} : memref<64x1024xi32, #tpu.memory_space<vmem>>[vector<16xi32>, vector<16xi32>], vector<16xi32>, vector<16xi1>
      %mul3A_376 = arith.constant 128 : i32
      %mul3A_377 = arith.muli %scan3A_361, %mul3A_376 : i32
      %add3A_378 = arith.constant 16 : i32
      %add3A_379 = arith.addi %mul3A_377, %add3A_378 : i32
      %get3A_380 = arith.index_cast %add3A_379 : i32 to index
      %get3A_381 = tpu.vector_load %arg6[%get3A_380] {strides = array<i32>} : memref<4096xi32, #tpu.memory_space<vmem>>, vector<16xi32>,
      %sub3A_382 = vector.broadcast %mul3A_3 : i32 to vector<16xi32>
      %sub3A_383 = arith.subi %get3A_381, %sub3A_382 : vector<16xi32>
      %lt3A_384 = arith.constant 65536 : i32
      %lt3A_385 = vector.broadcast %lt3A_384 : i32 to vector<16xi32>
      %lt3A_386 = arith.cmpi ult, %sub3A_383, %lt3A_385 : vector<16xi32>
      %shift_right_arithmetic3A_387 = arith.constant 10 : i32
      %shift_right_arithmetic3A_388 = vector.broadcast %shift_right_arithmetic3A_387 : i32 to vector<16xi32>
      %shift_right_arithmetic3A_389 = arith.shrsi %sub3A_383, %shift_right_arithmetic3A_388 : vector<16xi32>
      %and3A_390 = arith.constant 1023 : i32
      %and3A_391 = vector.broadcast %and3A_390 : i32 to vector<16xi32>
      %and3A_392 = arith.andi %sub3A_383, %and3A_391 : vector<16xi32>
      %get3A_393 = arith.index_cast %add3A_379 : i32 to index
      %get3A_394 = tpu.vector_load %arg8[%get3A_393] {strides = array<i32>} : memref<4096xi32, #tpu.memory_space<vmem>>, vector<16xi32>,
      tpu.vector_store_idx %arg5[%shift_right_arithmetic3A_389, %and3A_392], %get3A_394 masked %lt3A_386 {add = true} : memref<64x1024xi32, #tpu.memory_space<vmem>>[vector<16xi32>, vector<16xi32>], vector<16xi32>, vector<16xi1>
      %mul3A_395 = arith.constant 128 : i32
      %mul3A_396 = arith.muli %scan3A_361, %mul3A_395 : i32
      %add3A_397 = arith.constant 32 : i32
      %add3A_398 = arith.addi %mul3A_396, %add3A_397 : i32
      %get3A_399 = arith.index_cast %add3A_398 : i32 to index
      %get3A_400 = tpu.vector_load %arg6[%get3A_399] {strides = array<i32>} : memref<4096xi32, #tpu.memory_space<vmem>>, vector<16xi32>,
      %sub3A_401 = vector.broadcast %mul3A_3 : i32 to vector<16xi32>
      %sub3A_402 = arith.subi %get3A_400, %sub3A_401 : vector<16xi32>
      %lt3A_403 = arith.constant 65536 : i32
      %lt3A_404 = vector.broadcast %lt3A_403 : i32 to vector<16xi32>
      %lt3A_405 = arith.cmpi ult, %sub3A_402, %lt3A_404 : vector<16xi32>
      %shift_right_arithmetic3A_406 = arith.constant 10 : i32
      %shift_right_arithmetic3A_407 = vector.broadcast %shift_right_arithmetic3A_406 : i32 to vector<16xi32>
      %shift_right_arithmetic3A_408 = arith.shrsi %sub3A_402, %shift_right_arithmetic3A_407 : vector<16xi32>
      %and3A_409 = arith.constant 1023 : i32
      %and3A_410 = vector.broadcast %and3A_409 : i32 to vector<16xi32>
      %and3A_411 = arith.andi %sub3A_402, %and3A_410 : vector<16xi32>
      %get3A_412 = arith.index_cast %add3A_398 : i32 to index
      %get3A_413 = tpu.vector_load %arg8[%get3A_412] {strides = array<i32>} : memref<4096xi32, #tpu.memory_space<vmem>>, vector<16xi32>,
      tpu.vector_store_idx %arg5[%shift_right_arithmetic3A_408, %and3A_411], %get3A_413 masked %lt3A_405 {add = true} : memref<64x1024xi32, #tpu.memory_space<vmem>>[vector<16xi32>, vector<16xi32>], vector<16xi32>, vector<16xi1>
      %mul3A_414 = arith.constant 128 : i32
      %mul3A_415 = arith.muli %scan3A_361, %mul3A_414 : i32
      %add3A_416 = arith.constant 48 : i32
      %add3A_417 = arith.addi %mul3A_415, %add3A_416 : i32
      %get3A_418 = arith.index_cast %add3A_417 : i32 to index
      %get3A_419 = tpu.vector_load %arg6[%get3A_418] {strides = array<i32>} : memref<4096xi32, #tpu.memory_space<vmem>>, vector<16xi32>,
      %sub3A_420 = vector.broadcast %mul3A_3 : i32 to vector<16xi32>
      %sub3A_421 = arith.subi %get3A_419, %sub3A_420 : vector<16xi32>
      %lt3A_422 = arith.constant 65536 : i32
      %lt3A_423 = vector.broadcast %lt3A_422 : i32 to vector<16xi32>
      %lt3A_424 = arith.cmpi ult, %sub3A_421, %lt3A_423 : vector<16xi32>
      %shift_right_arithmetic3A_425 = arith.constant 10 : i32
      %shift_right_arithmetic3A_426 = vector.broadcast %shift_right_arithmetic3A_425 : i32 to vector<16xi32>
      %shift_right_arithmetic3A_427 = arith.shrsi %sub3A_421, %shift_right_arithmetic3A_426 : vector<16xi32>
      %and3A_428 = arith.constant 1023 : i32
      %and3A_429 = vector.broadcast %and3A_428 : i32 to vector<16xi32>
      %and3A_430 = arith.andi %sub3A_421, %and3A_429 : vector<16xi32>
      %get3A_431 = arith.index_cast %add3A_417 : i32 to index
      %get3A_432 = tpu.vector_load %arg8[%get3A_431] {strides = array<i32>} : memref<4096xi32, #tpu.memory_space<vmem>>, vector<16xi32>,
      tpu.vector_store_idx %arg5[%shift_right_arithmetic3A_427, %and3A_430], %get3A_432 masked %lt3A_424 {add = true} : memref<64x1024xi32, #tpu.memory_space<vmem>>[vector<16xi32>, vector<16xi32>], vector<16xi32>, vector<16xi1>
      %mul3A_433 = arith.constant 128 : i32
      %mul3A_434 = arith.muli %scan3A_361, %mul3A_433 : i32
      %add3A_435 = arith.constant 64 : i32
      %add3A_436 = arith.addi %mul3A_434, %add3A_435 : i32
      %get3A_437 = arith.index_cast %add3A_436 : i32 to index
      %get3A_438 = tpu.vector_load %arg6[%get3A_437] {strides = array<i32>} : memref<4096xi32, #tpu.memory_space<vmem>>, vector<16xi32>,
      %sub3A_439 = vector.broadcast %mul3A_3 : i32 to vector<16xi32>
      %sub3A_440 = arith.subi %get3A_438, %sub3A_439 : vector<16xi32>
      %lt3A_441 = arith.constant 65536 : i32
      %lt3A_442 = vector.broadcast %lt3A_441 : i32 to vector<16xi32>
      %lt3A_443 = arith.cmpi ult, %sub3A_440, %lt3A_442 : vector<16xi32>
      %shift_right_arithmetic3A_444 = arith.constant 10 : i32
      %shift_right_arithmetic3A_445 = vector.broadcast %shift_right_arithmetic3A_444 : i32 to vector<16xi32>
      %shift_right_arithmetic3A_446 = arith.shrsi %sub3A_440, %shift_right_arithmetic3A_445 : vector<16xi32>
      %and3A_447 = arith.constant 1023 : i32
      %and3A_448 = vector.broadcast %and3A_447 : i32 to vector<16xi32>
      %and3A_449 = arith.andi %sub3A_440, %and3A_448 : vector<16xi32>
      %get3A_450 = arith.index_cast %add3A_436 : i32 to index
      %get3A_451 = tpu.vector_load %arg8[%get3A_450] {strides = array<i32>} : memref<4096xi32, #tpu.memory_space<vmem>>, vector<16xi32>,
      tpu.vector_store_idx %arg5[%shift_right_arithmetic3A_446, %and3A_449], %get3A_451 masked %lt3A_443 {add = true} : memref<64x1024xi32, #tpu.memory_space<vmem>>[vector<16xi32>, vector<16xi32>], vector<16xi32>, vector<16xi1>
      %mul3A_452 = arith.constant 128 : i32
      %mul3A_453 = arith.muli %scan3A_361, %mul3A_452 : i32
      %add3A_454 = arith.constant 80 : i32
      %add3A_455 = arith.addi %mul3A_453, %add3A_454 : i32
      %get3A_456 = arith.index_cast %add3A_455 : i32 to index
      %get3A_457 = tpu.vector_load %arg6[%get3A_456] {strides = array<i32>} : memref<4096xi32, #tpu.memory_space<vmem>>, vector<16xi32>,
      %sub3A_458 = vector.broadcast %mul3A_3 : i32 to vector<16xi32>
      %sub3A_459 = arith.subi %get3A_457, %sub3A_458 : vector<16xi32>
      %lt3A_460 = arith.constant 65536 : i32
      %lt3A_461 = vector.broadcast %lt3A_460 : i32 to vector<16xi32>
      %lt3A_462 = arith.cmpi ult, %sub3A_459, %lt3A_461 : vector<16xi32>
      %shift_right_arithmetic3A_463 = arith.constant 10 : i32
      %shift_right_arithmetic3A_464 = vector.broadcast %shift_right_arithmetic3A_463 : i32 to vector<16xi32>
      %shift_right_arithmetic3A_465 = arith.shrsi %sub3A_459, %shift_right_arithmetic3A_464 : vector<16xi32>
      %and3A_466 = arith.constant 1023 : i32
      %and3A_467 = vector.broadcast %and3A_466 : i32 to vector<16xi32>
      %and3A_468 = arith.andi %sub3A_459, %and3A_467 : vector<16xi32>
      %get3A_469 = arith.index_cast %add3A_455 : i32 to index
      %get3A_470 = tpu.vector_load %arg8[%get3A_469] {strides = array<i32>} : memref<4096xi32, #tpu.memory_space<vmem>>, vector<16xi32>,
      tpu.vector_store_idx %arg5[%shift_right_arithmetic3A_465, %and3A_468], %get3A_470 masked %lt3A_462 {add = true} : memref<64x1024xi32, #tpu.memory_space<vmem>>[vector<16xi32>, vector<16xi32>], vector<16xi32>, vector<16xi1>
      %mul3A_471 = arith.constant 128 : i32
      %mul3A_472 = arith.muli %scan3A_361, %mul3A_471 : i32
      %add3A_473 = arith.constant 96 : i32
      %add3A_474 = arith.addi %mul3A_472, %add3A_473 : i32
      %get3A_475 = arith.index_cast %add3A_474 : i32 to index
      %get3A_476 = tpu.vector_load %arg6[%get3A_475] {strides = array<i32>} : memref<4096xi32, #tpu.memory_space<vmem>>, vector<16xi32>,
      %sub3A_477 = vector.broadcast %mul3A_3 : i32 to vector<16xi32>
      %sub3A_478 = arith.subi %get3A_476, %sub3A_477 : vector<16xi32>
      %lt3A_479 = arith.constant 65536 : i32
      %lt3A_480 = vector.broadcast %lt3A_479 : i32 to vector<16xi32>
      %lt3A_481 = arith.cmpi ult, %sub3A_478, %lt3A_480 : vector<16xi32>
      %shift_right_arithmetic3A_482 = arith.constant 10 : i32
      %shift_right_arithmetic3A_483 = vector.broadcast %shift_right_arithmetic3A_482 : i32 to vector<16xi32>
      %shift_right_arithmetic3A_484 = arith.shrsi %sub3A_478, %shift_right_arithmetic3A_483 : vector<16xi32>
      %and3A_485 = arith.constant 1023 : i32
      %and3A_486 = vector.broadcast %and3A_485 : i32 to vector<16xi32>
      %and3A_487 = arith.andi %sub3A_478, %and3A_486 : vector<16xi32>
      %get3A_488 = arith.index_cast %add3A_474 : i32 to index
      %get3A_489 = tpu.vector_load %arg8[%get3A_488] {strides = array<i32>} : memref<4096xi32, #tpu.memory_space<vmem>>, vector<16xi32>,
      tpu.vector_store_idx %arg5[%shift_right_arithmetic3A_484, %and3A_487], %get3A_489 masked %lt3A_481 {add = true} : memref<64x1024xi32, #tpu.memory_space<vmem>>[vector<16xi32>, vector<16xi32>], vector<16xi32>, vector<16xi1>
      %mul3A_490 = arith.constant 128 : i32
      %mul3A_491 = arith.muli %scan3A_361, %mul3A_490 : i32
      %add3A_492 = arith.constant 112 : i32
      %add3A_493 = arith.addi %mul3A_491, %add3A_492 : i32
      %get3A_494 = arith.index_cast %add3A_493 : i32 to index
      %get3A_495 = tpu.vector_load %arg6[%get3A_494] {strides = array<i32>} : memref<4096xi32, #tpu.memory_space<vmem>>, vector<16xi32>,
      %sub3A_496 = vector.broadcast %mul3A_3 : i32 to vector<16xi32>
      %sub3A_497 = arith.subi %get3A_495, %sub3A_496 : vector<16xi32>
      %lt3A_498 = arith.constant 65536 : i32
      %lt3A_499 = vector.broadcast %lt3A_498 : i32 to vector<16xi32>
      %lt3A_500 = arith.cmpi ult, %sub3A_497, %lt3A_499 : vector<16xi32>
      %shift_right_arithmetic3A_501 = arith.constant 10 : i32
      %shift_right_arithmetic3A_502 = vector.broadcast %shift_right_arithmetic3A_501 : i32 to vector<16xi32>
      %shift_right_arithmetic3A_503 = arith.shrsi %sub3A_497, %shift_right_arithmetic3A_502 : vector<16xi32>
      %and3A_504 = arith.constant 1023 : i32
      %and3A_505 = vector.broadcast %and3A_504 : i32 to vector<16xi32>
      %and3A_506 = arith.andi %sub3A_497, %and3A_505 : vector<16xi32>
      %get3A_507 = arith.index_cast %add3A_493 : i32 to index
      %get3A_508 = tpu.vector_load %arg8[%get3A_507] {strides = array<i32>} : memref<4096xi32, #tpu.memory_space<vmem>>, vector<16xi32>,
      tpu.vector_store_idx %arg5[%shift_right_arithmetic3A_503, %and3A_506], %get3A_508 masked %lt3A_500 {add = true} : memref<64x1024xi32, #tpu.memory_space<vmem>>[vector<16xi32>, vector<16xi32>], vector<16xi32>, vector<16xi1>
    }
    %scan3A_124 = arith.constant 32 : i32
    %dma_wait3A_125 = arith.constant 20480 : i32
    %dma_wait3A_126 = tpu.memref_slice %arg2[%dma_wait3A_125] : memref<65536xi32, #tpu.memory_space<hbm>> -> memref<4096xi32, #tpu.memory_space<hbm>>
    %dma_wait3A_127 = arith.constant 20480 : i32
    %dma_wait3A_128 = tpu.memref_slice %arg2[%dma_wait3A_127] : memref<65536xi32, #tpu.memory_space<hbm>> -> memref<4096xi32, #tpu.memory_space<hbm>>
    tpu.wait_dma2 semaphore(%arg11 : memref<!tpu.dma_semaphore, #tpu.memory_space<semaphore_mem>>) src(%dma_wait3A_128 : memref<4096xi32, #tpu.memory_space<hbm>>) dst(%arg7 : memref<4096xi32, #tpu.memory_space<vmem>>)
    %dma_wait3A_129 = arith.constant 20480 : i32
    %dma_wait3A_130 = tpu.memref_slice %arg3[%dma_wait3A_129] : memref<65536xi32, #tpu.memory_space<hbm>> -> memref<4096xi32, #tpu.memory_space<hbm>>
    %dma_wait3A_131 = arith.constant 20480 : i32
    %dma_wait3A_132 = tpu.memref_slice %arg3[%dma_wait3A_131] : memref<65536xi32, #tpu.memory_space<hbm>> -> memref<4096xi32, #tpu.memory_space<hbm>>
    tpu.wait_dma2 semaphore(%arg11 : memref<!tpu.dma_semaphore, #tpu.memory_space<semaphore_mem>>) src(%dma_wait3A_132 : memref<4096xi32, #tpu.memory_space<hbm>>) dst(%arg9 : memref<4096xi32, #tpu.memory_space<vmem>>)
    %dma_start3A_133 = arith.constant 24576 : i32
    %dma_start3A_134 = tpu.memref_slice %arg2[%dma_start3A_133] : memref<65536xi32, #tpu.memory_space<hbm>> -> memref<4096xi32, #tpu.memory_space<hbm>>
    %dma_start3A_135 = arith.constant 24576 : i32
    %dma_start3A_136 = tpu.memref_slice %arg2[%dma_start3A_135] : memref<65536xi32, #tpu.memory_space<hbm>> -> memref<4096xi32, #tpu.memory_space<hbm>>
    tpu.enqueue_dma source(%dma_start3A_136 : memref<4096xi32, #tpu.memory_space<hbm>>) target(%arg6 : memref<4096xi32, #tpu.memory_space<vmem>>) target_semaphore(%arg10 : memref<!tpu.dma_semaphore, #tpu.memory_space<semaphore_mem>>)
    %dma_start3A_137 = arith.constant 24576 : i32
    %dma_start3A_138 = tpu.memref_slice %arg3[%dma_start3A_137] : memref<65536xi32, #tpu.memory_space<hbm>> -> memref<4096xi32, #tpu.memory_space<hbm>>
    %dma_start3A_139 = arith.constant 24576 : i32
    %dma_start3A_140 = tpu.memref_slice %arg3[%dma_start3A_139] : memref<65536xi32, #tpu.memory_space<hbm>> -> memref<4096xi32, #tpu.memory_space<hbm>>
    tpu.enqueue_dma source(%dma_start3A_140 : memref<4096xi32, #tpu.memory_space<hbm>>) target(%arg8 : memref<4096xi32, #tpu.memory_space<vmem>>) target_semaphore(%arg10 : memref<!tpu.dma_semaphore, #tpu.memory_space<semaphore_mem>>)
    %scan3A_141 = arith.constant 0 : i32
    %scan3A_142 = arith.constant 0 : i32
    %scan3A_143 = arith.constant 32 : i32
    %scan3A_144 = arith.addi %scan3A_142, %scan3A_143 : i32
    %scan3A_145 = arith.constant 1 : i32
    scf.for %scan3A_361 = %scan3A_142 to %scan3A_144 step %scan3A_145  : i32 {
      %mul3A_362 = arith.constant 128 : i32
      %mul3A_363 = arith.muli %scan3A_361, %mul3A_362 : i32
      %add3A_364 = arith.constant 0 : i32
      %add3A_365 = arith.addi %mul3A_363, %add3A_364 : i32
      %get3A = arith.index_cast %add3A_365 : i32 to index
      %get3A_366 = tpu.vector_load %arg7[%get3A] {strides = array<i32>} : memref<4096xi32, #tpu.memory_space<vmem>>, vector<16xi32>,
      %sub3A = vector.broadcast %mul3A_3 : i32 to vector<16xi32>
      %sub3A_367 = arith.subi %get3A_366, %sub3A : vector<16xi32>
      %lt3A = arith.constant 65536 : i32
      %lt3A_368 = vector.broadcast %lt3A : i32 to vector<16xi32>
      %lt3A_369 = arith.cmpi ult, %sub3A_367, %lt3A_368 : vector<16xi32>
      %shift_right_arithmetic3A = arith.constant 10 : i32
      %shift_right_arithmetic3A_370 = vector.broadcast %shift_right_arithmetic3A : i32 to vector<16xi32>
      %shift_right_arithmetic3A_371 = arith.shrsi %sub3A_367, %shift_right_arithmetic3A_370 : vector<16xi32>
      %and3A = arith.constant 1023 : i32
      %and3A_372 = vector.broadcast %and3A : i32 to vector<16xi32>
      %and3A_373 = arith.andi %sub3A_367, %and3A_372 : vector<16xi32>
      %get3A_374 = arith.index_cast %add3A_365 : i32 to index
      %get3A_375 = tpu.vector_load %arg9[%get3A_374] {strides = array<i32>} : memref<4096xi32, #tpu.memory_space<vmem>>, vector<16xi32>,
      tpu.vector_store_idx %arg5[%shift_right_arithmetic3A_371, %and3A_373], %get3A_375 masked %lt3A_369 {add = true} : memref<64x1024xi32, #tpu.memory_space<vmem>>[vector<16xi32>, vector<16xi32>], vector<16xi32>, vector<16xi1>
      %mul3A_376 = arith.constant 128 : i32
      %mul3A_377 = arith.muli %scan3A_361, %mul3A_376 : i32
      %add3A_378 = arith.constant 16 : i32
      %add3A_379 = arith.addi %mul3A_377, %add3A_378 : i32
      %get3A_380 = arith.index_cast %add3A_379 : i32 to index
      %get3A_381 = tpu.vector_load %arg7[%get3A_380] {strides = array<i32>} : memref<4096xi32, #tpu.memory_space<vmem>>, vector<16xi32>,
      %sub3A_382 = vector.broadcast %mul3A_3 : i32 to vector<16xi32>
      %sub3A_383 = arith.subi %get3A_381, %sub3A_382 : vector<16xi32>
      %lt3A_384 = arith.constant 65536 : i32
      %lt3A_385 = vector.broadcast %lt3A_384 : i32 to vector<16xi32>
      %lt3A_386 = arith.cmpi ult, %sub3A_383, %lt3A_385 : vector<16xi32>
      %shift_right_arithmetic3A_387 = arith.constant 10 : i32
      %shift_right_arithmetic3A_388 = vector.broadcast %shift_right_arithmetic3A_387 : i32 to vector<16xi32>
      %shift_right_arithmetic3A_389 = arith.shrsi %sub3A_383, %shift_right_arithmetic3A_388 : vector<16xi32>
      %and3A_390 = arith.constant 1023 : i32
      %and3A_391 = vector.broadcast %and3A_390 : i32 to vector<16xi32>
      %and3A_392 = arith.andi %sub3A_383, %and3A_391 : vector<16xi32>
      %get3A_393 = arith.index_cast %add3A_379 : i32 to index
      %get3A_394 = tpu.vector_load %arg9[%get3A_393] {strides = array<i32>} : memref<4096xi32, #tpu.memory_space<vmem>>, vector<16xi32>,
      tpu.vector_store_idx %arg5[%shift_right_arithmetic3A_389, %and3A_392], %get3A_394 masked %lt3A_386 {add = true} : memref<64x1024xi32, #tpu.memory_space<vmem>>[vector<16xi32>, vector<16xi32>], vector<16xi32>, vector<16xi1>
      %mul3A_395 = arith.constant 128 : i32
      %mul3A_396 = arith.muli %scan3A_361, %mul3A_395 : i32
      %add3A_397 = arith.constant 32 : i32
      %add3A_398 = arith.addi %mul3A_396, %add3A_397 : i32
      %get3A_399 = arith.index_cast %add3A_398 : i32 to index
      %get3A_400 = tpu.vector_load %arg7[%get3A_399] {strides = array<i32>} : memref<4096xi32, #tpu.memory_space<vmem>>, vector<16xi32>,
      %sub3A_401 = vector.broadcast %mul3A_3 : i32 to vector<16xi32>
      %sub3A_402 = arith.subi %get3A_400, %sub3A_401 : vector<16xi32>
      %lt3A_403 = arith.constant 65536 : i32
      %lt3A_404 = vector.broadcast %lt3A_403 : i32 to vector<16xi32>
      %lt3A_405 = arith.cmpi ult, %sub3A_402, %lt3A_404 : vector<16xi32>
      %shift_right_arithmetic3A_406 = arith.constant 10 : i32
      %shift_right_arithmetic3A_407 = vector.broadcast %shift_right_arithmetic3A_406 : i32 to vector<16xi32>
      %shift_right_arithmetic3A_408 = arith.shrsi %sub3A_402, %shift_right_arithmetic3A_407 : vector<16xi32>
      %and3A_409 = arith.constant 1023 : i32
      %and3A_410 = vector.broadcast %and3A_409 : i32 to vector<16xi32>
      %and3A_411 = arith.andi %sub3A_402, %and3A_410 : vector<16xi32>
      %get3A_412 = arith.index_cast %add3A_398 : i32 to index
      %get3A_413 = tpu.vector_load %arg9[%get3A_412] {strides = array<i32>} : memref<4096xi32, #tpu.memory_space<vmem>>, vector<16xi32>,
      tpu.vector_store_idx %arg5[%shift_right_arithmetic3A_408, %and3A_411], %get3A_413 masked %lt3A_405 {add = true} : memref<64x1024xi32, #tpu.memory_space<vmem>>[vector<16xi32>, vector<16xi32>], vector<16xi32>, vector<16xi1>
      %mul3A_414 = arith.constant 128 : i32
      %mul3A_415 = arith.muli %scan3A_361, %mul3A_414 : i32
      %add3A_416 = arith.constant 48 : i32
      %add3A_417 = arith.addi %mul3A_415, %add3A_416 : i32
      %get3A_418 = arith.index_cast %add3A_417 : i32 to index
      %get3A_419 = tpu.vector_load %arg7[%get3A_418] {strides = array<i32>} : memref<4096xi32, #tpu.memory_space<vmem>>, vector<16xi32>,
      %sub3A_420 = vector.broadcast %mul3A_3 : i32 to vector<16xi32>
      %sub3A_421 = arith.subi %get3A_419, %sub3A_420 : vector<16xi32>
      %lt3A_422 = arith.constant 65536 : i32
      %lt3A_423 = vector.broadcast %lt3A_422 : i32 to vector<16xi32>
      %lt3A_424 = arith.cmpi ult, %sub3A_421, %lt3A_423 : vector<16xi32>
      %shift_right_arithmetic3A_425 = arith.constant 10 : i32
      %shift_right_arithmetic3A_426 = vector.broadcast %shift_right_arithmetic3A_425 : i32 to vector<16xi32>
      %shift_right_arithmetic3A_427 = arith.shrsi %sub3A_421, %shift_right_arithmetic3A_426 : vector<16xi32>
      %and3A_428 = arith.constant 1023 : i32
      %and3A_429 = vector.broadcast %and3A_428 : i32 to vector<16xi32>
      %and3A_430 = arith.andi %sub3A_421, %and3A_429 : vector<16xi32>
      %get3A_431 = arith.index_cast %add3A_417 : i32 to index
      %get3A_432 = tpu.vector_load %arg9[%get3A_431] {strides = array<i32>} : memref<4096xi32, #tpu.memory_space<vmem>>, vector<16xi32>,
      tpu.vector_store_idx %arg5[%shift_right_arithmetic3A_427, %and3A_430], %get3A_432 masked %lt3A_424 {add = true} : memref<64x1024xi32, #tpu.memory_space<vmem>>[vector<16xi32>, vector<16xi32>], vector<16xi32>, vector<16xi1>
      %mul3A_433 = arith.constant 128 : i32
      %mul3A_434 = arith.muli %scan3A_361, %mul3A_433 : i32
      %add3A_435 = arith.constant 64 : i32
      %add3A_436 = arith.addi %mul3A_434, %add3A_435 : i32
      %get3A_437 = arith.index_cast %add3A_436 : i32 to index
      %get3A_438 = tpu.vector_load %arg7[%get3A_437] {strides = array<i32>} : memref<4096xi32, #tpu.memory_space<vmem>>, vector<16xi32>,
      %sub3A_439 = vector.broadcast %mul3A_3 : i32 to vector<16xi32>
      %sub3A_440 = arith.subi %get3A_438, %sub3A_439 : vector<16xi32>
      %lt3A_441 = arith.constant 65536 : i32
      %lt3A_442 = vector.broadcast %lt3A_441 : i32 to vector<16xi32>
      %lt3A_443 = arith.cmpi ult, %sub3A_440, %lt3A_442 : vector<16xi32>
      %shift_right_arithmetic3A_444 = arith.constant 10 : i32
      %shift_right_arithmetic3A_445 = vector.broadcast %shift_right_arithmetic3A_444 : i32 to vector<16xi32>
      %shift_right_arithmetic3A_446 = arith.shrsi %sub3A_440, %shift_right_arithmetic3A_445 : vector<16xi32>
      %and3A_447 = arith.constant 1023 : i32
      %and3A_448 = vector.broadcast %and3A_447 : i32 to vector<16xi32>
      %and3A_449 = arith.andi %sub3A_440, %and3A_448 : vector<16xi32>
      %get3A_450 = arith.index_cast %add3A_436 : i32 to index
      %get3A_451 = tpu.vector_load %arg9[%get3A_450] {strides = array<i32>} : memref<4096xi32, #tpu.memory_space<vmem>>, vector<16xi32>,
      tpu.vector_store_idx %arg5[%shift_right_arithmetic3A_446, %and3A_449], %get3A_451 masked %lt3A_443 {add = true} : memref<64x1024xi32, #tpu.memory_space<vmem>>[vector<16xi32>, vector<16xi32>], vector<16xi32>, vector<16xi1>
      %mul3A_452 = arith.constant 128 : i32
      %mul3A_453 = arith.muli %scan3A_361, %mul3A_452 : i32
      %add3A_454 = arith.constant 80 : i32
      %add3A_455 = arith.addi %mul3A_453, %add3A_454 : i32
      %get3A_456 = arith.index_cast %add3A_455 : i32 to index
      %get3A_457 = tpu.vector_load %arg7[%get3A_456] {strides = array<i32>} : memref<4096xi32, #tpu.memory_space<vmem>>, vector<16xi32>,
      %sub3A_458 = vector.broadcast %mul3A_3 : i32 to vector<16xi32>
      %sub3A_459 = arith.subi %get3A_457, %sub3A_458 : vector<16xi32>
      %lt3A_460 = arith.constant 65536 : i32
      %lt3A_461 = vector.broadcast %lt3A_460 : i32 to vector<16xi32>
      %lt3A_462 = arith.cmpi ult, %sub3A_459, %lt3A_461 : vector<16xi32>
      %shift_right_arithmetic3A_463 = arith.constant 10 : i32
      %shift_right_arithmetic3A_464 = vector.broadcast %shift_right_arithmetic3A_463 : i32 to vector<16xi32>
      %shift_right_arithmetic3A_465 = arith.shrsi %sub3A_459, %shift_right_arithmetic3A_464 : vector<16xi32>
      %and3A_466 = arith.constant 1023 : i32
      %and3A_467 = vector.broadcast %and3A_466 : i32 to vector<16xi32>
      %and3A_468 = arith.andi %sub3A_459, %and3A_467 : vector<16xi32>
      %get3A_469 = arith.index_cast %add3A_455 : i32 to index
      %get3A_470 = tpu.vector_load %arg9[%get3A_469] {strides = array<i32>} : memref<4096xi32, #tpu.memory_space<vmem>>, vector<16xi32>,
      tpu.vector_store_idx %arg5[%shift_right_arithmetic3A_465, %and3A_468], %get3A_470 masked %lt3A_462 {add = true} : memref<64x1024xi32, #tpu.memory_space<vmem>>[vector<16xi32>, vector<16xi32>], vector<16xi32>, vector<16xi1>
      %mul3A_471 = arith.constant 128 : i32
      %mul3A_472 = arith.muli %scan3A_361, %mul3A_471 : i32
      %add3A_473 = arith.constant 96 : i32
      %add3A_474 = arith.addi %mul3A_472, %add3A_473 : i32
      %get3A_475 = arith.index_cast %add3A_474 : i32 to index
      %get3A_476 = tpu.vector_load %arg7[%get3A_475] {strides = array<i32>} : memref<4096xi32, #tpu.memory_space<vmem>>, vector<16xi32>,
      %sub3A_477 = vector.broadcast %mul3A_3 : i32 to vector<16xi32>
      %sub3A_478 = arith.subi %get3A_476, %sub3A_477 : vector<16xi32>
      %lt3A_479 = arith.constant 65536 : i32
      %lt3A_480 = vector.broadcast %lt3A_479 : i32 to vector<16xi32>
      %lt3A_481 = arith.cmpi ult, %sub3A_478, %lt3A_480 : vector<16xi32>
      %shift_right_arithmetic3A_482 = arith.constant 10 : i32
      %shift_right_arithmetic3A_483 = vector.broadcast %shift_right_arithmetic3A_482 : i32 to vector<16xi32>
      %shift_right_arithmetic3A_484 = arith.shrsi %sub3A_478, %shift_right_arithmetic3A_483 : vector<16xi32>
      %and3A_485 = arith.constant 1023 : i32
      %and3A_486 = vector.broadcast %and3A_485 : i32 to vector<16xi32>
      %and3A_487 = arith.andi %sub3A_478, %and3A_486 : vector<16xi32>
      %get3A_488 = arith.index_cast %add3A_474 : i32 to index
      %get3A_489 = tpu.vector_load %arg9[%get3A_488] {strides = array<i32>} : memref<4096xi32, #tpu.memory_space<vmem>>, vector<16xi32>,
      tpu.vector_store_idx %arg5[%shift_right_arithmetic3A_484, %and3A_487], %get3A_489 masked %lt3A_481 {add = true} : memref<64x1024xi32, #tpu.memory_space<vmem>>[vector<16xi32>, vector<16xi32>], vector<16xi32>, vector<16xi1>
      %mul3A_490 = arith.constant 128 : i32
      %mul3A_491 = arith.muli %scan3A_361, %mul3A_490 : i32
      %add3A_492 = arith.constant 112 : i32
      %add3A_493 = arith.addi %mul3A_491, %add3A_492 : i32
      %get3A_494 = arith.index_cast %add3A_493 : i32 to index
      %get3A_495 = tpu.vector_load %arg7[%get3A_494] {strides = array<i32>} : memref<4096xi32, #tpu.memory_space<vmem>>, vector<16xi32>,
      %sub3A_496 = vector.broadcast %mul3A_3 : i32 to vector<16xi32>
      %sub3A_497 = arith.subi %get3A_495, %sub3A_496 : vector<16xi32>
      %lt3A_498 = arith.constant 65536 : i32
      %lt3A_499 = vector.broadcast %lt3A_498 : i32 to vector<16xi32>
      %lt3A_500 = arith.cmpi ult, %sub3A_497, %lt3A_499 : vector<16xi32>
      %shift_right_arithmetic3A_501 = arith.constant 10 : i32
      %shift_right_arithmetic3A_502 = vector.broadcast %shift_right_arithmetic3A_501 : i32 to vector<16xi32>
      %shift_right_arithmetic3A_503 = arith.shrsi %sub3A_497, %shift_right_arithmetic3A_502 : vector<16xi32>
      %and3A_504 = arith.constant 1023 : i32
      %and3A_505 = vector.broadcast %and3A_504 : i32 to vector<16xi32>
      %and3A_506 = arith.andi %sub3A_497, %and3A_505 : vector<16xi32>
      %get3A_507 = arith.index_cast %add3A_493 : i32 to index
      %get3A_508 = tpu.vector_load %arg9[%get3A_507] {strides = array<i32>} : memref<4096xi32, #tpu.memory_space<vmem>>, vector<16xi32>,
      tpu.vector_store_idx %arg5[%shift_right_arithmetic3A_503, %and3A_506], %get3A_508 masked %lt3A_500 {add = true} : memref<64x1024xi32, #tpu.memory_space<vmem>>[vector<16xi32>, vector<16xi32>], vector<16xi32>, vector<16xi1>
    }
    %scan3A_146 = arith.constant 32 : i32
    %dma_wait3A_147 = arith.constant 24576 : i32
    %dma_wait3A_148 = tpu.memref_slice %arg2[%dma_wait3A_147] : memref<65536xi32, #tpu.memory_space<hbm>> -> memref<4096xi32, #tpu.memory_space<hbm>>
    %dma_wait3A_149 = arith.constant 24576 : i32
    %dma_wait3A_150 = tpu.memref_slice %arg2[%dma_wait3A_149] : memref<65536xi32, #tpu.memory_space<hbm>> -> memref<4096xi32, #tpu.memory_space<hbm>>
    tpu.wait_dma2 semaphore(%arg10 : memref<!tpu.dma_semaphore, #tpu.memory_space<semaphore_mem>>) src(%dma_wait3A_150 : memref<4096xi32, #tpu.memory_space<hbm>>) dst(%arg6 : memref<4096xi32, #tpu.memory_space<vmem>>)
    %dma_wait3A_151 = arith.constant 24576 : i32
    %dma_wait3A_152 = tpu.memref_slice %arg3[%dma_wait3A_151] : memref<65536xi32, #tpu.memory_space<hbm>> -> memref<4096xi32, #tpu.memory_space<hbm>>
    %dma_wait3A_153 = arith.constant 24576 : i32
    %dma_wait3A_154 = tpu.memref_slice %arg3[%dma_wait3A_153] : memref<65536xi32, #tpu.memory_space<hbm>> -> memref<4096xi32, #tpu.memory_space<hbm>>
    tpu.wait_dma2 semaphore(%arg10 : memref<!tpu.dma_semaphore, #tpu.memory_space<semaphore_mem>>) src(%dma_wait3A_154 : memref<4096xi32, #tpu.memory_space<hbm>>) dst(%arg8 : memref<4096xi32, #tpu.memory_space<vmem>>)
    %dma_start3A_155 = arith.constant 28672 : i32
    %dma_start3A_156 = tpu.memref_slice %arg2[%dma_start3A_155] : memref<65536xi32, #tpu.memory_space<hbm>> -> memref<4096xi32, #tpu.memory_space<hbm>>
    %dma_start3A_157 = arith.constant 28672 : i32
    %dma_start3A_158 = tpu.memref_slice %arg2[%dma_start3A_157] : memref<65536xi32, #tpu.memory_space<hbm>> -> memref<4096xi32, #tpu.memory_space<hbm>>
    tpu.enqueue_dma source(%dma_start3A_158 : memref<4096xi32, #tpu.memory_space<hbm>>) target(%arg7 : memref<4096xi32, #tpu.memory_space<vmem>>) target_semaphore(%arg11 : memref<!tpu.dma_semaphore, #tpu.memory_space<semaphore_mem>>)
    %dma_start3A_159 = arith.constant 28672 : i32
    %dma_start3A_160 = tpu.memref_slice %arg3[%dma_start3A_159] : memref<65536xi32, #tpu.memory_space<hbm>> -> memref<4096xi32, #tpu.memory_space<hbm>>
    %dma_start3A_161 = arith.constant 28672 : i32
    %dma_start3A_162 = tpu.memref_slice %arg3[%dma_start3A_161] : memref<65536xi32, #tpu.memory_space<hbm>> -> memref<4096xi32, #tpu.memory_space<hbm>>
    tpu.enqueue_dma source(%dma_start3A_162 : memref<4096xi32, #tpu.memory_space<hbm>>) target(%arg9 : memref<4096xi32, #tpu.memory_space<vmem>>) target_semaphore(%arg11 : memref<!tpu.dma_semaphore, #tpu.memory_space<semaphore_mem>>)
    %scan3A_163 = arith.constant 0 : i32
    %scan3A_164 = arith.constant 0 : i32
    %scan3A_165 = arith.constant 32 : i32
    %scan3A_166 = arith.addi %scan3A_164, %scan3A_165 : i32
    %scan3A_167 = arith.constant 1 : i32
    scf.for %scan3A_361 = %scan3A_164 to %scan3A_166 step %scan3A_167  : i32 {
      %mul3A_362 = arith.constant 128 : i32
      %mul3A_363 = arith.muli %scan3A_361, %mul3A_362 : i32
      %add3A_364 = arith.constant 0 : i32
      %add3A_365 = arith.addi %mul3A_363, %add3A_364 : i32
      %get3A = arith.index_cast %add3A_365 : i32 to index
      %get3A_366 = tpu.vector_load %arg6[%get3A] {strides = array<i32>} : memref<4096xi32, #tpu.memory_space<vmem>>, vector<16xi32>,
      %sub3A = vector.broadcast %mul3A_3 : i32 to vector<16xi32>
      %sub3A_367 = arith.subi %get3A_366, %sub3A : vector<16xi32>
      %lt3A = arith.constant 65536 : i32
      %lt3A_368 = vector.broadcast %lt3A : i32 to vector<16xi32>
      %lt3A_369 = arith.cmpi ult, %sub3A_367, %lt3A_368 : vector<16xi32>
      %shift_right_arithmetic3A = arith.constant 10 : i32
      %shift_right_arithmetic3A_370 = vector.broadcast %shift_right_arithmetic3A : i32 to vector<16xi32>
      %shift_right_arithmetic3A_371 = arith.shrsi %sub3A_367, %shift_right_arithmetic3A_370 : vector<16xi32>
      %and3A = arith.constant 1023 : i32
      %and3A_372 = vector.broadcast %and3A : i32 to vector<16xi32>
      %and3A_373 = arith.andi %sub3A_367, %and3A_372 : vector<16xi32>
      %get3A_374 = arith.index_cast %add3A_365 : i32 to index
      %get3A_375 = tpu.vector_load %arg8[%get3A_374] {strides = array<i32>} : memref<4096xi32, #tpu.memory_space<vmem>>, vector<16xi32>,
      tpu.vector_store_idx %arg5[%shift_right_arithmetic3A_371, %and3A_373], %get3A_375 masked %lt3A_369 {add = true} : memref<64x1024xi32, #tpu.memory_space<vmem>>[vector<16xi32>, vector<16xi32>], vector<16xi32>, vector<16xi1>
      %mul3A_376 = arith.constant 128 : i32
      %mul3A_377 = arith.muli %scan3A_361, %mul3A_376 : i32
      %add3A_378 = arith.constant 16 : i32
      %add3A_379 = arith.addi %mul3A_377, %add3A_378 : i32
      %get3A_380 = arith.index_cast %add3A_379 : i32 to index
      %get3A_381 = tpu.vector_load %arg6[%get3A_380] {strides = array<i32>} : memref<4096xi32, #tpu.memory_space<vmem>>, vector<16xi32>,
      %sub3A_382 = vector.broadcast %mul3A_3 : i32 to vector<16xi32>
      %sub3A_383 = arith.subi %get3A_381, %sub3A_382 : vector<16xi32>
      %lt3A_384 = arith.constant 65536 : i32
      %lt3A_385 = vector.broadcast %lt3A_384 : i32 to vector<16xi32>
      %lt3A_386 = arith.cmpi ult, %sub3A_383, %lt3A_385 : vector<16xi32>
      %shift_right_arithmetic3A_387 = arith.constant 10 : i32
      %shift_right_arithmetic3A_388 = vector.broadcast %shift_right_arithmetic3A_387 : i32 to vector<16xi32>
      %shift_right_arithmetic3A_389 = arith.shrsi %sub3A_383, %shift_right_arithmetic3A_388 : vector<16xi32>
      %and3A_390 = arith.constant 1023 : i32
      %and3A_391 = vector.broadcast %and3A_390 : i32 to vector<16xi32>
      %and3A_392 = arith.andi %sub3A_383, %and3A_391 : vector<16xi32>
      %get3A_393 = arith.index_cast %add3A_379 : i32 to index
      %get3A_394 = tpu.vector_load %arg8[%get3A_393] {strides = array<i32>} : memref<4096xi32, #tpu.memory_space<vmem>>, vector<16xi32>,
      tpu.vector_store_idx %arg5[%shift_right_arithmetic3A_389, %and3A_392], %get3A_394 masked %lt3A_386 {add = true} : memref<64x1024xi32, #tpu.memory_space<vmem>>[vector<16xi32>, vector<16xi32>], vector<16xi32>, vector<16xi1>
      %mul3A_395 = arith.constant 128 : i32
      %mul3A_396 = arith.muli %scan3A_361, %mul3A_395 : i32
      %add3A_397 = arith.constant 32 : i32
      %add3A_398 = arith.addi %mul3A_396, %add3A_397 : i32
      %get3A_399 = arith.index_cast %add3A_398 : i32 to index
      %get3A_400 = tpu.vector_load %arg6[%get3A_399] {strides = array<i32>} : memref<4096xi32, #tpu.memory_space<vmem>>, vector<16xi32>,
      %sub3A_401 = vector.broadcast %mul3A_3 : i32 to vector<16xi32>
      %sub3A_402 = arith.subi %get3A_400, %sub3A_401 : vector<16xi32>
      %lt3A_403 = arith.constant 65536 : i32
      %lt3A_404 = vector.broadcast %lt3A_403 : i32 to vector<16xi32>
      %lt3A_405 = arith.cmpi ult, %sub3A_402, %lt3A_404 : vector<16xi32>
      %shift_right_arithmetic3A_406 = arith.constant 10 : i32
      %shift_right_arithmetic3A_407 = vector.broadcast %shift_right_arithmetic3A_406 : i32 to vector<16xi32>
      %shift_right_arithmetic3A_408 = arith.shrsi %sub3A_402, %shift_right_arithmetic3A_407 : vector<16xi32>
      %and3A_409 = arith.constant 1023 : i32
      %and3A_410 = vector.broadcast %and3A_409 : i32 to vector<16xi32>
      %and3A_411 = arith.andi %sub3A_402, %and3A_410 : vector<16xi32>
      %get3A_412 = arith.index_cast %add3A_398 : i32 to index
      %get3A_413 = tpu.vector_load %arg8[%get3A_412] {strides = array<i32>} : memref<4096xi32, #tpu.memory_space<vmem>>, vector<16xi32>,
      tpu.vector_store_idx %arg5[%shift_right_arithmetic3A_408, %and3A_411], %get3A_413 masked %lt3A_405 {add = true} : memref<64x1024xi32, #tpu.memory_space<vmem>>[vector<16xi32>, vector<16xi32>], vector<16xi32>, vector<16xi1>
      %mul3A_414 = arith.constant 128 : i32
      %mul3A_415 = arith.muli %scan3A_361, %mul3A_414 : i32
      %add3A_416 = arith.constant 48 : i32
      %add3A_417 = arith.addi %mul3A_415, %add3A_416 : i32
      %get3A_418 = arith.index_cast %add3A_417 : i32 to index
      %get3A_419 = tpu.vector_load %arg6[%get3A_418] {strides = array<i32>} : memref<4096xi32, #tpu.memory_space<vmem>>, vector<16xi32>,
      %sub3A_420 = vector.broadcast %mul3A_3 : i32 to vector<16xi32>
      %sub3A_421 = arith.subi %get3A_419, %sub3A_420 : vector<16xi32>
      %lt3A_422 = arith.constant 65536 : i32
      %lt3A_423 = vector.broadcast %lt3A_422 : i32 to vector<16xi32>
      %lt3A_424 = arith.cmpi ult, %sub3A_421, %lt3A_423 : vector<16xi32>
      %shift_right_arithmetic3A_425 = arith.constant 10 : i32
      %shift_right_arithmetic3A_426 = vector.broadcast %shift_right_arithmetic3A_425 : i32 to vector<16xi32>
      %shift_right_arithmetic3A_427 = arith.shrsi %sub3A_421, %shift_right_arithmetic3A_426 : vector<16xi32>
      %and3A_428 = arith.constant 1023 : i32
      %and3A_429 = vector.broadcast %and3A_428 : i32 to vector<16xi32>
      %and3A_430 = arith.andi %sub3A_421, %and3A_429 : vector<16xi32>
      %get3A_431 = arith.index_cast %add3A_417 : i32 to index
      %get3A_432 = tpu.vector_load %arg8[%get3A_431] {strides = array<i32>} : memref<4096xi32, #tpu.memory_space<vmem>>, vector<16xi32>,
      tpu.vector_store_idx %arg5[%shift_right_arithmetic3A_427, %and3A_430], %get3A_432 masked %lt3A_424 {add = true} : memref<64x1024xi32, #tpu.memory_space<vmem>>[vector<16xi32>, vector<16xi32>], vector<16xi32>, vector<16xi1>
      %mul3A_433 = arith.constant 128 : i32
      %mul3A_434 = arith.muli %scan3A_361, %mul3A_433 : i32
      %add3A_435 = arith.constant 64 : i32
      %add3A_436 = arith.addi %mul3A_434, %add3A_435 : i32
      %get3A_437 = arith.index_cast %add3A_436 : i32 to index
      %get3A_438 = tpu.vector_load %arg6[%get3A_437] {strides = array<i32>} : memref<4096xi32, #tpu.memory_space<vmem>>, vector<16xi32>,
      %sub3A_439 = vector.broadcast %mul3A_3 : i32 to vector<16xi32>
      %sub3A_440 = arith.subi %get3A_438, %sub3A_439 : vector<16xi32>
      %lt3A_441 = arith.constant 65536 : i32
      %lt3A_442 = vector.broadcast %lt3A_441 : i32 to vector<16xi32>
      %lt3A_443 = arith.cmpi ult, %sub3A_440, %lt3A_442 : vector<16xi32>
      %shift_right_arithmetic3A_444 = arith.constant 10 : i32
      %shift_right_arithmetic3A_445 = vector.broadcast %shift_right_arithmetic3A_444 : i32 to vector<16xi32>
      %shift_right_arithmetic3A_446 = arith.shrsi %sub3A_440, %shift_right_arithmetic3A_445 : vector<16xi32>
      %and3A_447 = arith.constant 1023 : i32
      %and3A_448 = vector.broadcast %and3A_447 : i32 to vector<16xi32>
      %and3A_449 = arith.andi %sub3A_440, %and3A_448 : vector<16xi32>
      %get3A_450 = arith.index_cast %add3A_436 : i32 to index
      %get3A_451 = tpu.vector_load %arg8[%get3A_450] {strides = array<i32>} : memref<4096xi32, #tpu.memory_space<vmem>>, vector<16xi32>,
      tpu.vector_store_idx %arg5[%shift_right_arithmetic3A_446, %and3A_449], %get3A_451 masked %lt3A_443 {add = true} : memref<64x1024xi32, #tpu.memory_space<vmem>>[vector<16xi32>, vector<16xi32>], vector<16xi32>, vector<16xi1>
      %mul3A_452 = arith.constant 128 : i32
      %mul3A_453 = arith.muli %scan3A_361, %mul3A_452 : i32
      %add3A_454 = arith.constant 80 : i32
      %add3A_455 = arith.addi %mul3A_453, %add3A_454 : i32
      %get3A_456 = arith.index_cast %add3A_455 : i32 to index
      %get3A_457 = tpu.vector_load %arg6[%get3A_456] {strides = array<i32>} : memref<4096xi32, #tpu.memory_space<vmem>>, vector<16xi32>,
      %sub3A_458 = vector.broadcast %mul3A_3 : i32 to vector<16xi32>
      %sub3A_459 = arith.subi %get3A_457, %sub3A_458 : vector<16xi32>
      %lt3A_460 = arith.constant 65536 : i32
      %lt3A_461 = vector.broadcast %lt3A_460 : i32 to vector<16xi32>
      %lt3A_462 = arith.cmpi ult, %sub3A_459, %lt3A_461 : vector<16xi32>
      %shift_right_arithmetic3A_463 = arith.constant 10 : i32
      %shift_right_arithmetic3A_464 = vector.broadcast %shift_right_arithmetic3A_463 : i32 to vector<16xi32>
      %shift_right_arithmetic3A_465 = arith.shrsi %sub3A_459, %shift_right_arithmetic3A_464 : vector<16xi32>
      %and3A_466 = arith.constant 1023 : i32
      %and3A_467 = vector.broadcast %and3A_466 : i32 to vector<16xi32>
      %and3A_468 = arith.andi %sub3A_459, %and3A_467 : vector<16xi32>
      %get3A_469 = arith.index_cast %add3A_455 : i32 to index
      %get3A_470 = tpu.vector_load %arg8[%get3A_469] {strides = array<i32>} : memref<4096xi32, #tpu.memory_space<vmem>>, vector<16xi32>,
      tpu.vector_store_idx %arg5[%shift_right_arithmetic3A_465, %and3A_468], %get3A_470 masked %lt3A_462 {add = true} : memref<64x1024xi32, #tpu.memory_space<vmem>>[vector<16xi32>, vector<16xi32>], vector<16xi32>, vector<16xi1>
      %mul3A_471 = arith.constant 128 : i32
      %mul3A_472 = arith.muli %scan3A_361, %mul3A_471 : i32
      %add3A_473 = arith.constant 96 : i32
      %add3A_474 = arith.addi %mul3A_472, %add3A_473 : i32
      %get3A_475 = arith.index_cast %add3A_474 : i32 to index
      %get3A_476 = tpu.vector_load %arg6[%get3A_475] {strides = array<i32>} : memref<4096xi32, #tpu.memory_space<vmem>>, vector<16xi32>,
      %sub3A_477 = vector.broadcast %mul3A_3 : i32 to vector<16xi32>
      %sub3A_478 = arith.subi %get3A_476, %sub3A_477 : vector<16xi32>
      %lt3A_479 = arith.constant 65536 : i32
      %lt3A_480 = vector.broadcast %lt3A_479 : i32 to vector<16xi32>
      %lt3A_481 = arith.cmpi ult, %sub3A_478, %lt3A_480 : vector<16xi32>
      %shift_right_arithmetic3A_482 = arith.constant 10 : i32
      %shift_right_arithmetic3A_483 = vector.broadcast %shift_right_arithmetic3A_482 : i32 to vector<16xi32>
      %shift_right_arithmetic3A_484 = arith.shrsi %sub3A_478, %shift_right_arithmetic3A_483 : vector<16xi32>
      %and3A_485 = arith.constant 1023 : i32
      %and3A_486 = vector.broadcast %and3A_485 : i32 to vector<16xi32>
      %and3A_487 = arith.andi %sub3A_478, %and3A_486 : vector<16xi32>
      %get3A_488 = arith.index_cast %add3A_474 : i32 to index
      %get3A_489 = tpu.vector_load %arg8[%get3A_488] {strides = array<i32>} : memref<4096xi32, #tpu.memory_space<vmem>>, vector<16xi32>,
      tpu.vector_store_idx %arg5[%shift_right_arithmetic3A_484, %and3A_487], %get3A_489 masked %lt3A_481 {add = true} : memref<64x1024xi32, #tpu.memory_space<vmem>>[vector<16xi32>, vector<16xi32>], vector<16xi32>, vector<16xi1>
      %mul3A_490 = arith.constant 128 : i32
      %mul3A_491 = arith.muli %scan3A_361, %mul3A_490 : i32
      %add3A_492 = arith.constant 112 : i32
      %add3A_493 = arith.addi %mul3A_491, %add3A_492 : i32
      %get3A_494 = arith.index_cast %add3A_493 : i32 to index
      %get3A_495 = tpu.vector_load %arg6[%get3A_494] {strides = array<i32>} : memref<4096xi32, #tpu.memory_space<vmem>>, vector<16xi32>,
      %sub3A_496 = vector.broadcast %mul3A_3 : i32 to vector<16xi32>
      %sub3A_497 = arith.subi %get3A_495, %sub3A_496 : vector<16xi32>
      %lt3A_498 = arith.constant 65536 : i32
      %lt3A_499 = vector.broadcast %lt3A_498 : i32 to vector<16xi32>
      %lt3A_500 = arith.cmpi ult, %sub3A_497, %lt3A_499 : vector<16xi32>
      %shift_right_arithmetic3A_501 = arith.constant 10 : i32
      %shift_right_arithmetic3A_502 = vector.broadcast %shift_right_arithmetic3A_501 : i32 to vector<16xi32>
      %shift_right_arithmetic3A_503 = arith.shrsi %sub3A_497, %shift_right_arithmetic3A_502 : vector<16xi32>
      %and3A_504 = arith.constant 1023 : i32
      %and3A_505 = vector.broadcast %and3A_504 : i32 to vector<16xi32>
      %and3A_506 = arith.andi %sub3A_497, %and3A_505 : vector<16xi32>
      %get3A_507 = arith.index_cast %add3A_493 : i32 to index
      %get3A_508 = tpu.vector_load %arg8[%get3A_507] {strides = array<i32>} : memref<4096xi32, #tpu.memory_space<vmem>>, vector<16xi32>,
      tpu.vector_store_idx %arg5[%shift_right_arithmetic3A_503, %and3A_506], %get3A_508 masked %lt3A_500 {add = true} : memref<64x1024xi32, #tpu.memory_space<vmem>>[vector<16xi32>, vector<16xi32>], vector<16xi32>, vector<16xi1>
    }
    %scan3A_168 = arith.constant 32 : i32
    %dma_wait3A_169 = arith.constant 28672 : i32
    %dma_wait3A_170 = tpu.memref_slice %arg2[%dma_wait3A_169] : memref<65536xi32, #tpu.memory_space<hbm>> -> memref<4096xi32, #tpu.memory_space<hbm>>
    %dma_wait3A_171 = arith.constant 28672 : i32
    %dma_wait3A_172 = tpu.memref_slice %arg2[%dma_wait3A_171] : memref<65536xi32, #tpu.memory_space<hbm>> -> memref<4096xi32, #tpu.memory_space<hbm>>
    tpu.wait_dma2 semaphore(%arg11 : memref<!tpu.dma_semaphore, #tpu.memory_space<semaphore_mem>>) src(%dma_wait3A_172 : memref<4096xi32, #tpu.memory_space<hbm>>) dst(%arg7 : memref<4096xi32, #tpu.memory_space<vmem>>)
    %dma_wait3A_173 = arith.constant 28672 : i32
    %dma_wait3A_174 = tpu.memref_slice %arg3[%dma_wait3A_173] : memref<65536xi32, #tpu.memory_space<hbm>> -> memref<4096xi32, #tpu.memory_space<hbm>>
    %dma_wait3A_175 = arith.constant 28672 : i32
    %dma_wait3A_176 = tpu.memref_slice %arg3[%dma_wait3A_175] : memref<65536xi32, #tpu.memory_space<hbm>> -> memref<4096xi32, #tpu.memory_space<hbm>>
    tpu.wait_dma2 semaphore(%arg11 : memref<!tpu.dma_semaphore, #tpu.memory_space<semaphore_mem>>) src(%dma_wait3A_176 : memref<4096xi32, #tpu.memory_space<hbm>>) dst(%arg9 : memref<4096xi32, #tpu.memory_space<vmem>>)
    %dma_start3A_177 = arith.constant 32768 : i32
    %dma_start3A_178 = tpu.memref_slice %arg2[%dma_start3A_177] : memref<65536xi32, #tpu.memory_space<hbm>> -> memref<4096xi32, #tpu.memory_space<hbm>>
    %dma_start3A_179 = arith.constant 32768 : i32
    %dma_start3A_180 = tpu.memref_slice %arg2[%dma_start3A_179] : memref<65536xi32, #tpu.memory_space<hbm>> -> memref<4096xi32, #tpu.memory_space<hbm>>
    tpu.enqueue_dma source(%dma_start3A_180 : memref<4096xi32, #tpu.memory_space<hbm>>) target(%arg6 : memref<4096xi32, #tpu.memory_space<vmem>>) target_semaphore(%arg10 : memref<!tpu.dma_semaphore, #tpu.memory_space<semaphore_mem>>)
    %dma_start3A_181 = arith.constant 32768 : i32
    %dma_start3A_182 = tpu.memref_slice %arg3[%dma_start3A_181] : memref<65536xi32, #tpu.memory_space<hbm>> -> memref<4096xi32, #tpu.memory_space<hbm>>
    %dma_start3A_183 = arith.constant 32768 : i32
    %dma_start3A_184 = tpu.memref_slice %arg3[%dma_start3A_183] : memref<65536xi32, #tpu.memory_space<hbm>> -> memref<4096xi32, #tpu.memory_space<hbm>>
    tpu.enqueue_dma source(%dma_start3A_184 : memref<4096xi32, #tpu.memory_space<hbm>>) target(%arg8 : memref<4096xi32, #tpu.memory_space<vmem>>) target_semaphore(%arg10 : memref<!tpu.dma_semaphore, #tpu.memory_space<semaphore_mem>>)
    %scan3A_185 = arith.constant 0 : i32
    %scan3A_186 = arith.constant 0 : i32
    %scan3A_187 = arith.constant 32 : i32
    %scan3A_188 = arith.addi %scan3A_186, %scan3A_187 : i32
    %scan3A_189 = arith.constant 1 : i32
    scf.for %scan3A_361 = %scan3A_186 to %scan3A_188 step %scan3A_189  : i32 {
      %mul3A_362 = arith.constant 128 : i32
      %mul3A_363 = arith.muli %scan3A_361, %mul3A_362 : i32
      %add3A_364 = arith.constant 0 : i32
      %add3A_365 = arith.addi %mul3A_363, %add3A_364 : i32
      %get3A = arith.index_cast %add3A_365 : i32 to index
      %get3A_366 = tpu.vector_load %arg7[%get3A] {strides = array<i32>} : memref<4096xi32, #tpu.memory_space<vmem>>, vector<16xi32>,
      %sub3A = vector.broadcast %mul3A_3 : i32 to vector<16xi32>
      %sub3A_367 = arith.subi %get3A_366, %sub3A : vector<16xi32>
      %lt3A = arith.constant 65536 : i32
      %lt3A_368 = vector.broadcast %lt3A : i32 to vector<16xi32>
      %lt3A_369 = arith.cmpi ult, %sub3A_367, %lt3A_368 : vector<16xi32>
      %shift_right_arithmetic3A = arith.constant 10 : i32
      %shift_right_arithmetic3A_370 = vector.broadcast %shift_right_arithmetic3A : i32 to vector<16xi32>
      %shift_right_arithmetic3A_371 = arith.shrsi %sub3A_367, %shift_right_arithmetic3A_370 : vector<16xi32>
      %and3A = arith.constant 1023 : i32
      %and3A_372 = vector.broadcast %and3A : i32 to vector<16xi32>
      %and3A_373 = arith.andi %sub3A_367, %and3A_372 : vector<16xi32>
      %get3A_374 = arith.index_cast %add3A_365 : i32 to index
      %get3A_375 = tpu.vector_load %arg9[%get3A_374] {strides = array<i32>} : memref<4096xi32, #tpu.memory_space<vmem>>, vector<16xi32>,
      tpu.vector_store_idx %arg5[%shift_right_arithmetic3A_371, %and3A_373], %get3A_375 masked %lt3A_369 {add = true} : memref<64x1024xi32, #tpu.memory_space<vmem>>[vector<16xi32>, vector<16xi32>], vector<16xi32>, vector<16xi1>
      %mul3A_376 = arith.constant 128 : i32
      %mul3A_377 = arith.muli %scan3A_361, %mul3A_376 : i32
      %add3A_378 = arith.constant 16 : i32
      %add3A_379 = arith.addi %mul3A_377, %add3A_378 : i32
      %get3A_380 = arith.index_cast %add3A_379 : i32 to index
      %get3A_381 = tpu.vector_load %arg7[%get3A_380] {strides = array<i32>} : memref<4096xi32, #tpu.memory_space<vmem>>, vector<16xi32>,
      %sub3A_382 = vector.broadcast %mul3A_3 : i32 to vector<16xi32>
      %sub3A_383 = arith.subi %get3A_381, %sub3A_382 : vector<16xi32>
      %lt3A_384 = arith.constant 65536 : i32
      %lt3A_385 = vector.broadcast %lt3A_384 : i32 to vector<16xi32>
      %lt3A_386 = arith.cmpi ult, %sub3A_383, %lt3A_385 : vector<16xi32>
      %shift_right_arithmetic3A_387 = arith.constant 10 : i32
      %shift_right_arithmetic3A_388 = vector.broadcast %shift_right_arithmetic3A_387 : i32 to vector<16xi32>
      %shift_right_arithmetic3A_389 = arith.shrsi %sub3A_383, %shift_right_arithmetic3A_388 : vector<16xi32>
      %and3A_390 = arith.constant 1023 : i32
      %and3A_391 = vector.broadcast %and3A_390 : i32 to vector<16xi32>
      %and3A_392 = arith.andi %sub3A_383, %and3A_391 : vector<16xi32>
      %get3A_393 = arith.index_cast %add3A_379 : i32 to index
      %get3A_394 = tpu.vector_load %arg9[%get3A_393] {strides = array<i32>} : memref<4096xi32, #tpu.memory_space<vmem>>, vector<16xi32>,
      tpu.vector_store_idx %arg5[%shift_right_arithmetic3A_389, %and3A_392], %get3A_394 masked %lt3A_386 {add = true} : memref<64x1024xi32, #tpu.memory_space<vmem>>[vector<16xi32>, vector<16xi32>], vector<16xi32>, vector<16xi1>
      %mul3A_395 = arith.constant 128 : i32
      %mul3A_396 = arith.muli %scan3A_361, %mul3A_395 : i32
      %add3A_397 = arith.constant 32 : i32
      %add3A_398 = arith.addi %mul3A_396, %add3A_397 : i32
      %get3A_399 = arith.index_cast %add3A_398 : i32 to index
      %get3A_400 = tpu.vector_load %arg7[%get3A_399] {strides = array<i32>} : memref<4096xi32, #tpu.memory_space<vmem>>, vector<16xi32>,
      %sub3A_401 = vector.broadcast %mul3A_3 : i32 to vector<16xi32>
      %sub3A_402 = arith.subi %get3A_400, %sub3A_401 : vector<16xi32>
      %lt3A_403 = arith.constant 65536 : i32
      %lt3A_404 = vector.broadcast %lt3A_403 : i32 to vector<16xi32>
      %lt3A_405 = arith.cmpi ult, %sub3A_402, %lt3A_404 : vector<16xi32>
      %shift_right_arithmetic3A_406 = arith.constant 10 : i32
      %shift_right_arithmetic3A_407 = vector.broadcast %shift_right_arithmetic3A_406 : i32 to vector<16xi32>
      %shift_right_arithmetic3A_408 = arith.shrsi %sub3A_402, %shift_right_arithmetic3A_407 : vector<16xi32>
      %and3A_409 = arith.constant 1023 : i32
      %and3A_410 = vector.broadcast %and3A_409 : i32 to vector<16xi32>
      %and3A_411 = arith.andi %sub3A_402, %and3A_410 : vector<16xi32>
      %get3A_412 = arith.index_cast %add3A_398 : i32 to index
      %get3A_413 = tpu.vector_load %arg9[%get3A_412] {strides = array<i32>} : memref<4096xi32, #tpu.memory_space<vmem>>, vector<16xi32>,
      tpu.vector_store_idx %arg5[%shift_right_arithmetic3A_408, %and3A_411], %get3A_413 masked %lt3A_405 {add = true} : memref<64x1024xi32, #tpu.memory_space<vmem>>[vector<16xi32>, vector<16xi32>], vector<16xi32>, vector<16xi1>
      %mul3A_414 = arith.constant 128 : i32
      %mul3A_415 = arith.muli %scan3A_361, %mul3A_414 : i32
      %add3A_416 = arith.constant 48 : i32
      %add3A_417 = arith.addi %mul3A_415, %add3A_416 : i32
      %get3A_418 = arith.index_cast %add3A_417 : i32 to index
      %get3A_419 = tpu.vector_load %arg7[%get3A_418] {strides = array<i32>} : memref<4096xi32, #tpu.memory_space<vmem>>, vector<16xi32>,
      %sub3A_420 = vector.broadcast %mul3A_3 : i32 to vector<16xi32>
      %sub3A_421 = arith.subi %get3A_419, %sub3A_420 : vector<16xi32>
      %lt3A_422 = arith.constant 65536 : i32
      %lt3A_423 = vector.broadcast %lt3A_422 : i32 to vector<16xi32>
      %lt3A_424 = arith.cmpi ult, %sub3A_421, %lt3A_423 : vector<16xi32>
      %shift_right_arithmetic3A_425 = arith.constant 10 : i32
      %shift_right_arithmetic3A_426 = vector.broadcast %shift_right_arithmetic3A_425 : i32 to vector<16xi32>
      %shift_right_arithmetic3A_427 = arith.shrsi %sub3A_421, %shift_right_arithmetic3A_426 : vector<16xi32>
      %and3A_428 = arith.constant 1023 : i32
      %and3A_429 = vector.broadcast %and3A_428 : i32 to vector<16xi32>
      %and3A_430 = arith.andi %sub3A_421, %and3A_429 : vector<16xi32>
      %get3A_431 = arith.index_cast %add3A_417 : i32 to index
      %get3A_432 = tpu.vector_load %arg9[%get3A_431] {strides = array<i32>} : memref<4096xi32, #tpu.memory_space<vmem>>, vector<16xi32>,
      tpu.vector_store_idx %arg5[%shift_right_arithmetic3A_427, %and3A_430], %get3A_432 masked %lt3A_424 {add = true} : memref<64x1024xi32, #tpu.memory_space<vmem>>[vector<16xi32>, vector<16xi32>], vector<16xi32>, vector<16xi1>
      %mul3A_433 = arith.constant 128 : i32
      %mul3A_434 = arith.muli %scan3A_361, %mul3A_433 : i32
      %add3A_435 = arith.constant 64 : i32
      %add3A_436 = arith.addi %mul3A_434, %add3A_435 : i32
      %get3A_437 = arith.index_cast %add3A_436 : i32 to index
      %get3A_438 = tpu.vector_load %arg7[%get3A_437] {strides = array<i32>} : memref<4096xi32, #tpu.memory_space<vmem>>, vector<16xi32>,
      %sub3A_439 = vector.broadcast %mul3A_3 : i32 to vector<16xi32>
      %sub3A_440 = arith.subi %get3A_438, %sub3A_439 : vector<16xi32>
      %lt3A_441 = arith.constant 65536 : i32
      %lt3A_442 = vector.broadcast %lt3A_441 : i32 to vector<16xi32>
      %lt3A_443 = arith.cmpi ult, %sub3A_440, %lt3A_442 : vector<16xi32>
      %shift_right_arithmetic3A_444 = arith.constant 10 : i32
      %shift_right_arithmetic3A_445 = vector.broadcast %shift_right_arithmetic3A_444 : i32 to vector<16xi32>
      %shift_right_arithmetic3A_446 = arith.shrsi %sub3A_440, %shift_right_arithmetic3A_445 : vector<16xi32>
      %and3A_447 = arith.constant 1023 : i32
      %and3A_448 = vector.broadcast %and3A_447 : i32 to vector<16xi32>
      %and3A_449 = arith.andi %sub3A_440, %and3A_448 : vector<16xi32>
      %get3A_450 = arith.index_cast %add3A_436 : i32 to index
      %get3A_451 = tpu.vector_load %arg9[%get3A_450] {strides = array<i32>} : memref<4096xi32, #tpu.memory_space<vmem>>, vector<16xi32>,
      tpu.vector_store_idx %arg5[%shift_right_arithmetic3A_446, %and3A_449], %get3A_451 masked %lt3A_443 {add = true} : memref<64x1024xi32, #tpu.memory_space<vmem>>[vector<16xi32>, vector<16xi32>], vector<16xi32>, vector<16xi1>
      %mul3A_452 = arith.constant 128 : i32
      %mul3A_453 = arith.muli %scan3A_361, %mul3A_452 : i32
      %add3A_454 = arith.constant 80 : i32
      %add3A_455 = arith.addi %mul3A_453, %add3A_454 : i32
      %get3A_456 = arith.index_cast %add3A_455 : i32 to index
      %get3A_457 = tpu.vector_load %arg7[%get3A_456] {strides = array<i32>} : memref<4096xi32, #tpu.memory_space<vmem>>, vector<16xi32>,
      %sub3A_458 = vector.broadcast %mul3A_3 : i32 to vector<16xi32>
      %sub3A_459 = arith.subi %get3A_457, %sub3A_458 : vector<16xi32>
      %lt3A_460 = arith.constant 65536 : i32
      %lt3A_461 = vector.broadcast %lt3A_460 : i32 to vector<16xi32>
      %lt3A_462 = arith.cmpi ult, %sub3A_459, %lt3A_461 : vector<16xi32>
      %shift_right_arithmetic3A_463 = arith.constant 10 : i32
      %shift_right_arithmetic3A_464 = vector.broadcast %shift_right_arithmetic3A_463 : i32 to vector<16xi32>
      %shift_right_arithmetic3A_465 = arith.shrsi %sub3A_459, %shift_right_arithmetic3A_464 : vector<16xi32>
      %and3A_466 = arith.constant 1023 : i32
      %and3A_467 = vector.broadcast %and3A_466 : i32 to vector<16xi32>
      %and3A_468 = arith.andi %sub3A_459, %and3A_467 : vector<16xi32>
      %get3A_469 = arith.index_cast %add3A_455 : i32 to index
      %get3A_470 = tpu.vector_load %arg9[%get3A_469] {strides = array<i32>} : memref<4096xi32, #tpu.memory_space<vmem>>, vector<16xi32>,
      tpu.vector_store_idx %arg5[%shift_right_arithmetic3A_465, %and3A_468], %get3A_470 masked %lt3A_462 {add = true} : memref<64x1024xi32, #tpu.memory_space<vmem>>[vector<16xi32>, vector<16xi32>], vector<16xi32>, vector<16xi1>
      %mul3A_471 = arith.constant 128 : i32
      %mul3A_472 = arith.muli %scan3A_361, %mul3A_471 : i32
      %add3A_473 = arith.constant 96 : i32
      %add3A_474 = arith.addi %mul3A_472, %add3A_473 : i32
      %get3A_475 = arith.index_cast %add3A_474 : i32 to index
      %get3A_476 = tpu.vector_load %arg7[%get3A_475] {strides = array<i32>} : memref<4096xi32, #tpu.memory_space<vmem>>, vector<16xi32>,
      %sub3A_477 = vector.broadcast %mul3A_3 : i32 to vector<16xi32>
      %sub3A_478 = arith.subi %get3A_476, %sub3A_477 : vector<16xi32>
      %lt3A_479 = arith.constant 65536 : i32
      %lt3A_480 = vector.broadcast %lt3A_479 : i32 to vector<16xi32>
      %lt3A_481 = arith.cmpi ult, %sub3A_478, %lt3A_480 : vector<16xi32>
      %shift_right_arithmetic3A_482 = arith.constant 10 : i32
      %shift_right_arithmetic3A_483 = vector.broadcast %shift_right_arithmetic3A_482 : i32 to vector<16xi32>
      %shift_right_arithmetic3A_484 = arith.shrsi %sub3A_478, %shift_right_arithmetic3A_483 : vector<16xi32>
      %and3A_485 = arith.constant 1023 : i32
      %and3A_486 = vector.broadcast %and3A_485 : i32 to vector<16xi32>
      %and3A_487 = arith.andi %sub3A_478, %and3A_486 : vector<16xi32>
      %get3A_488 = arith.index_cast %add3A_474 : i32 to index
      %get3A_489 = tpu.vector_load %arg9[%get3A_488] {strides = array<i32>} : memref<4096xi32, #tpu.memory_space<vmem>>, vector<16xi32>,
      tpu.vector_store_idx %arg5[%shift_right_arithmetic3A_484, %and3A_487], %get3A_489 masked %lt3A_481 {add = true} : memref<64x1024xi32, #tpu.memory_space<vmem>>[vector<16xi32>, vector<16xi32>], vector<16xi32>, vector<16xi1>
      %mul3A_490 = arith.constant 128 : i32
      %mul3A_491 = arith.muli %scan3A_361, %mul3A_490 : i32
      %add3A_492 = arith.constant 112 : i32
      %add3A_493 = arith.addi %mul3A_491, %add3A_492 : i32
      %get3A_494 = arith.index_cast %add3A_493 : i32 to index
      %get3A_495 = tpu.vector_load %arg7[%get3A_494] {strides = array<i32>} : memref<4096xi32, #tpu.memory_space<vmem>>, vector<16xi32>,
      %sub3A_496 = vector.broadcast %mul3A_3 : i32 to vector<16xi32>
      %sub3A_497 = arith.subi %get3A_495, %sub3A_496 : vector<16xi32>
      %lt3A_498 = arith.constant 65536 : i32
      %lt3A_499 = vector.broadcast %lt3A_498 : i32 to vector<16xi32>
      %lt3A_500 = arith.cmpi ult, %sub3A_497, %lt3A_499 : vector<16xi32>
      %shift_right_arithmetic3A_501 = arith.constant 10 : i32
      %shift_right_arithmetic3A_502 = vector.broadcast %shift_right_arithmetic3A_501 : i32 to vector<16xi32>
      %shift_right_arithmetic3A_503 = arith.shrsi %sub3A_497, %shift_right_arithmetic3A_502 : vector<16xi32>
      %and3A_504 = arith.constant 1023 : i32
      %and3A_505 = vector.broadcast %and3A_504 : i32 to vector<16xi32>
      %and3A_506 = arith.andi %sub3A_497, %and3A_505 : vector<16xi32>
      %get3A_507 = arith.index_cast %add3A_493 : i32 to index
      %get3A_508 = tpu.vector_load %arg9[%get3A_507] {strides = array<i32>} : memref<4096xi32, #tpu.memory_space<vmem>>, vector<16xi32>,
      tpu.vector_store_idx %arg5[%shift_right_arithmetic3A_503, %and3A_506], %get3A_508 masked %lt3A_500 {add = true} : memref<64x1024xi32, #tpu.memory_space<vmem>>[vector<16xi32>, vector<16xi32>], vector<16xi32>, vector<16xi1>
    }
    %scan3A_190 = arith.constant 32 : i32
    %dma_wait3A_191 = arith.constant 32768 : i32
    %dma_wait3A_192 = tpu.memref_slice %arg2[%dma_wait3A_191] : memref<65536xi32, #tpu.memory_space<hbm>> -> memref<4096xi32, #tpu.memory_space<hbm>>
    %dma_wait3A_193 = arith.constant 32768 : i32
    %dma_wait3A_194 = tpu.memref_slice %arg2[%dma_wait3A_193] : memref<65536xi32, #tpu.memory_space<hbm>> -> memref<4096xi32, #tpu.memory_space<hbm>>
    tpu.wait_dma2 semaphore(%arg10 : memref<!tpu.dma_semaphore, #tpu.memory_space<semaphore_mem>>) src(%dma_wait3A_194 : memref<4096xi32, #tpu.memory_space<hbm>>) dst(%arg6 : memref<4096xi32, #tpu.memory_space<vmem>>)
    %dma_wait3A_195 = arith.constant 32768 : i32
    %dma_wait3A_196 = tpu.memref_slice %arg3[%dma_wait3A_195] : memref<65536xi32, #tpu.memory_space<hbm>> -> memref<4096xi32, #tpu.memory_space<hbm>>
    %dma_wait3A_197 = arith.constant 32768 : i32
    %dma_wait3A_198 = tpu.memref_slice %arg3[%dma_wait3A_197] : memref<65536xi32, #tpu.memory_space<hbm>> -> memref<4096xi32, #tpu.memory_space<hbm>>
    tpu.wait_dma2 semaphore(%arg10 : memref<!tpu.dma_semaphore, #tpu.memory_space<semaphore_mem>>) src(%dma_wait3A_198 : memref<4096xi32, #tpu.memory_space<hbm>>) dst(%arg8 : memref<4096xi32, #tpu.memory_space<vmem>>)
    %dma_start3A_199 = arith.constant 36864 : i32
    %dma_start3A_200 = tpu.memref_slice %arg2[%dma_start3A_199] : memref<65536xi32, #tpu.memory_space<hbm>> -> memref<4096xi32, #tpu.memory_space<hbm>>
    %dma_start3A_201 = arith.constant 36864 : i32
    %dma_start3A_202 = tpu.memref_slice %arg2[%dma_start3A_201] : memref<65536xi32, #tpu.memory_space<hbm>> -> memref<4096xi32, #tpu.memory_space<hbm>>
    tpu.enqueue_dma source(%dma_start3A_202 : memref<4096xi32, #tpu.memory_space<hbm>>) target(%arg7 : memref<4096xi32, #tpu.memory_space<vmem>>) target_semaphore(%arg11 : memref<!tpu.dma_semaphore, #tpu.memory_space<semaphore_mem>>)
    %dma_start3A_203 = arith.constant 36864 : i32
    %dma_start3A_204 = tpu.memref_slice %arg3[%dma_start3A_203] : memref<65536xi32, #tpu.memory_space<hbm>> -> memref<4096xi32, #tpu.memory_space<hbm>>
    %dma_start3A_205 = arith.constant 36864 : i32
    %dma_start3A_206 = tpu.memref_slice %arg3[%dma_start3A_205] : memref<65536xi32, #tpu.memory_space<hbm>> -> memref<4096xi32, #tpu.memory_space<hbm>>
    tpu.enqueue_dma source(%dma_start3A_206 : memref<4096xi32, #tpu.memory_space<hbm>>) target(%arg9 : memref<4096xi32, #tpu.memory_space<vmem>>) target_semaphore(%arg11 : memref<!tpu.dma_semaphore, #tpu.memory_space<semaphore_mem>>)
    %scan3A_207 = arith.constant 0 : i32
    %scan3A_208 = arith.constant 0 : i32
    %scan3A_209 = arith.constant 32 : i32
    %scan3A_210 = arith.addi %scan3A_208, %scan3A_209 : i32
    %scan3A_211 = arith.constant 1 : i32
    scf.for %scan3A_361 = %scan3A_208 to %scan3A_210 step %scan3A_211  : i32 {
      %mul3A_362 = arith.constant 128 : i32
      %mul3A_363 = arith.muli %scan3A_361, %mul3A_362 : i32
      %add3A_364 = arith.constant 0 : i32
      %add3A_365 = arith.addi %mul3A_363, %add3A_364 : i32
      %get3A = arith.index_cast %add3A_365 : i32 to index
      %get3A_366 = tpu.vector_load %arg6[%get3A] {strides = array<i32>} : memref<4096xi32, #tpu.memory_space<vmem>>, vector<16xi32>,
      %sub3A = vector.broadcast %mul3A_3 : i32 to vector<16xi32>
      %sub3A_367 = arith.subi %get3A_366, %sub3A : vector<16xi32>
      %lt3A = arith.constant 65536 : i32
      %lt3A_368 = vector.broadcast %lt3A : i32 to vector<16xi32>
      %lt3A_369 = arith.cmpi ult, %sub3A_367, %lt3A_368 : vector<16xi32>
      %shift_right_arithmetic3A = arith.constant 10 : i32
      %shift_right_arithmetic3A_370 = vector.broadcast %shift_right_arithmetic3A : i32 to vector<16xi32>
      %shift_right_arithmetic3A_371 = arith.shrsi %sub3A_367, %shift_right_arithmetic3A_370 : vector<16xi32>
      %and3A = arith.constant 1023 : i32
      %and3A_372 = vector.broadcast %and3A : i32 to vector<16xi32>
      %and3A_373 = arith.andi %sub3A_367, %and3A_372 : vector<16xi32>
      %get3A_374 = arith.index_cast %add3A_365 : i32 to index
      %get3A_375 = tpu.vector_load %arg8[%get3A_374] {strides = array<i32>} : memref<4096xi32, #tpu.memory_space<vmem>>, vector<16xi32>,
      tpu.vector_store_idx %arg5[%shift_right_arithmetic3A_371, %and3A_373], %get3A_375 masked %lt3A_369 {add = true} : memref<64x1024xi32, #tpu.memory_space<vmem>>[vector<16xi32>, vector<16xi32>], vector<16xi32>, vector<16xi1>
      %mul3A_376 = arith.constant 128 : i32
      %mul3A_377 = arith.muli %scan3A_361, %mul3A_376 : i32
      %add3A_378 = arith.constant 16 : i32
      %add3A_379 = arith.addi %mul3A_377, %add3A_378 : i32
      %get3A_380 = arith.index_cast %add3A_379 : i32 to index
      %get3A_381 = tpu.vector_load %arg6[%get3A_380] {strides = array<i32>} : memref<4096xi32, #tpu.memory_space<vmem>>, vector<16xi32>,
      %sub3A_382 = vector.broadcast %mul3A_3 : i32 to vector<16xi32>
      %sub3A_383 = arith.subi %get3A_381, %sub3A_382 : vector<16xi32>
      %lt3A_384 = arith.constant 65536 : i32
      %lt3A_385 = vector.broadcast %lt3A_384 : i32 to vector<16xi32>
      %lt3A_386 = arith.cmpi ult, %sub3A_383, %lt3A_385 : vector<16xi32>
      %shift_right_arithmetic3A_387 = arith.constant 10 : i32
      %shift_right_arithmetic3A_388 = vector.broadcast %shift_right_arithmetic3A_387 : i32 to vector<16xi32>
      %shift_right_arithmetic3A_389 = arith.shrsi %sub3A_383, %shift_right_arithmetic3A_388 : vector<16xi32>
      %and3A_390 = arith.constant 1023 : i32
      %and3A_391 = vector.broadcast %and3A_390 : i32 to vector<16xi32>
      %and3A_392 = arith.andi %sub3A_383, %and3A_391 : vector<16xi32>
      %get3A_393 = arith.index_cast %add3A_379 : i32 to index
      %get3A_394 = tpu.vector_load %arg8[%get3A_393] {strides = array<i32>} : memref<4096xi32, #tpu.memory_space<vmem>>, vector<16xi32>,
      tpu.vector_store_idx %arg5[%shift_right_arithmetic3A_389, %and3A_392], %get3A_394 masked %lt3A_386 {add = true} : memref<64x1024xi32, #tpu.memory_space<vmem>>[vector<16xi32>, vector<16xi32>], vector<16xi32>, vector<16xi1>
      %mul3A_395 = arith.constant 128 : i32
      %mul3A_396 = arith.muli %scan3A_361, %mul3A_395 : i32
      %add3A_397 = arith.constant 32 : i32
      %add3A_398 = arith.addi %mul3A_396, %add3A_397 : i32
      %get3A_399 = arith.index_cast %add3A_398 : i32 to index
      %get3A_400 = tpu.vector_load %arg6[%get3A_399] {strides = array<i32>} : memref<4096xi32, #tpu.memory_space<vmem>>, vector<16xi32>,
      %sub3A_401 = vector.broadcast %mul3A_3 : i32 to vector<16xi32>
      %sub3A_402 = arith.subi %get3A_400, %sub3A_401 : vector<16xi32>
      %lt3A_403 = arith.constant 65536 : i32
      %lt3A_404 = vector.broadcast %lt3A_403 : i32 to vector<16xi32>
      %lt3A_405 = arith.cmpi ult, %sub3A_402, %lt3A_404 : vector<16xi32>
      %shift_right_arithmetic3A_406 = arith.constant 10 : i32
      %shift_right_arithmetic3A_407 = vector.broadcast %shift_right_arithmetic3A_406 : i32 to vector<16xi32>
      %shift_right_arithmetic3A_408 = arith.shrsi %sub3A_402, %shift_right_arithmetic3A_407 : vector<16xi32>
      %and3A_409 = arith.constant 1023 : i32
      %and3A_410 = vector.broadcast %and3A_409 : i32 to vector<16xi32>
      %and3A_411 = arith.andi %sub3A_402, %and3A_410 : vector<16xi32>
      %get3A_412 = arith.index_cast %add3A_398 : i32 to index
      %get3A_413 = tpu.vector_load %arg8[%get3A_412] {strides = array<i32>} : memref<4096xi32, #tpu.memory_space<vmem>>, vector<16xi32>,
      tpu.vector_store_idx %arg5[%shift_right_arithmetic3A_408, %and3A_411], %get3A_413 masked %lt3A_405 {add = true} : memref<64x1024xi32, #tpu.memory_space<vmem>>[vector<16xi32>, vector<16xi32>], vector<16xi32>, vector<16xi1>
      %mul3A_414 = arith.constant 128 : i32
      %mul3A_415 = arith.muli %scan3A_361, %mul3A_414 : i32
      %add3A_416 = arith.constant 48 : i32
      %add3A_417 = arith.addi %mul3A_415, %add3A_416 : i32
      %get3A_418 = arith.index_cast %add3A_417 : i32 to index
      %get3A_419 = tpu.vector_load %arg6[%get3A_418] {strides = array<i32>} : memref<4096xi32, #tpu.memory_space<vmem>>, vector<16xi32>,
      %sub3A_420 = vector.broadcast %mul3A_3 : i32 to vector<16xi32>
      %sub3A_421 = arith.subi %get3A_419, %sub3A_420 : vector<16xi32>
      %lt3A_422 = arith.constant 65536 : i32
      %lt3A_423 = vector.broadcast %lt3A_422 : i32 to vector<16xi32>
      %lt3A_424 = arith.cmpi ult, %sub3A_421, %lt3A_423 : vector<16xi32>
      %shift_right_arithmetic3A_425 = arith.constant 10 : i32
      %shift_right_arithmetic3A_426 = vector.broadcast %shift_right_arithmetic3A_425 : i32 to vector<16xi32>
      %shift_right_arithmetic3A_427 = arith.shrsi %sub3A_421, %shift_right_arithmetic3A_426 : vector<16xi32>
      %and3A_428 = arith.constant 1023 : i32
      %and3A_429 = vector.broadcast %and3A_428 : i32 to vector<16xi32>
      %and3A_430 = arith.andi %sub3A_421, %and3A_429 : vector<16xi32>
      %get3A_431 = arith.index_cast %add3A_417 : i32 to index
      %get3A_432 = tpu.vector_load %arg8[%get3A_431] {strides = array<i32>} : memref<4096xi32, #tpu.memory_space<vmem>>, vector<16xi32>,
      tpu.vector_store_idx %arg5[%shift_right_arithmetic3A_427, %and3A_430], %get3A_432 masked %lt3A_424 {add = true} : memref<64x1024xi32, #tpu.memory_space<vmem>>[vector<16xi32>, vector<16xi32>], vector<16xi32>, vector<16xi1>
      %mul3A_433 = arith.constant 128 : i32
      %mul3A_434 = arith.muli %scan3A_361, %mul3A_433 : i32
      %add3A_435 = arith.constant 64 : i32
      %add3A_436 = arith.addi %mul3A_434, %add3A_435 : i32
      %get3A_437 = arith.index_cast %add3A_436 : i32 to index
      %get3A_438 = tpu.vector_load %arg6[%get3A_437] {strides = array<i32>} : memref<4096xi32, #tpu.memory_space<vmem>>, vector<16xi32>,
      %sub3A_439 = vector.broadcast %mul3A_3 : i32 to vector<16xi32>
      %sub3A_440 = arith.subi %get3A_438, %sub3A_439 : vector<16xi32>
      %lt3A_441 = arith.constant 65536 : i32
      %lt3A_442 = vector.broadcast %lt3A_441 : i32 to vector<16xi32>
      %lt3A_443 = arith.cmpi ult, %sub3A_440, %lt3A_442 : vector<16xi32>
      %shift_right_arithmetic3A_444 = arith.constant 10 : i32
      %shift_right_arithmetic3A_445 = vector.broadcast %shift_right_arithmetic3A_444 : i32 to vector<16xi32>
      %shift_right_arithmetic3A_446 = arith.shrsi %sub3A_440, %shift_right_arithmetic3A_445 : vector<16xi32>
      %and3A_447 = arith.constant 1023 : i32
      %and3A_448 = vector.broadcast %and3A_447 : i32 to vector<16xi32>
      %and3A_449 = arith.andi %sub3A_440, %and3A_448 : vector<16xi32>
      %get3A_450 = arith.index_cast %add3A_436 : i32 to index
      %get3A_451 = tpu.vector_load %arg8[%get3A_450] {strides = array<i32>} : memref<4096xi32, #tpu.memory_space<vmem>>, vector<16xi32>,
      tpu.vector_store_idx %arg5[%shift_right_arithmetic3A_446, %and3A_449], %get3A_451 masked %lt3A_443 {add = true} : memref<64x1024xi32, #tpu.memory_space<vmem>>[vector<16xi32>, vector<16xi32>], vector<16xi32>, vector<16xi1>
      %mul3A_452 = arith.constant 128 : i32
      %mul3A_453 = arith.muli %scan3A_361, %mul3A_452 : i32
      %add3A_454 = arith.constant 80 : i32
      %add3A_455 = arith.addi %mul3A_453, %add3A_454 : i32
      %get3A_456 = arith.index_cast %add3A_455 : i32 to index
      %get3A_457 = tpu.vector_load %arg6[%get3A_456] {strides = array<i32>} : memref<4096xi32, #tpu.memory_space<vmem>>, vector<16xi32>,
      %sub3A_458 = vector.broadcast %mul3A_3 : i32 to vector<16xi32>
      %sub3A_459 = arith.subi %get3A_457, %sub3A_458 : vector<16xi32>
      %lt3A_460 = arith.constant 65536 : i32
      %lt3A_461 = vector.broadcast %lt3A_460 : i32 to vector<16xi32>
      %lt3A_462 = arith.cmpi ult, %sub3A_459, %lt3A_461 : vector<16xi32>
      %shift_right_arithmetic3A_463 = arith.constant 10 : i32
      %shift_right_arithmetic3A_464 = vector.broadcast %shift_right_arithmetic3A_463 : i32 to vector<16xi32>
      %shift_right_arithmetic3A_465 = arith.shrsi %sub3A_459, %shift_right_arithmetic3A_464 : vector<16xi32>
      %and3A_466 = arith.constant 1023 : i32
      %and3A_467 = vector.broadcast %and3A_466 : i32 to vector<16xi32>
      %and3A_468 = arith.andi %sub3A_459, %and3A_467 : vector<16xi32>
      %get3A_469 = arith.index_cast %add3A_455 : i32 to index
      %get3A_470 = tpu.vector_load %arg8[%get3A_469] {strides = array<i32>} : memref<4096xi32, #tpu.memory_space<vmem>>, vector<16xi32>,
      tpu.vector_store_idx %arg5[%shift_right_arithmetic3A_465, %and3A_468], %get3A_470 masked %lt3A_462 {add = true} : memref<64x1024xi32, #tpu.memory_space<vmem>>[vector<16xi32>, vector<16xi32>], vector<16xi32>, vector<16xi1>
      %mul3A_471 = arith.constant 128 : i32
      %mul3A_472 = arith.muli %scan3A_361, %mul3A_471 : i32
      %add3A_473 = arith.constant 96 : i32
      %add3A_474 = arith.addi %mul3A_472, %add3A_473 : i32
      %get3A_475 = arith.index_cast %add3A_474 : i32 to index
      %get3A_476 = tpu.vector_load %arg6[%get3A_475] {strides = array<i32>} : memref<4096xi32, #tpu.memory_space<vmem>>, vector<16xi32>,
      %sub3A_477 = vector.broadcast %mul3A_3 : i32 to vector<16xi32>
      %sub3A_478 = arith.subi %get3A_476, %sub3A_477 : vector<16xi32>
      %lt3A_479 = arith.constant 65536 : i32
      %lt3A_480 = vector.broadcast %lt3A_479 : i32 to vector<16xi32>
      %lt3A_481 = arith.cmpi ult, %sub3A_478, %lt3A_480 : vector<16xi32>
      %shift_right_arithmetic3A_482 = arith.constant 10 : i32
      %shift_right_arithmetic3A_483 = vector.broadcast %shift_right_arithmetic3A_482 : i32 to vector<16xi32>
      %shift_right_arithmetic3A_484 = arith.shrsi %sub3A_478, %shift_right_arithmetic3A_483 : vector<16xi32>
      %and3A_485 = arith.constant 1023 : i32
      %and3A_486 = vector.broadcast %and3A_485 : i32 to vector<16xi32>
      %and3A_487 = arith.andi %sub3A_478, %and3A_486 : vector<16xi32>
      %get3A_488 = arith.index_cast %add3A_474 : i32 to index
      %get3A_489 = tpu.vector_load %arg8[%get3A_488] {strides = array<i32>} : memref<4096xi32, #tpu.memory_space<vmem>>, vector<16xi32>,
      tpu.vector_store_idx %arg5[%shift_right_arithmetic3A_484, %and3A_487], %get3A_489 masked %lt3A_481 {add = true} : memref<64x1024xi32, #tpu.memory_space<vmem>>[vector<16xi32>, vector<16xi32>], vector<16xi32>, vector<16xi1>
      %mul3A_490 = arith.constant 128 : i32
      %mul3A_491 = arith.muli %scan3A_361, %mul3A_490 : i32
      %add3A_492 = arith.constant 112 : i32
      %add3A_493 = arith.addi %mul3A_491, %add3A_492 : i32
      %get3A_494 = arith.index_cast %add3A_493 : i32 to index
      %get3A_495 = tpu.vector_load %arg6[%get3A_494] {strides = array<i32>} : memref<4096xi32, #tpu.memory_space<vmem>>, vector<16xi32>,
      %sub3A_496 = vector.broadcast %mul3A_3 : i32 to vector<16xi32>
      %sub3A_497 = arith.subi %get3A_495, %sub3A_496 : vector<16xi32>
      %lt3A_498 = arith.constant 65536 : i32
      %lt3A_499 = vector.broadcast %lt3A_498 : i32 to vector<16xi32>
      %lt3A_500 = arith.cmpi ult, %sub3A_497, %lt3A_499 : vector<16xi32>
      %shift_right_arithmetic3A_501 = arith.constant 10 : i32
      %shift_right_arithmetic3A_502 = vector.broadcast %shift_right_arithmetic3A_501 : i32 to vector<16xi32>
      %shift_right_arithmetic3A_503 = arith.shrsi %sub3A_497, %shift_right_arithmetic3A_502 : vector<16xi32>
      %and3A_504 = arith.constant 1023 : i32
      %and3A_505 = vector.broadcast %and3A_504 : i32 to vector<16xi32>
      %and3A_506 = arith.andi %sub3A_497, %and3A_505 : vector<16xi32>
      %get3A_507 = arith.index_cast %add3A_493 : i32 to index
      %get3A_508 = tpu.vector_load %arg8[%get3A_507] {strides = array<i32>} : memref<4096xi32, #tpu.memory_space<vmem>>, vector<16xi32>,
      tpu.vector_store_idx %arg5[%shift_right_arithmetic3A_503, %and3A_506], %get3A_508 masked %lt3A_500 {add = true} : memref<64x1024xi32, #tpu.memory_space<vmem>>[vector<16xi32>, vector<16xi32>], vector<16xi32>, vector<16xi1>
    }
    %scan3A_212 = arith.constant 32 : i32
    %dma_wait3A_213 = arith.constant 36864 : i32
    %dma_wait3A_214 = tpu.memref_slice %arg2[%dma_wait3A_213] : memref<65536xi32, #tpu.memory_space<hbm>> -> memref<4096xi32, #tpu.memory_space<hbm>>
    %dma_wait3A_215 = arith.constant 36864 : i32
    %dma_wait3A_216 = tpu.memref_slice %arg2[%dma_wait3A_215] : memref<65536xi32, #tpu.memory_space<hbm>> -> memref<4096xi32, #tpu.memory_space<hbm>>
    tpu.wait_dma2 semaphore(%arg11 : memref<!tpu.dma_semaphore, #tpu.memory_space<semaphore_mem>>) src(%dma_wait3A_216 : memref<4096xi32, #tpu.memory_space<hbm>>) dst(%arg7 : memref<4096xi32, #tpu.memory_space<vmem>>)
    %dma_wait3A_217 = arith.constant 36864 : i32
    %dma_wait3A_218 = tpu.memref_slice %arg3[%dma_wait3A_217] : memref<65536xi32, #tpu.memory_space<hbm>> -> memref<4096xi32, #tpu.memory_space<hbm>>
    %dma_wait3A_219 = arith.constant 36864 : i32
    %dma_wait3A_220 = tpu.memref_slice %arg3[%dma_wait3A_219] : memref<65536xi32, #tpu.memory_space<hbm>> -> memref<4096xi32, #tpu.memory_space<hbm>>
    tpu.wait_dma2 semaphore(%arg11 : memref<!tpu.dma_semaphore, #tpu.memory_space<semaphore_mem>>) src(%dma_wait3A_220 : memref<4096xi32, #tpu.memory_space<hbm>>) dst(%arg9 : memref<4096xi32, #tpu.memory_space<vmem>>)
    %dma_start3A_221 = arith.constant 40960 : i32
    %dma_start3A_222 = tpu.memref_slice %arg2[%dma_start3A_221] : memref<65536xi32, #tpu.memory_space<hbm>> -> memref<4096xi32, #tpu.memory_space<hbm>>
    %dma_start3A_223 = arith.constant 40960 : i32
    %dma_start3A_224 = tpu.memref_slice %arg2[%dma_start3A_223] : memref<65536xi32, #tpu.memory_space<hbm>> -> memref<4096xi32, #tpu.memory_space<hbm>>
    tpu.enqueue_dma source(%dma_start3A_224 : memref<4096xi32, #tpu.memory_space<hbm>>) target(%arg6 : memref<4096xi32, #tpu.memory_space<vmem>>) target_semaphore(%arg10 : memref<!tpu.dma_semaphore, #tpu.memory_space<semaphore_mem>>)
    %dma_start3A_225 = arith.constant 40960 : i32
    %dma_start3A_226 = tpu.memref_slice %arg3[%dma_start3A_225] : memref<65536xi32, #tpu.memory_space<hbm>> -> memref<4096xi32, #tpu.memory_space<hbm>>
    %dma_start3A_227 = arith.constant 40960 : i32
    %dma_start3A_228 = tpu.memref_slice %arg3[%dma_start3A_227] : memref<65536xi32, #tpu.memory_space<hbm>> -> memref<4096xi32, #tpu.memory_space<hbm>>
    tpu.enqueue_dma source(%dma_start3A_228 : memref<4096xi32, #tpu.memory_space<hbm>>) target(%arg8 : memref<4096xi32, #tpu.memory_space<vmem>>) target_semaphore(%arg10 : memref<!tpu.dma_semaphore, #tpu.memory_space<semaphore_mem>>)
    %scan3A_229 = arith.constant 0 : i32
    %scan3A_230 = arith.constant 0 : i32
    %scan3A_231 = arith.constant 32 : i32
    %scan3A_232 = arith.addi %scan3A_230, %scan3A_231 : i32
    %scan3A_233 = arith.constant 1 : i32
    scf.for %scan3A_361 = %scan3A_230 to %scan3A_232 step %scan3A_233  : i32 {
      %mul3A_362 = arith.constant 128 : i32
      %mul3A_363 = arith.muli %scan3A_361, %mul3A_362 : i32
      %add3A_364 = arith.constant 0 : i32
      %add3A_365 = arith.addi %mul3A_363, %add3A_364 : i32
      %get3A = arith.index_cast %add3A_365 : i32 to index
      %get3A_366 = tpu.vector_load %arg7[%get3A] {strides = array<i32>} : memref<4096xi32, #tpu.memory_space<vmem>>, vector<16xi32>,
      %sub3A = vector.broadcast %mul3A_3 : i32 to vector<16xi32>
      %sub3A_367 = arith.subi %get3A_366, %sub3A : vector<16xi32>
      %lt3A = arith.constant 65536 : i32
      %lt3A_368 = vector.broadcast %lt3A : i32 to vector<16xi32>
      %lt3A_369 = arith.cmpi ult, %sub3A_367, %lt3A_368 : vector<16xi32>
      %shift_right_arithmetic3A = arith.constant 10 : i32
      %shift_right_arithmetic3A_370 = vector.broadcast %shift_right_arithmetic3A : i32 to vector<16xi32>
      %shift_right_arithmetic3A_371 = arith.shrsi %sub3A_367, %shift_right_arithmetic3A_370 : vector<16xi32>
      %and3A = arith.constant 1023 : i32
      %and3A_372 = vector.broadcast %and3A : i32 to vector<16xi32>
      %and3A_373 = arith.andi %sub3A_367, %and3A_372 : vector<16xi32>
      %get3A_374 = arith.index_cast %add3A_365 : i32 to index
      %get3A_375 = tpu.vector_load %arg9[%get3A_374] {strides = array<i32>} : memref<4096xi32, #tpu.memory_space<vmem>>, vector<16xi32>,
      tpu.vector_store_idx %arg5[%shift_right_arithmetic3A_371, %and3A_373], %get3A_375 masked %lt3A_369 {add = true} : memref<64x1024xi32, #tpu.memory_space<vmem>>[vector<16xi32>, vector<16xi32>], vector<16xi32>, vector<16xi1>
      %mul3A_376 = arith.constant 128 : i32
      %mul3A_377 = arith.muli %scan3A_361, %mul3A_376 : i32
      %add3A_378 = arith.constant 16 : i32
      %add3A_379 = arith.addi %mul3A_377, %add3A_378 : i32
      %get3A_380 = arith.index_cast %add3A_379 : i32 to index
      %get3A_381 = tpu.vector_load %arg7[%get3A_380] {strides = array<i32>} : memref<4096xi32, #tpu.memory_space<vmem>>, vector<16xi32>,
      %sub3A_382 = vector.broadcast %mul3A_3 : i32 to vector<16xi32>
      %sub3A_383 = arith.subi %get3A_381, %sub3A_382 : vector<16xi32>
      %lt3A_384 = arith.constant 65536 : i32
      %lt3A_385 = vector.broadcast %lt3A_384 : i32 to vector<16xi32>
      %lt3A_386 = arith.cmpi ult, %sub3A_383, %lt3A_385 : vector<16xi32>
      %shift_right_arithmetic3A_387 = arith.constant 10 : i32
      %shift_right_arithmetic3A_388 = vector.broadcast %shift_right_arithmetic3A_387 : i32 to vector<16xi32>
      %shift_right_arithmetic3A_389 = arith.shrsi %sub3A_383, %shift_right_arithmetic3A_388 : vector<16xi32>
      %and3A_390 = arith.constant 1023 : i32
      %and3A_391 = vector.broadcast %and3A_390 : i32 to vector<16xi32>
      %and3A_392 = arith.andi %sub3A_383, %and3A_391 : vector<16xi32>
      %get3A_393 = arith.index_cast %add3A_379 : i32 to index
      %get3A_394 = tpu.vector_load %arg9[%get3A_393] {strides = array<i32>} : memref<4096xi32, #tpu.memory_space<vmem>>, vector<16xi32>,
      tpu.vector_store_idx %arg5[%shift_right_arithmetic3A_389, %and3A_392], %get3A_394 masked %lt3A_386 {add = true} : memref<64x1024xi32, #tpu.memory_space<vmem>>[vector<16xi32>, vector<16xi32>], vector<16xi32>, vector<16xi1>
      %mul3A_395 = arith.constant 128 : i32
      %mul3A_396 = arith.muli %scan3A_361, %mul3A_395 : i32
      %add3A_397 = arith.constant 32 : i32
      %add3A_398 = arith.addi %mul3A_396, %add3A_397 : i32
      %get3A_399 = arith.index_cast %add3A_398 : i32 to index
      %get3A_400 = tpu.vector_load %arg7[%get3A_399] {strides = array<i32>} : memref<4096xi32, #tpu.memory_space<vmem>>, vector<16xi32>,
      %sub3A_401 = vector.broadcast %mul3A_3 : i32 to vector<16xi32>
      %sub3A_402 = arith.subi %get3A_400, %sub3A_401 : vector<16xi32>
      %lt3A_403 = arith.constant 65536 : i32
      %lt3A_404 = vector.broadcast %lt3A_403 : i32 to vector<16xi32>
      %lt3A_405 = arith.cmpi ult, %sub3A_402, %lt3A_404 : vector<16xi32>
      %shift_right_arithmetic3A_406 = arith.constant 10 : i32
      %shift_right_arithmetic3A_407 = vector.broadcast %shift_right_arithmetic3A_406 : i32 to vector<16xi32>
      %shift_right_arithmetic3A_408 = arith.shrsi %sub3A_402, %shift_right_arithmetic3A_407 : vector<16xi32>
      %and3A_409 = arith.constant 1023 : i32
      %and3A_410 = vector.broadcast %and3A_409 : i32 to vector<16xi32>
      %and3A_411 = arith.andi %sub3A_402, %and3A_410 : vector<16xi32>
      %get3A_412 = arith.index_cast %add3A_398 : i32 to index
      %get3A_413 = tpu.vector_load %arg9[%get3A_412] {strides = array<i32>} : memref<4096xi32, #tpu.memory_space<vmem>>, vector<16xi32>,
      tpu.vector_store_idx %arg5[%shift_right_arithmetic3A_408, %and3A_411], %get3A_413 masked %lt3A_405 {add = true} : memref<64x1024xi32, #tpu.memory_space<vmem>>[vector<16xi32>, vector<16xi32>], vector<16xi32>, vector<16xi1>
      %mul3A_414 = arith.constant 128 : i32
      %mul3A_415 = arith.muli %scan3A_361, %mul3A_414 : i32
      %add3A_416 = arith.constant 48 : i32
      %add3A_417 = arith.addi %mul3A_415, %add3A_416 : i32
      %get3A_418 = arith.index_cast %add3A_417 : i32 to index
      %get3A_419 = tpu.vector_load %arg7[%get3A_418] {strides = array<i32>} : memref<4096xi32, #tpu.memory_space<vmem>>, vector<16xi32>,
      %sub3A_420 = vector.broadcast %mul3A_3 : i32 to vector<16xi32>
      %sub3A_421 = arith.subi %get3A_419, %sub3A_420 : vector<16xi32>
      %lt3A_422 = arith.constant 65536 : i32
      %lt3A_423 = vector.broadcast %lt3A_422 : i32 to vector<16xi32>
      %lt3A_424 = arith.cmpi ult, %sub3A_421, %lt3A_423 : vector<16xi32>
      %shift_right_arithmetic3A_425 = arith.constant 10 : i32
      %shift_right_arithmetic3A_426 = vector.broadcast %shift_right_arithmetic3A_425 : i32 to vector<16xi32>
      %shift_right_arithmetic3A_427 = arith.shrsi %sub3A_421, %shift_right_arithmetic3A_426 : vector<16xi32>
      %and3A_428 = arith.constant 1023 : i32
      %and3A_429 = vector.broadcast %and3A_428 : i32 to vector<16xi32>
      %and3A_430 = arith.andi %sub3A_421, %and3A_429 : vector<16xi32>
      %get3A_431 = arith.index_cast %add3A_417 : i32 to index
      %get3A_432 = tpu.vector_load %arg9[%get3A_431] {strides = array<i32>} : memref<4096xi32, #tpu.memory_space<vmem>>, vector<16xi32>,
      tpu.vector_store_idx %arg5[%shift_right_arithmetic3A_427, %and3A_430], %get3A_432 masked %lt3A_424 {add = true} : memref<64x1024xi32, #tpu.memory_space<vmem>>[vector<16xi32>, vector<16xi32>], vector<16xi32>, vector<16xi1>
      %mul3A_433 = arith.constant 128 : i32
      %mul3A_434 = arith.muli %scan3A_361, %mul3A_433 : i32
      %add3A_435 = arith.constant 64 : i32
      %add3A_436 = arith.addi %mul3A_434, %add3A_435 : i32
      %get3A_437 = arith.index_cast %add3A_436 : i32 to index
      %get3A_438 = tpu.vector_load %arg7[%get3A_437] {strides = array<i32>} : memref<4096xi32, #tpu.memory_space<vmem>>, vector<16xi32>,
      %sub3A_439 = vector.broadcast %mul3A_3 : i32 to vector<16xi32>
      %sub3A_440 = arith.subi %get3A_438, %sub3A_439 : vector<16xi32>
      %lt3A_441 = arith.constant 65536 : i32
      %lt3A_442 = vector.broadcast %lt3A_441 : i32 to vector<16xi32>
      %lt3A_443 = arith.cmpi ult, %sub3A_440, %lt3A_442 : vector<16xi32>
      %shift_right_arithmetic3A_444 = arith.constant 10 : i32
      %shift_right_arithmetic3A_445 = vector.broadcast %shift_right_arithmetic3A_444 : i32 to vector<16xi32>
      %shift_right_arithmetic3A_446 = arith.shrsi %sub3A_440, %shift_right_arithmetic3A_445 : vector<16xi32>
      %and3A_447 = arith.constant 1023 : i32
      %and3A_448 = vector.broadcast %and3A_447 : i32 to vector<16xi32>
      %and3A_449 = arith.andi %sub3A_440, %and3A_448 : vector<16xi32>
      %get3A_450 = arith.index_cast %add3A_436 : i32 to index
      %get3A_451 = tpu.vector_load %arg9[%get3A_450] {strides = array<i32>} : memref<4096xi32, #tpu.memory_space<vmem>>, vector<16xi32>,
      tpu.vector_store_idx %arg5[%shift_right_arithmetic3A_446, %and3A_449], %get3A_451 masked %lt3A_443 {add = true} : memref<64x1024xi32, #tpu.memory_space<vmem>>[vector<16xi32>, vector<16xi32>], vector<16xi32>, vector<16xi1>
      %mul3A_452 = arith.constant 128 : i32
      %mul3A_453 = arith.muli %scan3A_361, %mul3A_452 : i32
      %add3A_454 = arith.constant 80 : i32
      %add3A_455 = arith.addi %mul3A_453, %add3A_454 : i32
      %get3A_456 = arith.index_cast %add3A_455 : i32 to index
      %get3A_457 = tpu.vector_load %arg7[%get3A_456] {strides = array<i32>} : memref<4096xi32, #tpu.memory_space<vmem>>, vector<16xi32>,
      %sub3A_458 = vector.broadcast %mul3A_3 : i32 to vector<16xi32>
      %sub3A_459 = arith.subi %get3A_457, %sub3A_458 : vector<16xi32>
      %lt3A_460 = arith.constant 65536 : i32
      %lt3A_461 = vector.broadcast %lt3A_460 : i32 to vector<16xi32>
      %lt3A_462 = arith.cmpi ult, %sub3A_459, %lt3A_461 : vector<16xi32>
      %shift_right_arithmetic3A_463 = arith.constant 10 : i32
      %shift_right_arithmetic3A_464 = vector.broadcast %shift_right_arithmetic3A_463 : i32 to vector<16xi32>
      %shift_right_arithmetic3A_465 = arith.shrsi %sub3A_459, %shift_right_arithmetic3A_464 : vector<16xi32>
      %and3A_466 = arith.constant 1023 : i32
      %and3A_467 = vector.broadcast %and3A_466 : i32 to vector<16xi32>
      %and3A_468 = arith.andi %sub3A_459, %and3A_467 : vector<16xi32>
      %get3A_469 = arith.index_cast %add3A_455 : i32 to index
      %get3A_470 = tpu.vector_load %arg9[%get3A_469] {strides = array<i32>} : memref<4096xi32, #tpu.memory_space<vmem>>, vector<16xi32>,
      tpu.vector_store_idx %arg5[%shift_right_arithmetic3A_465, %and3A_468], %get3A_470 masked %lt3A_462 {add = true} : memref<64x1024xi32, #tpu.memory_space<vmem>>[vector<16xi32>, vector<16xi32>], vector<16xi32>, vector<16xi1>
      %mul3A_471 = arith.constant 128 : i32
      %mul3A_472 = arith.muli %scan3A_361, %mul3A_471 : i32
      %add3A_473 = arith.constant 96 : i32
      %add3A_474 = arith.addi %mul3A_472, %add3A_473 : i32
      %get3A_475 = arith.index_cast %add3A_474 : i32 to index
      %get3A_476 = tpu.vector_load %arg7[%get3A_475] {strides = array<i32>} : memref<4096xi32, #tpu.memory_space<vmem>>, vector<16xi32>,
      %sub3A_477 = vector.broadcast %mul3A_3 : i32 to vector<16xi32>
      %sub3A_478 = arith.subi %get3A_476, %sub3A_477 : vector<16xi32>
      %lt3A_479 = arith.constant 65536 : i32
      %lt3A_480 = vector.broadcast %lt3A_479 : i32 to vector<16xi32>
      %lt3A_481 = arith.cmpi ult, %sub3A_478, %lt3A_480 : vector<16xi32>
      %shift_right_arithmetic3A_482 = arith.constant 10 : i32
      %shift_right_arithmetic3A_483 = vector.broadcast %shift_right_arithmetic3A_482 : i32 to vector<16xi32>
      %shift_right_arithmetic3A_484 = arith.shrsi %sub3A_478, %shift_right_arithmetic3A_483 : vector<16xi32>
      %and3A_485 = arith.constant 1023 : i32
      %and3A_486 = vector.broadcast %and3A_485 : i32 to vector<16xi32>
      %and3A_487 = arith.andi %sub3A_478, %and3A_486 : vector<16xi32>
      %get3A_488 = arith.index_cast %add3A_474 : i32 to index
      %get3A_489 = tpu.vector_load %arg9[%get3A_488] {strides = array<i32>} : memref<4096xi32, #tpu.memory_space<vmem>>, vector<16xi32>,
      tpu.vector_store_idx %arg5[%shift_right_arithmetic3A_484, %and3A_487], %get3A_489 masked %lt3A_481 {add = true} : memref<64x1024xi32, #tpu.memory_space<vmem>>[vector<16xi32>, vector<16xi32>], vector<16xi32>, vector<16xi1>
      %mul3A_490 = arith.constant 128 : i32
      %mul3A_491 = arith.muli %scan3A_361, %mul3A_490 : i32
      %add3A_492 = arith.constant 112 : i32
      %add3A_493 = arith.addi %mul3A_491, %add3A_492 : i32
      %get3A_494 = arith.index_cast %add3A_493 : i32 to index
      %get3A_495 = tpu.vector_load %arg7[%get3A_494] {strides = array<i32>} : memref<4096xi32, #tpu.memory_space<vmem>>, vector<16xi32>,
      %sub3A_496 = vector.broadcast %mul3A_3 : i32 to vector<16xi32>
      %sub3A_497 = arith.subi %get3A_495, %sub3A_496 : vector<16xi32>
      %lt3A_498 = arith.constant 65536 : i32
      %lt3A_499 = vector.broadcast %lt3A_498 : i32 to vector<16xi32>
      %lt3A_500 = arith.cmpi ult, %sub3A_497, %lt3A_499 : vector<16xi32>
      %shift_right_arithmetic3A_501 = arith.constant 10 : i32
      %shift_right_arithmetic3A_502 = vector.broadcast %shift_right_arithmetic3A_501 : i32 to vector<16xi32>
      %shift_right_arithmetic3A_503 = arith.shrsi %sub3A_497, %shift_right_arithmetic3A_502 : vector<16xi32>
      %and3A_504 = arith.constant 1023 : i32
      %and3A_505 = vector.broadcast %and3A_504 : i32 to vector<16xi32>
      %and3A_506 = arith.andi %sub3A_497, %and3A_505 : vector<16xi32>
      %get3A_507 = arith.index_cast %add3A_493 : i32 to index
      %get3A_508 = tpu.vector_load %arg9[%get3A_507] {strides = array<i32>} : memref<4096xi32, #tpu.memory_space<vmem>>, vector<16xi32>,
      tpu.vector_store_idx %arg5[%shift_right_arithmetic3A_503, %and3A_506], %get3A_508 masked %lt3A_500 {add = true} : memref<64x1024xi32, #tpu.memory_space<vmem>>[vector<16xi32>, vector<16xi32>], vector<16xi32>, vector<16xi1>
    }
    %scan3A_234 = arith.constant 32 : i32
    %dma_wait3A_235 = arith.constant 40960 : i32
    %dma_wait3A_236 = tpu.memref_slice %arg2[%dma_wait3A_235] : memref<65536xi32, #tpu.memory_space<hbm>> -> memref<4096xi32, #tpu.memory_space<hbm>>
    %dma_wait3A_237 = arith.constant 40960 : i32
    %dma_wait3A_238 = tpu.memref_slice %arg2[%dma_wait3A_237] : memref<65536xi32, #tpu.memory_space<hbm>> -> memref<4096xi32, #tpu.memory_space<hbm>>
    tpu.wait_dma2 semaphore(%arg10 : memref<!tpu.dma_semaphore, #tpu.memory_space<semaphore_mem>>) src(%dma_wait3A_238 : memref<4096xi32, #tpu.memory_space<hbm>>) dst(%arg6 : memref<4096xi32, #tpu.memory_space<vmem>>)
    %dma_wait3A_239 = arith.constant 40960 : i32
    %dma_wait3A_240 = tpu.memref_slice %arg3[%dma_wait3A_239] : memref<65536xi32, #tpu.memory_space<hbm>> -> memref<4096xi32, #tpu.memory_space<hbm>>
    %dma_wait3A_241 = arith.constant 40960 : i32
    %dma_wait3A_242 = tpu.memref_slice %arg3[%dma_wait3A_241] : memref<65536xi32, #tpu.memory_space<hbm>> -> memref<4096xi32, #tpu.memory_space<hbm>>
    tpu.wait_dma2 semaphore(%arg10 : memref<!tpu.dma_semaphore, #tpu.memory_space<semaphore_mem>>) src(%dma_wait3A_242 : memref<4096xi32, #tpu.memory_space<hbm>>) dst(%arg8 : memref<4096xi32, #tpu.memory_space<vmem>>)
    %dma_start3A_243 = arith.constant 45056 : i32
    %dma_start3A_244 = tpu.memref_slice %arg2[%dma_start3A_243] : memref<65536xi32, #tpu.memory_space<hbm>> -> memref<4096xi32, #tpu.memory_space<hbm>>
    %dma_start3A_245 = arith.constant 45056 : i32
    %dma_start3A_246 = tpu.memref_slice %arg2[%dma_start3A_245] : memref<65536xi32, #tpu.memory_space<hbm>> -> memref<4096xi32, #tpu.memory_space<hbm>>
    tpu.enqueue_dma source(%dma_start3A_246 : memref<4096xi32, #tpu.memory_space<hbm>>) target(%arg7 : memref<4096xi32, #tpu.memory_space<vmem>>) target_semaphore(%arg11 : memref<!tpu.dma_semaphore, #tpu.memory_space<semaphore_mem>>)
    %dma_start3A_247 = arith.constant 45056 : i32
    %dma_start3A_248 = tpu.memref_slice %arg3[%dma_start3A_247] : memref<65536xi32, #tpu.memory_space<hbm>> -> memref<4096xi32, #tpu.memory_space<hbm>>
    %dma_start3A_249 = arith.constant 45056 : i32
    %dma_start3A_250 = tpu.memref_slice %arg3[%dma_start3A_249] : memref<65536xi32, #tpu.memory_space<hbm>> -> memref<4096xi32, #tpu.memory_space<hbm>>
    tpu.enqueue_dma source(%dma_start3A_250 : memref<4096xi32, #tpu.memory_space<hbm>>) target(%arg9 : memref<4096xi32, #tpu.memory_space<vmem>>) target_semaphore(%arg11 : memref<!tpu.dma_semaphore, #tpu.memory_space<semaphore_mem>>)
    %scan3A_251 = arith.constant 0 : i32
    %scan3A_252 = arith.constant 0 : i32
    %scan3A_253 = arith.constant 32 : i32
    %scan3A_254 = arith.addi %scan3A_252, %scan3A_253 : i32
    %scan3A_255 = arith.constant 1 : i32
    scf.for %scan3A_361 = %scan3A_252 to %scan3A_254 step %scan3A_255  : i32 {
      %mul3A_362 = arith.constant 128 : i32
      %mul3A_363 = arith.muli %scan3A_361, %mul3A_362 : i32
      %add3A_364 = arith.constant 0 : i32
      %add3A_365 = arith.addi %mul3A_363, %add3A_364 : i32
      %get3A = arith.index_cast %add3A_365 : i32 to index
      %get3A_366 = tpu.vector_load %arg6[%get3A] {strides = array<i32>} : memref<4096xi32, #tpu.memory_space<vmem>>, vector<16xi32>,
      %sub3A = vector.broadcast %mul3A_3 : i32 to vector<16xi32>
      %sub3A_367 = arith.subi %get3A_366, %sub3A : vector<16xi32>
      %lt3A = arith.constant 65536 : i32
      %lt3A_368 = vector.broadcast %lt3A : i32 to vector<16xi32>
      %lt3A_369 = arith.cmpi ult, %sub3A_367, %lt3A_368 : vector<16xi32>
      %shift_right_arithmetic3A = arith.constant 10 : i32
      %shift_right_arithmetic3A_370 = vector.broadcast %shift_right_arithmetic3A : i32 to vector<16xi32>
      %shift_right_arithmetic3A_371 = arith.shrsi %sub3A_367, %shift_right_arithmetic3A_370 : vector<16xi32>
      %and3A = arith.constant 1023 : i32
      %and3A_372 = vector.broadcast %and3A : i32 to vector<16xi32>
      %and3A_373 = arith.andi %sub3A_367, %and3A_372 : vector<16xi32>
      %get3A_374 = arith.index_cast %add3A_365 : i32 to index
      %get3A_375 = tpu.vector_load %arg8[%get3A_374] {strides = array<i32>} : memref<4096xi32, #tpu.memory_space<vmem>>, vector<16xi32>,
      tpu.vector_store_idx %arg5[%shift_right_arithmetic3A_371, %and3A_373], %get3A_375 masked %lt3A_369 {add = true} : memref<64x1024xi32, #tpu.memory_space<vmem>>[vector<16xi32>, vector<16xi32>], vector<16xi32>, vector<16xi1>
      %mul3A_376 = arith.constant 128 : i32
      %mul3A_377 = arith.muli %scan3A_361, %mul3A_376 : i32
      %add3A_378 = arith.constant 16 : i32
      %add3A_379 = arith.addi %mul3A_377, %add3A_378 : i32
      %get3A_380 = arith.index_cast %add3A_379 : i32 to index
      %get3A_381 = tpu.vector_load %arg6[%get3A_380] {strides = array<i32>} : memref<4096xi32, #tpu.memory_space<vmem>>, vector<16xi32>,
      %sub3A_382 = vector.broadcast %mul3A_3 : i32 to vector<16xi32>
      %sub3A_383 = arith.subi %get3A_381, %sub3A_382 : vector<16xi32>
      %lt3A_384 = arith.constant 65536 : i32
      %lt3A_385 = vector.broadcast %lt3A_384 : i32 to vector<16xi32>
      %lt3A_386 = arith.cmpi ult, %sub3A_383, %lt3A_385 : vector<16xi32>
      %shift_right_arithmetic3A_387 = arith.constant 10 : i32
      %shift_right_arithmetic3A_388 = vector.broadcast %shift_right_arithmetic3A_387 : i32 to vector<16xi32>
      %shift_right_arithmetic3A_389 = arith.shrsi %sub3A_383, %shift_right_arithmetic3A_388 : vector<16xi32>
      %and3A_390 = arith.constant 1023 : i32
      %and3A_391 = vector.broadcast %and3A_390 : i32 to vector<16xi32>
      %and3A_392 = arith.andi %sub3A_383, %and3A_391 : vector<16xi32>
      %get3A_393 = arith.index_cast %add3A_379 : i32 to index
      %get3A_394 = tpu.vector_load %arg8[%get3A_393] {strides = array<i32>} : memref<4096xi32, #tpu.memory_space<vmem>>, vector<16xi32>,
      tpu.vector_store_idx %arg5[%shift_right_arithmetic3A_389, %and3A_392], %get3A_394 masked %lt3A_386 {add = true} : memref<64x1024xi32, #tpu.memory_space<vmem>>[vector<16xi32>, vector<16xi32>], vector<16xi32>, vector<16xi1>
      %mul3A_395 = arith.constant 128 : i32
      %mul3A_396 = arith.muli %scan3A_361, %mul3A_395 : i32
      %add3A_397 = arith.constant 32 : i32
      %add3A_398 = arith.addi %mul3A_396, %add3A_397 : i32
      %get3A_399 = arith.index_cast %add3A_398 : i32 to index
      %get3A_400 = tpu.vector_load %arg6[%get3A_399] {strides = array<i32>} : memref<4096xi32, #tpu.memory_space<vmem>>, vector<16xi32>,
      %sub3A_401 = vector.broadcast %mul3A_3 : i32 to vector<16xi32>
      %sub3A_402 = arith.subi %get3A_400, %sub3A_401 : vector<16xi32>
      %lt3A_403 = arith.constant 65536 : i32
      %lt3A_404 = vector.broadcast %lt3A_403 : i32 to vector<16xi32>
      %lt3A_405 = arith.cmpi ult, %sub3A_402, %lt3A_404 : vector<16xi32>
      %shift_right_arithmetic3A_406 = arith.constant 10 : i32
      %shift_right_arithmetic3A_407 = vector.broadcast %shift_right_arithmetic3A_406 : i32 to vector<16xi32>
      %shift_right_arithmetic3A_408 = arith.shrsi %sub3A_402, %shift_right_arithmetic3A_407 : vector<16xi32>
      %and3A_409 = arith.constant 1023 : i32
      %and3A_410 = vector.broadcast %and3A_409 : i32 to vector<16xi32>
      %and3A_411 = arith.andi %sub3A_402, %and3A_410 : vector<16xi32>
      %get3A_412 = arith.index_cast %add3A_398 : i32 to index
      %get3A_413 = tpu.vector_load %arg8[%get3A_412] {strides = array<i32>} : memref<4096xi32, #tpu.memory_space<vmem>>, vector<16xi32>,
      tpu.vector_store_idx %arg5[%shift_right_arithmetic3A_408, %and3A_411], %get3A_413 masked %lt3A_405 {add = true} : memref<64x1024xi32, #tpu.memory_space<vmem>>[vector<16xi32>, vector<16xi32>], vector<16xi32>, vector<16xi1>
      %mul3A_414 = arith.constant 128 : i32
      %mul3A_415 = arith.muli %scan3A_361, %mul3A_414 : i32
      %add3A_416 = arith.constant 48 : i32
      %add3A_417 = arith.addi %mul3A_415, %add3A_416 : i32
      %get3A_418 = arith.index_cast %add3A_417 : i32 to index
      %get3A_419 = tpu.vector_load %arg6[%get3A_418] {strides = array<i32>} : memref<4096xi32, #tpu.memory_space<vmem>>, vector<16xi32>,
      %sub3A_420 = vector.broadcast %mul3A_3 : i32 to vector<16xi32>
      %sub3A_421 = arith.subi %get3A_419, %sub3A_420 : vector<16xi32>
      %lt3A_422 = arith.constant 65536 : i32
      %lt3A_423 = vector.broadcast %lt3A_422 : i32 to vector<16xi32>
      %lt3A_424 = arith.cmpi ult, %sub3A_421, %lt3A_423 : vector<16xi32>
      %shift_right_arithmetic3A_425 = arith.constant 10 : i32
      %shift_right_arithmetic3A_426 = vector.broadcast %shift_right_arithmetic3A_425 : i32 to vector<16xi32>
      %shift_right_arithmetic3A_427 = arith.shrsi %sub3A_421, %shift_right_arithmetic3A_426 : vector<16xi32>
      %and3A_428 = arith.constant 1023 : i32
      %and3A_429 = vector.broadcast %and3A_428 : i32 to vector<16xi32>
      %and3A_430 = arith.andi %sub3A_421, %and3A_429 : vector<16xi32>
      %get3A_431 = arith.index_cast %add3A_417 : i32 to index
      %get3A_432 = tpu.vector_load %arg8[%get3A_431] {strides = array<i32>} : memref<4096xi32, #tpu.memory_space<vmem>>, vector<16xi32>,
      tpu.vector_store_idx %arg5[%shift_right_arithmetic3A_427, %and3A_430], %get3A_432 masked %lt3A_424 {add = true} : memref<64x1024xi32, #tpu.memory_space<vmem>>[vector<16xi32>, vector<16xi32>], vector<16xi32>, vector<16xi1>
      %mul3A_433 = arith.constant 128 : i32
      %mul3A_434 = arith.muli %scan3A_361, %mul3A_433 : i32
      %add3A_435 = arith.constant 64 : i32
      %add3A_436 = arith.addi %mul3A_434, %add3A_435 : i32
      %get3A_437 = arith.index_cast %add3A_436 : i32 to index
      %get3A_438 = tpu.vector_load %arg6[%get3A_437] {strides = array<i32>} : memref<4096xi32, #tpu.memory_space<vmem>>, vector<16xi32>,
      %sub3A_439 = vector.broadcast %mul3A_3 : i32 to vector<16xi32>
      %sub3A_440 = arith.subi %get3A_438, %sub3A_439 : vector<16xi32>
      %lt3A_441 = arith.constant 65536 : i32
      %lt3A_442 = vector.broadcast %lt3A_441 : i32 to vector<16xi32>
      %lt3A_443 = arith.cmpi ult, %sub3A_440, %lt3A_442 : vector<16xi32>
      %shift_right_arithmetic3A_444 = arith.constant 10 : i32
      %shift_right_arithmetic3A_445 = vector.broadcast %shift_right_arithmetic3A_444 : i32 to vector<16xi32>
      %shift_right_arithmetic3A_446 = arith.shrsi %sub3A_440, %shift_right_arithmetic3A_445 : vector<16xi32>
      %and3A_447 = arith.constant 1023 : i32
      %and3A_448 = vector.broadcast %and3A_447 : i32 to vector<16xi32>
      %and3A_449 = arith.andi %sub3A_440, %and3A_448 : vector<16xi32>
      %get3A_450 = arith.index_cast %add3A_436 : i32 to index
      %get3A_451 = tpu.vector_load %arg8[%get3A_450] {strides = array<i32>} : memref<4096xi32, #tpu.memory_space<vmem>>, vector<16xi32>,
      tpu.vector_store_idx %arg5[%shift_right_arithmetic3A_446, %and3A_449], %get3A_451 masked %lt3A_443 {add = true} : memref<64x1024xi32, #tpu.memory_space<vmem>>[vector<16xi32>, vector<16xi32>], vector<16xi32>, vector<16xi1>
      %mul3A_452 = arith.constant 128 : i32
      %mul3A_453 = arith.muli %scan3A_361, %mul3A_452 : i32
      %add3A_454 = arith.constant 80 : i32
      %add3A_455 = arith.addi %mul3A_453, %add3A_454 : i32
      %get3A_456 = arith.index_cast %add3A_455 : i32 to index
      %get3A_457 = tpu.vector_load %arg6[%get3A_456] {strides = array<i32>} : memref<4096xi32, #tpu.memory_space<vmem>>, vector<16xi32>,
      %sub3A_458 = vector.broadcast %mul3A_3 : i32 to vector<16xi32>
      %sub3A_459 = arith.subi %get3A_457, %sub3A_458 : vector<16xi32>
      %lt3A_460 = arith.constant 65536 : i32
      %lt3A_461 = vector.broadcast %lt3A_460 : i32 to vector<16xi32>
      %lt3A_462 = arith.cmpi ult, %sub3A_459, %lt3A_461 : vector<16xi32>
      %shift_right_arithmetic3A_463 = arith.constant 10 : i32
      %shift_right_arithmetic3A_464 = vector.broadcast %shift_right_arithmetic3A_463 : i32 to vector<16xi32>
      %shift_right_arithmetic3A_465 = arith.shrsi %sub3A_459, %shift_right_arithmetic3A_464 : vector<16xi32>
      %and3A_466 = arith.constant 1023 : i32
      %and3A_467 = vector.broadcast %and3A_466 : i32 to vector<16xi32>
      %and3A_468 = arith.andi %sub3A_459, %and3A_467 : vector<16xi32>
      %get3A_469 = arith.index_cast %add3A_455 : i32 to index
      %get3A_470 = tpu.vector_load %arg8[%get3A_469] {strides = array<i32>} : memref<4096xi32, #tpu.memory_space<vmem>>, vector<16xi32>,
      tpu.vector_store_idx %arg5[%shift_right_arithmetic3A_465, %and3A_468], %get3A_470 masked %lt3A_462 {add = true} : memref<64x1024xi32, #tpu.memory_space<vmem>>[vector<16xi32>, vector<16xi32>], vector<16xi32>, vector<16xi1>
      %mul3A_471 = arith.constant 128 : i32
      %mul3A_472 = arith.muli %scan3A_361, %mul3A_471 : i32
      %add3A_473 = arith.constant 96 : i32
      %add3A_474 = arith.addi %mul3A_472, %add3A_473 : i32
      %get3A_475 = arith.index_cast %add3A_474 : i32 to index
      %get3A_476 = tpu.vector_load %arg6[%get3A_475] {strides = array<i32>} : memref<4096xi32, #tpu.memory_space<vmem>>, vector<16xi32>,
      %sub3A_477 = vector.broadcast %mul3A_3 : i32 to vector<16xi32>
      %sub3A_478 = arith.subi %get3A_476, %sub3A_477 : vector<16xi32>
      %lt3A_479 = arith.constant 65536 : i32
      %lt3A_480 = vector.broadcast %lt3A_479 : i32 to vector<16xi32>
      %lt3A_481 = arith.cmpi ult, %sub3A_478, %lt3A_480 : vector<16xi32>
      %shift_right_arithmetic3A_482 = arith.constant 10 : i32
      %shift_right_arithmetic3A_483 = vector.broadcast %shift_right_arithmetic3A_482 : i32 to vector<16xi32>
      %shift_right_arithmetic3A_484 = arith.shrsi %sub3A_478, %shift_right_arithmetic3A_483 : vector<16xi32>
      %and3A_485 = arith.constant 1023 : i32
      %and3A_486 = vector.broadcast %and3A_485 : i32 to vector<16xi32>
      %and3A_487 = arith.andi %sub3A_478, %and3A_486 : vector<16xi32>
      %get3A_488 = arith.index_cast %add3A_474 : i32 to index
      %get3A_489 = tpu.vector_load %arg8[%get3A_488] {strides = array<i32>} : memref<4096xi32, #tpu.memory_space<vmem>>, vector<16xi32>,
      tpu.vector_store_idx %arg5[%shift_right_arithmetic3A_484, %and3A_487], %get3A_489 masked %lt3A_481 {add = true} : memref<64x1024xi32, #tpu.memory_space<vmem>>[vector<16xi32>, vector<16xi32>], vector<16xi32>, vector<16xi1>
      %mul3A_490 = arith.constant 128 : i32
      %mul3A_491 = arith.muli %scan3A_361, %mul3A_490 : i32
      %add3A_492 = arith.constant 112 : i32
      %add3A_493 = arith.addi %mul3A_491, %add3A_492 : i32
      %get3A_494 = arith.index_cast %add3A_493 : i32 to index
      %get3A_495 = tpu.vector_load %arg6[%get3A_494] {strides = array<i32>} : memref<4096xi32, #tpu.memory_space<vmem>>, vector<16xi32>,
      %sub3A_496 = vector.broadcast %mul3A_3 : i32 to vector<16xi32>
      %sub3A_497 = arith.subi %get3A_495, %sub3A_496 : vector<16xi32>
      %lt3A_498 = arith.constant 65536 : i32
      %lt3A_499 = vector.broadcast %lt3A_498 : i32 to vector<16xi32>
      %lt3A_500 = arith.cmpi ult, %sub3A_497, %lt3A_499 : vector<16xi32>
      %shift_right_arithmetic3A_501 = arith.constant 10 : i32
      %shift_right_arithmetic3A_502 = vector.broadcast %shift_right_arithmetic3A_501 : i32 to vector<16xi32>
      %shift_right_arithmetic3A_503 = arith.shrsi %sub3A_497, %shift_right_arithmetic3A_502 : vector<16xi32>
      %and3A_504 = arith.constant 1023 : i32
      %and3A_505 = vector.broadcast %and3A_504 : i32 to vector<16xi32>
      %and3A_506 = arith.andi %sub3A_497, %and3A_505 : vector<16xi32>
      %get3A_507 = arith.index_cast %add3A_493 : i32 to index
      %get3A_508 = tpu.vector_load %arg8[%get3A_507] {strides = array<i32>} : memref<4096xi32, #tpu.memory_space<vmem>>, vector<16xi32>,
      tpu.vector_store_idx %arg5[%shift_right_arithmetic3A_503, %and3A_506], %get3A_508 masked %lt3A_500 {add = true} : memref<64x1024xi32, #tpu.memory_space<vmem>>[vector<16xi32>, vector<16xi32>], vector<16xi32>, vector<16xi1>
    }
    %scan3A_256 = arith.constant 32 : i32
    %dma_wait3A_257 = arith.constant 45056 : i32
    %dma_wait3A_258 = tpu.memref_slice %arg2[%dma_wait3A_257] : memref<65536xi32, #tpu.memory_space<hbm>> -> memref<4096xi32, #tpu.memory_space<hbm>>
    %dma_wait3A_259 = arith.constant 45056 : i32
    %dma_wait3A_260 = tpu.memref_slice %arg2[%dma_wait3A_259] : memref<65536xi32, #tpu.memory_space<hbm>> -> memref<4096xi32, #tpu.memory_space<hbm>>
    tpu.wait_dma2 semaphore(%arg11 : memref<!tpu.dma_semaphore, #tpu.memory_space<semaphore_mem>>) src(%dma_wait3A_260 : memref<4096xi32, #tpu.memory_space<hbm>>) dst(%arg7 : memref<4096xi32, #tpu.memory_space<vmem>>)
    %dma_wait3A_261 = arith.constant 45056 : i32
    %dma_wait3A_262 = tpu.memref_slice %arg3[%dma_wait3A_261] : memref<65536xi32, #tpu.memory_space<hbm>> -> memref<4096xi32, #tpu.memory_space<hbm>>
    %dma_wait3A_263 = arith.constant 45056 : i32
    %dma_wait3A_264 = tpu.memref_slice %arg3[%dma_wait3A_263] : memref<65536xi32, #tpu.memory_space<hbm>> -> memref<4096xi32, #tpu.memory_space<hbm>>
    tpu.wait_dma2 semaphore(%arg11 : memref<!tpu.dma_semaphore, #tpu.memory_space<semaphore_mem>>) src(%dma_wait3A_264 : memref<4096xi32, #tpu.memory_space<hbm>>) dst(%arg9 : memref<4096xi32, #tpu.memory_space<vmem>>)
    %dma_start3A_265 = arith.constant 49152 : i32
    %dma_start3A_266 = tpu.memref_slice %arg2[%dma_start3A_265] : memref<65536xi32, #tpu.memory_space<hbm>> -> memref<4096xi32, #tpu.memory_space<hbm>>
    %dma_start3A_267 = arith.constant 49152 : i32
    %dma_start3A_268 = tpu.memref_slice %arg2[%dma_start3A_267] : memref<65536xi32, #tpu.memory_space<hbm>> -> memref<4096xi32, #tpu.memory_space<hbm>>
    tpu.enqueue_dma source(%dma_start3A_268 : memref<4096xi32, #tpu.memory_space<hbm>>) target(%arg6 : memref<4096xi32, #tpu.memory_space<vmem>>) target_semaphore(%arg10 : memref<!tpu.dma_semaphore, #tpu.memory_space<semaphore_mem>>)
    %dma_start3A_269 = arith.constant 49152 : i32
    %dma_start3A_270 = tpu.memref_slice %arg3[%dma_start3A_269] : memref<65536xi32, #tpu.memory_space<hbm>> -> memref<4096xi32, #tpu.memory_space<hbm>>
    %dma_start3A_271 = arith.constant 49152 : i32
    %dma_start3A_272 = tpu.memref_slice %arg3[%dma_start3A_271] : memref<65536xi32, #tpu.memory_space<hbm>> -> memref<4096xi32, #tpu.memory_space<hbm>>
    tpu.enqueue_dma source(%dma_start3A_272 : memref<4096xi32, #tpu.memory_space<hbm>>) target(%arg8 : memref<4096xi32, #tpu.memory_space<vmem>>) target_semaphore(%arg10 : memref<!tpu.dma_semaphore, #tpu.memory_space<semaphore_mem>>)
    %scan3A_273 = arith.constant 0 : i32
    %scan3A_274 = arith.constant 0 : i32
    %scan3A_275 = arith.constant 32 : i32
    %scan3A_276 = arith.addi %scan3A_274, %scan3A_275 : i32
    %scan3A_277 = arith.constant 1 : i32
    scf.for %scan3A_361 = %scan3A_274 to %scan3A_276 step %scan3A_277  : i32 {
      %mul3A_362 = arith.constant 128 : i32
      %mul3A_363 = arith.muli %scan3A_361, %mul3A_362 : i32
      %add3A_364 = arith.constant 0 : i32
      %add3A_365 = arith.addi %mul3A_363, %add3A_364 : i32
      %get3A = arith.index_cast %add3A_365 : i32 to index
      %get3A_366 = tpu.vector_load %arg7[%get3A] {strides = array<i32>} : memref<4096xi32, #tpu.memory_space<vmem>>, vector<16xi32>,
      %sub3A = vector.broadcast %mul3A_3 : i32 to vector<16xi32>
      %sub3A_367 = arith.subi %get3A_366, %sub3A : vector<16xi32>
      %lt3A = arith.constant 65536 : i32
      %lt3A_368 = vector.broadcast %lt3A : i32 to vector<16xi32>
      %lt3A_369 = arith.cmpi ult, %sub3A_367, %lt3A_368 : vector<16xi32>
      %shift_right_arithmetic3A = arith.constant 10 : i32
      %shift_right_arithmetic3A_370 = vector.broadcast %shift_right_arithmetic3A : i32 to vector<16xi32>
      %shift_right_arithmetic3A_371 = arith.shrsi %sub3A_367, %shift_right_arithmetic3A_370 : vector<16xi32>
      %and3A = arith.constant 1023 : i32
      %and3A_372 = vector.broadcast %and3A : i32 to vector<16xi32>
      %and3A_373 = arith.andi %sub3A_367, %and3A_372 : vector<16xi32>
      %get3A_374 = arith.index_cast %add3A_365 : i32 to index
      %get3A_375 = tpu.vector_load %arg9[%get3A_374] {strides = array<i32>} : memref<4096xi32, #tpu.memory_space<vmem>>, vector<16xi32>,
      tpu.vector_store_idx %arg5[%shift_right_arithmetic3A_371, %and3A_373], %get3A_375 masked %lt3A_369 {add = true} : memref<64x1024xi32, #tpu.memory_space<vmem>>[vector<16xi32>, vector<16xi32>], vector<16xi32>, vector<16xi1>
      %mul3A_376 = arith.constant 128 : i32
      %mul3A_377 = arith.muli %scan3A_361, %mul3A_376 : i32
      %add3A_378 = arith.constant 16 : i32
      %add3A_379 = arith.addi %mul3A_377, %add3A_378 : i32
      %get3A_380 = arith.index_cast %add3A_379 : i32 to index
      %get3A_381 = tpu.vector_load %arg7[%get3A_380] {strides = array<i32>} : memref<4096xi32, #tpu.memory_space<vmem>>, vector<16xi32>,
      %sub3A_382 = vector.broadcast %mul3A_3 : i32 to vector<16xi32>
      %sub3A_383 = arith.subi %get3A_381, %sub3A_382 : vector<16xi32>
      %lt3A_384 = arith.constant 65536 : i32
      %lt3A_385 = vector.broadcast %lt3A_384 : i32 to vector<16xi32>
      %lt3A_386 = arith.cmpi ult, %sub3A_383, %lt3A_385 : vector<16xi32>
      %shift_right_arithmetic3A_387 = arith.constant 10 : i32
      %shift_right_arithmetic3A_388 = vector.broadcast %shift_right_arithmetic3A_387 : i32 to vector<16xi32>
      %shift_right_arithmetic3A_389 = arith.shrsi %sub3A_383, %shift_right_arithmetic3A_388 : vector<16xi32>
      %and3A_390 = arith.constant 1023 : i32
      %and3A_391 = vector.broadcast %and3A_390 : i32 to vector<16xi32>
      %and3A_392 = arith.andi %sub3A_383, %and3A_391 : vector<16xi32>
      %get3A_393 = arith.index_cast %add3A_379 : i32 to index
      %get3A_394 = tpu.vector_load %arg9[%get3A_393] {strides = array<i32>} : memref<4096xi32, #tpu.memory_space<vmem>>, vector<16xi32>,
      tpu.vector_store_idx %arg5[%shift_right_arithmetic3A_389, %and3A_392], %get3A_394 masked %lt3A_386 {add = true} : memref<64x1024xi32, #tpu.memory_space<vmem>>[vector<16xi32>, vector<16xi32>], vector<16xi32>, vector<16xi1>
      %mul3A_395 = arith.constant 128 : i32
      %mul3A_396 = arith.muli %scan3A_361, %mul3A_395 : i32
      %add3A_397 = arith.constant 32 : i32
      %add3A_398 = arith.addi %mul3A_396, %add3A_397 : i32
      %get3A_399 = arith.index_cast %add3A_398 : i32 to index
      %get3A_400 = tpu.vector_load %arg7[%get3A_399] {strides = array<i32>} : memref<4096xi32, #tpu.memory_space<vmem>>, vector<16xi32>,
      %sub3A_401 = vector.broadcast %mul3A_3 : i32 to vector<16xi32>
      %sub3A_402 = arith.subi %get3A_400, %sub3A_401 : vector<16xi32>
      %lt3A_403 = arith.constant 65536 : i32
      %lt3A_404 = vector.broadcast %lt3A_403 : i32 to vector<16xi32>
      %lt3A_405 = arith.cmpi ult, %sub3A_402, %lt3A_404 : vector<16xi32>
      %shift_right_arithmetic3A_406 = arith.constant 10 : i32
      %shift_right_arithmetic3A_407 = vector.broadcast %shift_right_arithmetic3A_406 : i32 to vector<16xi32>
      %shift_right_arithmetic3A_408 = arith.shrsi %sub3A_402, %shift_right_arithmetic3A_407 : vector<16xi32>
      %and3A_409 = arith.constant 1023 : i32
      %and3A_410 = vector.broadcast %and3A_409 : i32 to vector<16xi32>
      %and3A_411 = arith.andi %sub3A_402, %and3A_410 : vector<16xi32>
      %get3A_412 = arith.index_cast %add3A_398 : i32 to index
      %get3A_413 = tpu.vector_load %arg9[%get3A_412] {strides = array<i32>} : memref<4096xi32, #tpu.memory_space<vmem>>, vector<16xi32>,
      tpu.vector_store_idx %arg5[%shift_right_arithmetic3A_408, %and3A_411], %get3A_413 masked %lt3A_405 {add = true} : memref<64x1024xi32, #tpu.memory_space<vmem>>[vector<16xi32>, vector<16xi32>], vector<16xi32>, vector<16xi1>
      %mul3A_414 = arith.constant 128 : i32
      %mul3A_415 = arith.muli %scan3A_361, %mul3A_414 : i32
      %add3A_416 = arith.constant 48 : i32
      %add3A_417 = arith.addi %mul3A_415, %add3A_416 : i32
      %get3A_418 = arith.index_cast %add3A_417 : i32 to index
      %get3A_419 = tpu.vector_load %arg7[%get3A_418] {strides = array<i32>} : memref<4096xi32, #tpu.memory_space<vmem>>, vector<16xi32>,
      %sub3A_420 = vector.broadcast %mul3A_3 : i32 to vector<16xi32>
      %sub3A_421 = arith.subi %get3A_419, %sub3A_420 : vector<16xi32>
      %lt3A_422 = arith.constant 65536 : i32
      %lt3A_423 = vector.broadcast %lt3A_422 : i32 to vector<16xi32>
      %lt3A_424 = arith.cmpi ult, %sub3A_421, %lt3A_423 : vector<16xi32>
      %shift_right_arithmetic3A_425 = arith.constant 10 : i32
      %shift_right_arithmetic3A_426 = vector.broadcast %shift_right_arithmetic3A_425 : i32 to vector<16xi32>
      %shift_right_arithmetic3A_427 = arith.shrsi %sub3A_421, %shift_right_arithmetic3A_426 : vector<16xi32>
      %and3A_428 = arith.constant 1023 : i32
      %and3A_429 = vector.broadcast %and3A_428 : i32 to vector<16xi32>
      %and3A_430 = arith.andi %sub3A_421, %and3A_429 : vector<16xi32>
      %get3A_431 = arith.index_cast %add3A_417 : i32 to index
      %get3A_432 = tpu.vector_load %arg9[%get3A_431] {strides = array<i32>} : memref<4096xi32, #tpu.memory_space<vmem>>, vector<16xi32>,
      tpu.vector_store_idx %arg5[%shift_right_arithmetic3A_427, %and3A_430], %get3A_432 masked %lt3A_424 {add = true} : memref<64x1024xi32, #tpu.memory_space<vmem>>[vector<16xi32>, vector<16xi32>], vector<16xi32>, vector<16xi1>
      %mul3A_433 = arith.constant 128 : i32
      %mul3A_434 = arith.muli %scan3A_361, %mul3A_433 : i32
      %add3A_435 = arith.constant 64 : i32
      %add3A_436 = arith.addi %mul3A_434, %add3A_435 : i32
      %get3A_437 = arith.index_cast %add3A_436 : i32 to index
      %get3A_438 = tpu.vector_load %arg7[%get3A_437] {strides = array<i32>} : memref<4096xi32, #tpu.memory_space<vmem>>, vector<16xi32>,
      %sub3A_439 = vector.broadcast %mul3A_3 : i32 to vector<16xi32>
      %sub3A_440 = arith.subi %get3A_438, %sub3A_439 : vector<16xi32>
      %lt3A_441 = arith.constant 65536 : i32
      %lt3A_442 = vector.broadcast %lt3A_441 : i32 to vector<16xi32>
      %lt3A_443 = arith.cmpi ult, %sub3A_440, %lt3A_442 : vector<16xi32>
      %shift_right_arithmetic3A_444 = arith.constant 10 : i32
      %shift_right_arithmetic3A_445 = vector.broadcast %shift_right_arithmetic3A_444 : i32 to vector<16xi32>
      %shift_right_arithmetic3A_446 = arith.shrsi %sub3A_440, %shift_right_arithmetic3A_445 : vector<16xi32>
      %and3A_447 = arith.constant 1023 : i32
      %and3A_448 = vector.broadcast %and3A_447 : i32 to vector<16xi32>
      %and3A_449 = arith.andi %sub3A_440, %and3A_448 : vector<16xi32>
      %get3A_450 = arith.index_cast %add3A_436 : i32 to index
      %get3A_451 = tpu.vector_load %arg9[%get3A_450] {strides = array<i32>} : memref<4096xi32, #tpu.memory_space<vmem>>, vector<16xi32>,
      tpu.vector_store_idx %arg5[%shift_right_arithmetic3A_446, %and3A_449], %get3A_451 masked %lt3A_443 {add = true} : memref<64x1024xi32, #tpu.memory_space<vmem>>[vector<16xi32>, vector<16xi32>], vector<16xi32>, vector<16xi1>
      %mul3A_452 = arith.constant 128 : i32
      %mul3A_453 = arith.muli %scan3A_361, %mul3A_452 : i32
      %add3A_454 = arith.constant 80 : i32
      %add3A_455 = arith.addi %mul3A_453, %add3A_454 : i32
      %get3A_456 = arith.index_cast %add3A_455 : i32 to index
      %get3A_457 = tpu.vector_load %arg7[%get3A_456] {strides = array<i32>} : memref<4096xi32, #tpu.memory_space<vmem>>, vector<16xi32>,
      %sub3A_458 = vector.broadcast %mul3A_3 : i32 to vector<16xi32>
      %sub3A_459 = arith.subi %get3A_457, %sub3A_458 : vector<16xi32>
      %lt3A_460 = arith.constant 65536 : i32
      %lt3A_461 = vector.broadcast %lt3A_460 : i32 to vector<16xi32>
      %lt3A_462 = arith.cmpi ult, %sub3A_459, %lt3A_461 : vector<16xi32>
      %shift_right_arithmetic3A_463 = arith.constant 10 : i32
      %shift_right_arithmetic3A_464 = vector.broadcast %shift_right_arithmetic3A_463 : i32 to vector<16xi32>
      %shift_right_arithmetic3A_465 = arith.shrsi %sub3A_459, %shift_right_arithmetic3A_464 : vector<16xi32>
      %and3A_466 = arith.constant 1023 : i32
      %and3A_467 = vector.broadcast %and3A_466 : i32 to vector<16xi32>
      %and3A_468 = arith.andi %sub3A_459, %and3A_467 : vector<16xi32>
      %get3A_469 = arith.index_cast %add3A_455 : i32 to index
      %get3A_470 = tpu.vector_load %arg9[%get3A_469] {strides = array<i32>} : memref<4096xi32, #tpu.memory_space<vmem>>, vector<16xi32>,
      tpu.vector_store_idx %arg5[%shift_right_arithmetic3A_465, %and3A_468], %get3A_470 masked %lt3A_462 {add = true} : memref<64x1024xi32, #tpu.memory_space<vmem>>[vector<16xi32>, vector<16xi32>], vector<16xi32>, vector<16xi1>
      %mul3A_471 = arith.constant 128 : i32
      %mul3A_472 = arith.muli %scan3A_361, %mul3A_471 : i32
      %add3A_473 = arith.constant 96 : i32
      %add3A_474 = arith.addi %mul3A_472, %add3A_473 : i32
      %get3A_475 = arith.index_cast %add3A_474 : i32 to index
      %get3A_476 = tpu.vector_load %arg7[%get3A_475] {strides = array<i32>} : memref<4096xi32, #tpu.memory_space<vmem>>, vector<16xi32>,
      %sub3A_477 = vector.broadcast %mul3A_3 : i32 to vector<16xi32>
      %sub3A_478 = arith.subi %get3A_476, %sub3A_477 : vector<16xi32>
      %lt3A_479 = arith.constant 65536 : i32
      %lt3A_480 = vector.broadcast %lt3A_479 : i32 to vector<16xi32>
      %lt3A_481 = arith.cmpi ult, %sub3A_478, %lt3A_480 : vector<16xi32>
      %shift_right_arithmetic3A_482 = arith.constant 10 : i32
      %shift_right_arithmetic3A_483 = vector.broadcast %shift_right_arithmetic3A_482 : i32 to vector<16xi32>
      %shift_right_arithmetic3A_484 = arith.shrsi %sub3A_478, %shift_right_arithmetic3A_483 : vector<16xi32>
      %and3A_485 = arith.constant 1023 : i32
      %and3A_486 = vector.broadcast %and3A_485 : i32 to vector<16xi32>
      %and3A_487 = arith.andi %sub3A_478, %and3A_486 : vector<16xi32>
      %get3A_488 = arith.index_cast %add3A_474 : i32 to index
      %get3A_489 = tpu.vector_load %arg9[%get3A_488] {strides = array<i32>} : memref<4096xi32, #tpu.memory_space<vmem>>, vector<16xi32>,
      tpu.vector_store_idx %arg5[%shift_right_arithmetic3A_484, %and3A_487], %get3A_489 masked %lt3A_481 {add = true} : memref<64x1024xi32, #tpu.memory_space<vmem>>[vector<16xi32>, vector<16xi32>], vector<16xi32>, vector<16xi1>
      %mul3A_490 = arith.constant 128 : i32
      %mul3A_491 = arith.muli %scan3A_361, %mul3A_490 : i32
      %add3A_492 = arith.constant 112 : i32
      %add3A_493 = arith.addi %mul3A_491, %add3A_492 : i32
      %get3A_494 = arith.index_cast %add3A_493 : i32 to index
      %get3A_495 = tpu.vector_load %arg7[%get3A_494] {strides = array<i32>} : memref<4096xi32, #tpu.memory_space<vmem>>, vector<16xi32>,
      %sub3A_496 = vector.broadcast %mul3A_3 : i32 to vector<16xi32>
      %sub3A_497 = arith.subi %get3A_495, %sub3A_496 : vector<16xi32>
      %lt3A_498 = arith.constant 65536 : i32
      %lt3A_499 = vector.broadcast %lt3A_498 : i32 to vector<16xi32>
      %lt3A_500 = arith.cmpi ult, %sub3A_497, %lt3A_499 : vector<16xi32>
      %shift_right_arithmetic3A_501 = arith.constant 10 : i32
      %shift_right_arithmetic3A_502 = vector.broadcast %shift_right_arithmetic3A_501 : i32 to vector<16xi32>
      %shift_right_arithmetic3A_503 = arith.shrsi %sub3A_497, %shift_right_arithmetic3A_502 : vector<16xi32>
      %and3A_504 = arith.constant 1023 : i32
      %and3A_505 = vector.broadcast %and3A_504 : i32 to vector<16xi32>
      %and3A_506 = arith.andi %sub3A_497, %and3A_505 : vector<16xi32>
      %get3A_507 = arith.index_cast %add3A_493 : i32 to index
      %get3A_508 = tpu.vector_load %arg9[%get3A_507] {strides = array<i32>} : memref<4096xi32, #tpu.memory_space<vmem>>, vector<16xi32>,
      tpu.vector_store_idx %arg5[%shift_right_arithmetic3A_503, %and3A_506], %get3A_508 masked %lt3A_500 {add = true} : memref<64x1024xi32, #tpu.memory_space<vmem>>[vector<16xi32>, vector<16xi32>], vector<16xi32>, vector<16xi1>
    }
    %scan3A_278 = arith.constant 32 : i32
    %dma_wait3A_279 = arith.constant 49152 : i32
    %dma_wait3A_280 = tpu.memref_slice %arg2[%dma_wait3A_279] : memref<65536xi32, #tpu.memory_space<hbm>> -> memref<4096xi32, #tpu.memory_space<hbm>>
    %dma_wait3A_281 = arith.constant 49152 : i32
    %dma_wait3A_282 = tpu.memref_slice %arg2[%dma_wait3A_281] : memref<65536xi32, #tpu.memory_space<hbm>> -> memref<4096xi32, #tpu.memory_space<hbm>>
    tpu.wait_dma2 semaphore(%arg10 : memref<!tpu.dma_semaphore, #tpu.memory_space<semaphore_mem>>) src(%dma_wait3A_282 : memref<4096xi32, #tpu.memory_space<hbm>>) dst(%arg6 : memref<4096xi32, #tpu.memory_space<vmem>>)
    %dma_wait3A_283 = arith.constant 49152 : i32
    %dma_wait3A_284 = tpu.memref_slice %arg3[%dma_wait3A_283] : memref<65536xi32, #tpu.memory_space<hbm>> -> memref<4096xi32, #tpu.memory_space<hbm>>
    %dma_wait3A_285 = arith.constant 49152 : i32
    %dma_wait3A_286 = tpu.memref_slice %arg3[%dma_wait3A_285] : memref<65536xi32, #tpu.memory_space<hbm>> -> memref<4096xi32, #tpu.memory_space<hbm>>
    tpu.wait_dma2 semaphore(%arg10 : memref<!tpu.dma_semaphore, #tpu.memory_space<semaphore_mem>>) src(%dma_wait3A_286 : memref<4096xi32, #tpu.memory_space<hbm>>) dst(%arg8 : memref<4096xi32, #tpu.memory_space<vmem>>)
    %dma_start3A_287 = arith.constant 53248 : i32
    %dma_start3A_288 = tpu.memref_slice %arg2[%dma_start3A_287] : memref<65536xi32, #tpu.memory_space<hbm>> -> memref<4096xi32, #tpu.memory_space<hbm>>
    %dma_start3A_289 = arith.constant 53248 : i32
    %dma_start3A_290 = tpu.memref_slice %arg2[%dma_start3A_289] : memref<65536xi32, #tpu.memory_space<hbm>> -> memref<4096xi32, #tpu.memory_space<hbm>>
    tpu.enqueue_dma source(%dma_start3A_290 : memref<4096xi32, #tpu.memory_space<hbm>>) target(%arg7 : memref<4096xi32, #tpu.memory_space<vmem>>) target_semaphore(%arg11 : memref<!tpu.dma_semaphore, #tpu.memory_space<semaphore_mem>>)
    %dma_start3A_291 = arith.constant 53248 : i32
    %dma_start3A_292 = tpu.memref_slice %arg3[%dma_start3A_291] : memref<65536xi32, #tpu.memory_space<hbm>> -> memref<4096xi32, #tpu.memory_space<hbm>>
    %dma_start3A_293 = arith.constant 53248 : i32
    %dma_start3A_294 = tpu.memref_slice %arg3[%dma_start3A_293] : memref<65536xi32, #tpu.memory_space<hbm>> -> memref<4096xi32, #tpu.memory_space<hbm>>
    tpu.enqueue_dma source(%dma_start3A_294 : memref<4096xi32, #tpu.memory_space<hbm>>) target(%arg9 : memref<4096xi32, #tpu.memory_space<vmem>>) target_semaphore(%arg11 : memref<!tpu.dma_semaphore, #tpu.memory_space<semaphore_mem>>)
    %scan3A_295 = arith.constant 0 : i32
    %scan3A_296 = arith.constant 0 : i32
    %scan3A_297 = arith.constant 32 : i32
    %scan3A_298 = arith.addi %scan3A_296, %scan3A_297 : i32
    %scan3A_299 = arith.constant 1 : i32
    scf.for %scan3A_361 = %scan3A_296 to %scan3A_298 step %scan3A_299  : i32 {
      %mul3A_362 = arith.constant 128 : i32
      %mul3A_363 = arith.muli %scan3A_361, %mul3A_362 : i32
      %add3A_364 = arith.constant 0 : i32
      %add3A_365 = arith.addi %mul3A_363, %add3A_364 : i32
      %get3A = arith.index_cast %add3A_365 : i32 to index
      %get3A_366 = tpu.vector_load %arg6[%get3A] {strides = array<i32>} : memref<4096xi32, #tpu.memory_space<vmem>>, vector<16xi32>,
      %sub3A = vector.broadcast %mul3A_3 : i32 to vector<16xi32>
      %sub3A_367 = arith.subi %get3A_366, %sub3A : vector<16xi32>
      %lt3A = arith.constant 65536 : i32
      %lt3A_368 = vector.broadcast %lt3A : i32 to vector<16xi32>
      %lt3A_369 = arith.cmpi ult, %sub3A_367, %lt3A_368 : vector<16xi32>
      %shift_right_arithmetic3A = arith.constant 10 : i32
      %shift_right_arithmetic3A_370 = vector.broadcast %shift_right_arithmetic3A : i32 to vector<16xi32>
      %shift_right_arithmetic3A_371 = arith.shrsi %sub3A_367, %shift_right_arithmetic3A_370 : vector<16xi32>
      %and3A = arith.constant 1023 : i32
      %and3A_372 = vector.broadcast %and3A : i32 to vector<16xi32>
      %and3A_373 = arith.andi %sub3A_367, %and3A_372 : vector<16xi32>
      %get3A_374 = arith.index_cast %add3A_365 : i32 to index
      %get3A_375 = tpu.vector_load %arg8[%get3A_374] {strides = array<i32>} : memref<4096xi32, #tpu.memory_space<vmem>>, vector<16xi32>,
      tpu.vector_store_idx %arg5[%shift_right_arithmetic3A_371, %and3A_373], %get3A_375 masked %lt3A_369 {add = true} : memref<64x1024xi32, #tpu.memory_space<vmem>>[vector<16xi32>, vector<16xi32>], vector<16xi32>, vector<16xi1>
      %mul3A_376 = arith.constant 128 : i32
      %mul3A_377 = arith.muli %scan3A_361, %mul3A_376 : i32
      %add3A_378 = arith.constant 16 : i32
      %add3A_379 = arith.addi %mul3A_377, %add3A_378 : i32
      %get3A_380 = arith.index_cast %add3A_379 : i32 to index
      %get3A_381 = tpu.vector_load %arg6[%get3A_380] {strides = array<i32>} : memref<4096xi32, #tpu.memory_space<vmem>>, vector<16xi32>,
      %sub3A_382 = vector.broadcast %mul3A_3 : i32 to vector<16xi32>
      %sub3A_383 = arith.subi %get3A_381, %sub3A_382 : vector<16xi32>
      %lt3A_384 = arith.constant 65536 : i32
      %lt3A_385 = vector.broadcast %lt3A_384 : i32 to vector<16xi32>
      %lt3A_386 = arith.cmpi ult, %sub3A_383, %lt3A_385 : vector<16xi32>
      %shift_right_arithmetic3A_387 = arith.constant 10 : i32
      %shift_right_arithmetic3A_388 = vector.broadcast %shift_right_arithmetic3A_387 : i32 to vector<16xi32>
      %shift_right_arithmetic3A_389 = arith.shrsi %sub3A_383, %shift_right_arithmetic3A_388 : vector<16xi32>
      %and3A_390 = arith.constant 1023 : i32
      %and3A_391 = vector.broadcast %and3A_390 : i32 to vector<16xi32>
      %and3A_392 = arith.andi %sub3A_383, %and3A_391 : vector<16xi32>
      %get3A_393 = arith.index_cast %add3A_379 : i32 to index
      %get3A_394 = tpu.vector_load %arg8[%get3A_393] {strides = array<i32>} : memref<4096xi32, #tpu.memory_space<vmem>>, vector<16xi32>,
      tpu.vector_store_idx %arg5[%shift_right_arithmetic3A_389, %and3A_392], %get3A_394 masked %lt3A_386 {add = true} : memref<64x1024xi32, #tpu.memory_space<vmem>>[vector<16xi32>, vector<16xi32>], vector<16xi32>, vector<16xi1>
      %mul3A_395 = arith.constant 128 : i32
      %mul3A_396 = arith.muli %scan3A_361, %mul3A_395 : i32
      %add3A_397 = arith.constant 32 : i32
      %add3A_398 = arith.addi %mul3A_396, %add3A_397 : i32
      %get3A_399 = arith.index_cast %add3A_398 : i32 to index
      %get3A_400 = tpu.vector_load %arg6[%get3A_399] {strides = array<i32>} : memref<4096xi32, #tpu.memory_space<vmem>>, vector<16xi32>,
      %sub3A_401 = vector.broadcast %mul3A_3 : i32 to vector<16xi32>
      %sub3A_402 = arith.subi %get3A_400, %sub3A_401 : vector<16xi32>
      %lt3A_403 = arith.constant 65536 : i32
      %lt3A_404 = vector.broadcast %lt3A_403 : i32 to vector<16xi32>
      %lt3A_405 = arith.cmpi ult, %sub3A_402, %lt3A_404 : vector<16xi32>
      %shift_right_arithmetic3A_406 = arith.constant 10 : i32
      %shift_right_arithmetic3A_407 = vector.broadcast %shift_right_arithmetic3A_406 : i32 to vector<16xi32>
      %shift_right_arithmetic3A_408 = arith.shrsi %sub3A_402, %shift_right_arithmetic3A_407 : vector<16xi32>
      %and3A_409 = arith.constant 1023 : i32
      %and3A_410 = vector.broadcast %and3A_409 : i32 to vector<16xi32>
      %and3A_411 = arith.andi %sub3A_402, %and3A_410 : vector<16xi32>
      %get3A_412 = arith.index_cast %add3A_398 : i32 to index
      %get3A_413 = tpu.vector_load %arg8[%get3A_412] {strides = array<i32>} : memref<4096xi32, #tpu.memory_space<vmem>>, vector<16xi32>,
      tpu.vector_store_idx %arg5[%shift_right_arithmetic3A_408, %and3A_411], %get3A_413 masked %lt3A_405 {add = true} : memref<64x1024xi32, #tpu.memory_space<vmem>>[vector<16xi32>, vector<16xi32>], vector<16xi32>, vector<16xi1>
      %mul3A_414 = arith.constant 128 : i32
      %mul3A_415 = arith.muli %scan3A_361, %mul3A_414 : i32
      %add3A_416 = arith.constant 48 : i32
      %add3A_417 = arith.addi %mul3A_415, %add3A_416 : i32
      %get3A_418 = arith.index_cast %add3A_417 : i32 to index
      %get3A_419 = tpu.vector_load %arg6[%get3A_418] {strides = array<i32>} : memref<4096xi32, #tpu.memory_space<vmem>>, vector<16xi32>,
      %sub3A_420 = vector.broadcast %mul3A_3 : i32 to vector<16xi32>
      %sub3A_421 = arith.subi %get3A_419, %sub3A_420 : vector<16xi32>
      %lt3A_422 = arith.constant 65536 : i32
      %lt3A_423 = vector.broadcast %lt3A_422 : i32 to vector<16xi32>
      %lt3A_424 = arith.cmpi ult, %sub3A_421, %lt3A_423 : vector<16xi32>
      %shift_right_arithmetic3A_425 = arith.constant 10 : i32
      %shift_right_arithmetic3A_426 = vector.broadcast %shift_right_arithmetic3A_425 : i32 to vector<16xi32>
      %shift_right_arithmetic3A_427 = arith.shrsi %sub3A_421, %shift_right_arithmetic3A_426 : vector<16xi32>
      %and3A_428 = arith.constant 1023 : i32
      %and3A_429 = vector.broadcast %and3A_428 : i32 to vector<16xi32>
      %and3A_430 = arith.andi %sub3A_421, %and3A_429 : vector<16xi32>
      %get3A_431 = arith.index_cast %add3A_417 : i32 to index
      %get3A_432 = tpu.vector_load %arg8[%get3A_431] {strides = array<i32>} : memref<4096xi32, #tpu.memory_space<vmem>>, vector<16xi32>,
      tpu.vector_store_idx %arg5[%shift_right_arithmetic3A_427, %and3A_430], %get3A_432 masked %lt3A_424 {add = true} : memref<64x1024xi32, #tpu.memory_space<vmem>>[vector<16xi32>, vector<16xi32>], vector<16xi32>, vector<16xi1>
      %mul3A_433 = arith.constant 128 : i32
      %mul3A_434 = arith.muli %scan3A_361, %mul3A_433 : i32
      %add3A_435 = arith.constant 64 : i32
      %add3A_436 = arith.addi %mul3A_434, %add3A_435 : i32
      %get3A_437 = arith.index_cast %add3A_436 : i32 to index
      %get3A_438 = tpu.vector_load %arg6[%get3A_437] {strides = array<i32>} : memref<4096xi32, #tpu.memory_space<vmem>>, vector<16xi32>,
      %sub3A_439 = vector.broadcast %mul3A_3 : i32 to vector<16xi32>
      %sub3A_440 = arith.subi %get3A_438, %sub3A_439 : vector<16xi32>
      %lt3A_441 = arith.constant 65536 : i32
      %lt3A_442 = vector.broadcast %lt3A_441 : i32 to vector<16xi32>
      %lt3A_443 = arith.cmpi ult, %sub3A_440, %lt3A_442 : vector<16xi32>
      %shift_right_arithmetic3A_444 = arith.constant 10 : i32
      %shift_right_arithmetic3A_445 = vector.broadcast %shift_right_arithmetic3A_444 : i32 to vector<16xi32>
      %shift_right_arithmetic3A_446 = arith.shrsi %sub3A_440, %shift_right_arithmetic3A_445 : vector<16xi32>
      %and3A_447 = arith.constant 1023 : i32
      %and3A_448 = vector.broadcast %and3A_447 : i32 to vector<16xi32>
      %and3A_449 = arith.andi %sub3A_440, %and3A_448 : vector<16xi32>
      %get3A_450 = arith.index_cast %add3A_436 : i32 to index
      %get3A_451 = tpu.vector_load %arg8[%get3A_450] {strides = array<i32>} : memref<4096xi32, #tpu.memory_space<vmem>>, vector<16xi32>,
      tpu.vector_store_idx %arg5[%shift_right_arithmetic3A_446, %and3A_449], %get3A_451 masked %lt3A_443 {add = true} : memref<64x1024xi32, #tpu.memory_space<vmem>>[vector<16xi32>, vector<16xi32>], vector<16xi32>, vector<16xi1>
      %mul3A_452 = arith.constant 128 : i32
      %mul3A_453 = arith.muli %scan3A_361, %mul3A_452 : i32
      %add3A_454 = arith.constant 80 : i32
      %add3A_455 = arith.addi %mul3A_453, %add3A_454 : i32
      %get3A_456 = arith.index_cast %add3A_455 : i32 to index
      %get3A_457 = tpu.vector_load %arg6[%get3A_456] {strides = array<i32>} : memref<4096xi32, #tpu.memory_space<vmem>>, vector<16xi32>,
      %sub3A_458 = vector.broadcast %mul3A_3 : i32 to vector<16xi32>
      %sub3A_459 = arith.subi %get3A_457, %sub3A_458 : vector<16xi32>
      %lt3A_460 = arith.constant 65536 : i32
      %lt3A_461 = vector.broadcast %lt3A_460 : i32 to vector<16xi32>
      %lt3A_462 = arith.cmpi ult, %sub3A_459, %lt3A_461 : vector<16xi32>
      %shift_right_arithmetic3A_463 = arith.constant 10 : i32
      %shift_right_arithmetic3A_464 = vector.broadcast %shift_right_arithmetic3A_463 : i32 to vector<16xi32>
      %shift_right_arithmetic3A_465 = arith.shrsi %sub3A_459, %shift_right_arithmetic3A_464 : vector<16xi32>
      %and3A_466 = arith.constant 1023 : i32
      %and3A_467 = vector.broadcast %and3A_466 : i32 to vector<16xi32>
      %and3A_468 = arith.andi %sub3A_459, %and3A_467 : vector<16xi32>
      %get3A_469 = arith.index_cast %add3A_455 : i32 to index
      %get3A_470 = tpu.vector_load %arg8[%get3A_469] {strides = array<i32>} : memref<4096xi32, #tpu.memory_space<vmem>>, vector<16xi32>,
      tpu.vector_store_idx %arg5[%shift_right_arithmetic3A_465, %and3A_468], %get3A_470 masked %lt3A_462 {add = true} : memref<64x1024xi32, #tpu.memory_space<vmem>>[vector<16xi32>, vector<16xi32>], vector<16xi32>, vector<16xi1>
      %mul3A_471 = arith.constant 128 : i32
      %mul3A_472 = arith.muli %scan3A_361, %mul3A_471 : i32
      %add3A_473 = arith.constant 96 : i32
      %add3A_474 = arith.addi %mul3A_472, %add3A_473 : i32
      %get3A_475 = arith.index_cast %add3A_474 : i32 to index
      %get3A_476 = tpu.vector_load %arg6[%get3A_475] {strides = array<i32>} : memref<4096xi32, #tpu.memory_space<vmem>>, vector<16xi32>,
      %sub3A_477 = vector.broadcast %mul3A_3 : i32 to vector<16xi32>
      %sub3A_478 = arith.subi %get3A_476, %sub3A_477 : vector<16xi32>
      %lt3A_479 = arith.constant 65536 : i32
      %lt3A_480 = vector.broadcast %lt3A_479 : i32 to vector<16xi32>
      %lt3A_481 = arith.cmpi ult, %sub3A_478, %lt3A_480 : vector<16xi32>
      %shift_right_arithmetic3A_482 = arith.constant 10 : i32
      %shift_right_arithmetic3A_483 = vector.broadcast %shift_right_arithmetic3A_482 : i32 to vector<16xi32>
      %shift_right_arithmetic3A_484 = arith.shrsi %sub3A_478, %shift_right_arithmetic3A_483 : vector<16xi32>
      %and3A_485 = arith.constant 1023 : i32
      %and3A_486 = vector.broadcast %and3A_485 : i32 to vector<16xi32>
      %and3A_487 = arith.andi %sub3A_478, %and3A_486 : vector<16xi32>
      %get3A_488 = arith.index_cast %add3A_474 : i32 to index
      %get3A_489 = tpu.vector_load %arg8[%get3A_488] {strides = array<i32>} : memref<4096xi32, #tpu.memory_space<vmem>>, vector<16xi32>,
      tpu.vector_store_idx %arg5[%shift_right_arithmetic3A_484, %and3A_487], %get3A_489 masked %lt3A_481 {add = true} : memref<64x1024xi32, #tpu.memory_space<vmem>>[vector<16xi32>, vector<16xi32>], vector<16xi32>, vector<16xi1>
      %mul3A_490 = arith.constant 128 : i32
      %mul3A_491 = arith.muli %scan3A_361, %mul3A_490 : i32
      %add3A_492 = arith.constant 112 : i32
      %add3A_493 = arith.addi %mul3A_491, %add3A_492 : i32
      %get3A_494 = arith.index_cast %add3A_493 : i32 to index
      %get3A_495 = tpu.vector_load %arg6[%get3A_494] {strides = array<i32>} : memref<4096xi32, #tpu.memory_space<vmem>>, vector<16xi32>,
      %sub3A_496 = vector.broadcast %mul3A_3 : i32 to vector<16xi32>
      %sub3A_497 = arith.subi %get3A_495, %sub3A_496 : vector<16xi32>
      %lt3A_498 = arith.constant 65536 : i32
      %lt3A_499 = vector.broadcast %lt3A_498 : i32 to vector<16xi32>
      %lt3A_500 = arith.cmpi ult, %sub3A_497, %lt3A_499 : vector<16xi32>
      %shift_right_arithmetic3A_501 = arith.constant 10 : i32
      %shift_right_arithmetic3A_502 = vector.broadcast %shift_right_arithmetic3A_501 : i32 to vector<16xi32>
      %shift_right_arithmetic3A_503 = arith.shrsi %sub3A_497, %shift_right_arithmetic3A_502 : vector<16xi32>
      %and3A_504 = arith.constant 1023 : i32
      %and3A_505 = vector.broadcast %and3A_504 : i32 to vector<16xi32>
      %and3A_506 = arith.andi %sub3A_497, %and3A_505 : vector<16xi32>
      %get3A_507 = arith.index_cast %add3A_493 : i32 to index
      %get3A_508 = tpu.vector_load %arg8[%get3A_507] {strides = array<i32>} : memref<4096xi32, #tpu.memory_space<vmem>>, vector<16xi32>,
      tpu.vector_store_idx %arg5[%shift_right_arithmetic3A_503, %and3A_506], %get3A_508 masked %lt3A_500 {add = true} : memref<64x1024xi32, #tpu.memory_space<vmem>>[vector<16xi32>, vector<16xi32>], vector<16xi32>, vector<16xi1>
    }
    %scan3A_300 = arith.constant 32 : i32
    %dma_wait3A_301 = arith.constant 53248 : i32
    %dma_wait3A_302 = tpu.memref_slice %arg2[%dma_wait3A_301] : memref<65536xi32, #tpu.memory_space<hbm>> -> memref<4096xi32, #tpu.memory_space<hbm>>
    %dma_wait3A_303 = arith.constant 53248 : i32
    %dma_wait3A_304 = tpu.memref_slice %arg2[%dma_wait3A_303] : memref<65536xi32, #tpu.memory_space<hbm>> -> memref<4096xi32, #tpu.memory_space<hbm>>
    tpu.wait_dma2 semaphore(%arg11 : memref<!tpu.dma_semaphore, #tpu.memory_space<semaphore_mem>>) src(%dma_wait3A_304 : memref<4096xi32, #tpu.memory_space<hbm>>) dst(%arg7 : memref<4096xi32, #tpu.memory_space<vmem>>)
    %dma_wait3A_305 = arith.constant 53248 : i32
    %dma_wait3A_306 = tpu.memref_slice %arg3[%dma_wait3A_305] : memref<65536xi32, #tpu.memory_space<hbm>> -> memref<4096xi32, #tpu.memory_space<hbm>>
    %dma_wait3A_307 = arith.constant 53248 : i32
    %dma_wait3A_308 = tpu.memref_slice %arg3[%dma_wait3A_307] : memref<65536xi32, #tpu.memory_space<hbm>> -> memref<4096xi32, #tpu.memory_space<hbm>>
    tpu.wait_dma2 semaphore(%arg11 : memref<!tpu.dma_semaphore, #tpu.memory_space<semaphore_mem>>) src(%dma_wait3A_308 : memref<4096xi32, #tpu.memory_space<hbm>>) dst(%arg9 : memref<4096xi32, #tpu.memory_space<vmem>>)
    %dma_start3A_309 = arith.constant 57344 : i32
    %dma_start3A_310 = tpu.memref_slice %arg2[%dma_start3A_309] : memref<65536xi32, #tpu.memory_space<hbm>> -> memref<4096xi32, #tpu.memory_space<hbm>>
    %dma_start3A_311 = arith.constant 57344 : i32
    %dma_start3A_312 = tpu.memref_slice %arg2[%dma_start3A_311] : memref<65536xi32, #tpu.memory_space<hbm>> -> memref<4096xi32, #tpu.memory_space<hbm>>
    tpu.enqueue_dma source(%dma_start3A_312 : memref<4096xi32, #tpu.memory_space<hbm>>) target(%arg6 : memref<4096xi32, #tpu.memory_space<vmem>>) target_semaphore(%arg10 : memref<!tpu.dma_semaphore, #tpu.memory_space<semaphore_mem>>)
    %dma_start3A_313 = arith.constant 57344 : i32
    %dma_start3A_314 = tpu.memref_slice %arg3[%dma_start3A_313] : memref<65536xi32, #tpu.memory_space<hbm>> -> memref<4096xi32, #tpu.memory_space<hbm>>
    %dma_start3A_315 = arith.constant 57344 : i32
    %dma_start3A_316 = tpu.memref_slice %arg3[%dma_start3A_315] : memref<65536xi32, #tpu.memory_space<hbm>> -> memref<4096xi32, #tpu.memory_space<hbm>>
    tpu.enqueue_dma source(%dma_start3A_316 : memref<4096xi32, #tpu.memory_space<hbm>>) target(%arg8 : memref<4096xi32, #tpu.memory_space<vmem>>) target_semaphore(%arg10 : memref<!tpu.dma_semaphore, #tpu.memory_space<semaphore_mem>>)
    %scan3A_317 = arith.constant 0 : i32
    %scan3A_318 = arith.constant 0 : i32
    %scan3A_319 = arith.constant 32 : i32
    %scan3A_320 = arith.addi %scan3A_318, %scan3A_319 : i32
    %scan3A_321 = arith.constant 1 : i32
    scf.for %scan3A_361 = %scan3A_318 to %scan3A_320 step %scan3A_321  : i32 {
      %mul3A_362 = arith.constant 128 : i32
      %mul3A_363 = arith.muli %scan3A_361, %mul3A_362 : i32
      %add3A_364 = arith.constant 0 : i32
      %add3A_365 = arith.addi %mul3A_363, %add3A_364 : i32
      %get3A = arith.index_cast %add3A_365 : i32 to index
      %get3A_366 = tpu.vector_load %arg7[%get3A] {strides = array<i32>} : memref<4096xi32, #tpu.memory_space<vmem>>, vector<16xi32>,
      %sub3A = vector.broadcast %mul3A_3 : i32 to vector<16xi32>
      %sub3A_367 = arith.subi %get3A_366, %sub3A : vector<16xi32>
      %lt3A = arith.constant 65536 : i32
      %lt3A_368 = vector.broadcast %lt3A : i32 to vector<16xi32>
      %lt3A_369 = arith.cmpi ult, %sub3A_367, %lt3A_368 : vector<16xi32>
      %shift_right_arithmetic3A = arith.constant 10 : i32
      %shift_right_arithmetic3A_370 = vector.broadcast %shift_right_arithmetic3A : i32 to vector<16xi32>
      %shift_right_arithmetic3A_371 = arith.shrsi %sub3A_367, %shift_right_arithmetic3A_370 : vector<16xi32>
      %and3A = arith.constant 1023 : i32
      %and3A_372 = vector.broadcast %and3A : i32 to vector<16xi32>
      %and3A_373 = arith.andi %sub3A_367, %and3A_372 : vector<16xi32>
      %get3A_374 = arith.index_cast %add3A_365 : i32 to index
      %get3A_375 = tpu.vector_load %arg9[%get3A_374] {strides = array<i32>} : memref<4096xi32, #tpu.memory_space<vmem>>, vector<16xi32>,
      tpu.vector_store_idx %arg5[%shift_right_arithmetic3A_371, %and3A_373], %get3A_375 masked %lt3A_369 {add = true} : memref<64x1024xi32, #tpu.memory_space<vmem>>[vector<16xi32>, vector<16xi32>], vector<16xi32>, vector<16xi1>
      %mul3A_376 = arith.constant 128 : i32
      %mul3A_377 = arith.muli %scan3A_361, %mul3A_376 : i32
      %add3A_378 = arith.constant 16 : i32
      %add3A_379 = arith.addi %mul3A_377, %add3A_378 : i32
      %get3A_380 = arith.index_cast %add3A_379 : i32 to index
      %get3A_381 = tpu.vector_load %arg7[%get3A_380] {strides = array<i32>} : memref<4096xi32, #tpu.memory_space<vmem>>, vector<16xi32>,
      %sub3A_382 = vector.broadcast %mul3A_3 : i32 to vector<16xi32>
      %sub3A_383 = arith.subi %get3A_381, %sub3A_382 : vector<16xi32>
      %lt3A_384 = arith.constant 65536 : i32
      %lt3A_385 = vector.broadcast %lt3A_384 : i32 to vector<16xi32>
      %lt3A_386 = arith.cmpi ult, %sub3A_383, %lt3A_385 : vector<16xi32>
      %shift_right_arithmetic3A_387 = arith.constant 10 : i32
      %shift_right_arithmetic3A_388 = vector.broadcast %shift_right_arithmetic3A_387 : i32 to vector<16xi32>
      %shift_right_arithmetic3A_389 = arith.shrsi %sub3A_383, %shift_right_arithmetic3A_388 : vector<16xi32>
      %and3A_390 = arith.constant 1023 : i32
      %and3A_391 = vector.broadcast %and3A_390 : i32 to vector<16xi32>
      %and3A_392 = arith.andi %sub3A_383, %and3A_391 : vector<16xi32>
      %get3A_393 = arith.index_cast %add3A_379 : i32 to index
      %get3A_394 = tpu.vector_load %arg9[%get3A_393] {strides = array<i32>} : memref<4096xi32, #tpu.memory_space<vmem>>, vector<16xi32>,
      tpu.vector_store_idx %arg5[%shift_right_arithmetic3A_389, %and3A_392], %get3A_394 masked %lt3A_386 {add = true} : memref<64x1024xi32, #tpu.memory_space<vmem>>[vector<16xi32>, vector<16xi32>], vector<16xi32>, vector<16xi1>
      %mul3A_395 = arith.constant 128 : i32
      %mul3A_396 = arith.muli %scan3A_361, %mul3A_395 : i32
      %add3A_397 = arith.constant 32 : i32
      %add3A_398 = arith.addi %mul3A_396, %add3A_397 : i32
      %get3A_399 = arith.index_cast %add3A_398 : i32 to index
      %get3A_400 = tpu.vector_load %arg7[%get3A_399] {strides = array<i32>} : memref<4096xi32, #tpu.memory_space<vmem>>, vector<16xi32>,
      %sub3A_401 = vector.broadcast %mul3A_3 : i32 to vector<16xi32>
      %sub3A_402 = arith.subi %get3A_400, %sub3A_401 : vector<16xi32>
      %lt3A_403 = arith.constant 65536 : i32
      %lt3A_404 = vector.broadcast %lt3A_403 : i32 to vector<16xi32>
      %lt3A_405 = arith.cmpi ult, %sub3A_402, %lt3A_404 : vector<16xi32>
      %shift_right_arithmetic3A_406 = arith.constant 10 : i32
      %shift_right_arithmetic3A_407 = vector.broadcast %shift_right_arithmetic3A_406 : i32 to vector<16xi32>
      %shift_right_arithmetic3A_408 = arith.shrsi %sub3A_402, %shift_right_arithmetic3A_407 : vector<16xi32>
      %and3A_409 = arith.constant 1023 : i32
      %and3A_410 = vector.broadcast %and3A_409 : i32 to vector<16xi32>
      %and3A_411 = arith.andi %sub3A_402, %and3A_410 : vector<16xi32>
      %get3A_412 = arith.index_cast %add3A_398 : i32 to index
      %get3A_413 = tpu.vector_load %arg9[%get3A_412] {strides = array<i32>} : memref<4096xi32, #tpu.memory_space<vmem>>, vector<16xi32>,
      tpu.vector_store_idx %arg5[%shift_right_arithmetic3A_408, %and3A_411], %get3A_413 masked %lt3A_405 {add = true} : memref<64x1024xi32, #tpu.memory_space<vmem>>[vector<16xi32>, vector<16xi32>], vector<16xi32>, vector<16xi1>
      %mul3A_414 = arith.constant 128 : i32
      %mul3A_415 = arith.muli %scan3A_361, %mul3A_414 : i32
      %add3A_416 = arith.constant 48 : i32
      %add3A_417 = arith.addi %mul3A_415, %add3A_416 : i32
      %get3A_418 = arith.index_cast %add3A_417 : i32 to index
      %get3A_419 = tpu.vector_load %arg7[%get3A_418] {strides = array<i32>} : memref<4096xi32, #tpu.memory_space<vmem>>, vector<16xi32>,
      %sub3A_420 = vector.broadcast %mul3A_3 : i32 to vector<16xi32>
      %sub3A_421 = arith.subi %get3A_419, %sub3A_420 : vector<16xi32>
      %lt3A_422 = arith.constant 65536 : i32
      %lt3A_423 = vector.broadcast %lt3A_422 : i32 to vector<16xi32>
      %lt3A_424 = arith.cmpi ult, %sub3A_421, %lt3A_423 : vector<16xi32>
      %shift_right_arithmetic3A_425 = arith.constant 10 : i32
      %shift_right_arithmetic3A_426 = vector.broadcast %shift_right_arithmetic3A_425 : i32 to vector<16xi32>
      %shift_right_arithmetic3A_427 = arith.shrsi %sub3A_421, %shift_right_arithmetic3A_426 : vector<16xi32>
      %and3A_428 = arith.constant 1023 : i32
      %and3A_429 = vector.broadcast %and3A_428 : i32 to vector<16xi32>
      %and3A_430 = arith.andi %sub3A_421, %and3A_429 : vector<16xi32>
      %get3A_431 = arith.index_cast %add3A_417 : i32 to index
      %get3A_432 = tpu.vector_load %arg9[%get3A_431] {strides = array<i32>} : memref<4096xi32, #tpu.memory_space<vmem>>, vector<16xi32>,
      tpu.vector_store_idx %arg5[%shift_right_arithmetic3A_427, %and3A_430], %get3A_432 masked %lt3A_424 {add = true} : memref<64x1024xi32, #tpu.memory_space<vmem>>[vector<16xi32>, vector<16xi32>], vector<16xi32>, vector<16xi1>
      %mul3A_433 = arith.constant 128 : i32
      %mul3A_434 = arith.muli %scan3A_361, %mul3A_433 : i32
      %add3A_435 = arith.constant 64 : i32
      %add3A_436 = arith.addi %mul3A_434, %add3A_435 : i32
      %get3A_437 = arith.index_cast %add3A_436 : i32 to index
      %get3A_438 = tpu.vector_load %arg7[%get3A_437] {strides = array<i32>} : memref<4096xi32, #tpu.memory_space<vmem>>, vector<16xi32>,
      %sub3A_439 = vector.broadcast %mul3A_3 : i32 to vector<16xi32>
      %sub3A_440 = arith.subi %get3A_438, %sub3A_439 : vector<16xi32>
      %lt3A_441 = arith.constant 65536 : i32
      %lt3A_442 = vector.broadcast %lt3A_441 : i32 to vector<16xi32>
      %lt3A_443 = arith.cmpi ult, %sub3A_440, %lt3A_442 : vector<16xi32>
      %shift_right_arithmetic3A_444 = arith.constant 10 : i32
      %shift_right_arithmetic3A_445 = vector.broadcast %shift_right_arithmetic3A_444 : i32 to vector<16xi32>
      %shift_right_arithmetic3A_446 = arith.shrsi %sub3A_440, %shift_right_arithmetic3A_445 : vector<16xi32>
      %and3A_447 = arith.constant 1023 : i32
      %and3A_448 = vector.broadcast %and3A_447 : i32 to vector<16xi32>
      %and3A_449 = arith.andi %sub3A_440, %and3A_448 : vector<16xi32>
      %get3A_450 = arith.index_cast %add3A_436 : i32 to index
      %get3A_451 = tpu.vector_load %arg9[%get3A_450] {strides = array<i32>} : memref<4096xi32, #tpu.memory_space<vmem>>, vector<16xi32>,
      tpu.vector_store_idx %arg5[%shift_right_arithmetic3A_446, %and3A_449], %get3A_451 masked %lt3A_443 {add = true} : memref<64x1024xi32, #tpu.memory_space<vmem>>[vector<16xi32>, vector<16xi32>], vector<16xi32>, vector<16xi1>
      %mul3A_452 = arith.constant 128 : i32
      %mul3A_453 = arith.muli %scan3A_361, %mul3A_452 : i32
      %add3A_454 = arith.constant 80 : i32
      %add3A_455 = arith.addi %mul3A_453, %add3A_454 : i32
      %get3A_456 = arith.index_cast %add3A_455 : i32 to index
      %get3A_457 = tpu.vector_load %arg7[%get3A_456] {strides = array<i32>} : memref<4096xi32, #tpu.memory_space<vmem>>, vector<16xi32>,
      %sub3A_458 = vector.broadcast %mul3A_3 : i32 to vector<16xi32>
      %sub3A_459 = arith.subi %get3A_457, %sub3A_458 : vector<16xi32>
      %lt3A_460 = arith.constant 65536 : i32
      %lt3A_461 = vector.broadcast %lt3A_460 : i32 to vector<16xi32>
      %lt3A_462 = arith.cmpi ult, %sub3A_459, %lt3A_461 : vector<16xi32>
      %shift_right_arithmetic3A_463 = arith.constant 10 : i32
      %shift_right_arithmetic3A_464 = vector.broadcast %shift_right_arithmetic3A_463 : i32 to vector<16xi32>
      %shift_right_arithmetic3A_465 = arith.shrsi %sub3A_459, %shift_right_arithmetic3A_464 : vector<16xi32>
      %and3A_466 = arith.constant 1023 : i32
      %and3A_467 = vector.broadcast %and3A_466 : i32 to vector<16xi32>
      %and3A_468 = arith.andi %sub3A_459, %and3A_467 : vector<16xi32>
      %get3A_469 = arith.index_cast %add3A_455 : i32 to index
      %get3A_470 = tpu.vector_load %arg9[%get3A_469] {strides = array<i32>} : memref<4096xi32, #tpu.memory_space<vmem>>, vector<16xi32>,
      tpu.vector_store_idx %arg5[%shift_right_arithmetic3A_465, %and3A_468], %get3A_470 masked %lt3A_462 {add = true} : memref<64x1024xi32, #tpu.memory_space<vmem>>[vector<16xi32>, vector<16xi32>], vector<16xi32>, vector<16xi1>
      %mul3A_471 = arith.constant 128 : i32
      %mul3A_472 = arith.muli %scan3A_361, %mul3A_471 : i32
      %add3A_473 = arith.constant 96 : i32
      %add3A_474 = arith.addi %mul3A_472, %add3A_473 : i32
      %get3A_475 = arith.index_cast %add3A_474 : i32 to index
      %get3A_476 = tpu.vector_load %arg7[%get3A_475] {strides = array<i32>} : memref<4096xi32, #tpu.memory_space<vmem>>, vector<16xi32>,
      %sub3A_477 = vector.broadcast %mul3A_3 : i32 to vector<16xi32>
      %sub3A_478 = arith.subi %get3A_476, %sub3A_477 : vector<16xi32>
      %lt3A_479 = arith.constant 65536 : i32
      %lt3A_480 = vector.broadcast %lt3A_479 : i32 to vector<16xi32>
      %lt3A_481 = arith.cmpi ult, %sub3A_478, %lt3A_480 : vector<16xi32>
      %shift_right_arithmetic3A_482 = arith.constant 10 : i32
      %shift_right_arithmetic3A_483 = vector.broadcast %shift_right_arithmetic3A_482 : i32 to vector<16xi32>
      %shift_right_arithmetic3A_484 = arith.shrsi %sub3A_478, %shift_right_arithmetic3A_483 : vector<16xi32>
      %and3A_485 = arith.constant 1023 : i32
      %and3A_486 = vector.broadcast %and3A_485 : i32 to vector<16xi32>
      %and3A_487 = arith.andi %sub3A_478, %and3A_486 : vector<16xi32>
      %get3A_488 = arith.index_cast %add3A_474 : i32 to index
      %get3A_489 = tpu.vector_load %arg9[%get3A_488] {strides = array<i32>} : memref<4096xi32, #tpu.memory_space<vmem>>, vector<16xi32>,
      tpu.vector_store_idx %arg5[%shift_right_arithmetic3A_484, %and3A_487], %get3A_489 masked %lt3A_481 {add = true} : memref<64x1024xi32, #tpu.memory_space<vmem>>[vector<16xi32>, vector<16xi32>], vector<16xi32>, vector<16xi1>
      %mul3A_490 = arith.constant 128 : i32
      %mul3A_491 = arith.muli %scan3A_361, %mul3A_490 : i32
      %add3A_492 = arith.constant 112 : i32
      %add3A_493 = arith.addi %mul3A_491, %add3A_492 : i32
      %get3A_494 = arith.index_cast %add3A_493 : i32 to index
      %get3A_495 = tpu.vector_load %arg7[%get3A_494] {strides = array<i32>} : memref<4096xi32, #tpu.memory_space<vmem>>, vector<16xi32>,
      %sub3A_496 = vector.broadcast %mul3A_3 : i32 to vector<16xi32>
      %sub3A_497 = arith.subi %get3A_495, %sub3A_496 : vector<16xi32>
      %lt3A_498 = arith.constant 65536 : i32
      %lt3A_499 = vector.broadcast %lt3A_498 : i32 to vector<16xi32>
      %lt3A_500 = arith.cmpi ult, %sub3A_497, %lt3A_499 : vector<16xi32>
      %shift_right_arithmetic3A_501 = arith.constant 10 : i32
      %shift_right_arithmetic3A_502 = vector.broadcast %shift_right_arithmetic3A_501 : i32 to vector<16xi32>
      %shift_right_arithmetic3A_503 = arith.shrsi %sub3A_497, %shift_right_arithmetic3A_502 : vector<16xi32>
      %and3A_504 = arith.constant 1023 : i32
      %and3A_505 = vector.broadcast %and3A_504 : i32 to vector<16xi32>
      %and3A_506 = arith.andi %sub3A_497, %and3A_505 : vector<16xi32>
      %get3A_507 = arith.index_cast %add3A_493 : i32 to index
      %get3A_508 = tpu.vector_load %arg9[%get3A_507] {strides = array<i32>} : memref<4096xi32, #tpu.memory_space<vmem>>, vector<16xi32>,
      tpu.vector_store_idx %arg5[%shift_right_arithmetic3A_503, %and3A_506], %get3A_508 masked %lt3A_500 {add = true} : memref<64x1024xi32, #tpu.memory_space<vmem>>[vector<16xi32>, vector<16xi32>], vector<16xi32>, vector<16xi1>
    }
    %scan3A_322 = arith.constant 32 : i32
    %dma_wait3A_323 = arith.constant 57344 : i32
    %dma_wait3A_324 = tpu.memref_slice %arg2[%dma_wait3A_323] : memref<65536xi32, #tpu.memory_space<hbm>> -> memref<4096xi32, #tpu.memory_space<hbm>>
    %dma_wait3A_325 = arith.constant 57344 : i32
    %dma_wait3A_326 = tpu.memref_slice %arg2[%dma_wait3A_325] : memref<65536xi32, #tpu.memory_space<hbm>> -> memref<4096xi32, #tpu.memory_space<hbm>>
    tpu.wait_dma2 semaphore(%arg10 : memref<!tpu.dma_semaphore, #tpu.memory_space<semaphore_mem>>) src(%dma_wait3A_326 : memref<4096xi32, #tpu.memory_space<hbm>>) dst(%arg6 : memref<4096xi32, #tpu.memory_space<vmem>>)
    %dma_wait3A_327 = arith.constant 57344 : i32
    %dma_wait3A_328 = tpu.memref_slice %arg3[%dma_wait3A_327] : memref<65536xi32, #tpu.memory_space<hbm>> -> memref<4096xi32, #tpu.memory_space<hbm>>
    %dma_wait3A_329 = arith.constant 57344 : i32
    %dma_wait3A_330 = tpu.memref_slice %arg3[%dma_wait3A_329] : memref<65536xi32, #tpu.memory_space<hbm>> -> memref<4096xi32, #tpu.memory_space<hbm>>
    tpu.wait_dma2 semaphore(%arg10 : memref<!tpu.dma_semaphore, #tpu.memory_space<semaphore_mem>>) src(%dma_wait3A_330 : memref<4096xi32, #tpu.memory_space<hbm>>) dst(%arg8 : memref<4096xi32, #tpu.memory_space<vmem>>)
    %dma_start3A_331 = arith.constant 61440 : i32
    %dma_start3A_332 = tpu.memref_slice %arg2[%dma_start3A_331] : memref<65536xi32, #tpu.memory_space<hbm>> -> memref<4096xi32, #tpu.memory_space<hbm>>
    %dma_start3A_333 = arith.constant 61440 : i32
    %dma_start3A_334 = tpu.memref_slice %arg2[%dma_start3A_333] : memref<65536xi32, #tpu.memory_space<hbm>> -> memref<4096xi32, #tpu.memory_space<hbm>>
    tpu.enqueue_dma source(%dma_start3A_334 : memref<4096xi32, #tpu.memory_space<hbm>>) target(%arg7 : memref<4096xi32, #tpu.memory_space<vmem>>) target_semaphore(%arg11 : memref<!tpu.dma_semaphore, #tpu.memory_space<semaphore_mem>>)
    %dma_start3A_335 = arith.constant 61440 : i32
    %dma_start3A_336 = tpu.memref_slice %arg3[%dma_start3A_335] : memref<65536xi32, #tpu.memory_space<hbm>> -> memref<4096xi32, #tpu.memory_space<hbm>>
    %dma_start3A_337 = arith.constant 61440 : i32
    %dma_start3A_338 = tpu.memref_slice %arg3[%dma_start3A_337] : memref<65536xi32, #tpu.memory_space<hbm>> -> memref<4096xi32, #tpu.memory_space<hbm>>
    tpu.enqueue_dma source(%dma_start3A_338 : memref<4096xi32, #tpu.memory_space<hbm>>) target(%arg9 : memref<4096xi32, #tpu.memory_space<vmem>>) target_semaphore(%arg11 : memref<!tpu.dma_semaphore, #tpu.memory_space<semaphore_mem>>)
    %scan3A_339 = arith.constant 0 : i32
    %scan3A_340 = arith.constant 0 : i32
    %scan3A_341 = arith.constant 32 : i32
    %scan3A_342 = arith.addi %scan3A_340, %scan3A_341 : i32
    %scan3A_343 = arith.constant 1 : i32
    scf.for %scan3A_361 = %scan3A_340 to %scan3A_342 step %scan3A_343  : i32 {
      %mul3A_362 = arith.constant 128 : i32
      %mul3A_363 = arith.muli %scan3A_361, %mul3A_362 : i32
      %add3A_364 = arith.constant 0 : i32
      %add3A_365 = arith.addi %mul3A_363, %add3A_364 : i32
      %get3A = arith.index_cast %add3A_365 : i32 to index
      %get3A_366 = tpu.vector_load %arg6[%get3A] {strides = array<i32>} : memref<4096xi32, #tpu.memory_space<vmem>>, vector<16xi32>,
      %sub3A = vector.broadcast %mul3A_3 : i32 to vector<16xi32>
      %sub3A_367 = arith.subi %get3A_366, %sub3A : vector<16xi32>
      %lt3A = arith.constant 65536 : i32
      %lt3A_368 = vector.broadcast %lt3A : i32 to vector<16xi32>
      %lt3A_369 = arith.cmpi ult, %sub3A_367, %lt3A_368 : vector<16xi32>
      %shift_right_arithmetic3A = arith.constant 10 : i32
      %shift_right_arithmetic3A_370 = vector.broadcast %shift_right_arithmetic3A : i32 to vector<16xi32>
      %shift_right_arithmetic3A_371 = arith.shrsi %sub3A_367, %shift_right_arithmetic3A_370 : vector<16xi32>
      %and3A = arith.constant 1023 : i32
      %and3A_372 = vector.broadcast %and3A : i32 to vector<16xi32>
      %and3A_373 = arith.andi %sub3A_367, %and3A_372 : vector<16xi32>
      %get3A_374 = arith.index_cast %add3A_365 : i32 to index
      %get3A_375 = tpu.vector_load %arg8[%get3A_374] {strides = array<i32>} : memref<4096xi32, #tpu.memory_space<vmem>>, vector<16xi32>,
      tpu.vector_store_idx %arg5[%shift_right_arithmetic3A_371, %and3A_373], %get3A_375 masked %lt3A_369 {add = true} : memref<64x1024xi32, #tpu.memory_space<vmem>>[vector<16xi32>, vector<16xi32>], vector<16xi32>, vector<16xi1>
      %mul3A_376 = arith.constant 128 : i32
      %mul3A_377 = arith.muli %scan3A_361, %mul3A_376 : i32
      %add3A_378 = arith.constant 16 : i32
      %add3A_379 = arith.addi %mul3A_377, %add3A_378 : i32
      %get3A_380 = arith.index_cast %add3A_379 : i32 to index
      %get3A_381 = tpu.vector_load %arg6[%get3A_380] {strides = array<i32>} : memref<4096xi32, #tpu.memory_space<vmem>>, vector<16xi32>,
      %sub3A_382 = vector.broadcast %mul3A_3 : i32 to vector<16xi32>
      %sub3A_383 = arith.subi %get3A_381, %sub3A_382 : vector<16xi32>
      %lt3A_384 = arith.constant 65536 : i32
      %lt3A_385 = vector.broadcast %lt3A_384 : i32 to vector<16xi32>
      %lt3A_386 = arith.cmpi ult, %sub3A_383, %lt3A_385 : vector<16xi32>
      %shift_right_arithmetic3A_387 = arith.constant 10 : i32
      %shift_right_arithmetic3A_388 = vector.broadcast %shift_right_arithmetic3A_387 : i32 to vector<16xi32>
      %shift_right_arithmetic3A_389 = arith.shrsi %sub3A_383, %shift_right_arithmetic3A_388 : vector<16xi32>
      %and3A_390 = arith.constant 1023 : i32
      %and3A_391 = vector.broadcast %and3A_390 : i32 to vector<16xi32>
      %and3A_392 = arith.andi %sub3A_383, %and3A_391 : vector<16xi32>
      %get3A_393 = arith.index_cast %add3A_379 : i32 to index
      %get3A_394 = tpu.vector_load %arg8[%get3A_393] {strides = array<i32>} : memref<4096xi32, #tpu.memory_space<vmem>>, vector<16xi32>,
      tpu.vector_store_idx %arg5[%shift_right_arithmetic3A_389, %and3A_392], %get3A_394 masked %lt3A_386 {add = true} : memref<64x1024xi32, #tpu.memory_space<vmem>>[vector<16xi32>, vector<16xi32>], vector<16xi32>, vector<16xi1>
      %mul3A_395 = arith.constant 128 : i32
      %mul3A_396 = arith.muli %scan3A_361, %mul3A_395 : i32
      %add3A_397 = arith.constant 32 : i32
      %add3A_398 = arith.addi %mul3A_396, %add3A_397 : i32
      %get3A_399 = arith.index_cast %add3A_398 : i32 to index
      %get3A_400 = tpu.vector_load %arg6[%get3A_399] {strides = array<i32>} : memref<4096xi32, #tpu.memory_space<vmem>>, vector<16xi32>,
      %sub3A_401 = vector.broadcast %mul3A_3 : i32 to vector<16xi32>
      %sub3A_402 = arith.subi %get3A_400, %sub3A_401 : vector<16xi32>
      %lt3A_403 = arith.constant 65536 : i32
      %lt3A_404 = vector.broadcast %lt3A_403 : i32 to vector<16xi32>
      %lt3A_405 = arith.cmpi ult, %sub3A_402, %lt3A_404 : vector<16xi32>
      %shift_right_arithmetic3A_406 = arith.constant 10 : i32
      %shift_right_arithmetic3A_407 = vector.broadcast %shift_right_arithmetic3A_406 : i32 to vector<16xi32>
      %shift_right_arithmetic3A_408 = arith.shrsi %sub3A_402, %shift_right_arithmetic3A_407 : vector<16xi32>
      %and3A_409 = arith.constant 1023 : i32
      %and3A_410 = vector.broadcast %and3A_409 : i32 to vector<16xi32>
      %and3A_411 = arith.andi %sub3A_402, %and3A_410 : vector<16xi32>
      %get3A_412 = arith.index_cast %add3A_398 : i32 to index
      %get3A_413 = tpu.vector_load %arg8[%get3A_412] {strides = array<i32>} : memref<4096xi32, #tpu.memory_space<vmem>>, vector<16xi32>,
      tpu.vector_store_idx %arg5[%shift_right_arithmetic3A_408, %and3A_411], %get3A_413 masked %lt3A_405 {add = true} : memref<64x1024xi32, #tpu.memory_space<vmem>>[vector<16xi32>, vector<16xi32>], vector<16xi32>, vector<16xi1>
      %mul3A_414 = arith.constant 128 : i32
      %mul3A_415 = arith.muli %scan3A_361, %mul3A_414 : i32
      %add3A_416 = arith.constant 48 : i32
      %add3A_417 = arith.addi %mul3A_415, %add3A_416 : i32
      %get3A_418 = arith.index_cast %add3A_417 : i32 to index
      %get3A_419 = tpu.vector_load %arg6[%get3A_418] {strides = array<i32>} : memref<4096xi32, #tpu.memory_space<vmem>>, vector<16xi32>,
      %sub3A_420 = vector.broadcast %mul3A_3 : i32 to vector<16xi32>
      %sub3A_421 = arith.subi %get3A_419, %sub3A_420 : vector<16xi32>
      %lt3A_422 = arith.constant 65536 : i32
      %lt3A_423 = vector.broadcast %lt3A_422 : i32 to vector<16xi32>
      %lt3A_424 = arith.cmpi ult, %sub3A_421, %lt3A_423 : vector<16xi32>
      %shift_right_arithmetic3A_425 = arith.constant 10 : i32
      %shift_right_arithmetic3A_426 = vector.broadcast %shift_right_arithmetic3A_425 : i32 to vector<16xi32>
      %shift_right_arithmetic3A_427 = arith.shrsi %sub3A_421, %shift_right_arithmetic3A_426 : vector<16xi32>
      %and3A_428 = arith.constant 1023 : i32
      %and3A_429 = vector.broadcast %and3A_428 : i32 to vector<16xi32>
      %and3A_430 = arith.andi %sub3A_421, %and3A_429 : vector<16xi32>
      %get3A_431 = arith.index_cast %add3A_417 : i32 to index
      %get3A_432 = tpu.vector_load %arg8[%get3A_431] {strides = array<i32>} : memref<4096xi32, #tpu.memory_space<vmem>>, vector<16xi32>,
      tpu.vector_store_idx %arg5[%shift_right_arithmetic3A_427, %and3A_430], %get3A_432 masked %lt3A_424 {add = true} : memref<64x1024xi32, #tpu.memory_space<vmem>>[vector<16xi32>, vector<16xi32>], vector<16xi32>, vector<16xi1>
      %mul3A_433 = arith.constant 128 : i32
      %mul3A_434 = arith.muli %scan3A_361, %mul3A_433 : i32
      %add3A_435 = arith.constant 64 : i32
      %add3A_436 = arith.addi %mul3A_434, %add3A_435 : i32
      %get3A_437 = arith.index_cast %add3A_436 : i32 to index
      %get3A_438 = tpu.vector_load %arg6[%get3A_437] {strides = array<i32>} : memref<4096xi32, #tpu.memory_space<vmem>>, vector<16xi32>,
      %sub3A_439 = vector.broadcast %mul3A_3 : i32 to vector<16xi32>
      %sub3A_440 = arith.subi %get3A_438, %sub3A_439 : vector<16xi32>
      %lt3A_441 = arith.constant 65536 : i32
      %lt3A_442 = vector.broadcast %lt3A_441 : i32 to vector<16xi32>
      %lt3A_443 = arith.cmpi ult, %sub3A_440, %lt3A_442 : vector<16xi32>
      %shift_right_arithmetic3A_444 = arith.constant 10 : i32
      %shift_right_arithmetic3A_445 = vector.broadcast %shift_right_arithmetic3A_444 : i32 to vector<16xi32>
      %shift_right_arithmetic3A_446 = arith.shrsi %sub3A_440, %shift_right_arithmetic3A_445 : vector<16xi32>
      %and3A_447 = arith.constant 1023 : i32
      %and3A_448 = vector.broadcast %and3A_447 : i32 to vector<16xi32>
      %and3A_449 = arith.andi %sub3A_440, %and3A_448 : vector<16xi32>
      %get3A_450 = arith.index_cast %add3A_436 : i32 to index
      %get3A_451 = tpu.vector_load %arg8[%get3A_450] {strides = array<i32>} : memref<4096xi32, #tpu.memory_space<vmem>>, vector<16xi32>,
      tpu.vector_store_idx %arg5[%shift_right_arithmetic3A_446, %and3A_449], %get3A_451 masked %lt3A_443 {add = true} : memref<64x1024xi32, #tpu.memory_space<vmem>>[vector<16xi32>, vector<16xi32>], vector<16xi32>, vector<16xi1>
      %mul3A_452 = arith.constant 128 : i32
      %mul3A_453 = arith.muli %scan3A_361, %mul3A_452 : i32
      %add3A_454 = arith.constant 80 : i32
      %add3A_455 = arith.addi %mul3A_453, %add3A_454 : i32
      %get3A_456 = arith.index_cast %add3A_455 : i32 to index
      %get3A_457 = tpu.vector_load %arg6[%get3A_456] {strides = array<i32>} : memref<4096xi32, #tpu.memory_space<vmem>>, vector<16xi32>,
      %sub3A_458 = vector.broadcast %mul3A_3 : i32 to vector<16xi32>
      %sub3A_459 = arith.subi %get3A_457, %sub3A_458 : vector<16xi32>
      %lt3A_460 = arith.constant 65536 : i32
      %lt3A_461 = vector.broadcast %lt3A_460 : i32 to vector<16xi32>
      %lt3A_462 = arith.cmpi ult, %sub3A_459, %lt3A_461 : vector<16xi32>
      %shift_right_arithmetic3A_463 = arith.constant 10 : i32
      %shift_right_arithmetic3A_464 = vector.broadcast %shift_right_arithmetic3A_463 : i32 to vector<16xi32>
      %shift_right_arithmetic3A_465 = arith.shrsi %sub3A_459, %shift_right_arithmetic3A_464 : vector<16xi32>
      %and3A_466 = arith.constant 1023 : i32
      %and3A_467 = vector.broadcast %and3A_466 : i32 to vector<16xi32>
      %and3A_468 = arith.andi %sub3A_459, %and3A_467 : vector<16xi32>
      %get3A_469 = arith.index_cast %add3A_455 : i32 to index
      %get3A_470 = tpu.vector_load %arg8[%get3A_469] {strides = array<i32>} : memref<4096xi32, #tpu.memory_space<vmem>>, vector<16xi32>,
      tpu.vector_store_idx %arg5[%shift_right_arithmetic3A_465, %and3A_468], %get3A_470 masked %lt3A_462 {add = true} : memref<64x1024xi32, #tpu.memory_space<vmem>>[vector<16xi32>, vector<16xi32>], vector<16xi32>, vector<16xi1>
      %mul3A_471 = arith.constant 128 : i32
      %mul3A_472 = arith.muli %scan3A_361, %mul3A_471 : i32
      %add3A_473 = arith.constant 96 : i32
      %add3A_474 = arith.addi %mul3A_472, %add3A_473 : i32
      %get3A_475 = arith.index_cast %add3A_474 : i32 to index
      %get3A_476 = tpu.vector_load %arg6[%get3A_475] {strides = array<i32>} : memref<4096xi32, #tpu.memory_space<vmem>>, vector<16xi32>,
      %sub3A_477 = vector.broadcast %mul3A_3 : i32 to vector<16xi32>
      %sub3A_478 = arith.subi %get3A_476, %sub3A_477 : vector<16xi32>
      %lt3A_479 = arith.constant 65536 : i32
      %lt3A_480 = vector.broadcast %lt3A_479 : i32 to vector<16xi32>
      %lt3A_481 = arith.cmpi ult, %sub3A_478, %lt3A_480 : vector<16xi32>
      %shift_right_arithmetic3A_482 = arith.constant 10 : i32
      %shift_right_arithmetic3A_483 = vector.broadcast %shift_right_arithmetic3A_482 : i32 to vector<16xi32>
      %shift_right_arithmetic3A_484 = arith.shrsi %sub3A_478, %shift_right_arithmetic3A_483 : vector<16xi32>
      %and3A_485 = arith.constant 1023 : i32
      %and3A_486 = vector.broadcast %and3A_485 : i32 to vector<16xi32>
      %and3A_487 = arith.andi %sub3A_478, %and3A_486 : vector<16xi32>
      %get3A_488 = arith.index_cast %add3A_474 : i32 to index
      %get3A_489 = tpu.vector_load %arg8[%get3A_488] {strides = array<i32>} : memref<4096xi32, #tpu.memory_space<vmem>>, vector<16xi32>,
      tpu.vector_store_idx %arg5[%shift_right_arithmetic3A_484, %and3A_487], %get3A_489 masked %lt3A_481 {add = true} : memref<64x1024xi32, #tpu.memory_space<vmem>>[vector<16xi32>, vector<16xi32>], vector<16xi32>, vector<16xi1>
      %mul3A_490 = arith.constant 128 : i32
      %mul3A_491 = arith.muli %scan3A_361, %mul3A_490 : i32
      %add3A_492 = arith.constant 112 : i32
      %add3A_493 = arith.addi %mul3A_491, %add3A_492 : i32
      %get3A_494 = arith.index_cast %add3A_493 : i32 to index
      %get3A_495 = tpu.vector_load %arg6[%get3A_494] {strides = array<i32>} : memref<4096xi32, #tpu.memory_space<vmem>>, vector<16xi32>,
      %sub3A_496 = vector.broadcast %mul3A_3 : i32 to vector<16xi32>
      %sub3A_497 = arith.subi %get3A_495, %sub3A_496 : vector<16xi32>
      %lt3A_498 = arith.constant 65536 : i32
      %lt3A_499 = vector.broadcast %lt3A_498 : i32 to vector<16xi32>
      %lt3A_500 = arith.cmpi ult, %sub3A_497, %lt3A_499 : vector<16xi32>
      %shift_right_arithmetic3A_501 = arith.constant 10 : i32
      %shift_right_arithmetic3A_502 = vector.broadcast %shift_right_arithmetic3A_501 : i32 to vector<16xi32>
      %shift_right_arithmetic3A_503 = arith.shrsi %sub3A_497, %shift_right_arithmetic3A_502 : vector<16xi32>
      %and3A_504 = arith.constant 1023 : i32
      %and3A_505 = vector.broadcast %and3A_504 : i32 to vector<16xi32>
      %and3A_506 = arith.andi %sub3A_497, %and3A_505 : vector<16xi32>
      %get3A_507 = arith.index_cast %add3A_493 : i32 to index
      %get3A_508 = tpu.vector_load %arg8[%get3A_507] {strides = array<i32>} : memref<4096xi32, #tpu.memory_space<vmem>>, vector<16xi32>,
      tpu.vector_store_idx %arg5[%shift_right_arithmetic3A_503, %and3A_506], %get3A_508 masked %lt3A_500 {add = true} : memref<64x1024xi32, #tpu.memory_space<vmem>>[vector<16xi32>, vector<16xi32>], vector<16xi32>, vector<16xi1>
    }
    %scan3A_344 = arith.constant 32 : i32
    %dma_wait3A_345 = arith.constant 61440 : i32
    %dma_wait3A_346 = tpu.memref_slice %arg2[%dma_wait3A_345] : memref<65536xi32, #tpu.memory_space<hbm>> -> memref<4096xi32, #tpu.memory_space<hbm>>
    %dma_wait3A_347 = arith.constant 61440 : i32
    %dma_wait3A_348 = tpu.memref_slice %arg2[%dma_wait3A_347] : memref<65536xi32, #tpu.memory_space<hbm>> -> memref<4096xi32, #tpu.memory_space<hbm>>
    tpu.wait_dma2 semaphore(%arg11 : memref<!tpu.dma_semaphore, #tpu.memory_space<semaphore_mem>>) src(%dma_wait3A_348 : memref<4096xi32, #tpu.memory_space<hbm>>) dst(%arg7 : memref<4096xi32, #tpu.memory_space<vmem>>)
    %dma_wait3A_349 = arith.constant 61440 : i32
    %dma_wait3A_350 = tpu.memref_slice %arg3[%dma_wait3A_349] : memref<65536xi32, #tpu.memory_space<hbm>> -> memref<4096xi32, #tpu.memory_space<hbm>>
    %dma_wait3A_351 = arith.constant 61440 : i32
    %dma_wait3A_352 = tpu.memref_slice %arg3[%dma_wait3A_351] : memref<65536xi32, #tpu.memory_space<hbm>> -> memref<4096xi32, #tpu.memory_space<hbm>>
    tpu.wait_dma2 semaphore(%arg11 : memref<!tpu.dma_semaphore, #tpu.memory_space<semaphore_mem>>) src(%dma_wait3A_352 : memref<4096xi32, #tpu.memory_space<hbm>>) dst(%arg9 : memref<4096xi32, #tpu.memory_space<vmem>>)
    %scan3A_353 = arith.constant 0 : i32
    %scan3A_354 = arith.constant 0 : i32
    %scan3A_355 = arith.constant 32 : i32
    %scan3A_356 = arith.addi %scan3A_354, %scan3A_355 : i32
    %scan3A_357 = arith.constant 1 : i32
    scf.for %scan3A_361 = %scan3A_354 to %scan3A_356 step %scan3A_357  : i32 {
      %mul3A_362 = arith.constant 128 : i32
      %mul3A_363 = arith.muli %scan3A_361, %mul3A_362 : i32
      %add3A_364 = arith.constant 0 : i32
      %add3A_365 = arith.addi %mul3A_363, %add3A_364 : i32
      %get3A = arith.index_cast %add3A_365 : i32 to index
      %get3A_366 = tpu.vector_load %arg7[%get3A] {strides = array<i32>} : memref<4096xi32, #tpu.memory_space<vmem>>, vector<16xi32>,
      %sub3A = vector.broadcast %mul3A_3 : i32 to vector<16xi32>
      %sub3A_367 = arith.subi %get3A_366, %sub3A : vector<16xi32>
      %lt3A = arith.constant 65536 : i32
      %lt3A_368 = vector.broadcast %lt3A : i32 to vector<16xi32>
      %lt3A_369 = arith.cmpi ult, %sub3A_367, %lt3A_368 : vector<16xi32>
      %shift_right_arithmetic3A = arith.constant 10 : i32
      %shift_right_arithmetic3A_370 = vector.broadcast %shift_right_arithmetic3A : i32 to vector<16xi32>
      %shift_right_arithmetic3A_371 = arith.shrsi %sub3A_367, %shift_right_arithmetic3A_370 : vector<16xi32>
      %and3A = arith.constant 1023 : i32
      %and3A_372 = vector.broadcast %and3A : i32 to vector<16xi32>
      %and3A_373 = arith.andi %sub3A_367, %and3A_372 : vector<16xi32>
      %get3A_374 = arith.index_cast %add3A_365 : i32 to index
      %get3A_375 = tpu.vector_load %arg9[%get3A_374] {strides = array<i32>} : memref<4096xi32, #tpu.memory_space<vmem>>, vector<16xi32>,
      tpu.vector_store_idx %arg5[%shift_right_arithmetic3A_371, %and3A_373], %get3A_375 masked %lt3A_369 {add = true} : memref<64x1024xi32, #tpu.memory_space<vmem>>[vector<16xi32>, vector<16xi32>], vector<16xi32>, vector<16xi1>
      %mul3A_376 = arith.constant 128 : i32
      %mul3A_377 = arith.muli %scan3A_361, %mul3A_376 : i32
      %add3A_378 = arith.constant 16 : i32
      %add3A_379 = arith.addi %mul3A_377, %add3A_378 : i32
      %get3A_380 = arith.index_cast %add3A_379 : i32 to index
      %get3A_381 = tpu.vector_load %arg7[%get3A_380] {strides = array<i32>} : memref<4096xi32, #tpu.memory_space<vmem>>, vector<16xi32>,
      %sub3A_382 = vector.broadcast %mul3A_3 : i32 to vector<16xi32>
      %sub3A_383 = arith.subi %get3A_381, %sub3A_382 : vector<16xi32>
      %lt3A_384 = arith.constant 65536 : i32
      %lt3A_385 = vector.broadcast %lt3A_384 : i32 to vector<16xi32>
      %lt3A_386 = arith.cmpi ult, %sub3A_383, %lt3A_385 : vector<16xi32>
      %shift_right_arithmetic3A_387 = arith.constant 10 : i32
      %shift_right_arithmetic3A_388 = vector.broadcast %shift_right_arithmetic3A_387 : i32 to vector<16xi32>
      %shift_right_arithmetic3A_389 = arith.shrsi %sub3A_383, %shift_right_arithmetic3A_388 : vector<16xi32>
      %and3A_390 = arith.constant 1023 : i32
      %and3A_391 = vector.broadcast %and3A_390 : i32 to vector<16xi32>
      %and3A_392 = arith.andi %sub3A_383, %and3A_391 : vector<16xi32>
      %get3A_393 = arith.index_cast %add3A_379 : i32 to index
      %get3A_394 = tpu.vector_load %arg9[%get3A_393] {strides = array<i32>} : memref<4096xi32, #tpu.memory_space<vmem>>, vector<16xi32>,
      tpu.vector_store_idx %arg5[%shift_right_arithmetic3A_389, %and3A_392], %get3A_394 masked %lt3A_386 {add = true} : memref<64x1024xi32, #tpu.memory_space<vmem>>[vector<16xi32>, vector<16xi32>], vector<16xi32>, vector<16xi1>
      %mul3A_395 = arith.constant 128 : i32
      %mul3A_396 = arith.muli %scan3A_361, %mul3A_395 : i32
      %add3A_397 = arith.constant 32 : i32
      %add3A_398 = arith.addi %mul3A_396, %add3A_397 : i32
      %get3A_399 = arith.index_cast %add3A_398 : i32 to index
      %get3A_400 = tpu.vector_load %arg7[%get3A_399] {strides = array<i32>} : memref<4096xi32, #tpu.memory_space<vmem>>, vector<16xi32>,
      %sub3A_401 = vector.broadcast %mul3A_3 : i32 to vector<16xi32>
      %sub3A_402 = arith.subi %get3A_400, %sub3A_401 : vector<16xi32>
      %lt3A_403 = arith.constant 65536 : i32
      %lt3A_404 = vector.broadcast %lt3A_403 : i32 to vector<16xi32>
      %lt3A_405 = arith.cmpi ult, %sub3A_402, %lt3A_404 : vector<16xi32>
      %shift_right_arithmetic3A_406 = arith.constant 10 : i32
      %shift_right_arithmetic3A_407 = vector.broadcast %shift_right_arithmetic3A_406 : i32 to vector<16xi32>
      %shift_right_arithmetic3A_408 = arith.shrsi %sub3A_402, %shift_right_arithmetic3A_407 : vector<16xi32>
      %and3A_409 = arith.constant 1023 : i32
      %and3A_410 = vector.broadcast %and3A_409 : i32 to vector<16xi32>
      %and3A_411 = arith.andi %sub3A_402, %and3A_410 : vector<16xi32>
      %get3A_412 = arith.index_cast %add3A_398 : i32 to index
      %get3A_413 = tpu.vector_load %arg9[%get3A_412] {strides = array<i32>} : memref<4096xi32, #tpu.memory_space<vmem>>, vector<16xi32>,
      tpu.vector_store_idx %arg5[%shift_right_arithmetic3A_408, %and3A_411], %get3A_413 masked %lt3A_405 {add = true} : memref<64x1024xi32, #tpu.memory_space<vmem>>[vector<16xi32>, vector<16xi32>], vector<16xi32>, vector<16xi1>
      %mul3A_414 = arith.constant 128 : i32
      %mul3A_415 = arith.muli %scan3A_361, %mul3A_414 : i32
      %add3A_416 = arith.constant 48 : i32
      %add3A_417 = arith.addi %mul3A_415, %add3A_416 : i32
      %get3A_418 = arith.index_cast %add3A_417 : i32 to index
      %get3A_419 = tpu.vector_load %arg7[%get3A_418] {strides = array<i32>} : memref<4096xi32, #tpu.memory_space<vmem>>, vector<16xi32>,
      %sub3A_420 = vector.broadcast %mul3A_3 : i32 to vector<16xi32>
      %sub3A_421 = arith.subi %get3A_419, %sub3A_420 : vector<16xi32>
      %lt3A_422 = arith.constant 65536 : i32
      %lt3A_423 = vector.broadcast %lt3A_422 : i32 to vector<16xi32>
      %lt3A_424 = arith.cmpi ult, %sub3A_421, %lt3A_423 : vector<16xi32>
      %shift_right_arithmetic3A_425 = arith.constant 10 : i32
      %shift_right_arithmetic3A_426 = vector.broadcast %shift_right_arithmetic3A_425 : i32 to vector<16xi32>
      %shift_right_arithmetic3A_427 = arith.shrsi %sub3A_421, %shift_right_arithmetic3A_426 : vector<16xi32>
      %and3A_428 = arith.constant 1023 : i32
      %and3A_429 = vector.broadcast %and3A_428 : i32 to vector<16xi32>
      %and3A_430 = arith.andi %sub3A_421, %and3A_429 : vector<16xi32>
      %get3A_431 = arith.index_cast %add3A_417 : i32 to index
      %get3A_432 = tpu.vector_load %arg9[%get3A_431] {strides = array<i32>} : memref<4096xi32, #tpu.memory_space<vmem>>, vector<16xi32>,
      tpu.vector_store_idx %arg5[%shift_right_arithmetic3A_427, %and3A_430], %get3A_432 masked %lt3A_424 {add = true} : memref<64x1024xi32, #tpu.memory_space<vmem>>[vector<16xi32>, vector<16xi32>], vector<16xi32>, vector<16xi1>
      %mul3A_433 = arith.constant 128 : i32
      %mul3A_434 = arith.muli %scan3A_361, %mul3A_433 : i32
      %add3A_435 = arith.constant 64 : i32
      %add3A_436 = arith.addi %mul3A_434, %add3A_435 : i32
      %get3A_437 = arith.index_cast %add3A_436 : i32 to index
      %get3A_438 = tpu.vector_load %arg7[%get3A_437] {strides = array<i32>} : memref<4096xi32, #tpu.memory_space<vmem>>, vector<16xi32>,
      %sub3A_439 = vector.broadcast %mul3A_3 : i32 to vector<16xi32>
      %sub3A_440 = arith.subi %get3A_438, %sub3A_439 : vector<16xi32>
      %lt3A_441 = arith.constant 65536 : i32
      %lt3A_442 = vector.broadcast %lt3A_441 : i32 to vector<16xi32>
      %lt3A_443 = arith.cmpi ult, %sub3A_440, %lt3A_442 : vector<16xi32>
      %shift_right_arithmetic3A_444 = arith.constant 10 : i32
      %shift_right_arithmetic3A_445 = vector.broadcast %shift_right_arithmetic3A_444 : i32 to vector<16xi32>
      %shift_right_arithmetic3A_446 = arith.shrsi %sub3A_440, %shift_right_arithmetic3A_445 : vector<16xi32>
      %and3A_447 = arith.constant 1023 : i32
      %and3A_448 = vector.broadcast %and3A_447 : i32 to vector<16xi32>
      %and3A_449 = arith.andi %sub3A_440, %and3A_448 : vector<16xi32>
      %get3A_450 = arith.index_cast %add3A_436 : i32 to index
      %get3A_451 = tpu.vector_load %arg9[%get3A_450] {strides = array<i32>} : memref<4096xi32, #tpu.memory_space<vmem>>, vector<16xi32>,
      tpu.vector_store_idx %arg5[%shift_right_arithmetic3A_446, %and3A_449], %get3A_451 masked %lt3A_443 {add = true} : memref<64x1024xi32, #tpu.memory_space<vmem>>[vector<16xi32>, vector<16xi32>], vector<16xi32>, vector<16xi1>
      %mul3A_452 = arith.constant 128 : i32
      %mul3A_453 = arith.muli %scan3A_361, %mul3A_452 : i32
      %add3A_454 = arith.constant 80 : i32
      %add3A_455 = arith.addi %mul3A_453, %add3A_454 : i32
      %get3A_456 = arith.index_cast %add3A_455 : i32 to index
      %get3A_457 = tpu.vector_load %arg7[%get3A_456] {strides = array<i32>} : memref<4096xi32, #tpu.memory_space<vmem>>, vector<16xi32>,
      %sub3A_458 = vector.broadcast %mul3A_3 : i32 to vector<16xi32>
      %sub3A_459 = arith.subi %get3A_457, %sub3A_458 : vector<16xi32>
      %lt3A_460 = arith.constant 65536 : i32
      %lt3A_461 = vector.broadcast %lt3A_460 : i32 to vector<16xi32>
      %lt3A_462 = arith.cmpi ult, %sub3A_459, %lt3A_461 : vector<16xi32>
      %shift_right_arithmetic3A_463 = arith.constant 10 : i32
      %shift_right_arithmetic3A_464 = vector.broadcast %shift_right_arithmetic3A_463 : i32 to vector<16xi32>
      %shift_right_arithmetic3A_465 = arith.shrsi %sub3A_459, %shift_right_arithmetic3A_464 : vector<16xi32>
      %and3A_466 = arith.constant 1023 : i32
      %and3A_467 = vector.broadcast %and3A_466 : i32 to vector<16xi32>
      %and3A_468 = arith.andi %sub3A_459, %and3A_467 : vector<16xi32>
      %get3A_469 = arith.index_cast %add3A_455 : i32 to index
      %get3A_470 = tpu.vector_load %arg9[%get3A_469] {strides = array<i32>} : memref<4096xi32, #tpu.memory_space<vmem>>, vector<16xi32>,
      tpu.vector_store_idx %arg5[%shift_right_arithmetic3A_465, %and3A_468], %get3A_470 masked %lt3A_462 {add = true} : memref<64x1024xi32, #tpu.memory_space<vmem>>[vector<16xi32>, vector<16xi32>], vector<16xi32>, vector<16xi1>
      %mul3A_471 = arith.constant 128 : i32
      %mul3A_472 = arith.muli %scan3A_361, %mul3A_471 : i32
      %add3A_473 = arith.constant 96 : i32
      %add3A_474 = arith.addi %mul3A_472, %add3A_473 : i32
      %get3A_475 = arith.index_cast %add3A_474 : i32 to index
      %get3A_476 = tpu.vector_load %arg7[%get3A_475] {strides = array<i32>} : memref<4096xi32, #tpu.memory_space<vmem>>, vector<16xi32>,
      %sub3A_477 = vector.broadcast %mul3A_3 : i32 to vector<16xi32>
      %sub3A_478 = arith.subi %get3A_476, %sub3A_477 : vector<16xi32>
      %lt3A_479 = arith.constant 65536 : i32
      %lt3A_480 = vector.broadcast %lt3A_479 : i32 to vector<16xi32>
      %lt3A_481 = arith.cmpi ult, %sub3A_478, %lt3A_480 : vector<16xi32>
      %shift_right_arithmetic3A_482 = arith.constant 10 : i32
      %shift_right_arithmetic3A_483 = vector.broadcast %shift_right_arithmetic3A_482 : i32 to vector<16xi32>
      %shift_right_arithmetic3A_484 = arith.shrsi %sub3A_478, %shift_right_arithmetic3A_483 : vector<16xi32>
      %and3A_485 = arith.constant 1023 : i32
      %and3A_486 = vector.broadcast %and3A_485 : i32 to vector<16xi32>
      %and3A_487 = arith.andi %sub3A_478, %and3A_486 : vector<16xi32>
      %get3A_488 = arith.index_cast %add3A_474 : i32 to index
      %get3A_489 = tpu.vector_load %arg9[%get3A_488] {strides = array<i32>} : memref<4096xi32, #tpu.memory_space<vmem>>, vector<16xi32>,
      tpu.vector_store_idx %arg5[%shift_right_arithmetic3A_484, %and3A_487], %get3A_489 masked %lt3A_481 {add = true} : memref<64x1024xi32, #tpu.memory_space<vmem>>[vector<16xi32>, vector<16xi32>], vector<16xi32>, vector<16xi1>
      %mul3A_490 = arith.constant 128 : i32
      %mul3A_491 = arith.muli %scan3A_361, %mul3A_490 : i32
      %add3A_492 = arith.constant 112 : i32
      %add3A_493 = arith.addi %mul3A_491, %add3A_492 : i32
      %get3A_494 = arith.index_cast %add3A_493 : i32 to index
      %get3A_495 = tpu.vector_load %arg7[%get3A_494] {strides = array<i32>} : memref<4096xi32, #tpu.memory_space<vmem>>, vector<16xi32>,
      %sub3A_496 = vector.broadcast %mul3A_3 : i32 to vector<16xi32>
      %sub3A_497 = arith.subi %get3A_495, %sub3A_496 : vector<16xi32>
      %lt3A_498 = arith.constant 65536 : i32
      %lt3A_499 = vector.broadcast %lt3A_498 : i32 to vector<16xi32>
      %lt3A_500 = arith.cmpi ult, %sub3A_497, %lt3A_499 : vector<16xi32>
      %shift_right_arithmetic3A_501 = arith.constant 10 : i32
      %shift_right_arithmetic3A_502 = vector.broadcast %shift_right_arithmetic3A_501 : i32 to vector<16xi32>
      %shift_right_arithmetic3A_503 = arith.shrsi %sub3A_497, %shift_right_arithmetic3A_502 : vector<16xi32>
      %and3A_504 = arith.constant 1023 : i32
      %and3A_505 = vector.broadcast %and3A_504 : i32 to vector<16xi32>
      %and3A_506 = arith.andi %sub3A_497, %and3A_505 : vector<16xi32>
      %get3A_507 = arith.index_cast %add3A_493 : i32 to index
      %get3A_508 = tpu.vector_load %arg9[%get3A_507] {strides = array<i32>} : memref<4096xi32, #tpu.memory_space<vmem>>, vector<16xi32>,
      tpu.vector_store_idx %arg5[%shift_right_arithmetic3A_503, %and3A_506], %get3A_508 masked %lt3A_500 {add = true} : memref<64x1024xi32, #tpu.memory_space<vmem>>[vector<16xi32>, vector<16xi32>], vector<16xi32>, vector<16xi1>
    }
    %scan3A_358 = arith.constant 32 : i32
    %mul3A_359 = arith.constant 64 : i32
    %mul3A_360 = arith.muli %add3A, %mul3A_359 : i32
    "tpu.region"() ({
      %run_scoped3A = tpu.sem_alloc : memref<!tpu.dma_semaphore, #tpu.memory_space<semaphore_mem>>
      %dma_start3A_361 = arith.constant 0 : i32
      %dma_start3A_362 = tpu.memref_slice %arg4[%mul3A_360, %dma_start3A_361] : memref<2048x1024xi32, #tpu.memory_space<hbm>> -> memref<64x1024xi32, #tpu.memory_space<hbm>>
      %dma_start3A_363 = arith.constant 0 : i32
      %dma_start3A_364 = tpu.memref_slice %arg4[%mul3A_360, %dma_start3A_363] : memref<2048x1024xi32, #tpu.memory_space<hbm>> -> memref<64x1024xi32, #tpu.memory_space<hbm>>
      tpu.enqueue_dma source(%arg5 : memref<64x1024xi32, #tpu.memory_space<vmem>>) target(%dma_start3A_364 : memref<64x1024xi32, #tpu.memory_space<hbm>>) target_semaphore(%run_scoped3A : memref<!tpu.dma_semaphore, #tpu.memory_space<semaphore_mem>>)
      %dma_wait3A_365 = arith.constant 0 : i32
      %dma_wait3A_366 = tpu.memref_slice %arg4[%mul3A_360, %dma_wait3A_365] : memref<2048x1024xi32, #tpu.memory_space<hbm>> -> memref<64x1024xi32, #tpu.memory_space<hbm>>
      %dma_wait3A_367 = arith.constant 0 : i32
      %dma_wait3A_368 = tpu.memref_slice %arg4[%mul3A_360, %dma_wait3A_367] : memref<2048x1024xi32, #tpu.memory_space<hbm>> -> memref<64x1024xi32, #tpu.memory_space<hbm>>
      tpu.wait_dma2 semaphore(%run_scoped3A : memref<!tpu.dma_semaphore, #tpu.memory_space<semaphore_mem>>) src(%arg5 : memref<64x1024xi32, #tpu.memory_space<vmem>>) dst(%dma_wait3A_368 : memref<64x1024xi32, #tpu.memory_space<hbm>>)
      tpu.yield
    }) : () -> ()
    return
  }
}

#map = affine_map<(d0, d1) -> (0)>
#map1 = affine_map<(d0, d1) -> (0, 0)>
module attributes {stable_mosaic.version = 14 : i64} {
  func.func @_sc_motif_body(%arg0: i32, %arg1: i32, %arg2: memref<2048xi32, #tpu.memory_space<hbm>>, %arg3: memref<512x512xf32, #tpu.memory_space<hbm>>, %arg4: memref<16x512xf32, #tpu.memory_space<vmem>>, %arg5: memref<2048xi32, #tpu.memory_space<vmem>>) attributes {dimension_semantics = [#tpu.dimension_semantics<core_parallel>, #tpu.dimension_semantics<subcore_parallel>], iteration_bounds = array<i64: 2, 16>, scalar_prefetch = 0 : i64, scratch_operands = 2 : i64, tpu.core_type = #tpu.core_type<sc_vector_subcore>, window_params = [{transform_indices = #map}, {transform_indices = #map1}]} {
    %mul3A = arith.constant 2 : i32
    %mul3A_0 = arith.muli %arg1, %mul3A : i32
    %add3A = arith.addi %mul3A_0, %arg0 : i32
    %broadcast_in_dim3A = arith.constant 1.000000e+00 : f32
    %broadcast_in_dim3A_1 = vector.broadcast %broadcast_in_dim3A : f32 to vector<16xf32>
    %broadcast_in_dim3A_2 = arith.constant 0.000000e+00 : f32
    %broadcast_in_dim3A_3 = vector.broadcast %broadcast_in_dim3A_2 : f32 to vector<16xf32>
    %mul3A_4 = arith.constant 8192 : i32
    %mul3A_5 = arith.muli %add3A, %mul3A_4 : i32
    "tpu.region"() ({
      %run_scoped3A = tpu.sem_alloc : memref<!tpu.dma_semaphore, #tpu.memory_space<semaphore_mem>>
      tpu.enqueue_dma source(%arg2 : memref<2048xi32, #tpu.memory_space<hbm>>) target(%arg5 : memref<2048xi32, #tpu.memory_space<vmem>>) target_semaphore(%run_scoped3A : memref<!tpu.dma_semaphore, #tpu.memory_space<semaphore_mem>>)
      tpu.wait_dma2 semaphore(%run_scoped3A : memref<!tpu.dma_semaphore, #tpu.memory_space<semaphore_mem>>) src(%arg2 : memref<2048xi32, #tpu.memory_space<hbm>>) dst(%arg5 : memref<2048xi32, #tpu.memory_space<vmem>>)
      tpu.yield
    }) : () -> ()
    %scan3A = arith.constant 0 : i32
    %scan3A_6 = arith.constant 0 : i32
    %scan3A_7 = arith.constant 64 : i32
    %scan3A_8 = arith.addi %scan3A_6, %scan3A_7 : i32
    %scan3A_9 = arith.constant 1 : i32
    scf.for %scan3A_19 = %scan3A_6 to %scan3A_8 step %scan3A_9  : i32 {
      %shift_right_arithmetic3A = arith.constant 2 : i32
      %shift_right_arithmetic3A_20 = arith.shrsi %scan3A_19, %shift_right_arithmetic3A : i32
      %and3A = arith.constant 3 : i32
      %and3A_21 = arith.andi %scan3A_19, %and3A : i32
      %mul3A_22 = arith.constant 128 : i32
      %mul3A_23 = arith.muli %and3A_21, %mul3A_22 : i32
      %add3A_24 = arith.constant 0 : i32
      %add3A_25 = arith.addi %mul3A_23, %add3A_24 : i32
      %swap3A = arith.index_cast %shift_right_arithmetic3A_20 : i32 to index
      %swap3A_26 = arith.index_cast %add3A_25 : i32 to index
      %swap3A_27 = tpu.vector_load %arg4[%swap3A, %swap3A_26] {strides = array<i32>} : memref<16x512xf32, #tpu.memory_space<vmem>>, vector<16xf32>,
      tpu.vector_store %arg4[%swap3A, %swap3A_26], %broadcast_in_dim3A_3 {strides = array<i32>} : memref<16x512xf32, #tpu.memory_space<vmem>>, vector<16xf32>,
      %add3A_28 = arith.constant 16 : i32
      %add3A_29 = arith.addi %mul3A_23, %add3A_28 : i32
      %swap3A_30 = arith.index_cast %shift_right_arithmetic3A_20 : i32 to index
      %swap3A_31 = arith.index_cast %add3A_29 : i32 to index
      %swap3A_32 = tpu.vector_load %arg4[%swap3A_30, %swap3A_31] {strides = array<i32>} : memref<16x512xf32, #tpu.memory_space<vmem>>, vector<16xf32>,
      tpu.vector_store %arg4[%swap3A_30, %swap3A_31], %broadcast_in_dim3A_3 {strides = array<i32>} : memref<16x512xf32, #tpu.memory_space<vmem>>, vector<16xf32>,
      %add3A_33 = arith.constant 32 : i32
      %add3A_34 = arith.addi %mul3A_23, %add3A_33 : i32
      %swap3A_35 = arith.index_cast %shift_right_arithmetic3A_20 : i32 to index
      %swap3A_36 = arith.index_cast %add3A_34 : i32 to index
      %swap3A_37 = tpu.vector_load %arg4[%swap3A_35, %swap3A_36] {strides = array<i32>} : memref<16x512xf32, #tpu.memory_space<vmem>>, vector<16xf32>,
      tpu.vector_store %arg4[%swap3A_35, %swap3A_36], %broadcast_in_dim3A_3 {strides = array<i32>} : memref<16x512xf32, #tpu.memory_space<vmem>>, vector<16xf32>,
      %add3A_38 = arith.constant 48 : i32
      %add3A_39 = arith.addi %mul3A_23, %add3A_38 : i32
      %swap3A_40 = arith.index_cast %shift_right_arithmetic3A_20 : i32 to index
      %swap3A_41 = arith.index_cast %add3A_39 : i32 to index
      %swap3A_42 = tpu.vector_load %arg4[%swap3A_40, %swap3A_41] {strides = array<i32>} : memref<16x512xf32, #tpu.memory_space<vmem>>, vector<16xf32>,
      tpu.vector_store %arg4[%swap3A_40, %swap3A_41], %broadcast_in_dim3A_3 {strides = array<i32>} : memref<16x512xf32, #tpu.memory_space<vmem>>, vector<16xf32>,
      %add3A_43 = arith.constant 64 : i32
      %add3A_44 = arith.addi %mul3A_23, %add3A_43 : i32
      %swap3A_45 = arith.index_cast %shift_right_arithmetic3A_20 : i32 to index
      %swap3A_46 = arith.index_cast %add3A_44 : i32 to index
      %swap3A_47 = tpu.vector_load %arg4[%swap3A_45, %swap3A_46] {strides = array<i32>} : memref<16x512xf32, #tpu.memory_space<vmem>>, vector<16xf32>,
      tpu.vector_store %arg4[%swap3A_45, %swap3A_46], %broadcast_in_dim3A_3 {strides = array<i32>} : memref<16x512xf32, #tpu.memory_space<vmem>>, vector<16xf32>,
      %add3A_48 = arith.constant 80 : i32
      %add3A_49 = arith.addi %mul3A_23, %add3A_48 : i32
      %swap3A_50 = arith.index_cast %shift_right_arithmetic3A_20 : i32 to index
      %swap3A_51 = arith.index_cast %add3A_49 : i32 to index
      %swap3A_52 = tpu.vector_load %arg4[%swap3A_50, %swap3A_51] {strides = array<i32>} : memref<16x512xf32, #tpu.memory_space<vmem>>, vector<16xf32>,
      tpu.vector_store %arg4[%swap3A_50, %swap3A_51], %broadcast_in_dim3A_3 {strides = array<i32>} : memref<16x512xf32, #tpu.memory_space<vmem>>, vector<16xf32>,
      %add3A_53 = arith.constant 96 : i32
      %add3A_54 = arith.addi %mul3A_23, %add3A_53 : i32
      %swap3A_55 = arith.index_cast %shift_right_arithmetic3A_20 : i32 to index
      %swap3A_56 = arith.index_cast %add3A_54 : i32 to index
      %swap3A_57 = tpu.vector_load %arg4[%swap3A_55, %swap3A_56] {strides = array<i32>} : memref<16x512xf32, #tpu.memory_space<vmem>>, vector<16xf32>,
      tpu.vector_store %arg4[%swap3A_55, %swap3A_56], %broadcast_in_dim3A_3 {strides = array<i32>} : memref<16x512xf32, #tpu.memory_space<vmem>>, vector<16xf32>,
      %add3A_58 = arith.constant 112 : i32
      %add3A_59 = arith.addi %mul3A_23, %add3A_58 : i32
      %swap3A_60 = arith.index_cast %shift_right_arithmetic3A_20 : i32 to index
      %swap3A_61 = arith.index_cast %add3A_59 : i32 to index
      %swap3A_62 = tpu.vector_load %arg4[%swap3A_60, %swap3A_61] {strides = array<i32>} : memref<16x512xf32, #tpu.memory_space<vmem>>, vector<16xf32>,
      tpu.vector_store %arg4[%swap3A_60, %swap3A_61], %broadcast_in_dim3A_3 {strides = array<i32>} : memref<16x512xf32, #tpu.memory_space<vmem>>, vector<16xf32>,
    }
    %scan3A_10 = arith.constant 64 : i32
    %scan3A_11 = arith.constant 0 : i32
    %scan3A_12 = arith.constant 0 : i32
    %scan3A_13 = arith.constant 32 : i32
    %scan3A_14 = arith.addi %scan3A_12, %scan3A_13 : i32
    %scan3A_15 = arith.constant 1 : i32
    scf.for %scan3A_19 = %scan3A_12 to %scan3A_14 step %scan3A_15  : i32 {
      %mul3A_20 = arith.constant 64 : i32
      %mul3A_21 = arith.muli %scan3A_19, %mul3A_20 : i32
      %add3A_22 = arith.constant 0 : i32
      %add3A_23 = arith.addi %mul3A_21, %add3A_22 : i32
      %get3A = arith.index_cast %add3A_23 : i32 to index
      %get3A_24 = tpu.vector_load %arg5[%get3A] {strides = array<i32>} : memref<2048xi32, #tpu.memory_space<vmem>>, vector<16xi32>,
      %sub3A = vector.broadcast %mul3A_5 : i32 to vector<16xi32>
      %sub3A_25 = arith.subi %get3A_24, %sub3A : vector<16xi32>
      %lt3A = arith.constant 8192 : i32
      %lt3A_26 = vector.broadcast %lt3A : i32 to vector<16xi32>
      %lt3A_27 = arith.cmpi ult, %sub3A_25, %lt3A_26 : vector<16xi32>
      %shift_right_arithmetic3A = arith.constant 9 : i32
      %shift_right_arithmetic3A_28 = vector.broadcast %shift_right_arithmetic3A : i32 to vector<16xi32>
      %shift_right_arithmetic3A_29 = arith.shrsi %sub3A_25, %shift_right_arithmetic3A_28 : vector<16xi32>
      %and3A = arith.constant 511 : i32
      %and3A_30 = vector.broadcast %and3A : i32 to vector<16xi32>
      %and3A_31 = arith.andi %sub3A_25, %and3A_30 : vector<16xi32>
      tpu.vector_store_idx %arg4[%shift_right_arithmetic3A_29, %and3A_31], %broadcast_in_dim3A_1 masked %lt3A_27 {add = true} : memref<16x512xf32, #tpu.memory_space<vmem>>[vector<16xi32>, vector<16xi32>], vector<16xf32>, vector<16xi1>
      %mul3A_32 = arith.constant 64 : i32
      %mul3A_33 = arith.muli %scan3A_19, %mul3A_32 : i32
      %add3A_34 = arith.constant 16 : i32
      %add3A_35 = arith.addi %mul3A_33, %add3A_34 : i32
      %get3A_36 = arith.index_cast %add3A_35 : i32 to index
      %get3A_37 = tpu.vector_load %arg5[%get3A_36] {strides = array<i32>} : memref<2048xi32, #tpu.memory_space<vmem>>, vector<16xi32>,
      %sub3A_38 = vector.broadcast %mul3A_5 : i32 to vector<16xi32>
      %sub3A_39 = arith.subi %get3A_37, %sub3A_38 : vector<16xi32>
      %lt3A_40 = arith.constant 8192 : i32
      %lt3A_41 = vector.broadcast %lt3A_40 : i32 to vector<16xi32>
      %lt3A_42 = arith.cmpi ult, %sub3A_39, %lt3A_41 : vector<16xi32>
      %shift_right_arithmetic3A_43 = arith.constant 9 : i32
      %shift_right_arithmetic3A_44 = vector.broadcast %shift_right_arithmetic3A_43 : i32 to vector<16xi32>
      %shift_right_arithmetic3A_45 = arith.shrsi %sub3A_39, %shift_right_arithmetic3A_44 : vector<16xi32>
      %and3A_46 = arith.constant 511 : i32
      %and3A_47 = vector.broadcast %and3A_46 : i32 to vector<16xi32>
      %and3A_48 = arith.andi %sub3A_39, %and3A_47 : vector<16xi32>
      tpu.vector_store_idx %arg4[%shift_right_arithmetic3A_45, %and3A_48], %broadcast_in_dim3A_1 masked %lt3A_42 {add = true} : memref<16x512xf32, #tpu.memory_space<vmem>>[vector<16xi32>, vector<16xi32>], vector<16xf32>, vector<16xi1>
      %mul3A_49 = arith.constant 64 : i32
      %mul3A_50 = arith.muli %scan3A_19, %mul3A_49 : i32
      %add3A_51 = arith.constant 32 : i32
      %add3A_52 = arith.addi %mul3A_50, %add3A_51 : i32
      %get3A_53 = arith.index_cast %add3A_52 : i32 to index
      %get3A_54 = tpu.vector_load %arg5[%get3A_53] {strides = array<i32>} : memref<2048xi32, #tpu.memory_space<vmem>>, vector<16xi32>,
      %sub3A_55 = vector.broadcast %mul3A_5 : i32 to vector<16xi32>
      %sub3A_56 = arith.subi %get3A_54, %sub3A_55 : vector<16xi32>
      %lt3A_57 = arith.constant 8192 : i32
      %lt3A_58 = vector.broadcast %lt3A_57 : i32 to vector<16xi32>
      %lt3A_59 = arith.cmpi ult, %sub3A_56, %lt3A_58 : vector<16xi32>
      %shift_right_arithmetic3A_60 = arith.constant 9 : i32
      %shift_right_arithmetic3A_61 = vector.broadcast %shift_right_arithmetic3A_60 : i32 to vector<16xi32>
      %shift_right_arithmetic3A_62 = arith.shrsi %sub3A_56, %shift_right_arithmetic3A_61 : vector<16xi32>
      %and3A_63 = arith.constant 511 : i32
      %and3A_64 = vector.broadcast %and3A_63 : i32 to vector<16xi32>
      %and3A_65 = arith.andi %sub3A_56, %and3A_64 : vector<16xi32>
      tpu.vector_store_idx %arg4[%shift_right_arithmetic3A_62, %and3A_65], %broadcast_in_dim3A_1 masked %lt3A_59 {add = true} : memref<16x512xf32, #tpu.memory_space<vmem>>[vector<16xi32>, vector<16xi32>], vector<16xf32>, vector<16xi1>
      %mul3A_66 = arith.constant 64 : i32
      %mul3A_67 = arith.muli %scan3A_19, %mul3A_66 : i32
      %add3A_68 = arith.constant 48 : i32
      %add3A_69 = arith.addi %mul3A_67, %add3A_68 : i32
      %get3A_70 = arith.index_cast %add3A_69 : i32 to index
      %get3A_71 = tpu.vector_load %arg5[%get3A_70] {strides = array<i32>} : memref<2048xi32, #tpu.memory_space<vmem>>, vector<16xi32>,
      %sub3A_72 = vector.broadcast %mul3A_5 : i32 to vector<16xi32>
      %sub3A_73 = arith.subi %get3A_71, %sub3A_72 : vector<16xi32>
      %lt3A_74 = arith.constant 8192 : i32
      %lt3A_75 = vector.broadcast %lt3A_74 : i32 to vector<16xi32>
      %lt3A_76 = arith.cmpi ult, %sub3A_73, %lt3A_75 : vector<16xi32>
      %shift_right_arithmetic3A_77 = arith.constant 9 : i32
      %shift_right_arithmetic3A_78 = vector.broadcast %shift_right_arithmetic3A_77 : i32 to vector<16xi32>
      %shift_right_arithmetic3A_79 = arith.shrsi %sub3A_73, %shift_right_arithmetic3A_78 : vector<16xi32>
      %and3A_80 = arith.constant 511 : i32
      %and3A_81 = vector.broadcast %and3A_80 : i32 to vector<16xi32>
      %and3A_82 = arith.andi %sub3A_73, %and3A_81 : vector<16xi32>
      tpu.vector_store_idx %arg4[%shift_right_arithmetic3A_79, %and3A_82], %broadcast_in_dim3A_1 masked %lt3A_76 {add = true} : memref<16x512xf32, #tpu.memory_space<vmem>>[vector<16xi32>, vector<16xi32>], vector<16xf32>, vector<16xi1>
    }
    %scan3A_16 = arith.constant 32 : i32
    %mul3A_17 = arith.constant 16 : i32
    %mul3A_18 = arith.muli %add3A, %mul3A_17 : i32
    "tpu.region"() ({
      %run_scoped3A = tpu.sem_alloc : memref<!tpu.dma_semaphore, #tpu.memory_space<semaphore_mem>>
      %dma_start3A = arith.constant 0 : i32
      %dma_start3A_19 = tpu.memref_slice %arg3[%mul3A_18, %dma_start3A] : memref<512x512xf32, #tpu.memory_space<hbm>> -> memref<16x512xf32, #tpu.memory_space<hbm>>
      %dma_start3A_20 = arith.constant 0 : i32
      %dma_start3A_21 = tpu.memref_slice %arg3[%mul3A_18, %dma_start3A_20] : memref<512x512xf32, #tpu.memory_space<hbm>> -> memref<16x512xf32, #tpu.memory_space<hbm>>
      tpu.enqueue_dma source(%arg4 : memref<16x512xf32, #tpu.memory_space<vmem>>) target(%dma_start3A_21 : memref<16x512xf32, #tpu.memory_space<hbm>>) target_semaphore(%run_scoped3A : memref<!tpu.dma_semaphore, #tpu.memory_space<semaphore_mem>>)
      %dma_wait3A = arith.constant 0 : i32
      %dma_wait3A_22 = tpu.memref_slice %arg3[%mul3A_18, %dma_wait3A] : memref<512x512xf32, #tpu.memory_space<hbm>> -> memref<16x512xf32, #tpu.memory_space<hbm>>
      %dma_wait3A_23 = arith.constant 0 : i32
      %dma_wait3A_24 = tpu.memref_slice %arg3[%mul3A_18, %dma_wait3A_23] : memref<512x512xf32, #tpu.memory_space<hbm>> -> memref<16x512xf32, #tpu.memory_space<hbm>>
      tpu.wait_dma2 semaphore(%run_scoped3A : memref<!tpu.dma_semaphore, #tpu.memory_space<semaphore_mem>>) src(%arg4 : memref<16x512xf32, #tpu.memory_space<vmem>>) dst(%dma_wait3A_24 : memref<16x512xf32, #tpu.memory_space<hbm>>)
      tpu.yield
    }) : () -> ()
    return
  }
}

module attributes {stable_mosaic.version = 14 : i64} {
  func.func @_flat_body(%arg0: memref<2x512x128xi32, #tpu.memory_space<vmem>>, %arg1: memref<2x16x128xi32, #tpu.memory_space<vmem>>, %arg2: memref<512x128xi32, #tpu.memory_space<vmem>>, %arg3: memref<512x128xi32, #tpu.memory_space<vmem>>, %arg4: memref<16x128xi32, #tpu.memory_space<vmem>>) attributes {dimension_semantics = [], scalar_prefetch = 0 : i64, scratch_operands = 0 : i64, tpu.core_type = #tpu.core_type<tc>} {
    %get3A = arith.constant 0 : index
    %get3A_0 = arith.constant 0 : index
    %get3A_1 = arith.constant 0 : index
    %get3A_2 = vector.load %arg0[%get3A, %get3A_0, %get3A_1] : memref<2x512x128xi32, #tpu.memory_space<vmem>>, vector<1x512x128xi32>
    %get3A_3 = vector.shape_cast %get3A_2 : vector<1x512x128xi32> to vector<512x128xi32>
    %get3A_4 = arith.constant 1 : index
    %get3A_5 = arith.constant 0 : index
    %get3A_6 = arith.constant 0 : index
    %get3A_7 = vector.load %arg0[%get3A_4, %get3A_5, %get3A_6] : memref<2x512x128xi32, #tpu.memory_space<vmem>>, vector<1x512x128xi32>
    %get3A_8 = vector.shape_cast %get3A_7 : vector<1x512x128xi32> to vector<512x128xi32>
    %mul3A = arith.constant 1024 : i32
    %mul3A_9 = vector.broadcast %mul3A : i32 to vector<512x128xi32>
    %mul3A_10 = arith.muli %get3A_8, %mul3A_9 : vector<512x128xi32>
    %and3A = arith.constant 1023 : i32
    %and3A_11 = vector.broadcast %and3A : i32 to vector<512x128xi32>
    %and3A_12 = arith.andi %get3A_3, %and3A_11 : vector<512x128xi32>
    %add3A = arith.addi %mul3A_10, %and3A_12 : vector<512x128xi32>
    %swap3A = arith.constant 0 : index
    %swap3A_13 = arith.constant 0 : index
    %swap3A_14 = vector.load %arg2[%swap3A, %swap3A_13] : memref<512x128xi32, #tpu.memory_space<vmem>>, vector<512x128xi32>
    tpu.vector_store %arg2[%swap3A, %swap3A_13], %add3A {strides = array<i32>} : memref<512x128xi32, #tpu.memory_space<vmem>>, vector<512x128xi32>,
    %shift_right_arithmetic3A = arith.constant 10 : i32
    %shift_right_arithmetic3A_15 = vector.broadcast %shift_right_arithmetic3A : i32 to vector<512x128xi32>
    %shift_right_arithmetic3A_16 = arith.shrsi %get3A_3, %shift_right_arithmetic3A_15 : vector<512x128xi32>
    %shift_left3A = arith.constant 4 : i32
    %shift_left3A_17 = vector.broadcast %shift_left3A : i32 to vector<512x128xi32>
    %shift_left3A_18 = arith.shli %shift_right_arithmetic3A_16, %shift_left3A_17 : vector<512x128xi32>
    %shift_left3A_19 = arith.constant 1 : i32
    %shift_left3A_20 = vector.broadcast %shift_left3A_19 : i32 to vector<512x128xi32>
    %shift_left3A_21 = arith.shli %shift_left3A_20, %shift_left3A_18 : vector<512x128xi32>
    %swap3A_22 = arith.constant 0 : index
    %swap3A_23 = arith.constant 0 : index
    %swap3A_24 = vector.load %arg3[%swap3A_22, %swap3A_23] : memref<512x128xi32, #tpu.memory_space<vmem>>, vector<512x128xi32>
    tpu.vector_store %arg3[%swap3A_22, %swap3A_23], %shift_left3A_21 {strides = array<i32>} : memref<512x128xi32, #tpu.memory_space<vmem>>, vector<512x128xi32>,
    %get3A_25 = arith.constant 1 : index
    %get3A_26 = arith.constant 0 : index
    %get3A_27 = arith.constant 0 : index
    %get3A_28 = vector.load %arg1[%get3A_25, %get3A_26, %get3A_27] : memref<2x16x128xi32, #tpu.memory_space<vmem>>, vector<1x16x128xi32>
    %get3A_29 = vector.shape_cast %get3A_28 : vector<1x16x128xi32> to vector<16x128xi32>
    %mul3A_30 = arith.constant 512 : i32
    %mul3A_31 = vector.broadcast %mul3A_30 : i32 to vector<16x128xi32>
    %mul3A_32 = arith.muli %get3A_29, %mul3A_31 : vector<16x128xi32>
    %get3A_33 = arith.constant 0 : index
    %get3A_34 = arith.constant 0 : index
    %get3A_35 = arith.constant 0 : index
    %get3A_36 = vector.load %arg1[%get3A_33, %get3A_34, %get3A_35] : memref<2x16x128xi32, #tpu.memory_space<vmem>>, vector<1x16x128xi32>
    %get3A_37 = vector.shape_cast %get3A_36 : vector<1x16x128xi32> to vector<16x128xi32>
    %add3A_38 = arith.addi %mul3A_32, %get3A_37 : vector<16x128xi32>
    %swap3A_39 = arith.constant 0 : index
    %swap3A_40 = arith.constant 0 : index
    %swap3A_41 = vector.load %arg4[%swap3A_39, %swap3A_40] : memref<16x128xi32, #tpu.memory_space<vmem>>, vector<16x128xi32>
    tpu.vector_store %arg4[%swap3A_39, %swap3A_40], %add3A_38 {strides = array<i32>} : memref<16x128xi32, #tpu.memory_space<vmem>>, vector<16x128xi32>,
    return
  }
}

module attributes {stable_mosaic.version = 14 : i64} {
  func.func @_gcn_fused_mid(%arg0: i32, %arg1: memref<512x2048xbf16, #tpu.memory_space<vmem>>, %arg2: memref<2048x256xbf16, #tpu.memory_space<vmem>>, %arg3: memref<512x256xf32, #tpu.memory_space<vmem>>, %arg4: memref<512x1xf32, #tpu.memory_space<vmem>>, %arg5: memref<1x256xf32, #tpu.memory_space<vmem>>, %arg6: memref<256x256xf32, #tpu.memory_space<vmem>>, %arg7: memref<512x256xf32, #tpu.memory_space<vmem>>, %arg8: memref<512x256xbf16, #tpu.memory_space<vmem>>) attributes {dimension_semantics = [#tpu.dimension_semantics<arbitrary>], iteration_bounds = array<i64: 4>, scalar_prefetch = 0 : i64, scratch_operands = 0 : i64, tpu.core_type = #tpu.core_type<tc>, window_params = [{transform_indices = @transform_0, window_bounds = array<i64: 512, 2048>}, {pipeline_mode = #tpu.pipeline_mode<synchronous>, transform_indices = @transform_1, window_bounds = array<i64: 2048, 256>}, {transform_indices = @transform_2, window_bounds = array<i64: 512, 256>}, {transform_indices = @transform_3, window_bounds = array<i64: 512, 1>}, {pipeline_mode = #tpu.pipeline_mode<synchronous>, transform_indices = @transform_4, window_bounds = array<i64: 1, 256>}, {pipeline_mode = #tpu.pipeline_mode<synchronous>, transform_indices = @transform_5, window_bounds = array<i64: 256, 256>}, {transform_indices = @transform_6, window_bounds = array<i64: 512, 256>}, {transform_indices = @transform_7, window_bounds = array<i64: 512, 256>}]} {
    %get3A = arith.constant 0 : index
    %get3A_0 = arith.constant 0 : index
    %get3A_1 = vector.load %arg1[%get3A, %get3A_0] : memref<512x2048xbf16, #tpu.memory_space<vmem>>, vector<512x2048xbf16>
    %get3A_2 = arith.constant 0 : index
    %get3A_3 = arith.constant 0 : index
    %get3A_4 = vector.load %arg2[%get3A_2, %get3A_3] : memref<2048x256xbf16, #tpu.memory_space<vmem>>, vector<2048x256xbf16>
    %dot_general3A = arith.constant dense<0.000000e+00> : vector<512x256xf32>
    %dot_general3A_5 = tpu.matmul %get3A_1, %get3A_4, %dot_general3A {dimension_numbers = #tpu.dot_dimension_numbers<[1], [0], [0], [1], [0, 0, 1, 1], [], []>, transpose_lhs_hint = false} : vector<512x2048xbf16>, vector<2048x256xbf16>, vector<512x256xf32> -> vector<512x256xf32>
    %get3A_6 = arith.constant 0 : index
    %get3A_7 = arith.constant 0 : index
    %get3A_8 = vector.load %arg3[%get3A_6, %get3A_7] : memref<512x256xf32, #tpu.memory_space<vmem>>, vector<512x256xf32>
    %add3A = arith.addf %dot_general3A_5, %get3A_8 : vector<512x256xf32>
    %get3A_9 = arith.constant 0 : index
    %get3A_10 = arith.constant 0 : index
    %get3A_11 = vector.load %arg4[%get3A_9, %get3A_10] : memref<512x1xf32, #tpu.memory_space<vmem>>, vector<512x1xf32>
    %mul3A = vector.broadcast %get3A_11 : vector<512x1xf32> to vector<512x256xf32>
    %mul3A_12 = arith.mulf %mul3A, %add3A : vector<512x256xf32>
    %get3A_13 = arith.constant 0 : index
    %get3A_14 = arith.constant 0 : index
    %get3A_15 = vector.load %arg5[%get3A_13, %get3A_14] : memref<1x256xf32, #tpu.memory_space<vmem>>, vector<1x256xf32>
    %add3A_16 = vector.broadcast %get3A_15 : vector<1x256xf32> to vector<512x256xf32>
    %add3A_17 = arith.addf %mul3A_12, %add3A_16 : vector<512x256xf32>
    %max3A = arith.constant 0.000000e+00 : f32
    %max3A_18 = vector.broadcast %max3A : f32 to vector<512x256xf32>
    %max3A_19 = arith.maximumf %add3A_17, %max3A_18 : vector<512x256xf32>
    %get3A_20 = arith.constant 0 : index
    %get3A_21 = arith.constant 0 : index
    %get3A_22 = vector.load %arg4[%get3A_20, %get3A_21] : memref<512x1xf32, #tpu.memory_space<vmem>>, vector<512x1xf32>
    %get3A_23 = arith.constant 0 : index
    %get3A_24 = arith.constant 0 : index
    %get3A_25 = vector.load %arg6[%get3A_23, %get3A_24] : memref<256x256xf32, #tpu.memory_space<vmem>>, vector<256x256xf32>
    %dot_general3A_26 = arith.constant dense<0.000000e+00> : vector<512x256xf32>
    %dot_general3A_27 = tpu.matmul %max3A_19, %get3A_25, %dot_general3A_26 {dimension_numbers = #tpu.dot_dimension_numbers<[1], [0], [0], [1], [0, 0, 1, 1], [], []>, transpose_lhs_hint = false} : vector<512x256xf32>, vector<256x256xf32>, vector<512x256xf32> -> vector<512x256xf32>
    %mul3A_28 = vector.broadcast %get3A_22 : vector<512x1xf32> to vector<512x256xf32>
    %mul3A_29 = arith.mulf %mul3A_28, %dot_general3A_27 : vector<512x256xf32>
    %swap3A = arith.constant 0 : index
    %swap3A_30 = arith.constant 0 : index
    %swap3A_31 = vector.load %arg7[%swap3A, %swap3A_30] : memref<512x256xf32, #tpu.memory_space<vmem>>, vector<512x256xf32>
    tpu.vector_store %arg7[%swap3A, %swap3A_30], %mul3A_29 {strides = array<i32>} : memref<512x256xf32, #tpu.memory_space<vmem>>, vector<512x256xf32>,
    %convert_element_type3A = arith.truncf %mul3A_29 : vector<512x256xf32> to vector<512x256xbf16>
    %swap3A_32 = arith.constant 0 : index
    %swap3A_33 = arith.constant 0 : index
    %swap3A_34 = vector.load %arg8[%swap3A_32, %swap3A_33] : memref<512x256xbf16, #tpu.memory_space<vmem>>, vector<512x256xbf16>
    tpu.vector_store %arg8[%swap3A_32, %swap3A_33], %convert_element_type3A {strides = array<i32>} : memref<512x256xbf16, #tpu.memory_space<vmem>>, vector<512x256xbf16>,
    return
  }
  func.func @transform_0(%arg0: i32) -> (i32, i32) {
    %c0_i32 = arith.constant 0 : i32
    %c0_i32_0 = arith.constant 0 : i32
    return %arg0, %c0_i32 : i32, i32
  }
  func.func @transform_1(%arg0: i32) -> (i32, i32) {
    %c0_i32 = arith.constant 0 : i32
    %c0_i32_0 = arith.constant 0 : i32
    %c0_i32_1 = arith.constant 0 : i32
    return %c0_i32, %c0_i32_0 : i32, i32
  }
  func.func @transform_2(%arg0: i32) -> (i32, i32) {
    %c0_i32 = arith.constant 0 : i32
    %c0_i32_0 = arith.constant 0 : i32
    return %arg0, %c0_i32 : i32, i32
  }
  func.func @transform_3(%arg0: i32) -> (i32, i32) {
    %c0_i32 = arith.constant 0 : i32
    %c0_i32_0 = arith.constant 0 : i32
    return %arg0, %c0_i32 : i32, i32
  }
  func.func @transform_4(%arg0: i32) -> (i32, i32) {
    %c0_i32 = arith.constant 0 : i32
    %c0_i32_0 = arith.constant 0 : i32
    %c0_i32_1 = arith.constant 0 : i32
    return %c0_i32, %c0_i32_0 : i32, i32
  }
  func.func @transform_5(%arg0: i32) -> (i32, i32) {
    %c0_i32 = arith.constant 0 : i32
    %c0_i32_0 = arith.constant 0 : i32
    %c0_i32_1 = arith.constant 0 : i32
    return %c0_i32, %c0_i32_0 : i32, i32
  }
  func.func @transform_6(%arg0: i32) -> (i32, i32) {
    %c0_i32 = arith.constant 0 : i32
    %c0_i32_0 = arith.constant 0 : i32
    return %arg0, %c0_i32 : i32, i32
  }
  func.func @transform_7(%arg0: i32) -> (i32, i32) {
    %c0_i32 = arith.constant 0 : i32
    %c0_i32_0 = arith.constant 0 : i32
    return %arg0, %c0_i32 : i32, i32
  }
}

module attributes {stable_mosaic.version = 14 : i64} {
  func.func @_gcn_pre_body(%arg0: i32, %arg1: memref<512x1024xi32, #tpu.memory_space<vmem>>, %arg2: memref<512x128xf32, #tpu.memory_space<vmem>>, %arg3: memref<128x256xf32, #tpu.memory_space<vmem>>, %arg4: memref<1x256xf32, #tpu.memory_space<vmem>>, %arg5: memref<256x256xf32, #tpu.memory_space<vmem>>, %arg6: memref<512x2048xbf16, #tpu.memory_space<vmem>>, %arg7: memref<512x1xf32, #tpu.memory_space<vmem>>, %arg8: memref<512x256xf32, #tpu.memory_space<vmem>>, %arg9: memref<512x256xbf16, #tpu.memory_space<vmem>>) attributes {dimension_semantics = [#tpu.dimension_semantics<arbitrary>], iteration_bounds = array<i64: 4>, scalar_prefetch = 0 : i64, scratch_operands = 0 : i64, tpu.core_type = #tpu.core_type<tc>, window_params = [{transform_indices = @transform_0, window_bounds = array<i64: 512, 1024>}, {transform_indices = @transform_1, window_bounds = array<i64: 512, 128>}, {pipeline_mode = #tpu.pipeline_mode<synchronous>, transform_indices = @transform_2, window_bounds = array<i64: 128, 256>}, {pipeline_mode = #tpu.pipeline_mode<synchronous>, transform_indices = @transform_3, window_bounds = array<i64: 1, 256>}, {pipeline_mode = #tpu.pipeline_mode<synchronous>, transform_indices = @transform_4, window_bounds = array<i64: 256, 256>}, {transform_indices = @transform_5, window_bounds = array<i64: 512, 2048>}, {transform_indices = @transform_6, window_bounds = array<i64: 512, 1>}, {transform_indices = @transform_7, window_bounds = array<i64: 512, 256>}, {transform_indices = @transform_8, window_bounds = array<i64: 512, 256>}]} {
    %get3A = arith.constant 0 : index
    %get3A_0 = arith.constant 0 : index
    %get3A_1 = vector.load %arg1[%get3A, %get3A_0] : memref<512x1024xi32, #tpu.memory_space<vmem>>, vector<512x1024xi32>
    %and3A = arith.constant 65535 : i32
    %and3A_2 = vector.broadcast %and3A : i32 to vector<512x1024xi32>
    %and3A_3 = arith.andi %get3A_1, %and3A_2 : vector<512x1024xi32>
    %shift_right_arithmetic3A = arith.constant 16 : i32
    %shift_right_arithmetic3A_4 = vector.broadcast %shift_right_arithmetic3A : i32 to vector<512x1024xi32>
    %shift_right_arithmetic3A_5 = arith.shrsi %get3A_1, %shift_right_arithmetic3A_4 : vector<512x1024xi32>
    %convert_element_type3A = arith.sitofp %and3A_3 : vector<512x1024xi32> to vector<512x1024xbf16>
    %swap3A = arith.constant 0 : index
    %swap3A_6 = arith.constant 0 : index
    %swap3A_7 = vector.load %arg6[%swap3A, %swap3A_6] : memref<512x2048xbf16, #tpu.memory_space<vmem>>, vector<512x1024xbf16>
    tpu.vector_store %arg6[%swap3A, %swap3A_6], %convert_element_type3A {strides = array<i32>} : memref<512x2048xbf16, #tpu.memory_space<vmem>>, vector<512x1024xbf16>,
    %convert_element_type3A_8 = arith.sitofp %shift_right_arithmetic3A_5 : vector<512x1024xi32> to vector<512x1024xbf16>
    %swap3A_9 = arith.constant 0 : index
    %swap3A_10 = arith.constant 1024 : index
    %swap3A_11 = vector.load %arg6[%swap3A_9, %swap3A_10] : memref<512x2048xbf16, #tpu.memory_space<vmem>>, vector<512x1024xbf16>
    tpu.vector_store %arg6[%swap3A_9, %swap3A_10], %convert_element_type3A_8 {strides = array<i32>} : memref<512x2048xbf16, #tpu.memory_space<vmem>>, vector<512x1024xbf16>,
    %reduce_sum3A = arith.constant dense<0> : vector<512xi32>
    %reduce_sum3A_12 = vector.multi_reduction <add>, %and3A_3, %reduce_sum3A [1] : vector<512x1024xi32> to vector<512xi32>
    %broadcast_in_dim3A = vector.shape_cast %reduce_sum3A_12 : vector<512xi32> to vector<512x1xi32>
    %reduce_sum3A_13 = arith.constant dense<0> : vector<512xi32>
    %reduce_sum3A_14 = vector.multi_reduction <add>, %shift_right_arithmetic3A_5, %reduce_sum3A_13 [1] : vector<512x1024xi32> to vector<512xi32>
    %broadcast_in_dim3A_15 = vector.shape_cast %reduce_sum3A_14 : vector<512xi32> to vector<512x1xi32>
    %add3A = arith.addi %broadcast_in_dim3A, %broadcast_in_dim3A_15 : vector<512x1xi32>
    %convert_element_type3A_16 = arith.sitofp %add3A : vector<512x1xi32> to vector<512x1xf32>
    %add3A_17 = arith.constant 1.000000e+00 : f32
    %add3A_18 = vector.broadcast %add3A_17 : f32 to vector<512x1xf32>
    %add3A_19 = arith.addf %convert_element_type3A_16, %add3A_18 : vector<512x1xf32>
    %rsqrt3A = math.rsqrt %add3A_19 : vector<512x1xf32>
    %swap3A_20 = arith.constant 0 : index
    %swap3A_21 = arith.constant 0 : index
    %swap3A_22 = vector.load %arg7[%swap3A_20, %swap3A_21] : memref<512x1xf32, #tpu.memory_space<vmem>>, vector<512x1xf32>
    tpu.vector_store %arg7[%swap3A_20, %swap3A_21], %rsqrt3A {strides = array<i32>} : memref<512x1xf32, #tpu.memory_space<vmem>>, vector<512x1xf32>,
    %get3A_23 = arith.constant 0 : index
    %get3A_24 = arith.constant 0 : index
    %get3A_25 = vector.load %arg2[%get3A_23, %get3A_24] : memref<512x128xf32, #tpu.memory_space<vmem>>, vector<512x128xf32>
    %get3A_26 = arith.constant 0 : index
    %get3A_27 = arith.constant 0 : index
    %get3A_28 = vector.load %arg3[%get3A_26, %get3A_27] : memref<128x256xf32, #tpu.memory_space<vmem>>, vector<128x256xf32>
    %dot_general3A = arith.constant dense<0.000000e+00> : vector<512x256xf32>
    %dot_general3A_29 = tpu.matmul %get3A_25, %get3A_28, %dot_general3A {dimension_numbers = #tpu.dot_dimension_numbers<[1], [0], [0], [1], [0, 0, 1, 1], [], []>, transpose_lhs_hint = false} : vector<512x128xf32>, vector<128x256xf32>, vector<512x256xf32> -> vector<512x256xf32>
    %get3A_30 = arith.constant 0 : index
    %get3A_31 = arith.constant 0 : index
    %get3A_32 = vector.load %arg4[%get3A_30, %get3A_31] : memref<1x256xf32, #tpu.memory_space<vmem>>, vector<1x256xf32>
    %add3A_33 = vector.broadcast %get3A_32 : vector<1x256xf32> to vector<512x256xf32>
    %add3A_34 = arith.addf %dot_general3A_29, %add3A_33 : vector<512x256xf32>
    %get3A_35 = arith.constant 0 : index
    %get3A_36 = arith.constant 0 : index
    %get3A_37 = vector.load %arg5[%get3A_35, %get3A_36] : memref<256x256xf32, #tpu.memory_space<vmem>>, vector<256x256xf32>
    %dot_general3A_38 = arith.constant dense<0.000000e+00> : vector<512x256xf32>
    %dot_general3A_39 = tpu.matmul %add3A_34, %get3A_37, %dot_general3A_38 {dimension_numbers = #tpu.dot_dimension_numbers<[1], [0], [0], [1], [0, 0, 1, 1], [], []>, transpose_lhs_hint = false} : vector<512x256xf32>, vector<256x256xf32>, vector<512x256xf32> -> vector<512x256xf32>
    %mul3A = vector.broadcast %rsqrt3A : vector<512x1xf32> to vector<512x256xf32>
    %mul3A_40 = arith.mulf %mul3A, %dot_general3A_39 : vector<512x256xf32>
    %swap3A_41 = arith.constant 0 : index
    %swap3A_42 = arith.constant 0 : index
    %swap3A_43 = vector.load %arg8[%swap3A_41, %swap3A_42] : memref<512x256xf32, #tpu.memory_space<vmem>>, vector<512x256xf32>
    tpu.vector_store %arg8[%swap3A_41, %swap3A_42], %mul3A_40 {strides = array<i32>} : memref<512x256xf32, #tpu.memory_space<vmem>>, vector<512x256xf32>,
    %convert_element_type3A_44 = arith.truncf %mul3A_40 : vector<512x256xf32> to vector<512x256xbf16>
    %swap3A_45 = arith.constant 0 : index
    %swap3A_46 = arith.constant 0 : index
    %swap3A_47 = vector.load %arg9[%swap3A_45, %swap3A_46] : memref<512x256xbf16, #tpu.memory_space<vmem>>, vector<512x256xbf16>
    tpu.vector_store %arg9[%swap3A_45, %swap3A_46], %convert_element_type3A_44 {strides = array<i32>} : memref<512x256xbf16, #tpu.memory_space<vmem>>, vector<512x256xbf16>,
    return
  }
  func.func @transform_0(%arg0: i32) -> (i32, i32) {
    %c0_i32 = arith.constant 0 : i32
    %c0_i32_0 = arith.constant 0 : i32
    return %arg0, %c0_i32 : i32, i32
  }
  func.func @transform_1(%arg0: i32) -> (i32, i32) {
    %c0_i32 = arith.constant 0 : i32
    %c0_i32_0 = arith.constant 0 : i32
    return %arg0, %c0_i32 : i32, i32
  }
  func.func @transform_2(%arg0: i32) -> (i32, i32) {
    %c0_i32 = arith.constant 0 : i32
    %c0_i32_0 = arith.constant 0 : i32
    %c0_i32_1 = arith.constant 0 : i32
    return %c0_i32, %c0_i32_0 : i32, i32
  }
  func.func @transform_3(%arg0: i32) -> (i32, i32) {
    %c0_i32 = arith.constant 0 : i32
    %c0_i32_0 = arith.constant 0 : i32
    %c0_i32_1 = arith.constant 0 : i32
    return %c0_i32, %c0_i32_0 : i32, i32
  }
  func.func @transform_4(%arg0: i32) -> (i32, i32) {
    %c0_i32 = arith.constant 0 : i32
    %c0_i32_0 = arith.constant 0 : i32
    %c0_i32_1 = arith.constant 0 : i32
    return %c0_i32, %c0_i32_0 : i32, i32
  }
  func.func @transform_5(%arg0: i32) -> (i32, i32) {
    %c0_i32 = arith.constant 0 : i32
    %c0_i32_0 = arith.constant 0 : i32
    return %arg0, %c0_i32 : i32, i32
  }
  func.func @transform_6(%arg0: i32) -> (i32, i32) {
    %c0_i32 = arith.constant 0 : i32
    %c0_i32_0 = arith.constant 0 : i32
    return %arg0, %c0_i32 : i32, i32
  }
  func.func @transform_7(%arg0: i32) -> (i32, i32) {
    %c0_i32 = arith.constant 0 : i32
    %c0_i32_0 = arith.constant 0 : i32
    return %arg0, %c0_i32 : i32, i32
  }
  func.func @transform_8(%arg0: i32) -> (i32, i32) {
    %c0_i32 = arith.constant 0 : i32
    %c0_i32_0 = arith.constant 0 : i32
    return %arg0, %c0_i32 : i32, i32
  }
}

module attributes {stable_mosaic.version = 14 : i64} {
  func.func @_gcn_fused_last(%arg0: i32, %arg1: memref<512x2048xbf16, #tpu.memory_space<vmem>>, %arg2: memref<2048x256xbf16, #tpu.memory_space<vmem>>, %arg3: memref<512x256xf32, #tpu.memory_space<vmem>>, %arg4: memref<512x1xf32, #tpu.memory_space<vmem>>, %arg5: memref<1x256xf32, #tpu.memory_space<vmem>>, %arg6: memref<512x256xf32, #tpu.memory_space<vmem>>) attributes {dimension_semantics = [#tpu.dimension_semantics<arbitrary>], iteration_bounds = array<i64: 4>, scalar_prefetch = 0 : i64, scratch_operands = 0 : i64, tpu.core_type = #tpu.core_type<tc>, window_params = [{transform_indices = @transform_0, window_bounds = array<i64: 512, 2048>}, {pipeline_mode = #tpu.pipeline_mode<synchronous>, transform_indices = @transform_1, window_bounds = array<i64: 2048, 256>}, {transform_indices = @transform_2, window_bounds = array<i64: 512, 256>}, {transform_indices = @transform_3, window_bounds = array<i64: 512, 1>}, {pipeline_mode = #tpu.pipeline_mode<synchronous>, transform_indices = @transform_4, window_bounds = array<i64: 1, 256>}, {transform_indices = @transform_5, window_bounds = array<i64: 512, 256>}]} {
    %get3A = arith.constant 0 : index
    %get3A_0 = arith.constant 0 : index
    %get3A_1 = vector.load %arg1[%get3A, %get3A_0] : memref<512x2048xbf16, #tpu.memory_space<vmem>>, vector<512x2048xbf16>
    %get3A_2 = arith.constant 0 : index
    %get3A_3 = arith.constant 0 : index
    %get3A_4 = vector.load %arg2[%get3A_2, %get3A_3] : memref<2048x256xbf16, #tpu.memory_space<vmem>>, vector<2048x256xbf16>
    %dot_general3A = arith.constant dense<0.000000e+00> : vector<512x256xf32>
    %dot_general3A_5 = tpu.matmul %get3A_1, %get3A_4, %dot_general3A {dimension_numbers = #tpu.dot_dimension_numbers<[1], [0], [0], [1], [0, 0, 1, 1], [], []>, transpose_lhs_hint = false} : vector<512x2048xbf16>, vector<2048x256xbf16>, vector<512x256xf32> -> vector<512x256xf32>
    %get3A_6 = arith.constant 0 : index
    %get3A_7 = arith.constant 0 : index
    %get3A_8 = vector.load %arg3[%get3A_6, %get3A_7] : memref<512x256xf32, #tpu.memory_space<vmem>>, vector<512x256xf32>
    %add3A = arith.addf %dot_general3A_5, %get3A_8 : vector<512x256xf32>
    %get3A_9 = arith.constant 0 : index
    %get3A_10 = arith.constant 0 : index
    %get3A_11 = vector.load %arg4[%get3A_9, %get3A_10] : memref<512x1xf32, #tpu.memory_space<vmem>>, vector<512x1xf32>
    %mul3A = vector.broadcast %get3A_11 : vector<512x1xf32> to vector<512x256xf32>
    %mul3A_12 = arith.mulf %mul3A, %add3A : vector<512x256xf32>
    %get3A_13 = arith.constant 0 : index
    %get3A_14 = arith.constant 0 : index
    %get3A_15 = vector.load %arg5[%get3A_13, %get3A_14] : memref<1x256xf32, #tpu.memory_space<vmem>>, vector<1x256xf32>
    %add3A_16 = vector.broadcast %get3A_15 : vector<1x256xf32> to vector<512x256xf32>
    %add3A_17 = arith.addf %mul3A_12, %add3A_16 : vector<512x256xf32>
    %max3A = arith.constant 0.000000e+00 : f32
    %max3A_18 = vector.broadcast %max3A : f32 to vector<512x256xf32>
    %max3A_19 = arith.maximumf %add3A_17, %max3A_18 : vector<512x256xf32>
    %swap3A = arith.constant 0 : index
    %swap3A_20 = arith.constant 0 : index
    %swap3A_21 = vector.load %arg6[%swap3A, %swap3A_20] : memref<512x256xf32, #tpu.memory_space<vmem>>, vector<512x256xf32>
    tpu.vector_store %arg6[%swap3A, %swap3A_20], %max3A_19 {strides = array<i32>} : memref<512x256xf32, #tpu.memory_space<vmem>>, vector<512x256xf32>,
    return
  }
  func.func @transform_0(%arg0: i32) -> (i32, i32) {
    %c0_i32 = arith.constant 0 : i32
    %c0_i32_0 = arith.constant 0 : i32
    return %arg0, %c0_i32 : i32, i32
  }
  func.func @transform_1(%arg0: i32) -> (i32, i32) {
    %c0_i32 = arith.constant 0 : i32
    %c0_i32_0 = arith.constant 0 : i32
    %c0_i32_1 = arith.constant 0 : i32
    return %c0_i32, %c0_i32_0 : i32, i32
  }
  func.func @transform_2(%arg0: i32) -> (i32, i32) {
    %c0_i32 = arith.constant 0 : i32
    %c0_i32_0 = arith.constant 0 : i32
    return %arg0, %c0_i32 : i32, i32
  }
  func.func @transform_3(%arg0: i32) -> (i32, i32) {
    %c0_i32 = arith.constant 0 : i32
    %c0_i32_0 = arith.constant 0 : i32
    return %arg0, %c0_i32 : i32, i32
  }
  func.func @transform_4(%arg0: i32) -> (i32, i32) {
    %c0_i32 = arith.constant 0 : i32
    %c0_i32_0 = arith.constant 0 : i32
    %c0_i32_1 = arith.constant 0 : i32
    return %c0_i32, %c0_i32_0 : i32, i32
  }
  func.func @transform_5(%arg0: i32) -> (i32, i32) {
    %c0_i32 = arith.constant 0 : i32
    %c0_i32_0 = arith.constant 0 : i32
    return %arg0, %c0_i32 : i32, i32
  }
}

module attributes {stable_mosaic.version = 14 : i64} {
  func.func @_attn_pool_body(%arg0: i32, %arg1: i32, %arg2: memref<512x256xf32, #tpu.memory_space<vmem>>, %arg3: memref<2048x256xf32, #tpu.memory_space<vmem>>, %arg4: memref<64x256xf32, #tpu.memory_space<vmem>>, %arg5: memref<64x256xf32, #tpu.memory_space<vmem>>, %arg6: memref<64x256xf32, #tpu.memory_space<vmem>>, %arg7: memref<1x1x64xf32, #tpu.memory_space<vmem>>, %arg8: memref<1x1x64xf32, #tpu.memory_space<vmem>>, %arg9: memref<1x1x64xf32, #tpu.memory_space<vmem>>, %arg10: memref<1x1x64xf32, #tpu.memory_space<vmem>>, %arg11: memref<2048x64xf32, #tpu.memory_space<vmem>>, %arg12: memref<2048x80xbf16, #tpu.memory_space<vmem>>) attributes {dimension_semantics = [#tpu.dimension_semantics<arbitrary>, #tpu.dimension_semantics<arbitrary>], iteration_bounds = array<i64: 4, 4>, scalar_prefetch = 0 : i64, scratch_operands = 2 : i64, tpu.core_type = #tpu.core_type<tc>, window_params = [{transform_indices = @transform_0, window_bounds = array<i64: 512, 256>}, {pipeline_mode = #tpu.pipeline_mode<synchronous>, transform_indices = @transform_1, window_bounds = array<i64: 2048, 256>}, {transform_indices = @transform_2, window_bounds = array<i64: 64, 256>}, {transform_indices = @transform_3, window_bounds = array<i64: 64, 256>}, {transform_indices = @transform_4, window_bounds = array<i64: 64, 256>}, {transform_indices = @transform_5, window_bounds = array<i64: 1, 1, 64>}, {transform_indices = @transform_6, window_bounds = array<i64: 1, 1, 64>}, {transform_indices = @transform_7, window_bounds = array<i64: 1, 1, 64>}, {transform_indices = @transform_8, window_bounds = array<i64: 1, 1, 64>}]} {
    %eq3A = arith.constant 0 : i32
    %eq3A_0 = arith.cmpi eq, %arg1, %eq3A : i32
    %convert_element_type3A = arith.extui %eq3A_0 : i1 to i32
    %cond3A = arith.constant 0 : i32
    %cond3A_1 = arith.cmpi ne, %convert_element_type3A, %cond3A : i32
    scf.if %cond3A_1 {
      %get3A_55 = arith.constant 0 : index
      %get3A_56 = arith.constant 0 : index
      %get3A_57 = vector.load %arg3[%get3A_55, %get3A_56] : memref<2048x256xf32, #tpu.memory_space<vmem>>, vector<2048x256xf32>
      %get3A_58 = arith.constant 0 : index
      %get3A_59 = arith.constant 0 : index
      %get3A_60 = vector.load %arg5[%get3A_58, %get3A_59] : memref<64x256xf32, #tpu.memory_space<vmem>>, vector<64x256xf32>
      %dot_general3A_61 = arith.constant dense<0.000000e+00> : vector<2048x64xf32>
      %dot_general3A_62 = tpu.matmul %get3A_57, %get3A_60, %dot_general3A_61 {dimension_numbers = #tpu.dot_dimension_numbers<[1], [1], [0], [0], [0, 0, 1, 0], [], []>, transpose_lhs_hint = false} : vector<2048x256xf32>, vector<64x256xf32>, vector<2048x64xf32> -> vector<2048x64xf32>
      %get3A_63 = arith.constant 0 : index
      %get3A_64 = arith.constant 0 : index
      %get3A_65 = arith.constant 0 : index
      %get3A_66 = vector.load %arg8[%get3A_63, %get3A_64, %get3A_65] : memref<1x1x64xf32, #tpu.memory_space<vmem>>, vector<1x1x64xf32>
      %get3A_67 = vector.shape_cast %get3A_66 : vector<1x1x64xf32> to vector<1x64xf32>
      %add3A_68 = vector.broadcast %get3A_67 : vector<1x64xf32> to vector<2048x64xf32>
      %add3A_69 = arith.addf %dot_general3A_62, %add3A_68 : vector<2048x64xf32>
      %swap3A_70 = arith.constant 0 : index
      %swap3A_71 = arith.constant 0 : index
      %swap3A_72 = vector.load %arg11[%swap3A_70, %swap3A_71] : memref<2048x64xf32, #tpu.memory_space<vmem>>, vector<2048x64xf32>
      tpu.vector_store %arg11[%swap3A_70, %swap3A_71], %add3A_69 {strides = array<i32>} : memref<2048x64xf32, #tpu.memory_space<vmem>>, vector<2048x64xf32>,
      %get3A_73 = arith.constant 0 : index
      %get3A_74 = arith.constant 0 : index
      %get3A_75 = vector.load %arg3[%get3A_73, %get3A_74] : memref<2048x256xf32, #tpu.memory_space<vmem>>, vector<2048x256xf32>
      %get3A_76 = arith.constant 0 : index
      %get3A_77 = arith.constant 0 : index
      %get3A_78 = vector.load %arg6[%get3A_76, %get3A_77] : memref<64x256xf32, #tpu.memory_space<vmem>>, vector<64x256xf32>
      %dot_general3A_79 = arith.constant dense<0.000000e+00> : vector<2048x64xf32>
      %dot_general3A_80 = tpu.matmul %get3A_75, %get3A_78, %dot_general3A_79 {dimension_numbers = #tpu.dot_dimension_numbers<[1], [1], [0], [0], [0, 0, 1, 0], [], []>, transpose_lhs_hint = false} : vector<2048x256xf32>, vector<64x256xf32>, vector<2048x64xf32> -> vector<2048x64xf32>
      %get3A_81 = arith.constant 0 : index
      %get3A_82 = arith.constant 0 : index
      %get3A_83 = arith.constant 0 : index
      %get3A_84 = vector.load %arg9[%get3A_81, %get3A_82, %get3A_83] : memref<1x1x64xf32, #tpu.memory_space<vmem>>, vector<1x1x64xf32>
      %get3A_85 = vector.shape_cast %get3A_84 : vector<1x1x64xf32> to vector<1x64xf32>
      %add3A_86 = vector.broadcast %get3A_85 : vector<1x64xf32> to vector<2048x64xf32>
      %add3A_87 = arith.addf %dot_general3A_80, %add3A_86 : vector<2048x64xf32>
      %convert_element_type3A_88 = arith.truncf %add3A_87 : vector<2048x64xf32> to vector<2048x64xbf16>
      %swap3A_89 = arith.constant 0 : index
      %swap3A_90 = arith.constant 0 : index
      %swap3A_91 = vector.load %arg12[%swap3A_89, %swap3A_90] : memref<2048x80xbf16, #tpu.memory_space<vmem>>, vector<2048x64xbf16>
      tpu.vector_store %arg12[%swap3A_89, %swap3A_90], %convert_element_type3A_88 {strides = array<i32>} : memref<2048x80xbf16, #tpu.memory_space<vmem>>, vector<2048x64xbf16>,
      %broadcast_in_dim3A_92 = arith.constant 1.000000e+00 : bf16
      %broadcast_in_dim3A_93 = vector.broadcast %broadcast_in_dim3A_92 : bf16 to vector<2048x16xbf16>
      %swap3A_94 = arith.constant 0 : index
      %swap3A_95 = arith.constant 64 : index
      %swap3A_96 = vector.load %arg12[%swap3A_94, %swap3A_95] : memref<2048x80xbf16, #tpu.memory_space<vmem>>, vector<2048x16xbf16>
      tpu.vector_store %arg12[%swap3A_94, %swap3A_95], %broadcast_in_dim3A_93 {strides = array<i32>} : memref<2048x80xbf16, #tpu.memory_space<vmem>>, vector<2048x16xbf16>,
    } else {
    }
    %get3A = arith.constant 0 : index
    %get3A_2 = arith.constant 0 : index
    %get3A_3 = vector.load %arg2[%get3A, %get3A_2] : memref<512x256xf32, #tpu.memory_space<vmem>>, vector<512x256xf32>
    %get3A_4 = arith.constant 0 : index
    %get3A_5 = arith.constant 0 : index
    %get3A_6 = vector.load %arg4[%get3A_4, %get3A_5] : memref<64x256xf32, #tpu.memory_space<vmem>>, vector<64x256xf32>
    %dot_general3A = arith.constant dense<0.000000e+00> : vector<512x64xf32>
    %dot_general3A_7 = tpu.matmul %get3A_3, %get3A_6, %dot_general3A {dimension_numbers = #tpu.dot_dimension_numbers<[1], [1], [0], [0], [0, 0, 1, 0], [], []>, transpose_lhs_hint = false} : vector<512x256xf32>, vector<64x256xf32>, vector<512x64xf32> -> vector<512x64xf32>
    %get3A_8 = arith.constant 0 : index
    %get3A_9 = arith.constant 0 : index
    %get3A_10 = arith.constant 0 : index
    %get3A_11 = vector.load %arg7[%get3A_8, %get3A_9, %get3A_10] : memref<1x1x64xf32, #tpu.memory_space<vmem>>, vector<1x1x64xf32>
    %get3A_12 = vector.shape_cast %get3A_11 : vector<1x1x64xf32> to vector<1x64xf32>
    %add3A = vector.broadcast %get3A_12 : vector<1x64xf32> to vector<512x64xf32>
    %add3A_13 = arith.addf %dot_general3A_7, %add3A : vector<512x64xf32>
    %mul3A = arith.constant 1.250000e-01 : f32
    %mul3A_14 = vector.broadcast %mul3A : f32 to vector<512x64xf32>
    %mul3A_15 = arith.mulf %add3A_13, %mul3A_14 : vector<512x64xf32>
    %get3A_16 = arith.constant 0 : index
    %get3A_17 = arith.constant 0 : index
    %get3A_18 = vector.load %arg11[%get3A_16, %get3A_17] : memref<2048x64xf32, #tpu.memory_space<vmem>>, vector<2048x64xf32>
    %dot_general3A_19 = arith.constant dense<0.000000e+00> : vector<512x2048xf32>
    %dot_general3A_20 = tpu.matmul %mul3A_15, %get3A_18, %dot_general3A_19 {dimension_numbers = #tpu.dot_dimension_numbers<[1], [1], [0], [0], [0, 0, 1, 0], [], []>, transpose_lhs_hint = false} : vector<512x64xf32>, vector<2048x64xf32>, vector<512x2048xf32> -> vector<512x2048xf32>
    %reduce_max3A = arith.constant dense<0xFF800000> : vector<512xf32>
    %reduce_max3A_21 = vector.multi_reduction <maximumf>, %dot_general3A_20, %reduce_max3A [1] : vector<512x2048xf32> to vector<512xf32>
    %broadcast_in_dim3A = vector.shape_cast %reduce_max3A_21 : vector<512xf32> to vector<512x1xf32>
    %sub3A = vector.broadcast %broadcast_in_dim3A : vector<512x1xf32> to vector<512x2048xf32>
    %sub3A_22 = arith.subf %dot_general3A_20, %sub3A : vector<512x2048xf32>
    %convert_element_type3A_23 = arith.truncf %sub3A_22 : vector<512x2048xf32> to vector<512x2048xbf16>
    %exp3A = math.exp %convert_element_type3A_23 : vector<512x2048xbf16>
    %get3A_24 = arith.constant 0 : index
    %get3A_25 = arith.constant 0 : index
    %get3A_26 = vector.load %arg12[%get3A_24, %get3A_25] : memref<2048x80xbf16, #tpu.memory_space<vmem>>, vector<2048x80xbf16>
    %dot_general3A_27 = arith.constant dense<0.000000e+00> : vector<512x80xf32>
    %dot_general3A_28 = tpu.matmul %exp3A, %get3A_26, %dot_general3A_27 {dimension_numbers = #tpu.dot_dimension_numbers<[1], [0], [0], [1], [0, 0, 1, 1], [], []>, transpose_lhs_hint = false} : vector<512x2048xbf16>, vector<2048x80xbf16>, vector<512x80xf32> -> vector<512x80xf32>
    %slice3A = vector.extract_strided_slice %dot_general3A_28 {offsets = [0, 0], sizes = [512, 64], strides = [1, 1]} : vector<512x80xf32> to vector<512x64xf32>
    %slice3A_29 = vector.extract_strided_slice %dot_general3A_28 {offsets = [0, 64], sizes = [512, 1], strides = [1, 1]} : vector<512x80xf32> to vector<512x1xf32>
    %div3A = arith.constant 1.000000e+00 : f32
    %div3A_30 = vector.broadcast %div3A : f32 to vector<512x1xf32>
    %div3A_31 = arith.divf %div3A_30, %slice3A_29 : vector<512x1xf32>
    %mul3A_32 = vector.broadcast %div3A_31 : vector<512x1xf32> to vector<512x64xf32>
    %mul3A_33 = arith.mulf %slice3A, %mul3A_32 : vector<512x64xf32>
    %reduce_sum3A = arith.constant dense<0.000000e+00> : vector<64xf32>
    %reduce_sum3A_34 = vector.multi_reduction <add>, %mul3A_33, %reduce_sum3A [0] : vector<512x64xf32> to vector<64xf32>
    %broadcast_in_dim3A_35 = vector.shape_cast %reduce_sum3A_34 : vector<64xf32> to vector<1x64xf32>
    %mul3A_36 = arith.constant 4.8828125E-4 : f32
    %mul3A_37 = vector.broadcast %mul3A_36 : f32 to vector<1x64xf32>
    %mul3A_38 = arith.mulf %broadcast_in_dim3A_35, %mul3A_37 : vector<1x64xf32>
    %eq3A_39 = arith.constant 0 : i32
    %eq3A_40 = arith.cmpi eq, %arg1, %eq3A_39 : i32
    %convert_element_type3A_41 = arith.extui %eq3A_40 : i1 to i32
    %cond3A_42 = arith.constant 0 : i32
    %cond3A_43 = arith.cmpi ne, %convert_element_type3A_41, %cond3A_42 : i32
    scf.if %cond3A_43 {
      %broadcast_in_dim3A_55 = arith.constant 0.000000e+00 : f32
      %broadcast_in_dim3A_56 = vector.broadcast %broadcast_in_dim3A_55 : f32 to vector<1x1x64xf32>
      %swap3A_57 = arith.constant 0 : index
      %swap3A_58 = arith.constant 0 : index
      %swap3A_59 = arith.constant 0 : index
      %swap3A_60 = vector.load %arg10[%swap3A_57, %swap3A_58, %swap3A_59] : memref<1x1x64xf32, #tpu.memory_space<vmem>>, vector<1x1x64xf32>
      tpu.vector_store %arg10[%swap3A_57, %swap3A_58, %swap3A_59], %broadcast_in_dim3A_56 {strides = array<i32>} : memref<1x1x64xf32, #tpu.memory_space<vmem>>, vector<1x1x64xf32>,
    } else {
    }
    %get3A_44 = arith.constant 0 : index
    %get3A_45 = arith.constant 0 : index
    %get3A_46 = arith.constant 0 : index
    %get3A_47 = vector.load %arg10[%get3A_44, %get3A_45, %get3A_46] : memref<1x1x64xf32, #tpu.memory_space<vmem>>, vector<1x1x64xf32>
    %get3A_48 = vector.shape_cast %get3A_47 : vector<1x1x64xf32> to vector<1x64xf32>
    %add3A_49 = arith.addf %get3A_48, %mul3A_38 : vector<1x64xf32>
    %swap3A = arith.constant 0 : index
    %swap3A_50 = arith.constant 0 : index
    %swap3A_51 = arith.constant 0 : index
    %swap3A_52 = vector.load %arg10[%swap3A, %swap3A_50, %swap3A_51] : memref<1x1x64xf32, #tpu.memory_space<vmem>>, vector<1x1x64xf32>
    %swap3A_53 = vector.shape_cast %swap3A_52 : vector<1x1x64xf32> to vector<1x64xf32>
    %swap3A_54 = vector.shape_cast %add3A_49 : vector<1x64xf32> to vector<1x1x64xf32>
    tpu.vector_store %arg10[%swap3A, %swap3A_50, %swap3A_51], %swap3A_54 {strides = array<i32>} : memref<1x1x64xf32, #tpu.memory_space<vmem>>, vector<1x1x64xf32>,
    return
  }
  func.func @transform_0(%arg0: i32, %arg1: i32) -> (i32, i32) {
    %c0_i32 = arith.constant 0 : i32
    %c0_i32_0 = arith.constant 0 : i32
    return %arg1, %c0_i32 : i32, i32
  }
  func.func @transform_1(%arg0: i32, %arg1: i32) -> (i32, i32) {
    %c0_i32 = arith.constant 0 : i32
    %c0_i32_0 = arith.constant 0 : i32
    %c0_i32_1 = arith.constant 0 : i32
    return %c0_i32, %c0_i32_0 : i32, i32
  }
  func.func @transform_2(%arg0: i32, %arg1: i32) -> (i32, i32) {
    %c0_i32 = arith.constant 0 : i32
    %c0_i32_0 = arith.constant 0 : i32
    return %arg0, %c0_i32 : i32, i32
  }
  func.func @transform_3(%arg0: i32, %arg1: i32) -> (i32, i32) {
    %add3A = arith.constant 4 : i32
    %add3A_0 = arith.addi %add3A, %arg0 : i32
    %c0_i32 = arith.constant 0 : i32
    %c0_i32_1 = arith.constant 0 : i32
    return %add3A_0, %c0_i32 : i32, i32
  }
  func.func @transform_4(%arg0: i32, %arg1: i32) -> (i32, i32) {
    %add3A = arith.constant 8 : i32
    %add3A_0 = arith.addi %add3A, %arg0 : i32
    %c0_i32 = arith.constant 0 : i32
    %c0_i32_1 = arith.constant 0 : i32
    return %add3A_0, %c0_i32 : i32, i32
  }
  func.func @transform_5(%arg0: i32, %arg1: i32) -> (i32, i32, i32) {
    %c0_i32 = arith.constant 0 : i32
    %c0_i32_0 = arith.constant 0 : i32
    %c0_i32_1 = arith.constant 0 : i32
    return %arg0, %c0_i32, %c0_i32_0 : i32, i32, i32
  }
  func.func @transform_6(%arg0: i32, %arg1: i32) -> (i32, i32, i32) {
    %add3A = arith.constant 4 : i32
    %add3A_0 = arith.addi %add3A, %arg0 : i32
    %c0_i32 = arith.constant 0 : i32
    %c0_i32_1 = arith.constant 0 : i32
    %c0_i32_2 = arith.constant 0 : i32
    return %add3A_0, %c0_i32, %c0_i32_1 : i32, i32, i32
  }
  func.func @transform_7(%arg0: i32, %arg1: i32) -> (i32, i32, i32) {
    %add3A = arith.constant 8 : i32
    %add3A_0 = arith.addi %add3A, %arg0 : i32
    %c0_i32 = arith.constant 0 : i32
    %c0_i32_1 = arith.constant 0 : i32
    %c0_i32_2 = arith.constant 0 : i32
    return %add3A_0, %c0_i32, %c0_i32_1 : i32, i32, i32
  }
  func.func @transform_8(%arg0: i32, %arg1: i32) -> (i32, i32, i32) {
    %c0_i32 = arith.constant 0 : i32
    %c0_i32_0 = arith.constant 0 : i32
    %c0_i32_1 = arith.constant 0 : i32
    return %arg0, %c0_i32, %c0_i32_0 : i32, i32, i32
  }
}

module attributes {stable_mosaic.version = 14 : i64} {
  func.func @_final_body(%arg0: memref<1x256xf32, #tpu.memory_space<vmem>>, %arg1: memref<1x256xf32, #tpu.memory_space<vmem>>, %arg2: memref<256x256xf32, #tpu.memory_space<vmem>>, %arg3: memref<1x256xf32, #tpu.memory_space<vmem>>, %arg4: memref<512x256xf32, #tpu.memory_space<vmem>>, %arg5: memref<1x256xf32, #tpu.memory_space<vmem>>, %arg6: memref<256x128xf32, #tpu.memory_space<vmem>>, %arg7: memref<1x128xf32, #tpu.memory_space<vmem>>, %arg8: memref<1x128xf32, #tpu.memory_space<vmem>>) attributes {dimension_semantics = [], scalar_prefetch = 0 : i64, scratch_operands = 0 : i64, tpu.core_type = #tpu.core_type<tc>} {
    %get3A = arith.constant 0 : index
    %get3A_0 = arith.constant 0 : index
    %get3A_1 = vector.load %arg0[%get3A, %get3A_0] : memref<1x256xf32, #tpu.memory_space<vmem>>, vector<1x256xf32>
    %get3A_2 = arith.constant 0 : index
    %get3A_3 = arith.constant 0 : index
    %get3A_4 = vector.load %arg2[%get3A_2, %get3A_3] : memref<256x256xf32, #tpu.memory_space<vmem>>, vector<256x256xf32>
    %dot_general3A = arith.constant dense<0.000000e+00> : vector<1x256xf32>
    %dot_general3A_5 = tpu.matmul %get3A_1, %get3A_4, %dot_general3A {dimension_numbers = #tpu.dot_dimension_numbers<[1], [1], [0], [0], [0, 0, 1, 0], [], []>, transpose_lhs_hint = false} : vector<1x256xf32>, vector<256x256xf32>, vector<1x256xf32> -> vector<1x256xf32>
    %get3A_6 = arith.constant 0 : index
    %get3A_7 = arith.constant 0 : index
    %get3A_8 = vector.load %arg3[%get3A_6, %get3A_7] : memref<1x256xf32, #tpu.memory_space<vmem>>, vector<1x256xf32>
    %add3A = arith.addf %dot_general3A_5, %get3A_8 : vector<1x256xf32>
    %get3A_9 = arith.constant 0 : index
    %get3A_10 = arith.constant 0 : index
    %get3A_11 = vector.load %arg1[%get3A_9, %get3A_10] : memref<1x256xf32, #tpu.memory_space<vmem>>, vector<1x256xf32>
    %get3A_12 = arith.constant 0 : index
    %get3A_13 = arith.constant 0 : index
    %get3A_14 = vector.load %arg2[%get3A_12, %get3A_13] : memref<256x256xf32, #tpu.memory_space<vmem>>, vector<256x256xf32>
    %dot_general3A_15 = arith.constant dense<0.000000e+00> : vector<1x256xf32>
    %dot_general3A_16 = tpu.matmul %get3A_11, %get3A_14, %dot_general3A_15 {dimension_numbers = #tpu.dot_dimension_numbers<[1], [1], [0], [0], [0, 0, 1, 0], [], []>, transpose_lhs_hint = false} : vector<1x256xf32>, vector<256x256xf32>, vector<1x256xf32> -> vector<1x256xf32>
    %get3A_17 = arith.constant 0 : index
    %get3A_18 = arith.constant 0 : index
    %get3A_19 = vector.load %arg3[%get3A_17, %get3A_18] : memref<1x256xf32, #tpu.memory_space<vmem>>, vector<1x256xf32>
    %add3A_20 = arith.addf %dot_general3A_16, %get3A_19 : vector<1x256xf32>
    %concatenate3A = tpu.concatenate %add3A, %add3A_20 in 1 : vector<1x256xf32>, vector<1x256xf32> -> vector<1x512xf32>
    %get3A_21 = arith.constant 0 : index
    %get3A_22 = arith.constant 0 : index
    %get3A_23 = vector.load %arg4[%get3A_21, %get3A_22] : memref<512x256xf32, #tpu.memory_space<vmem>>, vector<512x256xf32>
    %dot_general3A_24 = arith.constant dense<0.000000e+00> : vector<1x256xf32>
    %dot_general3A_25 = tpu.matmul %concatenate3A, %get3A_23, %dot_general3A_24 {dimension_numbers = #tpu.dot_dimension_numbers<[1], [0], [0], [1], [0, 0, 1, 1], [], []>, transpose_lhs_hint = false} : vector<1x512xf32>, vector<512x256xf32>, vector<1x256xf32> -> vector<1x256xf32>
    %get3A_26 = arith.constant 0 : index
    %get3A_27 = arith.constant 0 : index
    %get3A_28 = vector.load %arg5[%get3A_26, %get3A_27] : memref<1x256xf32, #tpu.memory_space<vmem>>, vector<1x256xf32>
    %add3A_29 = arith.addf %dot_general3A_25, %get3A_28 : vector<1x256xf32>
    %max3A = arith.constant 0.000000e+00 : f32
    %max3A_30 = vector.broadcast %max3A : f32 to vector<1x256xf32>
    %max3A_31 = arith.maximumf %add3A_29, %max3A_30 : vector<1x256xf32>
    %get3A_32 = arith.constant 0 : index
    %get3A_33 = arith.constant 0 : index
    %get3A_34 = vector.load %arg6[%get3A_32, %get3A_33] : memref<256x128xf32, #tpu.memory_space<vmem>>, vector<256x128xf32>
    %dot_general3A_35 = arith.constant dense<0.000000e+00> : vector<1x128xf32>
    %dot_general3A_36 = tpu.matmul %max3A_31, %get3A_34, %dot_general3A_35 {dimension_numbers = #tpu.dot_dimension_numbers<[1], [0], [0], [1], [0, 0, 1, 1], [], []>, transpose_lhs_hint = false} : vector<1x256xf32>, vector<256x128xf32>, vector<1x128xf32> -> vector<1x128xf32>
    %get3A_37 = arith.constant 0 : index
    %get3A_38 = arith.constant 0 : index
    %get3A_39 = vector.load %arg7[%get3A_37, %get3A_38] : memref<1x128xf32, #tpu.memory_space<vmem>>, vector<1x128xf32>
    %add3A_40 = arith.addf %dot_general3A_36, %get3A_39 : vector<1x128xf32>
    %swap3A = arith.constant 0 : index
    %swap3A_41 = arith.constant 0 : index
    %swap3A_42 = vector.load %arg8[%swap3A, %swap3A_41] : memref<1x128xf32, #tpu.memory_space<vmem>>, vector<1x128xf32>
    tpu.vector_store %arg8[%swap3A, %swap3A_41], %add3A_40 {strides = array<i32>} : memref<1x128xf32, #tpu.memory_space<vmem>>, vector<1x128xf32>,
    return
  }
}

module attributes {stable_mosaic.version = 14 : i64} {
  func.func @_motif_body(%arg0: memref<512x512xf32, #tpu.memory_space<vmem>>, %arg1: memref<512x64xf32, #tpu.memory_space<vmem>>, %arg2: memref<64x256xf32, #tpu.memory_space<vmem>>, %arg3: memref<1x256xf32, #tpu.memory_space<vmem>>, %arg4: memref<3x256x512xf32, #tpu.memory_space<vmem>>, %arg5: memref<3x512xf32, #tpu.memory_space<vmem>>, %arg6: memref<3x512x256xf32, #tpu.memory_space<vmem>>, %arg7: memref<3x256xf32, #tpu.memory_space<vmem>>, %arg8: memref<768x256xf32, #tpu.memory_space<vmem>>, %arg9: memref<1x768xf32, #tpu.memory_space<vmem>>, %arg10: memref<1x256xf32, #tpu.memory_space<vmem>>) attributes {dimension_semantics = [], scalar_prefetch = 0 : i64, scratch_operands = 0 : i64, tpu.core_type = #tpu.core_type<tc>} {
    %get3A = arith.constant 0 : index
    %get3A_0 = arith.constant 0 : index
    %get3A_1 = vector.load %arg1[%get3A, %get3A_0] : memref<512x64xf32, #tpu.memory_space<vmem>>, vector<512x64xf32>
    %get3A_2 = arith.constant 0 : index
    %get3A_3 = arith.constant 0 : index
    %get3A_4 = vector.load %arg2[%get3A_2, %get3A_3] : memref<64x256xf32, #tpu.memory_space<vmem>>, vector<64x256xf32>
    %dot_general3A = arith.constant dense<0.000000e+00> : vector<512x256xf32>
    %dot_general3A_5 = tpu.matmul %get3A_1, %get3A_4, %dot_general3A {dimension_numbers = #tpu.dot_dimension_numbers<[1], [0], [0], [1], [0, 0, 1, 1], [], []>, transpose_lhs_hint = false} : vector<512x64xf32>, vector<64x256xf32>, vector<512x256xf32> -> vector<512x256xf32>
    %get3A_6 = arith.constant 0 : index
    %get3A_7 = arith.constant 0 : index
    %get3A_8 = vector.load %arg3[%get3A_6, %get3A_7] : memref<1x256xf32, #tpu.memory_space<vmem>>, vector<1x256xf32>
    %add3A = vector.broadcast %get3A_8 : vector<1x256xf32> to vector<512x256xf32>
    %add3A_9 = arith.addf %dot_general3A_5, %add3A : vector<512x256xf32>
    %get3A_10 = arith.constant 0 : index
    %get3A_11 = arith.constant 0 : index
    %get3A_12 = vector.load %arg0[%get3A_10, %get3A_11] : memref<512x512xf32, #tpu.memory_space<vmem>>, vector<512x512xf32>
    %dot_general3A_13 = arith.constant dense<0.000000e+00> : vector<512x256xf32>
    %dot_general3A_14 = tpu.matmul %get3A_12, %add3A_9, %dot_general3A_13 {dimension_numbers = #tpu.dot_dimension_numbers<[1], [0], [0], [1], [0, 0, 1, 1], [], []>, transpose_lhs_hint = false} : vector<512x512xf32>, vector<512x256xf32>, vector<512x256xf32> -> vector<512x256xf32>
    %add3A_15 = arith.addf %add3A_9, %dot_general3A_14 : vector<512x256xf32>
    %get3A_16 = arith.constant 0 : index
    %get3A_17 = arith.constant 0 : index
    %get3A_18 = arith.constant 0 : index
    %get3A_19 = vector.load %arg4[%get3A_16, %get3A_17, %get3A_18] : memref<3x256x512xf32, #tpu.memory_space<vmem>>, vector<1x256x512xf32>
    %get3A_20 = vector.shape_cast %get3A_19 : vector<1x256x512xf32> to vector<256x512xf32>
    %dot_general3A_21 = arith.constant dense<0.000000e+00> : vector<512x512xf32>
    %dot_general3A_22 = tpu.matmul %add3A_15, %get3A_20, %dot_general3A_21 {dimension_numbers = #tpu.dot_dimension_numbers<[1], [0], [0], [1], [0, 0, 1, 1], [], []>, transpose_lhs_hint = false} : vector<512x256xf32>, vector<256x512xf32>, vector<512x512xf32> -> vector<512x512xf32>
    %get3A_23 = arith.constant 0 : index
    %get3A_24 = arith.constant 0 : index
    %get3A_25 = vector.load %arg5[%get3A_23, %get3A_24] : memref<3x512xf32, #tpu.memory_space<vmem>>, vector<1x512xf32>
    %get3A_26 = vector.shape_cast %get3A_25 : vector<1x512xf32> to vector<512xf32>
    %broadcast_in_dim3A = vector.shape_cast %get3A_26 : vector<512xf32> to vector<1x512xf32>
    %add3A_27 = vector.broadcast %broadcast_in_dim3A : vector<1x512xf32> to vector<512x512xf32>
    %add3A_28 = arith.addf %dot_general3A_22, %add3A_27 : vector<512x512xf32>
    %max3A = arith.constant 0.000000e+00 : f32
    %max3A_29 = vector.broadcast %max3A : f32 to vector<512x512xf32>
    %max3A_30 = arith.maximumf %add3A_28, %max3A_29 : vector<512x512xf32>
    %get3A_31 = arith.constant 0 : index
    %get3A_32 = arith.constant 0 : index
    %get3A_33 = arith.constant 0 : index
    %get3A_34 = vector.load %arg6[%get3A_31, %get3A_32, %get3A_33] : memref<3x512x256xf32, #tpu.memory_space<vmem>>, vector<1x512x256xf32>
    %get3A_35 = vector.shape_cast %get3A_34 : vector<1x512x256xf32> to vector<512x256xf32>
    %dot_general3A_36 = arith.constant dense<0.000000e+00> : vector<512x256xf32>
    %dot_general3A_37 = tpu.matmul %max3A_30, %get3A_35, %dot_general3A_36 {dimension_numbers = #tpu.dot_dimension_numbers<[1], [0], [0], [1], [0, 0, 1, 1], [], []>, transpose_lhs_hint = false} : vector<512x512xf32>, vector<512x256xf32>, vector<512x256xf32> -> vector<512x256xf32>
    %get3A_38 = arith.constant 0 : index
    %get3A_39 = arith.constant 0 : index
    %get3A_40 = vector.load %arg7[%get3A_38, %get3A_39] : memref<3x256xf32, #tpu.memory_space<vmem>>, vector<1x256xf32>
    %get3A_41 = vector.shape_cast %get3A_40 : vector<1x256xf32> to vector<256xf32>
    %broadcast_in_dim3A_42 = vector.shape_cast %get3A_41 : vector<256xf32> to vector<1x256xf32>
    %add3A_43 = vector.broadcast %broadcast_in_dim3A_42 : vector<1x256xf32> to vector<512x256xf32>
    %add3A_44 = arith.addf %dot_general3A_37, %add3A_43 : vector<512x256xf32>
    %max3A_45 = arith.constant 0.000000e+00 : f32
    %max3A_46 = vector.broadcast %max3A_45 : f32 to vector<512x256xf32>
    %max3A_47 = arith.maximumf %add3A_44, %max3A_46 : vector<512x256xf32>
    %dot_general3A_48 = arith.constant dense<0.000000e+00> : vector<512x256xf32>
    %dot_general3A_49 = tpu.matmul %get3A_12, %max3A_47, %dot_general3A_48 {dimension_numbers = #tpu.dot_dimension_numbers<[1], [0], [0], [1], [0, 0, 1, 1], [], []>, transpose_lhs_hint = false} : vector<512x512xf32>, vector<512x256xf32>, vector<512x256xf32> -> vector<512x256xf32>
    %add3A_50 = arith.addf %max3A_47, %dot_general3A_49 : vector<512x256xf32>
    %get3A_51 = arith.constant 1 : index
    %get3A_52 = arith.constant 0 : index
    %get3A_53 = arith.constant 0 : index
    %get3A_54 = vector.load %arg4[%get3A_51, %get3A_52, %get3A_53] : memref<3x256x512xf32, #tpu.memory_space<vmem>>, vector<1x256x512xf32>
    %get3A_55 = vector.shape_cast %get3A_54 : vector<1x256x512xf32> to vector<256x512xf32>
    %dot_general3A_56 = arith.constant dense<0.000000e+00> : vector<512x512xf32>
    %dot_general3A_57 = tpu.matmul %add3A_50, %get3A_55, %dot_general3A_56 {dimension_numbers = #tpu.dot_dimension_numbers<[1], [0], [0], [1], [0, 0, 1, 1], [], []>, transpose_lhs_hint = false} : vector<512x256xf32>, vector<256x512xf32>, vector<512x512xf32> -> vector<512x512xf32>
    %get3A_58 = arith.constant 1 : index
    %get3A_59 = arith.constant 0 : index
    %get3A_60 = vector.load %arg5[%get3A_58, %get3A_59] : memref<3x512xf32, #tpu.memory_space<vmem>>, vector<1x512xf32>
    %get3A_61 = vector.shape_cast %get3A_60 : vector<1x512xf32> to vector<512xf32>
    %broadcast_in_dim3A_62 = vector.shape_cast %get3A_61 : vector<512xf32> to vector<1x512xf32>
    %add3A_63 = vector.broadcast %broadcast_in_dim3A_62 : vector<1x512xf32> to vector<512x512xf32>
    %add3A_64 = arith.addf %dot_general3A_57, %add3A_63 : vector<512x512xf32>
    %max3A_65 = arith.constant 0.000000e+00 : f32
    %max3A_66 = vector.broadcast %max3A_65 : f32 to vector<512x512xf32>
    %max3A_67 = arith.maximumf %add3A_64, %max3A_66 : vector<512x512xf32>
    %get3A_68 = arith.constant 1 : index
    %get3A_69 = arith.constant 0 : index
    %get3A_70 = arith.constant 0 : index
    %get3A_71 = vector.load %arg6[%get3A_68, %get3A_69, %get3A_70] : memref<3x512x256xf32, #tpu.memory_space<vmem>>, vector<1x512x256xf32>
    %get3A_72 = vector.shape_cast %get3A_71 : vector<1x512x256xf32> to vector<512x256xf32>
    %dot_general3A_73 = arith.constant dense<0.000000e+00> : vector<512x256xf32>
    %dot_general3A_74 = tpu.matmul %max3A_67, %get3A_72, %dot_general3A_73 {dimension_numbers = #tpu.dot_dimension_numbers<[1], [0], [0], [1], [0, 0, 1, 1], [], []>, transpose_lhs_hint = false} : vector<512x512xf32>, vector<512x256xf32>, vector<512x256xf32> -> vector<512x256xf32>
    %get3A_75 = arith.constant 1 : index
    %get3A_76 = arith.constant 0 : index
    %get3A_77 = vector.load %arg7[%get3A_75, %get3A_76] : memref<3x256xf32, #tpu.memory_space<vmem>>, vector<1x256xf32>
    %get3A_78 = vector.shape_cast %get3A_77 : vector<1x256xf32> to vector<256xf32>
    %broadcast_in_dim3A_79 = vector.shape_cast %get3A_78 : vector<256xf32> to vector<1x256xf32>
    %add3A_80 = vector.broadcast %broadcast_in_dim3A_79 : vector<1x256xf32> to vector<512x256xf32>
    %add3A_81 = arith.addf %dot_general3A_74, %add3A_80 : vector<512x256xf32>
    %max3A_82 = arith.constant 0.000000e+00 : f32
    %max3A_83 = vector.broadcast %max3A_82 : f32 to vector<512x256xf32>
    %max3A_84 = arith.maximumf %add3A_81, %max3A_83 : vector<512x256xf32>
    %dot_general3A_85 = arith.constant dense<0.000000e+00> : vector<512x256xf32>
    %dot_general3A_86 = tpu.matmul %get3A_12, %max3A_84, %dot_general3A_85 {dimension_numbers = #tpu.dot_dimension_numbers<[1], [0], [0], [1], [0, 0, 1, 1], [], []>, transpose_lhs_hint = false} : vector<512x512xf32>, vector<512x256xf32>, vector<512x256xf32> -> vector<512x256xf32>
    %add3A_87 = arith.addf %max3A_84, %dot_general3A_86 : vector<512x256xf32>
    %get3A_88 = arith.constant 2 : index
    %get3A_89 = arith.constant 0 : index
    %get3A_90 = arith.constant 0 : index
    %get3A_91 = vector.load %arg4[%get3A_88, %get3A_89, %get3A_90] : memref<3x256x512xf32, #tpu.memory_space<vmem>>, vector<1x256x512xf32>
    %get3A_92 = vector.shape_cast %get3A_91 : vector<1x256x512xf32> to vector<256x512xf32>
    %dot_general3A_93 = arith.constant dense<0.000000e+00> : vector<512x512xf32>
    %dot_general3A_94 = tpu.matmul %add3A_87, %get3A_92, %dot_general3A_93 {dimension_numbers = #tpu.dot_dimension_numbers<[1], [0], [0], [1], [0, 0, 1, 1], [], []>, transpose_lhs_hint = false} : vector<512x256xf32>, vector<256x512xf32>, vector<512x512xf32> -> vector<512x512xf32>
    %get3A_95 = arith.constant 2 : index
    %get3A_96 = arith.constant 0 : index
    %get3A_97 = vector.load %arg5[%get3A_95, %get3A_96] : memref<3x512xf32, #tpu.memory_space<vmem>>, vector<1x512xf32>
    %get3A_98 = vector.shape_cast %get3A_97 : vector<1x512xf32> to vector<512xf32>
    %broadcast_in_dim3A_99 = vector.shape_cast %get3A_98 : vector<512xf32> to vector<1x512xf32>
    %add3A_100 = vector.broadcast %broadcast_in_dim3A_99 : vector<1x512xf32> to vector<512x512xf32>
    %add3A_101 = arith.addf %dot_general3A_94, %add3A_100 : vector<512x512xf32>
    %max3A_102 = arith.constant 0.000000e+00 : f32
    %max3A_103 = vector.broadcast %max3A_102 : f32 to vector<512x512xf32>
    %max3A_104 = arith.maximumf %add3A_101, %max3A_103 : vector<512x512xf32>
    %get3A_105 = arith.constant 2 : index
    %get3A_106 = arith.constant 0 : index
    %get3A_107 = arith.constant 0 : index
    %get3A_108 = vector.load %arg6[%get3A_105, %get3A_106, %get3A_107] : memref<3x512x256xf32, #tpu.memory_space<vmem>>, vector<1x512x256xf32>
    %get3A_109 = vector.shape_cast %get3A_108 : vector<1x512x256xf32> to vector<512x256xf32>
    %dot_general3A_110 = arith.constant dense<0.000000e+00> : vector<512x256xf32>
    %dot_general3A_111 = tpu.matmul %max3A_104, %get3A_109, %dot_general3A_110 {dimension_numbers = #tpu.dot_dimension_numbers<[1], [0], [0], [1], [0, 0, 1, 1], [], []>, transpose_lhs_hint = false} : vector<512x512xf32>, vector<512x256xf32>, vector<512x256xf32> -> vector<512x256xf32>
    %get3A_112 = arith.constant 2 : index
    %get3A_113 = arith.constant 0 : index
    %get3A_114 = vector.load %arg7[%get3A_112, %get3A_113] : memref<3x256xf32, #tpu.memory_space<vmem>>, vector<1x256xf32>
    %get3A_115 = vector.shape_cast %get3A_114 : vector<1x256xf32> to vector<256xf32>
    %broadcast_in_dim3A_116 = vector.shape_cast %get3A_115 : vector<256xf32> to vector<1x256xf32>
    %add3A_117 = vector.broadcast %broadcast_in_dim3A_116 : vector<1x256xf32> to vector<512x256xf32>
    %add3A_118 = arith.addf %dot_general3A_111, %add3A_117 : vector<512x256xf32>
    %max3A_119 = arith.constant 0.000000e+00 : f32
    %max3A_120 = vector.broadcast %max3A_119 : f32 to vector<512x256xf32>
    %max3A_121 = arith.maximumf %add3A_118, %max3A_120 : vector<512x256xf32>
    %get3A_122 = arith.constant 0 : index
    %get3A_123 = arith.constant 0 : index
    %get3A_124 = vector.load %arg8[%get3A_122, %get3A_123] : memref<768x256xf32, #tpu.memory_space<vmem>>, vector<768x256xf32>
    %dot_general3A_125 = arith.constant dense<0.000000e+00> : vector<512x768xf32>
    %dot_general3A_126 = tpu.matmul %max3A_121, %get3A_124, %dot_general3A_125 {dimension_numbers = #tpu.dot_dimension_numbers<[1], [1], [0], [0], [0, 0, 1, 0], [], []>, transpose_lhs_hint = false} : vector<512x256xf32>, vector<768x256xf32>, vector<512x768xf32> -> vector<512x768xf32>
    %get3A_127 = arith.constant 0 : index
    %get3A_128 = arith.constant 0 : index
    %get3A_129 = vector.load %arg9[%get3A_127, %get3A_128] : memref<1x768xf32, #tpu.memory_space<vmem>>, vector<1x768xf32>
    %add3A_130 = vector.broadcast %get3A_129 : vector<1x768xf32> to vector<512x768xf32>
    %add3A_131 = arith.addf %dot_general3A_126, %add3A_130 : vector<512x768xf32>
    %slice3A = vector.extract_strided_slice %add3A_131 {offsets = [0, 0], sizes = [512, 64], strides = [1, 1]} : vector<512x768xf32> to vector<512x64xf32>
    %mul3A = arith.constant 1.250000e-01 : f32
    %mul3A_132 = vector.broadcast %mul3A : f32 to vector<512x64xf32>
    %mul3A_133 = arith.mulf %slice3A, %mul3A_132 : vector<512x64xf32>
    %slice3A_134 = vector.extract_strided_slice %add3A_131 {offsets = [0, 256], sizes = [512, 64], strides = [1, 1]} : vector<512x768xf32> to vector<512x64xf32>
    %slice3A_135 = vector.extract_strided_slice %add3A_131 {offsets = [0, 512], sizes = [512, 64], strides = [1, 1]} : vector<512x768xf32> to vector<512x64xf32>
    %dot_general3A_136 = arith.constant dense<0.000000e+00> : vector<512x512xf32>
    %dot_general3A_137 = tpu.matmul %mul3A_133, %slice3A_134, %dot_general3A_136 {dimension_numbers = #tpu.dot_dimension_numbers<[1], [1], [0], [0], [0, 0, 1, 0], [], []>, transpose_lhs_hint = false} : vector<512x64xf32>, vector<512x64xf32>, vector<512x512xf32> -> vector<512x512xf32>
    %reduce_max3A = arith.constant dense<0xFF800000> : vector<512xf32>
    %reduce_max3A_138 = vector.multi_reduction <maximumf>, %dot_general3A_137, %reduce_max3A [1] : vector<512x512xf32> to vector<512xf32>
    %broadcast_in_dim3A_139 = vector.shape_cast %reduce_max3A_138 : vector<512xf32> to vector<512x1xf32>
    %sub3A = vector.broadcast %broadcast_in_dim3A_139 : vector<512x1xf32> to vector<512x512xf32>
    %sub3A_140 = arith.subf %dot_general3A_137, %sub3A : vector<512x512xf32>
    %convert_element_type3A = arith.truncf %sub3A_140 : vector<512x512xf32> to vector<512x512xbf16>
    %exp3A = math.exp %convert_element_type3A : vector<512x512xbf16>
    %broadcast_in_dim3A_141 = arith.constant 1.000000e+00 : f32
    %broadcast_in_dim3A_142 = vector.broadcast %broadcast_in_dim3A_141 : f32 to vector<512x16xf32>
    %concatenate3A = tpu.concatenate %slice3A_135, %broadcast_in_dim3A_142 in 1 : vector<512x64xf32>, vector<512x16xf32> -> vector<512x80xf32>
    %convert_element_type3A_143 = arith.truncf %concatenate3A : vector<512x80xf32> to vector<512x80xbf16>
    %dot_general3A_144 = arith.constant dense<0.000000e+00> : vector<512x80xf32>
    %dot_general3A_145 = tpu.matmul %exp3A, %convert_element_type3A_143, %dot_general3A_144 {dimension_numbers = #tpu.dot_dimension_numbers<[1], [0], [0], [1], [0, 0, 1, 1], [], []>, transpose_lhs_hint = false} : vector<512x512xbf16>, vector<512x80xbf16>, vector<512x80xf32> -> vector<512x80xf32>
    %slice3A_146 = vector.extract_strided_slice %dot_general3A_145 {offsets = [0, 0], sizes = [512, 64], strides = [1, 1]} : vector<512x80xf32> to vector<512x64xf32>
    %slice3A_147 = vector.extract_strided_slice %dot_general3A_145 {offsets = [0, 64], sizes = [512, 1], strides = [1, 1]} : vector<512x80xf32> to vector<512x1xf32>
    %div3A = arith.constant 1.000000e+00 : f32
    %div3A_148 = vector.broadcast %div3A : f32 to vector<512x1xf32>
    %div3A_149 = arith.divf %div3A_148, %slice3A_147 : vector<512x1xf32>
    %mul3A_150 = vector.broadcast %div3A_149 : vector<512x1xf32> to vector<512x64xf32>
    %mul3A_151 = arith.mulf %slice3A_146, %mul3A_150 : vector<512x64xf32>
    %reduce_sum3A = arith.constant dense<0.000000e+00> : vector<64xf32>
    %reduce_sum3A_152 = vector.multi_reduction <add>, %mul3A_151, %reduce_sum3A [0] : vector<512x64xf32> to vector<64xf32>
    %broadcast_in_dim3A_153 = vector.shape_cast %reduce_sum3A_152 : vector<64xf32> to vector<1x64xf32>
    %mul3A_154 = arith.constant 0.001953125 : f32
    %mul3A_155 = vector.broadcast %mul3A_154 : f32 to vector<1x64xf32>
    %mul3A_156 = arith.mulf %broadcast_in_dim3A_153, %mul3A_155 : vector<1x64xf32>
    %slice3A_157 = vector.extract_strided_slice %add3A_131 {offsets = [0, 64], sizes = [512, 64], strides = [1, 1]} : vector<512x768xf32> to vector<512x64xf32>
    %mul3A_158 = arith.constant 1.250000e-01 : f32
    %mul3A_159 = vector.broadcast %mul3A_158 : f32 to vector<512x64xf32>
    %mul3A_160 = arith.mulf %slice3A_157, %mul3A_159 : vector<512x64xf32>
    %slice3A_161 = vector.extract_strided_slice %add3A_131 {offsets = [0, 320], sizes = [512, 64], strides = [1, 1]} : vector<512x768xf32> to vector<512x64xf32>
    %slice3A_162 = vector.extract_strided_slice %add3A_131 {offsets = [0, 576], sizes = [512, 64], strides = [1, 1]} : vector<512x768xf32> to vector<512x64xf32>
    %dot_general3A_163 = arith.constant dense<0.000000e+00> : vector<512x512xf32>
    %dot_general3A_164 = tpu.matmul %mul3A_160, %slice3A_161, %dot_general3A_163 {dimension_numbers = #tpu.dot_dimension_numbers<[1], [1], [0], [0], [0, 0, 1, 0], [], []>, transpose_lhs_hint = false} : vector<512x64xf32>, vector<512x64xf32>, vector<512x512xf32> -> vector<512x512xf32>
    %reduce_max3A_165 = arith.constant dense<0xFF800000> : vector<512xf32>
    %reduce_max3A_166 = vector.multi_reduction <maximumf>, %dot_general3A_164, %reduce_max3A_165 [1] : vector<512x512xf32> to vector<512xf32>
    %broadcast_in_dim3A_167 = vector.shape_cast %reduce_max3A_166 : vector<512xf32> to vector<512x1xf32>
    %sub3A_168 = vector.broadcast %broadcast_in_dim3A_167 : vector<512x1xf32> to vector<512x512xf32>
    %sub3A_169 = arith.subf %dot_general3A_164, %sub3A_168 : vector<512x512xf32>
    %convert_element_type3A_170 = arith.truncf %sub3A_169 : vector<512x512xf32> to vector<512x512xbf16>
    %exp3A_171 = math.exp %convert_element_type3A_170 : vector<512x512xbf16>
    %broadcast_in_dim3A_172 = arith.constant 1.000000e+00 : f32
    %broadcast_in_dim3A_173 = vector.broadcast %broadcast_in_dim3A_172 : f32 to vector<512x16xf32>
    %concatenate3A_174 = tpu.concatenate %slice3A_162, %broadcast_in_dim3A_173 in 1 : vector<512x64xf32>, vector<512x16xf32> -> vector<512x80xf32>
    %convert_element_type3A_175 = arith.truncf %concatenate3A_174 : vector<512x80xf32> to vector<512x80xbf16>
    %dot_general3A_176 = arith.constant dense<0.000000e+00> : vector<512x80xf32>
    %dot_general3A_177 = tpu.matmul %exp3A_171, %convert_element_type3A_175, %dot_general3A_176 {dimension_numbers = #tpu.dot_dimension_numbers<[1], [0], [0], [1], [0, 0, 1, 1], [], []>, transpose_lhs_hint = false} : vector<512x512xbf16>, vector<512x80xbf16>, vector<512x80xf32> -> vector<512x80xf32>
    %slice3A_178 = vector.extract_strided_slice %dot_general3A_177 {offsets = [0, 0], sizes = [512, 64], strides = [1, 1]} : vector<512x80xf32> to vector<512x64xf32>
    %slice3A_179 = vector.extract_strided_slice %dot_general3A_177 {offsets = [0, 64], sizes = [512, 1], strides = [1, 1]} : vector<512x80xf32> to vector<512x1xf32>
    %div3A_180 = arith.constant 1.000000e+00 : f32
    %div3A_181 = vector.broadcast %div3A_180 : f32 to vector<512x1xf32>
    %div3A_182 = arith.divf %div3A_181, %slice3A_179 : vector<512x1xf32>
    %mul3A_183 = vector.broadcast %div3A_182 : vector<512x1xf32> to vector<512x64xf32>
    %mul3A_184 = arith.mulf %slice3A_178, %mul3A_183 : vector<512x64xf32>
    %reduce_sum3A_185 = arith.constant dense<0.000000e+00> : vector<64xf32>
    %reduce_sum3A_186 = vector.multi_reduction <add>, %mul3A_184, %reduce_sum3A_185 [0] : vector<512x64xf32> to vector<64xf32>
    %broadcast_in_dim3A_187 = vector.shape_cast %reduce_sum3A_186 : vector<64xf32> to vector<1x64xf32>
    %mul3A_188 = arith.constant 0.001953125 : f32
    %mul3A_189 = vector.broadcast %mul3A_188 : f32 to vector<1x64xf32>
    %mul3A_190 = arith.mulf %broadcast_in_dim3A_187, %mul3A_189 : vector<1x64xf32>
    %slice3A_191 = vector.extract_strided_slice %add3A_131 {offsets = [0, 128], sizes = [512, 64], strides = [1, 1]} : vector<512x768xf32> to vector<512x64xf32>
    %mul3A_192 = arith.constant 1.250000e-01 : f32
    %mul3A_193 = vector.broadcast %mul3A_192 : f32 to vector<512x64xf32>
    %mul3A_194 = arith.mulf %slice3A_191, %mul3A_193 : vector<512x64xf32>
    %slice3A_195 = vector.extract_strided_slice %add3A_131 {offsets = [0, 384], sizes = [512, 64], strides = [1, 1]} : vector<512x768xf32> to vector<512x64xf32>
    %slice3A_196 = vector.extract_strided_slice %add3A_131 {offsets = [0, 640], sizes = [512, 64], strides = [1, 1]} : vector<512x768xf32> to vector<512x64xf32>
    %dot_general3A_197 = arith.constant dense<0.000000e+00> : vector<512x512xf32>
    %dot_general3A_198 = tpu.matmul %mul3A_194, %slice3A_195, %dot_general3A_197 {dimension_numbers = #tpu.dot_dimension_numbers<[1], [1], [0], [0], [0, 0, 1, 0], [], []>, transpose_lhs_hint = false} : vector<512x64xf32>, vector<512x64xf32>, vector<512x512xf32> -> vector<512x512xf32>
    %reduce_max3A_199 = arith.constant dense<0xFF800000> : vector<512xf32>
    %reduce_max3A_200 = vector.multi_reduction <maximumf>, %dot_general3A_198, %reduce_max3A_199 [1] : vector<512x512xf32> to vector<512xf32>
    %broadcast_in_dim3A_201 = vector.shape_cast %reduce_max3A_200 : vector<512xf32> to vector<512x1xf32>
    %sub3A_202 = vector.broadcast %broadcast_in_dim3A_201 : vector<512x1xf32> to vector<512x512xf32>
    %sub3A_203 = arith.subf %dot_general3A_198, %sub3A_202 : vector<512x512xf32>
    %convert_element_type3A_204 = arith.truncf %sub3A_203 : vector<512x512xf32> to vector<512x512xbf16>
    %exp3A_205 = math.exp %convert_element_type3A_204 : vector<512x512xbf16>
    %broadcast_in_dim3A_206 = arith.constant 1.000000e+00 : f32
    %broadcast_in_dim3A_207 = vector.broadcast %broadcast_in_dim3A_206 : f32 to vector<512x16xf32>
    %concatenate3A_208 = tpu.concatenate %slice3A_196, %broadcast_in_dim3A_207 in 1 : vector<512x64xf32>, vector<512x16xf32> -> vector<512x80xf32>
    %convert_element_type3A_209 = arith.truncf %concatenate3A_208 : vector<512x80xf32> to vector<512x80xbf16>
    %dot_general3A_210 = arith.constant dense<0.000000e+00> : vector<512x80xf32>
    %dot_general3A_211 = tpu.matmul %exp3A_205, %convert_element_type3A_209, %dot_general3A_210 {dimension_numbers = #tpu.dot_dimension_numbers<[1], [0], [0], [1], [0, 0, 1, 1], [], []>, transpose_lhs_hint = false} : vector<512x512xbf16>, vector<512x80xbf16>, vector<512x80xf32> -> vector<512x80xf32>
    %slice3A_212 = vector.extract_strided_slice %dot_general3A_211 {offsets = [0, 0], sizes = [512, 64], strides = [1, 1]} : vector<512x80xf32> to vector<512x64xf32>
    %slice3A_213 = vector.extract_strided_slice %dot_general3A_211 {offsets = [0, 64], sizes = [512, 1], strides = [1, 1]} : vector<512x80xf32> to vector<512x1xf32>
    %div3A_214 = arith.constant 1.000000e+00 : f32
    %div3A_215 = vector.broadcast %div3A_214 : f32 to vector<512x1xf32>
    %div3A_216 = arith.divf %div3A_215, %slice3A_213 : vector<512x1xf32>
    %mul3A_217 = vector.broadcast %div3A_216 : vector<512x1xf32> to vector<512x64xf32>
    %mul3A_218 = arith.mulf %slice3A_212, %mul3A_217 : vector<512x64xf32>
    %reduce_sum3A_219 = arith.constant dense<0.000000e+00> : vector<64xf32>
    %reduce_sum3A_220 = vector.multi_reduction <add>, %mul3A_218, %reduce_sum3A_219 [0] : vector<512x64xf32> to vector<64xf32>
    %broadcast_in_dim3A_221 = vector.shape_cast %reduce_sum3A_220 : vector<64xf32> to vector<1x64xf32>
    %mul3A_222 = arith.constant 0.001953125 : f32
    %mul3A_223 = vector.broadcast %mul3A_222 : f32 to vector<1x64xf32>
    %mul3A_224 = arith.mulf %broadcast_in_dim3A_221, %mul3A_223 : vector<1x64xf32>
    %slice3A_225 = vector.extract_strided_slice %add3A_131 {offsets = [0, 192], sizes = [512, 64], strides = [1, 1]} : vector<512x768xf32> to vector<512x64xf32>
    %mul3A_226 = arith.constant 1.250000e-01 : f32
    %mul3A_227 = vector.broadcast %mul3A_226 : f32 to vector<512x64xf32>
    %mul3A_228 = arith.mulf %slice3A_225, %mul3A_227 : vector<512x64xf32>
    %slice3A_229 = vector.extract_strided_slice %add3A_131 {offsets = [0, 448], sizes = [512, 64], strides = [1, 1]} : vector<512x768xf32> to vector<512x64xf32>
    %slice3A_230 = vector.extract_strided_slice %add3A_131 {offsets = [0, 704], sizes = [512, 64], strides = [1, 1]} : vector<512x768xf32> to vector<512x64xf32>
    %dot_general3A_231 = arith.constant dense<0.000000e+00> : vector<512x512xf32>
    %dot_general3A_232 = tpu.matmul %mul3A_228, %slice3A_229, %dot_general3A_231 {dimension_numbers = #tpu.dot_dimension_numbers<[1], [1], [0], [0], [0, 0, 1, 0], [], []>, transpose_lhs_hint = false} : vector<512x64xf32>, vector<512x64xf32>, vector<512x512xf32> -> vector<512x512xf32>
    %reduce_max3A_233 = arith.constant dense<0xFF800000> : vector<512xf32>
    %reduce_max3A_234 = vector.multi_reduction <maximumf>, %dot_general3A_232, %reduce_max3A_233 [1] : vector<512x512xf32> to vector<512xf32>
    %broadcast_in_dim3A_235 = vector.shape_cast %reduce_max3A_234 : vector<512xf32> to vector<512x1xf32>
    %sub3A_236 = vector.broadcast %broadcast_in_dim3A_235 : vector<512x1xf32> to vector<512x512xf32>
    %sub3A_237 = arith.subf %dot_general3A_232, %sub3A_236 : vector<512x512xf32>
    %convert_element_type3A_238 = arith.truncf %sub3A_237 : vector<512x512xf32> to vector<512x512xbf16>
    %exp3A_239 = math.exp %convert_element_type3A_238 : vector<512x512xbf16>
    %broadcast_in_dim3A_240 = arith.constant 1.000000e+00 : f32
    %broadcast_in_dim3A_241 = vector.broadcast %broadcast_in_dim3A_240 : f32 to vector<512x16xf32>
    %concatenate3A_242 = tpu.concatenate %slice3A_230, %broadcast_in_dim3A_241 in 1 : vector<512x64xf32>, vector<512x16xf32> -> vector<512x80xf32>
    %convert_element_type3A_243 = arith.truncf %concatenate3A_242 : vector<512x80xf32> to vector<512x80xbf16>
    %dot_general3A_244 = arith.constant dense<0.000000e+00> : vector<512x80xf32>
    %dot_general3A_245 = tpu.matmul %exp3A_239, %convert_element_type3A_243, %dot_general3A_244 {dimension_numbers = #tpu.dot_dimension_numbers<[1], [0], [0], [1], [0, 0, 1, 1], [], []>, transpose_lhs_hint = false} : vector<512x512xbf16>, vector<512x80xbf16>, vector<512x80xf32> -> vector<512x80xf32>
    %slice3A_246 = vector.extract_strided_slice %dot_general3A_245 {offsets = [0, 0], sizes = [512, 64], strides = [1, 1]} : vector<512x80xf32> to vector<512x64xf32>
    %slice3A_247 = vector.extract_strided_slice %dot_general3A_245 {offsets = [0, 64], sizes = [512, 1], strides = [1, 1]} : vector<512x80xf32> to vector<512x1xf32>
    %div3A_248 = arith.constant 1.000000e+00 : f32
    %div3A_249 = vector.broadcast %div3A_248 : f32 to vector<512x1xf32>
    %div3A_250 = arith.divf %div3A_249, %slice3A_247 : vector<512x1xf32>
    %mul3A_251 = vector.broadcast %div3A_250 : vector<512x1xf32> to vector<512x64xf32>
    %mul3A_252 = arith.mulf %slice3A_246, %mul3A_251 : vector<512x64xf32>
    %reduce_sum3A_253 = arith.constant dense<0.000000e+00> : vector<64xf32>
    %reduce_sum3A_254 = vector.multi_reduction <add>, %mul3A_252, %reduce_sum3A_253 [0] : vector<512x64xf32> to vector<64xf32>
    %broadcast_in_dim3A_255 = vector.shape_cast %reduce_sum3A_254 : vector<64xf32> to vector<1x64xf32>
    %mul3A_256 = arith.constant 0.001953125 : f32
    %mul3A_257 = vector.broadcast %mul3A_256 : f32 to vector<1x64xf32>
    %mul3A_258 = arith.mulf %broadcast_in_dim3A_255, %mul3A_257 : vector<1x64xf32>
    %concatenate3A_259 = tpu.concatenate %mul3A_156, %mul3A_190, %mul3A_224, %mul3A_258 in 1 : vector<1x64xf32>, vector<1x64xf32>, vector<1x64xf32>, vector<1x64xf32> -> vector<1x256xf32>
    %swap3A = arith.constant 0 : index
    %swap3A_260 = arith.constant 0 : index
    %swap3A_261 = vector.load %arg10[%swap3A, %swap3A_260] : memref<1x256xf32, #tpu.memory_space<vmem>>, vector<1x256xf32>
    tpu.vector_store %arg10[%swap3A, %swap3A_260], %concatenate3A_259 {strides = array<i32>} : memref<1x256xf32, #tpu.memory_space<vmem>>, vector<1x256xf32>,
    return
  }
}

</mosaic_0001>

<sc_bundles>
// kernel: kernel.12.cloned.1.call-start
scs
__scs_entry_jumppad:
0x0: {  	(pc) =	sbr.rel $0x88, $3  }
0x1: {  	(tag) =	ssettag $0x0;
	lr =	simm.s32 $0x1  }
0x2: {  	[smem:$0x3F8B] =	sst lr;
	_ =	strace $0xD0000000  }
0x3: {  	_ = 	snop  }
0x4: {  	_ = 	snop  }
0x5: {  	_ = 	snop  }
0x6: {  	_ = 	snop  }
0x7: {  	_ = 	snop  }
__scs_overlays_trampoline_lowered:
0x8: {  	[smem:$0x3F9A] =	sst s0  }
0x9: {  	[smem:$0x3F9B] =	sst s1  }
0xa: {  	[smem:$0x3F9C] =	sst s2  }
0xb: {  	[smem:$0x3F9D] =	sst s3  }
0xc: {  	[smem:$0x3F9E] =	sst s4  }
0xd: {  	[smem:$0x3F9F] =	sst s5  }
0xe: {  	[smem:$0x3FA0] =	sst s6  }
0xf: {  	[smem:$0x3FA1] =	sst s7  }
0x10: {  	[smem:$0x3FA2] =	sst s8  }
0x11: {  	[smem:$0x3FA3] =	sst s9;
	s0 =	simm.s32 @!p0 $0x0  }
0x12: {  	s1 =	sld [smem:$0x3F89];
	s0 =	simm.s32 @p0 $0x1  }
0x13: {  	[smem:$0x3FA4] =	sst s0;
	s0 =	simm.s32 @!p1 $0x0  }
0x14: {  	s2 =	sld [smem:$0x3F88];
	s0 =	simm.s32 @p1 $0x1  }
0x15: {  	[smem:$0x3FA5] =	sst s0;
	s0 =	simm.s32 @!p2 $0x0  }
0x16: {  	s3 =	sld [smem:$0x3FDB];
	s0 =	simm.s32 @p2 $0x1  }
0x17: {  	s4 =	simm.s32 $0x1BF5;
	[smem:$0x3FA7] =	sst s0  }
0x18: {  	s0 =	sld [smem:$0x3F8A];
	_ =	swait.ge [sflag:s4], $0x0  }
0x19: {  	s7 =	sld [smem:$0x3F8B]  }
0x1a: {  	s8 =	sadd.s32 $0xFFFFE003, lr  }
0x1b: {  	s9 =	sadd.s32 $0xFFFFFEF7, lr;
	s5 =	simm.s32 $0xFFFFFFFF;
	p2 =	slt.u32 s8, $0xFFFFF086  }
0x1c: {  	p1 =	slt.u32 s9, $0xF7A;
	s5 =	simm.s32 @!p2 $0x0  }
0x1d: {  	s5 =	simm.s32 @p1 $0x1;
	p0 =	seq.s32 s7, s2  }
0x1e: {  	s7 =	smul.u32 @!p0 $0xF7A, s2;
	p2 =	seq.s32 @!p0 s5, $0x0  }
0x1f: {  	s9 =	smul.u32 $0xF7A, s1;
	s8 =	simm.s32 @!p0 $0x1BF5;
	p2 =	por !p2, p0  }
0x20: {  	[sflag:s8] =	ssyncset.s32 @!p0 $0xFFFFF086;
	s6 =	sadd.s32 @!p0 s3, s7;
	s7 =	simm.s32 @!p0 $0x108  }
0x21: {  	s3 =	sadd.s32 s3, s9;
	s6 =	sadd.s32 @!p0 $0x88, s6;
	s7 =	simm.s32 @p2 $0x1082  }
0x22: {  	[simem:s7], [sflag:s8] =	dma.local @!p0 [hbm:s6], $0xF7A  }
0x23: {  	s9 =	sor.u32 $0xD0000000, s2;
	s6 =	simm.s32 $0x108;
	_ =	swait.ge @!p0 [sflag:s8], $0x0  }
0x24: {  	s3 =	sadd.s32 $0x88, s3;
	s6 =	simm.s32 @!p1 $0x1082;
	[sflag:s4] =	ssyncset.s32 $0xFFFFF086  }
0x25: {  	[simem:s6], [sflag:s4] =	dma.local [hbm:s3], $0xF7A  }
0x26: {  	[smem:$0x3F8B] =	sst s1;
	(tag) =	ssettag s2;
	_ =	strace s9  }
0x27: {  	s1 =	sld [smem:$0x3F9B]  }
0x28: {  	s2 =	sld [smem:$0x3F9C]  }
0x29: {  	s4 =	sld [smem:$0x3F9E]  }
0x2a: {  	p0 =	seq.s32 s5, $0x0;
	s5 =	sld [smem:$0x3F9F]  }
0x2b: {  	s6 =	sld [smem:$0x3FA0]  }
0x2c: {  	s7 =	sld [smem:$0x3FA1]  }
0x2d: {  	s3 =	simm.s32 $0x108;
	s8 =	sld [smem:$0x3FA2]  }
0x2e: {  	s3 =	simm.s32 @!p0 $0x1082;
	s9 =	sld [smem:$0x3FA3]  }
0x2f: {  	lr =	sadd.s32 s0, s3;
	s0 =	sld [smem:$0x3F9A]  }
0x30: {  	s3 =	sld [smem:$0x3F9D]  }
0x31: {  	[smem:$0x3FA6] =	sst s10  }
0x32: {  	s10 =	sld [smem:$0x3FA4];
	_ =	sdelay $0x3  }
0x33: {  	p0 =	seq.s32 s10, $0x1;
	s10 =	sld [smem:$0x3FA6];
	_ =	sdelay $0x3  }
0x34: {  	[smem:$0x3FA6] =	sst s10  }
0x35: {  	s10 =	sld [smem:$0x3FA5];
	_ =	sdelay $0x3  }
0x36: {  	p1 =	seq.s32 s10, $0x1;
	s10 =	sld [smem:$0x3FA6];
	_ =	sdelay $0x3  }
0x37: {  	[smem:$0x3FA6] =	sst s10  }
0x38: {  	s10 =	sld [smem:$0x3FA7]  }
0x39: {  	_ = 	snop;
	(pc) =	sbr.ind lr, $3  }
0x3a: {  	_ = 	snop  }
0x3b: {  	_ = 	snop  }
0x3c: {  	p2 =	seq.s32 s10, $0x1;
	s10 =	sld [smem:$0x3FA6]  }
0x3d: {  	_ =	shalt  }
0x3e: {  	_ =	shalt  }
0x3f: {  	_ =	shalt  }
0x40: {  	_ =	shalt  }
0x41: {  	_ =	shalt  }
0x42: {  	_ =	shalt  }
0x43: {  	_ =	shalt  }
0x44: {  	_ =	shalt  }
0x45: {  	_ =	shalt  }
0x46: {  	_ =	shalt  }
0x47: {  	_ =	shalt  }
0x48: {  	_ =	shalt  }
0x49: {  	_ =	shalt  }
0x4a: {  	_ =	shalt  }
0x4b: {  	_ =	shalt  }
0x4c: {  	_ =	shalt  }
0x4d: {  	_ =	shalt  }
0x4e: {  	_ =	shalt  }
0x4f: {  	_ =	shalt  }
0x50: {  	_ =	shalt  }
0x51: {  	_ =	shalt  }
0x52: {  	_ =	shalt  }
0x53: {  	_ =	shalt  }
0x54: {  	_ =	shalt  }
0x55: {  	_ =	shalt  }
0x56: {  	_ =	shalt  }
0x57: {  	_ =	shalt  }
0x58: {  	_ =	shalt  }
0x59: {  	_ =	shalt  }
0x5a: {  	_ =	shalt  }
0x5b: {  	_ =	shalt  }
0x5c: {  	_ =	shalt  }
0x5d: {  	_ =	shalt  }
0x5e: {  	_ =	shalt  }
0x5f: {  	_ =	shalt  }
0x60: {  	_ =	shalt  }
0x61: {  	_ =	shalt  }
0x62: {  	_ =	shalt  }
0x63: {  	_ =	shalt  }
0x64: {  	_ =	shalt  }
0x65: {  	_ =	shalt  }
0x66: {  	_ =	shalt  }
0x67: {  	_ =	shalt  }
0x68: {  	_ =	shalt  }
0x69: {  	_ =	shalt  }
0x6a: {  	_ =	shalt  }
0x6b: {  	_ =	shalt  }
0x6c: {  	_ =	shalt  }
0x6d: {  	_ =	shalt  }
0x6e: {  	_ =	shalt  }
0x6f: {  	_ =	shalt  }
0x70: {  	_ =	shalt  }
0x71: {  	_ =	shalt  }
0x72: {  	_ =	shalt  }
0x73: {  	_ =	shalt  }
0x74: {  	_ =	shalt  }
0x75: {  	_ =	shalt  }
0x76: {  	_ =	shalt  }
0x77: {  	_ =	shalt  }
0x78: {  	_ =	shalt  }
0x79: {  	_ =	shalt  }
0x7a: {  	_ =	shalt  }
0x7b: {  	_ =	shalt  }
0x7c: {  	_ =	shalt  }
0x7d: {  	_ =	shalt  }
0x7e: {  	_ =	shalt  }
0x7f: {  	_ =	shalt  }
0x80: {  	_ =	shalt  }
0x81: {  	_ =	shalt  }
0x82: {  	_ =	shalt  }
0x83: {  	_ =	shalt  }
0x84: {  	_ =	shalt  }
0x85: {  	_ =	shalt  }
0x86: {  	_ =	shalt  }
0x87: {  	_ =	shalt  }
.Lfunc_end0:
.L_simem_size_0:
called_computation_lowered:
.L_overlay_start_0:
0x88: {  	s2 =	sld [smem:$0x3FD9]  }
0x89: {  	s3 =	sld [smem:$0x3FFE];
	_ =	sdelay $0x1  }
0x8a: {  	s1 =	srdreg.scid  }
0x8b: {  	s0 =	sand.u32 $0x1, s1  }
0x8c: {  	s17 =	sshll.u32 s0, $0xA;
	s2 =	sadd.s32 s3, s2  }
0x8d: {  	s2 =	sadd.s32 s2, s17  }
0x8e: {  	[smem:$0x3FB2] =	sst s2  }
0x8f: {  	_ = 	snop  }
0x90: {  	(tm) =	ssettm $0x1  }
0x91: {  	s18 =	sld [smem:$0x3FFB];
	_ =	sdelay $0x3  }
0x92: {  	_ =	strace s18  }
0x93: {  	s2 =	sld [smem:$0x3FFC];
	_ =	sdelay $0x3  }
0x94: {  	_ =	strace s2  }
0x95: {  	s2 =	sld [smem:$0x3FFD];
	_ =	sdelay $0x3  }
0x96: {  	_ =	strace s2  }
0x97: {  	_ =	strace $0x8FFFFFFF  }
0x98: {  	s19 =	sld [smem:$0x3FDB];
	_ =	sdelay $0x1  }
0x99: {  	s20 =	simm.s32 $_scs_section_size  }
0x9a: {  	s4 =	simm.s32 $_size__tile_overlayer_lowered;
	s5 =	simm.s32 $_tile_overlayer_lowered  }
0x9b: {  	s6 =	simm.s32 $0x1BFF;
	s21 =	sshll.u32 s5, $0x1;
	s3 =	sadd.s32 s20, s19  }
0x9c: {  	s22 =	simm.s32 $0x0;
	s4 =	sshll.u32 s4, $0x1;
	s5 =	sadd.s32 s21, s3  }
0x9d: {  	[timem:s22], [sflag:s6] =	dma.local [hbm:s5], s4  }
0x9e: {  	_ =	swait.ge [sflag:s6], s4  }
0x9f: {  	s4 =	ssub.s32 $0x0, s4;
	[sflag:s6] =	ssyncset.done $0x0  }
0xa0: {  	[sflag:s6] =	ssyncadd.s32 s4;
	_ =	sdelay $0x1  }
0xa1: {  	s23 =	simm.s32 $0x1B8B  }
0xa2: {  	_ =	swait.ge [sflag:s23], $0x1  }
0xa3: {  	[sflag:s23] =	ssyncset.done $0x0  }
0xa4: {  	[sflag:s23] =	ssyncadd.s32 $0xFFFFFFFF  }
0xa5: {  	s4 =	sld [smem:$0x0]  }
0xa6: {  	s5 =	sand.u32 $0xFFFFFFFE, s1  }
0xa7: {  	p0 =	sne.s32 s1, s5  }
0xa8: {  	s5 =	sshll.u32 @p0 s5, $0xE  }
0xa9: {  	s5 =	sadd.s32 @p0 $0x11B8D, s5;
	s6 =	sshll.u32 @p0 s4, $0x11  }
0xaa: {  	s5 =	sor.u32 @p0 s6, s5  }
0xab: {  	[sflag:s5] =	ssyncadd.remote.s32 @p0 $0x1;
	_ =	sdelay $0x1  }
0xac: {  	s5 =	simm.s32 @p0 $0x1B8D  }
0xad: {  	_ =	swait.eq @p0 [sflag:s5], $0x1  }
0xae: {  	[sflag:s5] =	ssyncadd.s32 @p0 $0xFFFFFFFF  }
0xaf: {  	s6 =	sshll.u32 @!p0 s1, $0xE  }
0xb0: {  	s6 =	sor.u32 @!p0 $0x4000, s6;
	s5 =	simm.s32 @!p0 $0x1B8D  }
0xb1: {  	s4 =	sshll.u32 @!p0 s4, $0x11;
	s6 =	sadd.s32 @!p0 $0x11B8D, s6;
	_ =	swait.eq @!p0 [sflag:s5], $0x1  }
0xb2: {  	s4 =	sor.u32 @!p0 s4, s6;
	[sflag:s5] =	ssyncadd.s32 @!p0 $0xFFFFFFFF  }
0xb3: {  	s25 =	simm.s32 $0x1B8E;
	s24 =	sld [smem:$0x3FFE];
	[sflag:s4] =	ssyncadd.remote.s32 @!p0 $0x1  }
0xb4: {  	s26 =	simm.s32 $execute0_lowered;
	[smem:$0x3FD2] =	sst s25  }
0xb5: {  	s5 =	sshll.u32 s26, $0x1;
	_ =	strace $0x80000049;
	[dreg:$0x1] =	wrdreg $0xFFFFFFFF  }
0xb6: {  	s28 =	simm.s32 $_size_execute0_lowered;
	s3 =	sadd.s32 s3, s5;
	[dreg:$0x0] =	wrdreg $0x0  }
0xb7: {  	s5 =	sshll.u32 s28, $0x1;
	[dreg:$0x2] =	wrdreg s3  }
0xb8: {  	[dreg:$0x3] =	wrdreg s5  }
0xb9: {  	[dreg:$0x4] =	wrdreg $0xC0  }
0xba: {  	_ =	task [dreg:s22], $0x5FFFF  }
0xbb: {  	[dreg:$0x1] =	wrdreg $0xFFFFFFFF  }
0xbc: {  	[dreg:$0x0] =	wrdreg $0x60  }
0xbd: {  	[dreg:$0x2] =	wrdreg s24  }
0xbe: {  	[dreg:$0x3] =	wrdreg $0x9  }
0xbf: {  	_ =	task.clear_ibuf [dreg:s22], $0x4FFFF;
	_ =	strace $0x90000049  }
0xc0: {  	s29 =	simm.s32 $0x9;
	_ =	strace $0x8000004B  }
0xc1: {  	_ =	swait.ge [sflag:s29], $0x1  }
0xc2: {  	[sflag:s29] =	ssyncadd.s32 $0xFFFFFFFF  }
0xc3: {  	_ =	strace $0x9000004B  }
0xc4: {  	_ =	sfence  }
0xc5: {  	s30 =	sld [smem:$0x0];
	_ =	sdelay $0x2  }
0xc6: {  	s31 =	sshll.u32 s1, $0xD;
	s1 =	sshrl.u32 s1, $0x2  }
0xc7: {  	s4 =	sand.u32 $0x4000, s31;
	s1 =	sadd.s32 s1, s30  }
0xc8: {  	s0 =	sor.u32 s4, s0;
	s1 =	sshll.u32 s1, $0x11  }
0xc9: {  	s0 =	sor.u32 s1, s0  }
0xca: {  	s0 =	sadd.s32 $0x8F2B, s0  }
0xcb: {  	[sflag:s0] =	ssyncadd.remote.s32 $0x1  }
0xcc: {  	_ =	sfence.sel $0xFFFF  }
0xcd: {  	[dreg:$0x0] =	wrdreg $0xFFFFFFFF;
	(pc) =	sbr.abs _section_cstart, $3  }
0xce: {  	[dreg:$0x1] =	wrdreg $0xFFFFFFFF  }
0xcf: {  	_ =	task.clear_ibuf [dreg:s22], $0x2FFFF;
	_ =	strace $0x9FFFFFFF  }
0xd0: {  	(tm) =	ssettm $0x7FFFFFFF  }
0xd1: {  	_ =	shalt  }
tec
execute0_lowered:
.L_overlay_start_1:
0x0: {  	(tag) =	ssettag $0x1  }
0x1: {  	s4 =	rddreg [dreg:$0x0]  }
0x2: {  	s0 =	rddreg [dreg:$0x1]  }
0x3: {  	s3 =	srdreg.scid;
	s1 =	stileid.u32  }
0x4: {  	s2 =	simm.s32 $0x0;
	s3 =	sand.u32 $0x1, s3;
	s5 =	sshll.u32 s1, $0x1  }
0x5: {  	[smem:$0x7FF] =	sst s2;
	s5 =	sor.u32 s3, s5;
	s6 =	ssub.s32 $0x2, s3  }
0x6: {  	_ =	strace $0x8000004A;
	s3 =	sadd.s32 $0x8200, s4;
	s7 =	sshll.u32 s5, $0xA  }
0x7: {  	s8 =	sshrl.u32 s6, $0x1;
	s31 =	sshll.u32 s5, $0xD;
	s4 =	sadd.s32 s7, s4  }
0x8: {  	s6 =	ssub.s32 s6, s8;
	s7 =	simm.s32 $0x1;
	s8 =	simm.s32 $0x0  }
0x9: {  	v1 =	vimm.f32 $0.0e+00;
	v2 =	vimm.f32 $1.000000000e+00;
	v0 =	vmov s31;
	s4 =	sadd.s32 $0x48400, s4;
	s5 =	smax.u32 s6, $0x1;
	s6 =	simm.s32 $0x2000  }
.LBB2_1:
0xa: {  	[tilespmem:s6], [sflag:$0x1] =	stream.linear.gather [hbm4b:s3+s2], $0x800, $0x38;
	[tilespmem:$0x2800] =	vst v63  }
0xb: {  	s9 =	sand.u32 $0x3000, s2;
	s10 =	simm.s32 $0x0;
	s11 =	simm.s32 $0x0  }
0xc: {  	_ =	swait.ge [sflag:s7], $0x800;
	s10 =	sand.u32 $0x1000, s10;
	s9 =	sshrl.u32 s9, $0x2  }
0xd: {  	s11 =	sand.u32 $0x380, s11;
	[sflag:s7] =	ssyncset.done $0x0;
	s9 =	sor.u32 s9, s10  }
0xe: {  	[sflag:s7] =	ssyncadd.s32 $0xFFFFF800;
	s9 =	sor.u32 s11, s9  }
0xf: {  	[tilespmem:s9+$0x70] =	vst v1  }
0x10: {  	[tilespmem:s9+$0x0] =	vst v1  }
0x11: {  	[tilespmem:s9+$0x10] =	vst v1  }
0x12: {  	s12 =	simm.s32 $0x20;
	s10 =	simm.s32 $0x1000;
	[tilespmem:s9+$0x20] =	vst v1  }
0x13: {  	s14 =	simm.s32 $0x80;
	s13 =	sand.u32 $0x3000, s10;
	s11 =	simm.s32 $0x2;
	[tilespmem:s9+$0x30] =	vst v1  }
.LBB2_2:
0x14: {  	p0 =	sne.s32 s11, $0x3F;
	s14 =	sand.u32 $0x1000, s14;
	s13 =	sshrl.u32 s13, $0x2;
	[tilespmem:s9+$0x40] =	vst v1  }
0x15: {  	s12 =	sand.u32 $0x380, s12;
	s13 =	sor.u32 s13, s14;
	[tilespmem:s9+$0x50] =	vst v1  }
0x16: {  	[tilespmem:s9+$0x60] =	vst v1;
	s9 =	sor.u32 s12, s13  }
.Ltmp0:
0x17: {  	[tilespmem:s9+$0x70] =	vst v1;
	(pc) =	sbr.rel @p0 .LBB2_2-.Ltmp0, $4  }
0x18: {  	[tilespmem:s9+$0x0] =	vst v1  }
0x19: {  	[tilespmem:s9+$0x10] =	vst v1  }
0x1a: {  	s10 =	sadd.s32 $0x1000, s10;
	s12 =	sshll.u32 s11, $0x5;
	[tilespmem:s9+$0x20] =	vst v1  }
0x1b: {  	s14 =	sshll.u32 s11, $0x7;
	s13 =	sand.u32 $0x3000, s10;
	s11 =	sadd.s32 $0x1, s11;
	[tilespmem:s9+$0x30] =	vst v1  }
0x1c: {  	s10 =	sand.u32 $0x1000, s14;
	s11 =	sshrl.u32 s13, $0x2;
	[tilespmem:s9+$0x40] =	vst v1  }
0x1d: {  	s12 =	sand.u32 $0x380, s12;
	[tilespmem:s9+$0x50] =	vst v1;
	s10 =	sor.u32 s11, s10  }
0x1e: {  	[tilespmem:s9+$0x60] =	vst v1;
	s10 =	sor.u32 s12, s10  }
0x1f: {  	[tilespmem:s10+$0x70] =	vst v1  }
0x20: {  	[tilespmem:s10+$0x0] =	vst v1  }
0x21: {  	[tilespmem:s10+$0x10] =	vst v1  }
0x22: {  	[tilespmem:s10+$0x20] =	vst v1  }
0x23: {  	[tilespmem:s10+$0x30] =	vst v1  }
0x24: {  	[tilespmem:s10+$0x40] =	vst v1  }
0x25: {  	[tilespmem:s10+$0x50] =	vst v1  }
0x26: {  	s9 =	simm.s32 $0x0;
	[tilespmem:s10+$0x60] =	vst v1  }
.LBB2_4:
0x27: {  	s10 =	sshra.s32 s9, $0x2  }
0x28: {  	v3 =	vld [tilespmem:s10+$0x2000];
	_ =	sdelay $0x4  }
0x29: {  	v4 =	vshll.u32 v3, $0x3  }
0x2a: {  	v5 =	vsub.s32 v3, v0;
	v6 =	vand.u32 $0x7F, v3;
	v4 =	vand.u32 $0xC00, v4  }
0x2b: {  	v3 =	vshrl.u32 v3, $0x2;
	v51 =	vand.u32 $0xFFFFF000, v5;
	v4 =	vor.u32 v6, v4  }
0x2c: {  	vm0 =	vlt.u32 v5, $0x2000;
	v3 =	vand.u32 $0x380, v3;
	v4 =	vor.u32 v51, v4  }
0x2d: {  	v3 =	vor.u32 v3, v4;
	_ =	sdelay $0x4  }
0x2e: {  	[tilespmem:v3+s2+$0x0] =	vst.idx.add.f32.msk vm0, v2  }
0x2f: {  	v3 =	vld [tilespmem:s10+$0x2010];
	_ =	sdelay $0x4  }
0x30: {  	v52 =	vshll.u32 v3, $0x3  }
0x31: {  	v53 =	vsub.s32 v3, v0;
	v54 =	vand.u32 $0x7F, v3;
	v4 =	vand.u32 $0xC00, v52  }
0x32: {  	v3 =	vshrl.u32 v3, $0x2;
	v55 =	vand.u32 $0xFFFFF000, v53;
	v4 =	vor.u32 v54, v4  }
0x33: {  	vm13 =	vlt.u32 v53, $0x2000;
	v3 =	vand.u32 $0x380, v3;
	v4 =	vor.u32 v55, v4  }
0x34: {  	v3 =	vor.u32 v3, v4;
	_ =	sdelay $0x4  }
0x35: {  	[tilespmem:v3+s2+$0x0] =	vst.idx.add.f32.msk vm13, v2  }
0x36: {  	v3 =	vld [tilespmem:s10+$0x2020];
	_ =	sdelay $0x4  }
0x37: {  	v56 =	vshll.u32 v3, $0x3  }
0x38: {  	v57 =	vsub.s32 v3, v0;
	v58 =	vand.u32 $0x7F, v3;
	v4 =	vand.u32 $0xC00, v56  }
0x39: {  	v3 =	vshrl.u32 v3, $0x2;
	v59 =	vand.u32 $0xFFFFF000, v57;
	v4 =	vor.u32 v58, v4  }
0x3a: {  	vm14 =	vlt.u32 v57, $0x2000;
	v3 =	vand.u32 $0x380, v3;
	v4 =	vor.u32 v59, v4  }
0x3b: {  	v3 =	vor.u32 v3, v4;
	_ =	sdelay $0x4  }
0x3c: {  	[tilespmem:v3+s2+$0x0] =	vst.idx.add.f32.msk vm14, v2  }
0x3d: {  	v3 =	vld [tilespmem:s10+$0x2030];
	_ =	sdelay $0x4  }
0x3e: {  	v60 =	vshll.u32 v3, $0x3  }
0x3f: {  	v61 =	vsub.s32 v3, v0;
	v62 =	vand.u32 $0x7F, v3;
	v4 =	vand.u32 $0xC00, v60  }
0x40: {  	v3 =	vshrl.u32 v3, $0x2;
	v63 =	vand.u32 $0xFFFFF000, v61;
	v4 =	vor.u32 v62, v4  }
0x41: {  	vm15 =	vlt.u32 v61, $0x2000;
	v3 =	vand.u32 $0x380, v3;
	v4 =	vor.u32 v63, v4  }
0x42: {  	p0 =	sne.s32 s9, $0x1F00;
	v3 =	vor.u32 v3, v4  }
.Ltmp1:
0x43: {  	_ = 	snop;
	(pc) =	sbr.rel @p0 .LBB2_4-.Ltmp1, $2  }
0x44: {  	_ =	sdelay $0x2  }
0x45: {  	s9 =	sadd.s32 $0x100, s9;
	[tilespmem:v3+s2+$0x0] =	vst.idx.add.f32.msk vm15, v2  }
0x46: {  	s8 =	sadd.s32 $0x1, s8  }
0x47: {  	p0 =	sne.s32 s8, s5  }
.Ltmp2:
0x48: {  	_ = 	snop;
	(pc) =	sbr.rel @p0 .LBB2_1-.Ltmp2, $4  }
0x49: {  	[hbm4b:s4+s2] =	stream.linear.scatter [tilespmem:s2], [sflag:$0x1], $0x2000, $0x38;
	[tilespmem:$0x2800] =	vst v63  }
0x4a: {  	_ =	swait.ge [sflag:s7], $0x2000  }
0x4b: {  	[sflag:s7] =	ssyncset.done $0x0  }
0x4c: {  	[sflag:s7] =	ssyncadd.s32 $0xFFFFE000  }
0x4d: {  	_ =	sfence.sel $0x180000  }
0x4e: {  	[bflag:$0x0] =	sbarrier.arrive $0xFFFF  }
0x4f: {  	p0 =	sne.s32 s1, $0x0;
	_ =	strace $0x9000004A  }
0x50: {  	s0 =	sadd.s32 @!p0 $0x100000, s0;
	[bflag:$0x2] =	sbarrier.arrive $0xFFFF  }
0x51: {  	[sflag:s0] =	ssyncadd.tile.s32 @!p0 $0x1;
	_ =	shalt  }
.Lfunc_end2:
_tile_overlayer_lowered:
.L_overlay_start_2:
0x52: {  	(tag) =	ssettag $0x2  }
0x53: {  	s0 =	rddreg [dreg:$0x0];
	s2 =	stileid.u32  }
0x54: {  	s1 =	rddreg [dreg:$0x1];
	p0 =	sne.s32 s2, $0x0  }
0x55: {  	s3 =	rddreg [dreg:$0x2];
	[bflag:$0x3] =	sbarrier.arrive $0xFFFF;
	s2 =	simm.s32 @!p0 $0x1C01  }
0x56: {  	[timem:s3], [sflag:s2] =	dma.local @!p0 [hbm:s0], s1  }
0x57: {  	s0 =	simm.s32 @!p0 $0x1  }
0x58: {  	_ =	swait.ge @!p0 [sflag:s0], s1  }
0x59: {  	s1 =	ssub.s32 @!p0 $0x0, s1;
	[sflag:s0] =	ssyncset.done @!p0 $0x0  }
0x5a: {  	[sflag:s0] =	ssyncadd.s32 @!p0 s1  }
0x5b: {  	[bflag:$0x3] =	sbarrier.arrive $0xFFFF  }
0x5c: {  	_ =	shalt  }

// kernel: kernel.15.cloned.1.call-start
scs
__scs_entry_jumppad:
0x0: {  	(pc) =	sbr.rel $0x88, $3  }
0x1: {  	(tag) =	ssettag $0x0;
	lr =	simm.s32 $0x1  }
0x2: {  	[smem:$0x3F8B] =	sst lr;
	_ =	strace $0xD0000000  }
0x3: {  	_ = 	snop  }
0x4: {  	_ = 	snop  }
0x5: {  	_ = 	snop  }
0x6: {  	_ = 	snop  }
0x7: {  	_ = 	snop  }
__scs_overlays_trampoline_lowered:
0x8: {  	[smem:$0x3F9A] =	sst s0  }
0x9: {  	[smem:$0x3F9B] =	sst s1  }
0xa: {  	[smem:$0x3F9C] =	sst s2  }
0xb: {  	[smem:$0x3F9D] =	sst s3  }
0xc: {  	[smem:$0x3F9E] =	sst s4  }
0xd: {  	[smem:$0x3F9F] =	sst s5  }
0xe: {  	[smem:$0x3FA0] =	sst s6  }
0xf: {  	[smem:$0x3FA1] =	sst s7  }
0x10: {  	[smem:$0x3FA2] =	sst s8  }
0x11: {  	[smem:$0x3FA3] =	sst s9;
	s0 =	simm.s32 @!p0 $0x0  }
0x12: {  	s1 =	sld [smem:$0x3F89];
	s0 =	simm.s32 @p0 $0x1  }
0x13: {  	[smem:$0x3FA4] =	sst s0;
	s0 =	simm.s32 @!p1 $0x0  }
0x14: {  	s2 =	sld [smem:$0x3F88];
	s0 =	simm.s32 @p1 $0x1  }
0x15: {  	[smem:$0x3FA5] =	sst s0;
	s0 =	simm.s32 @!p2 $0x0  }
0x16: {  	s3 =	sld [smem:$0x3FDB];
	s0 =	simm.s32 @p2 $0x1  }
0x17: {  	s4 =	simm.s32 $0x1BF5;
	[smem:$0x3FA7] =	sst s0  }
0x18: {  	s0 =	sld [smem:$0x3F8A];
	_ =	swait.ge [sflag:s4], $0x0  }
0x19: {  	s7 =	sld [smem:$0x3F8B]  }
0x1a: {  	s8 =	sadd.s32 $0xFFFFE003, lr  }
0x1b: {  	s9 =	sadd.s32 $0xFFFFFEF7, lr;
	s5 =	simm.s32 $0xFFFFFFFF;
	p2 =	slt.u32 s8, $0xFFFFF086  }
0x1c: {  	p1 =	slt.u32 s9, $0xF7A;
	s5 =	simm.s32 @!p2 $0x0  }
0x1d: {  	s5 =	simm.s32 @p1 $0x1;
	p0 =	seq.s32 s7, s2  }
0x1e: {  	s7 =	smul.u32 @!p0 $0xF7A, s2;
	p2 =	seq.s32 @!p0 s5, $0x0  }
0x1f: {  	s9 =	smul.u32 $0xF7A, s1;
	s8 =	simm.s32 @!p0 $0x1BF5;
	p2 =	por !p2, p0  }
0x20: {  	[sflag:s8] =	ssyncset.s32 @!p0 $0xFFFFF086;
	s6 =	sadd.s32 @!p0 s3, s7;
	s7 =	simm.s32 @!p0 $0x108  }
0x21: {  	s3 =	sadd.s32 s3, s9;
	s6 =	sadd.s32 @!p0 $0x88, s6;
	s7 =	simm.s32 @p2 $0x1082  }
0x22: {  	[simem:s7], [sflag:s8] =	dma.local @!p0 [hbm:s6], $0xF7A  }
0x23: {  	s9 =	sor.u32 $0xD0000000, s2;
	s6 =	simm.s32 $0x108;
	_ =	swait.ge @!p0 [sflag:s8], $0x0  }
0x24: {  	s3 =	sadd.s32 $0x88, s3;
	s6 =	simm.s32 @!p1 $0x1082;
	[sflag:s4] =	ssyncset.s32 $0xFFFFF086  }
0x25: {  	[simem:s6], [sflag:s4] =	dma.local [hbm:s3], $0xF7A  }
0x26: {  	[smem:$0x3F8B] =	sst s1;
	(tag) =	ssettag s2;
	_ =	strace s9  }
0x27: {  	s1 =	sld [smem:$0x3F9B]  }
0x28: {  	s2 =	sld [smem:$0x3F9C]  }
0x29: {  	s4 =	sld [smem:$0x3F9E]  }
0x2a: {  	p0 =	seq.s32 s5, $0x0;
	s5 =	sld [smem:$0x3F9F]  }
0x2b: {  	s6 =	sld [smem:$0x3FA0]  }
0x2c: {  	s7 =	sld [smem:$0x3FA1]  }
0x2d: {  	s3 =	simm.s32 $0x108;
	s8 =	sld [smem:$0x3FA2]  }
0x2e: {  	s3 =	simm.s32 @!p0 $0x1082;
	s9 =	sld [smem:$0x3FA3]  }
0x2f: {  	lr =	sadd.s32 s0, s3;
	s0 =	sld [smem:$0x3F9A]  }
0x30: {  	s3 =	sld [smem:$0x3F9D]  }
0x31: {  	[smem:$0x3FA6] =	sst s10  }
0x32: {  	s10 =	sld [smem:$0x3FA4];
	_ =	sdelay $0x3  }
0x33: {  	p0 =	seq.s32 s10, $0x1;
	s10 =	sld [smem:$0x3FA6];
	_ =	sdelay $0x3  }
0x34: {  	[smem:$0x3FA6] =	sst s10  }
0x35: {  	s10 =	sld [smem:$0x3FA5];
	_ =	sdelay $0x3  }
0x36: {  	p1 =	seq.s32 s10, $0x1;
	s10 =	sld [smem:$0x3FA6];
	_ =	sdelay $0x3  }
0x37: {  	[smem:$0x3FA6] =	sst s10  }
0x38: {  	s10 =	sld [smem:$0x3FA7]  }
0x39: {  	_ = 	snop;
	(pc) =	sbr.ind lr, $3  }
0x3a: {  	_ = 	snop  }
0x3b: {  	_ = 	snop  }
0x3c: {  	p2 =	seq.s32 s10, $0x1;
	s10 =	sld [smem:$0x3FA6]  }
0x3d: {  	_ =	shalt  }
0x3e: {  	_ =	shalt  }
0x3f: {  	_ =	shalt  }
0x40: {  	_ =	shalt  }
0x41: {  	_ =	shalt  }
0x42: {  	_ =	shalt  }
0x43: {  	_ =	shalt  }
0x44: {  	_ =	shalt  }
0x45: {  	_ =	shalt  }
0x46: {  	_ =	shalt  }
0x47: {  	_ =	shalt  }
0x48: {  	_ =	shalt  }
0x49: {  	_ =	shalt  }
0x4a: {  	_ =	shalt  }
0x4b: {  	_ =	shalt  }
0x4c: {  	_ =	shalt  }
0x4d: {  	_ =	shalt  }
0x4e: {  	_ =	shalt  }
0x4f: {  	_ =	shalt  }
0x50: {  	_ =	shalt  }
0x51: {  	_ =	shalt  }
0x52: {  	_ =	shalt  }
0x53: {  	_ =	shalt  }
0x54: {  	_ =	shalt  }
0x55: {  	_ =	shalt  }
0x56: {  	_ =	shalt  }
0x57: {  	_ =	shalt  }
0x58: {  	_ =	shalt  }
0x59: {  	_ =	shalt  }
0x5a: {  	_ =	shalt  }
0x5b: {  	_ =	shalt  }
0x5c: {  	_ =	shalt  }
0x5d: {  	_ =	shalt  }
0x5e: {  	_ =	shalt  }
0x5f: {  	_ =	shalt  }
0x60: {  	_ =	shalt  }
0x61: {  	_ =	shalt  }
0x62: {  	_ =	shalt  }
0x63: {  	_ =	shalt  }
0x64: {  	_ =	shalt  }
0x65: {  	_ =	shalt  }
0x66: {  	_ =	shalt  }
0x67: {  	_ =	shalt  }
0x68: {  	_ =	shalt  }
0x69: {  	_ =	shalt  }
0x6a: {  	_ =	shalt  }
0x6b: {  	_ =	shalt  }
0x6c: {  	_ =	shalt  }
0x6d: {  	_ =	shalt  }
0x6e: {  	_ =	shalt  }
0x6f: {  	_ =	shalt  }
0x70: {  	_ =	shalt  }
0x71: {  	_ =	shalt  }
0x72: {  	_ =	shalt  }
0x73: {  	_ =	shalt  }
0x74: {  	_ =	shalt  }
0x75: {  	_ =	shalt  }
0x76: {  	_ =	shalt  }
0x77: {  	_ =	shalt  }
0x78: {  	_ =	shalt  }
0x79: {  	_ =	shalt  }
0x7a: {  	_ =	shalt  }
0x7b: {  	_ =	shalt  }
0x7c: {  	_ =	shalt  }
0x7d: {  	_ =	shalt  }
0x7e: {  	_ =	shalt  }
0x7f: {  	_ =	shalt  }
0x80: {  	_ =	shalt  }
0x81: {  	_ =	shalt  }
0x82: {  	_ =	shalt  }
0x83: {  	_ =	shalt  }
0x84: {  	_ =	shalt  }
0x85: {  	_ =	shalt  }
0x86: {  	_ =	shalt  }
0x87: {  	_ =	shalt  }
.Lfunc_end0:
.L_simem_size_0:
called_computation.1_lowered:
.L_overlay_start_0:
0x88: {  	s2 =	sld [smem:$0x3FD9]  }
0x89: {  	s3 =	sld [smem:$0x3FFE];
	_ =	sdelay $0x1  }
0x8a: {  	s1 =	srdreg.scid  }
0x8b: {  	s0 =	sand.u32 $0x1, s1  }
0x8c: {  	s16 =	sshll.u32 s0, $0xA;
	s2 =	sadd.s32 s3, s2  }
0x8d: {  	s2 =	sadd.s32 s2, s16  }
0x8e: {  	[smem:$0x3FB2] =	sst s2  }
0x8f: {  	_ = 	snop  }
0x90: {  	(tm) =	ssettm $0x1  }
0x91: {  	s17 =	sld [smem:$0x3FFB];
	_ =	sdelay $0x3  }
0x92: {  	_ =	strace s17  }
0x93: {  	s2 =	sld [smem:$0x3FFC];
	_ =	sdelay $0x3  }
0x94: {  	_ =	strace s2  }
0x95: {  	s2 =	sld [smem:$0x3FFD];
	_ =	sdelay $0x3  }
0x96: {  	_ =	strace s2  }
0x97: {  	_ =	strace $0x8FFFFFFF  }
0x98: {  	s18 =	sld [smem:$0x3FDB];
	_ =	sdelay $0x1  }
0x99: {  	s19 =	simm.s32 $_scs_section_size  }
0x9a: {  	s4 =	simm.s32 $_size__tile_overlayer_lowered;
	s5 =	simm.s32 $_tile_overlayer_lowered  }
0x9b: {  	s22 =	simm.s32 $0x1BFF;
	s21 =	sshll.u32 s5, $0x1;
	s2 =	sadd.s32 s19, s18  }
0x9c: {  	s6 =	simm.s32 $0x0;
	s20 =	sshll.u32 s4, $0x1;
	s4 =	sadd.s32 s21, s2  }
0x9d: {  	[timem:s6], [sflag:s22] =	dma.local [hbm:s4], s20  }
0x9e: {  	_ =	swait.ge [sflag:s22], s20  }
0x9f: {  	s3 =	ssub.s32 $0x0, s20;
	[sflag:s22] =	ssyncset.done $0x0  }
0xa0: {  	[sflag:s22] =	ssyncadd.s32 s3;
	_ =	sdelay $0x1  }
0xa1: {  	s23 =	simm.s32 $0x1B8B  }
0xa2: {  	_ =	swait.ge [sflag:s23], $0x1  }
0xa3: {  	[sflag:s23] =	ssyncset.done $0x0  }
0xa4: {  	s25 =	simm.s32 $0x1B8E;
	s24 =	sld [smem:$0x3FFE];
	[sflag:s23] =	ssyncadd.s32 $0xFFFFFFFF  }
0xa5: {  	s26 =	simm.s32 $execute0_lowered;
	[smem:$0x3FD2] =	sst s25  }
0xa6: {  	s4 =	sshll.u32 s26, $0x1;
	_ =	strace $0x80000046;
	[dreg:$0x1] =	wrdreg $0xFFFFFFFF  }
0xa7: {  	s28 =	simm.s32 $_size_execute0_lowered;
	s2 =	sadd.s32 s2, s4;
	[dreg:$0x0] =	wrdreg $0x0  }
0xa8: {  	s4 =	sshll.u32 s28, $0x1;
	[dreg:$0x2] =	wrdreg s2  }
0xa9: {  	[dreg:$0x3] =	wrdreg s4  }
0xaa: {  	[dreg:$0x4] =	wrdreg $0xC0  }
0xab: {  	_ =	task [dreg:s6], $0x5FFFF  }
0xac: {  	[dreg:$0x1] =	wrdreg $0xFFFFFFFF  }
0xad: {  	[dreg:$0x0] =	wrdreg $0x60  }
0xae: {  	[dreg:$0x2] =	wrdreg s24  }
0xaf: {  	[dreg:$0x3] =	wrdreg $0xA  }
0xb0: {  	_ =	task.clear_ibuf [dreg:s6], $0x4FFFF;
	_ =	strace $0x90000046  }
0xb1: {  	s29 =	simm.s32 $0xA;
	_ =	strace $0x80000048  }
0xb2: {  	_ =	swait.ge [sflag:s29], $0x1  }
0xb3: {  	[sflag:s29] =	ssyncadd.s32 $0xFFFFFFFF  }
0xb4: {  	_ =	strace $0x90000048  }
0xb5: {  	_ =	sfence  }
0xb6: {  	s30 =	sld [smem:$0x0];
	_ =	sdelay $0x2  }
0xb7: {  	s31 =	sshll.u32 s1, $0xD;
	s1 =	sshrl.u32 s1, $0x2  }
0xb8: {  	s3 =	sand.u32 $0x4000, s31;
	s1 =	sadd.s32 s1, s30  }
0xb9: {  	s0 =	sor.u32 s3, s0;
	s1 =	sshll.u32 s1, $0x11  }
0xba: {  	s0 =	sor.u32 s1, s0  }
0xbb: {  	s0 =	sadd.s32 $0x8F2B, s0  }
0xbc: {  	[sflag:s0] =	ssyncadd.remote.s32 $0x1  }
0xbd: {  	_ =	sfence.sel $0xFFFF  }
0xbe: {  	[dreg:$0x0] =	wrdreg $0xFFFFFFFF;
	(pc) =	sbr.abs _section_cstart, $3  }
0xbf: {  	[dreg:$0x1] =	wrdreg $0xFFFFFFFF  }
0xc0: {  	_ =	task.clear_ibuf [dreg:s6], $0x2FFFF;
	_ =	strace $0x9FFFFFFF  }
0xc1: {  	(tm) =	ssettm $0x7FFFFFFF  }
tec
execute0_lowered:
.L_overlay_start_1:
0x0: {  	(tag) =	ssettag $0x1  }
0x1: {  	s4 =	rddreg [dreg:$0x0];
	s2 =	simm.s32 $0x0  }
0x2: {  	[smem:$0x7FF] =	sst s2;
	s3 =	sadd.s32 $0x4200, s4  }
0x3: {  	s5 =	sadd.s32 $0x6200, s4;
	_ =	strace $0x80000047;
	[dreg:$0x2] =	wrdreg s3  }
0x4: {  	s10 =	sadd.s32 $0x4400, s4;
	[dreg:$0x3] =	wrdreg s5  }
0x5: {  	s11 =	sadd.s32 $0x6400, s4;
	[dreg:$0x4] =	wrdreg s10  }
0x6: {  	s13 =	sadd.s32 $0x4600, s4;
	[dreg:$0x5] =	wrdreg s11  }
0x7: {  	s14 =	sadd.s32 $0x6600, s4;
	[dreg:$0x6] =	wrdreg s13  }
0x8: {  	s15 =	sadd.s32 $0x4800, s4;
	[dreg:$0x7] =	wrdreg s14  }
0x9: {  	s16 =	sadd.s32 $0x6800, s4;
	[dreg:$0x8] =	wrdreg s15  }
0xa: {  	s17 =	sadd.s32 $0x4A00, s4;
	[dreg:$0x9] =	wrdreg s16  }
0xb: {  	s0 =	srdreg.scid;
	s18 =	sadd.s32 $0x6A00, s4;
	[dreg:$0xa] =	wrdreg s17  }
0xc: {  	s1 =	stileid.u32;
	s19 =	sadd.s32 $0x4C00, s4;
	[dreg:$0xb] =	wrdreg s18  }
0xd: {  	s0 =	sand.u32 $0x1, s0;
	s20 =	sadd.s32 $0x6C00, s4;
	[dreg:$0xc] =	wrdreg s19  }
0xe: {  	s1 =	sshll.u32 s1, $0x1;
	s21 =	sadd.s32 $0x4E00, s4;
	[dreg:$0xd] =	wrdreg s20  }
0xf: {  	s22 =	sadd.s32 $0x6E00, s4;
	s23 =	sadd.s32 $0x5000, s4;
	[dreg:$0xe] =	wrdreg s21  }
0x10: {  	s24 =	sadd.s32 $0x7000, s4;
	s25 =	sadd.s32 $0x5200, s4;
	[dreg:$0xf] =	wrdreg s22  }
0x11: {  	s26 =	sadd.s32 $0x7200, s4;
	s28 =	sadd.s32 $0x5A00, s4;
	[dreg:$0x10] =	wrdreg s23  }
0x12: {  	s29 =	sadd.s32 $0x7A00, s4;
	s30 =	sadd.s32 $0x5C00, s4;
	[dreg:$0x11] =	wrdreg s24  }
0x13: {  	s31 =	sadd.s32 $0x7C00, s4;
	s1 =	sor.u32 s0, s1;
	[dreg:$0x12] =	wrdreg s25  }
0x14: {  	s0 =	ssub.s32 $0x2, s0;
	[dreg:$0x13] =	wrdreg s26;
	s21 =	sadd.s32 $0x5400, s4  }
0x15: {  	s22 =	sadd.s32 $0x7400, s4;
	s23 =	sadd.s32 $0x5600, s4;
	s24 =	sadd.s32 $0x7600, s4  }
0x16: {  	s25 =	sadd.s32 $0x5800, s4;
	s26 =	sadd.s32 $0x7800, s4;
	s3 =	sadd.s32 $0x6000, s4  }
0x17: {  	s10 =	simm.s32 $0x11000;
	s11 =	simm.s32 $0x13000;
	s13 =	simm.s32 $0x3  }
0x18: {  	s14 =	simm.s32 $0x0;
	s7 =	sshll.u32 s1, $0xD;
	s9 =	sshrl.u32 s0, $0x1  }
0x19: {  	s12 =	sshll.u32 s1, $0x10;
	s1 =	sadd.s32 $0x7E00, s4;
	s8 =	sadd.s32 s7, s4  }
0x1a: {  	s6 =	ssub.s32 s0, s9;
	s0 =	sadd.s32 $0x5E00, s4;
	s4 =	sadd.s32 $0x8000, s4  }
0x1b: {  	s7 =	simm.s32 $0x10000;
	s9 =	simm.s32 $0x1;
	v0 =	vmov s12;
	s12 =	simm.s32 $0x2  }
0x1c: {  	v1 =	vimm.s32 $0x0;
	s5 =	sadd.s32 $0x8400, s8;
	s6 =	smax.u32 s6, $0x1;
	s8 =	simm.s32 $0x12000  }
.LBB2_1:
0x1d: {  	s15 =	rddreg [dreg:$0x2];
	s20 =	sand.u32 $0x7000, s2;
	s16 =	simm.s32 $0x0  }
0x1e: {  	[tilespmem:s7], [sflag:$0x1] =	stream.linear.gather [hbm4b:s15+s2], $0x1000, $0x38;
	[tilespmem:$0x14000] =	vst v63  }
0x1f: {  	s17 =	simm.s32 $0x0;
	s16 =	sand.u32 $0xE000, s16;
	s15 =	sshrl.u32 s20, $0x2  }
0x20: {  	s19 =	rddreg [dreg:$0x3];
	s17 =	sand.u32 $0x380, s17;
	s15 =	sor.u32 s15, s16  }
0x21: {  	[tilespmem:s8], [sflag:$0x1] =	stream.linear.gather [hbm4b:s19+s2], $0x1000, $0x38;
	[tilespmem:$0x14000] =	vst v63  }
0x22: {  	s15 =	sor.u32 s17, s15  }
0x23: {  	[tilespmem:s15+$0x70] =	vst v1  }
0x24: {  	[tilespmem:s15+$0x0] =	vst v1  }
0x25: {  	[tilespmem:s15+$0x10] =	vst v1  }
0x26: {  	s18 =	simm.s32 $0x10;
	s16 =	simm.s32 $0x1000;
	[tilespmem:s15+$0x20] =	vst v1  }
0x27: {  	s20 =	simm.s32 $0x80;
	s19 =	sand.u32 $0x7000, s16;
	s17 =	simm.s32 $0x2;
	[tilespmem:s15+$0x30] =	vst v1  }
.LBB2_2:
0x28: {  	p0 =	sne.s32 s17, $0x1FF;
	s20 =	sand.u32 $0xE000, s20;
	s19 =	sshrl.u32 s19, $0x2;
	[tilespmem:s15+$0x40] =	vst v1  }
0x29: {  	s18 =	sand.u32 $0x380, s18;
	s19 =	sor.u32 s19, s20;
	[tilespmem:s15+$0x50] =	vst v1  }
0x2a: {  	[tilespmem:s15+$0x60] =	vst v1;
	s15 =	sor.u32 s18, s19  }
.Ltmp0:
0x2b: {  	[tilespmem:s15+$0x70] =	vst v1;
	(pc) =	sbr.rel @p0 .LBB2_2-.Ltmp0, $4  }
0x2c: {  	[tilespmem:s15+$0x0] =	vst v1  }
0x2d: {  	[tilespmem:s15+$0x10] =	vst v1  }
0x2e: {  	s16 =	sadd.s32 $0x1000, s16;
	s18 =	sshll.u32 s17, $0x4;
	[tilespmem:s15+$0x20] =	vst v1  }
0x2f: {  	s20 =	sshll.u32 s17, $0x7;
	s19 =	sand.u32 $0x7000, s16;
	s17 =	sadd.s32 $0x1, s17;
	[tilespmem:s15+$0x30] =	vst v1  }
0x30: {  	s16 =	sand.u32 $0xE000, s20;
	s17 =	sshrl.u32 s19, $0x2;
	[tilespmem:s15+$0x40] =	vst v1  }
0x31: {  	s18 =	sand.u32 $0x380, s18;
	[tilespmem:s15+$0x50] =	vst v1;
	s16 =	sor.u32 s17, s16  }
0x32: {  	[tilespmem:s15+$0x60] =	vst v1;
	s16 =	sor.u32 s18, s16  }
0x33: {  	[tilespmem:s16+$0x70] =	vst v1  }
0x34: {  	[tilespmem:s16+$0x0] =	vst v1  }
0x35: {  	[tilespmem:s16+$0x10] =	vst v1  }
0x36: {  	[tilespmem:s16+$0x20] =	vst v1  }
0x37: {  	[tilespmem:s16+$0x30] =	vst v1  }
0x38: {  	[tilespmem:s16+$0x40] =	vst v1  }
0x39: {  	[tilespmem:s16+$0x50] =	vst v1  }
0x3a: {  	[tilespmem:s16+$0x60] =	vst v1  }
0x3b: {  	_ =	swait.ge [sflag:s9], $0x1000  }
0x3c: {  	[sflag:s9] =	ssyncset.done $0x0  }
0x3d: {  	[sflag:s9] =	ssyncadd.s32 $0xFFFFF000  }
0x3e: {  	_ =	swait.ge [sflag:s9], $0x1000  }
0x3f: {  	[sflag:s9] =	ssyncset.done $0x0  }
0x40: {  	s15 =	simm.s32 $0x0;
	s19 =	rddreg [dreg:$0x4];
	[sflag:s9] =	ssyncadd.s32 $0xFFFFF000  }
0x41: {  	[tilespmem:s10], [sflag:$0x2] =	stream.linear.gather [hbm4b:s19+s15], $0x1000, $0x38;
	[tilespmem:$0x14000] =	vst v63  }
0x42: {  	s20 =	rddreg [dreg:$0x5]  }
0x43: {  	[tilespmem:s11], [sflag:$0x2] =	stream.linear.gather [hbm4b:s20+s15], $0x1000, $0x38;
	[tilespmem:$0x14000] =	vst v63  }
.LBB2_4:
0x44: {  	s16 =	sshra.s32 s15, $0x2  }
0x45: {  	v2 =	vld [tilespmem:s16+$0x10000];
	_ =	sdelay $0x4  }
0x46: {  	v3 =	vshll.u32 v2, $0x3  }
0x47: {  	v4 =	vsub.s32 v2, v0;
	v5 =	vand.u32 $0x7F, v2;
	v3 =	vand.u32 $0x1C00, v3  }
0x48: {  	v2 =	vshrl.u32 v2, $0x3;
	v6 =	vand.u32 $0xFFFFE000, v4;
	v3 =	vor.u32 v5, v3  }
0x49: {  	vm0 =	vlt.u32 v4, $0x10000;
	v2 =	vand.u32 $0x380, v2;
	v3 =	vor.u32 v6, v3  }
0x4a: {  	v35 =	vld [tilespmem:s16+$0x12000];
	v2 =	vor.u32 v2, v3;
	_ =	sdelay $0x4  }
0x4b: {  	[tilespmem:v2+s2+$0x0] =	vst.idx.add.s32.msk vm0, v35  }
0x4c: {  	v2 =	vld [tilespmem:s16+$0x10010];
	_ =	sdelay $0x4  }
0x4d: {  	v3 =	vshll.u32 v2, $0x3  }
0x4e: {  	v36 =	vsub.s32 v2, v0;
	v37 =	vand.u32 $0x7F, v2;
	v3 =	vand.u32 $0x1C00, v3  }
0x4f: {  	v2 =	vshrl.u32 v2, $0x3;
	v38 =	vand.u32 $0xFFFFE000, v36;
	v3 =	vor.u32 v37, v3  }
0x50: {  	vm9 =	vlt.u32 v36, $0x10000;
	v2 =	vand.u32 $0x380, v2;
	v3 =	vor.u32 v38, v3  }
0x51: {  	v39 =	vld [tilespmem:s16+$0x12010];
	v2 =	vor.u32 v2, v3;
	_ =	sdelay $0x4  }
0x52: {  	[tilespmem:v2+s2+$0x0] =	vst.idx.add.s32.msk vm9, v39  }
0x53: {  	v2 =	vld [tilespmem:s16+$0x10020];
	_ =	sdelay $0x4  }
0x54: {  	v3 =	vshll.u32 v2, $0x3  }
0x55: {  	v40 =	vsub.s32 v2, v0;
	v41 =	vand.u32 $0x7F, v2;
	v3 =	vand.u32 $0x1C00, v3  }
0x56: {  	v2 =	vshrl.u32 v2, $0x3;
	v42 =	vand.u32 $0xFFFFE000, v40;
	v3 =	vor.u32 v41, v3  }
0x57: {  	vm10 =	vlt.u32 v40, $0x10000;
	v2 =	vand.u32 $0x380, v2;
	v3 =	vor.u32 v42, v3  }
0x58: {  	v43 =	vld [tilespmem:s16+$0x12020];
	v2 =	vor.u32 v2, v3;
	_ =	sdelay $0x4  }
0x59: {  	[tilespmem:v2+s2+$0x0] =	vst.idx.add.s32.msk vm10, v43  }
0x5a: {  	v2 =	vld [tilespmem:s16+$0x10030];
	_ =	sdelay $0x4  }
0x5b: {  	v3 =	vshll.u32 v2, $0x3  }
0x5c: {  	v44 =	vsub.s32 v2, v0;
	v45 =	vand.u32 $0x7F, v2;
	v3 =	vand.u32 $0x1C00, v3  }
0x5d: {  	v2 =	vshrl.u32 v2, $0x3;
	v46 =	vand.u32 $0xFFFFE000, v44;
	v3 =	vor.u32 v45, v3  }
0x5e: {  	vm11 =	vlt.u32 v44, $0x10000;
	v2 =	vand.u32 $0x380, v2;
	v3 =	vor.u32 v46, v3  }
0x5f: {  	v47 =	vld [tilespmem:s16+$0x12030];
	v2 =	vor.u32 v2, v3;
	_ =	sdelay $0x4  }
0x60: {  	[tilespmem:v2+s2+$0x0] =	vst.idx.add.s32.msk vm11, v47  }
0x61: {  	v2 =	vld [tilespmem:s16+$0x10040];
	_ =	sdelay $0x4  }
0x62: {  	v3 =	vshll.u32 v2, $0x3  }
0x63: {  	v48 =	vsub.s32 v2, v0;
	v49 =	vand.u32 $0x7F, v2;
	v3 =	vand.u32 $0x1C00, v3  }
0x64: {  	v2 =	vshrl.u32 v2, $0x3;
	v50 =	vand.u32 $0xFFFFE000, v48;
	v3 =	vor.u32 v49, v3  }
0x65: {  	vm12 =	vlt.u32 v48, $0x10000;
	v2 =	vand.u32 $0x380, v2;
	v3 =	vor.u32 v50, v3  }
0x66: {  	v51 =	vld [tilespmem:s16+$0x12040];
	v2 =	vor.u32 v2, v3;
	_ =	sdelay $0x4  }
0x67: {  	[tilespmem:v2+s2+$0x0] =	vst.idx.add.s32.msk vm12, v51  }
0x68: {  	v2 =	vld [tilespmem:s16+$0x10050];
	_ =	sdelay $0x4  }
0x69: {  	v3 =	vshll.u32 v2, $0x3  }
0x6a: {  	v52 =	vsub.s32 v2, v0;
	v53 =	vand.u32 $0x7F, v2;
	v3 =	vand.u32 $0x1C00, v3  }
0x6b: {  	v2 =	vshrl.u32 v2, $0x3;
	v54 =	vand.u32 $0xFFFFE000, v52;
	v3 =	vor.u32 v53, v3  }
0x6c: {  	vm13 =	vlt.u32 v52, $0x10000;
	v2 =	vand.u32 $0x380, v2;
	v3 =	vor.u32 v54, v3  }
0x6d: {  	v55 =	vld [tilespmem:s16+$0x12050];
	v2 =	vor.u32 v2, v3;
	_ =	sdelay $0x4  }
0x6e: {  	[tilespmem:v2+s2+$0x0] =	vst.idx.add.s32.msk vm13, v55  }
0x6f: {  	v2 =	vld [tilespmem:s16+$0x10060];
	_ =	sdelay $0x4  }
0x70: {  	v3 =	vshll.u32 v2, $0x3  }
0x71: {  	v56 =	vsub.s32 v2, v0;
	v57 =	vand.u32 $0x7F, v2;
	v3 =	vand.u32 $0x1C00, v3  }
0x72: {  	v2 =	vshrl.u32 v2, $0x3;
	v58 =	vand.u32 $0xFFFFE000, v56;
	v3 =	vor.u32 v57, v3  }
0x73: {  	vm14 =	vlt.u32 v56, $0x10000;
	v2 =	vand.u32 $0x380, v2;
	v3 =	vor.u32 v58, v3  }
0x74: {  	v59 =	vld [tilespmem:s16+$0x12060];
	v2 =	vor.u32 v2, v3;
	_ =	sdelay $0x4  }
0x75: {  	[tilespmem:v2+s2+$0x0] =	vst.idx.add.s32.msk vm14, v59  }
0x76: {  	v2 =	vld [tilespmem:s16+$0x10070];
	_ =	sdelay $0x4  }
0x77: {  	v3 =	vshll.u32 v2, $0x3  }
0x78: {  	v60 =	vsub.s32 v2, v0;
	v61 =	vand.u32 $0x7F, v2;
	v3 =	vand.u32 $0x1C00, v3  }
0x79: {  	v2 =	vshrl.u32 v2, $0x3;
	v62 =	vand.u32 $0xFFFFE000, v60;
	v3 =	vor.u32 v61, v3  }
0x7a: {  	vm15 =	vlt.u32 v60, $0x10000;
	v2 =	vand.u32 $0x380, v2;
	v3 =	vor.u32 v62, v3  }
0x7b: {  	p0 =	sne.s32 s15, $0x3E00;
	v63 =	vld [tilespmem:s16+$0x12070];
	v2 =	vor.u32 v2, v3  }
.Ltmp1:
0x7c: {  	_ = 	snop;
	(pc) =	sbr.rel @p0 .LBB2_4-.Ltmp1, $2  }
0x7d: {  	_ =	sdelay $0x2  }
0x7e: {  	s15 =	sadd.s32 $0x200, s15;
	[tilespmem:v2+s2+$0x0] =	vst.idx.add.s32.msk vm15, v63  }
0x7f: {  	_ =	swait.ge [sflag:s12], $0x1000  }
0x80: {  	[sflag:s12] =	ssyncset.done $0x0  }
0x81: {  	[sflag:s12] =	ssyncadd.s32 $0xFFFFF000  }
0x82: {  	_ =	swait.ge [sflag:s12], $0x1000  }
0x83: {  	[sflag:s12] =	ssyncset.done $0x0  }
0x84: {  	s15 =	simm.s32 $0x0;
	s16 =	rddreg [dreg:$0x6];
	[sflag:s12] =	ssyncadd.s32 $0xFFFFF000  }
0x85: {  	[tilespmem:s7], [sflag:$0x1] =	stream.linear.gather [hbm4b:s16+s15], $0x1000, $0x38;
	[tilespmem:$0x14000] =	vst v63  }
0x86: {  	s20 =	rddreg [dreg:$0x7]  }
0x87: {  	[tilespmem:s8], [sflag:$0x1] =	stream.linear.gather [hbm4b:s20+s15], $0x1000, $0x38;
	[tilespmem:$0x14000] =	vst v63  }
.LBB2_6:
0x88: {  	s16 =	sshra.s32 s15, $0x2  }
0x89: {  	v2 =	vld [tilespmem:s16+$0x11000];
	_ =	sdelay $0x4  }
0x8a: {  	v3 =	vshll.u32 v2, $0x3  }
0x8b: {  	v4 =	vsub.s32 v2, v0;
	v5 =	vand.u32 $0x7F, v2;
	v3 =	vand.u32 $0x1C00, v3  }
0x8c: {  	v2 =	vshrl.u32 v2, $0x3;
	v6 =	vand.u32 $0xFFFFE000, v4;
	v3 =	vor.u32 v5, v3  }
0x8d: {  	vm0 =	vlt.u32 v4, $0x10000;
	v2 =	vand.u32 $0x380, v2;
	v3 =	vor.u32 v6, v3  }
0x8e: {  	v35 =	vld [tilespmem:s16+$0x13000];
	v2 =	vor.u32 v2, v3;
	_ =	sdelay $0x4  }
0x8f: {  	[tilespmem:v2+s2+$0x0] =	vst.idx.add.s32.msk vm0, v35  }
0x90: {  	v2 =	vld [tilespmem:s16+$0x11010];
	_ =	sdelay $0x4  }
0x91: {  	v3 =	vshll.u32 v2, $0x3  }
0x92: {  	v36 =	vsub.s32 v2, v0;
	v37 =	vand.u32 $0x7F, v2;
	v3 =	vand.u32 $0x1C00, v3  }
0x93: {  	v2 =	vshrl.u32 v2, $0x3;
	v38 =	vand.u32 $0xFFFFE000, v36;
	v3 =	vor.u32 v37, v3  }
0x94: {  	vm9 =	vlt.u32 v36, $0x10000;
	v2 =	vand.u32 $0x380, v2;
	v3 =	vor.u32 v38, v3  }
0x95: {  	v39 =	vld [tilespmem:s16+$0x13010];
	v2 =	vor.u32 v2, v3;
	_ =	sdelay $0x4  }
0x96: {  	[tilespmem:v2+s2+$0x0] =	vst.idx.add.s32.msk vm9, v39  }
0x97: {  	v2 =	vld [tilespmem:s16+$0x11020];
	_ =	sdelay $0x4  }
0x98: {  	v3 =	vshll.u32 v2, $0x3  }
0x99: {  	v40 =	vsub.s32 v2, v0;
	v41 =	vand.u32 $0x7F, v2;
	v3 =	vand.u32 $0x1C00, v3  }
0x9a: {  	v2 =	vshrl.u32 v2, $0x3;
	v42 =	vand.u32 $0xFFFFE000, v40;
	v3 =	vor.u32 v41, v3  }
0x9b: {  	vm10 =	vlt.u32 v40, $0x10000;
	v2 =	vand.u32 $0x380, v2;
	v3 =	vor.u32 v42, v3  }
0x9c: {  	v43 =	vld [tilespmem:s16+$0x13020];
	v2 =	vor.u32 v2, v3;
	_ =	sdelay $0x4  }
0x9d: {  	[tilespmem:v2+s2+$0x0] =	vst.idx.add.s32.msk vm10, v43  }
0x9e: {  	v2 =	vld [tilespmem:s16+$0x11030];
	_ =	sdelay $0x4  }
0x9f: {  	v3 =	vshll.u32 v2, $0x3  }
0xa0: {  	v44 =	vsub.s32 v2, v0;
	v45 =	vand.u32 $0x7F, v2;
	v3 =	vand.u32 $0x1C00, v3  }
0xa1: {  	v2 =	vshrl.u32 v2, $0x3;
	v46 =	vand.u32 $0xFFFFE000, v44;
	v3 =	vor.u32 v45, v3  }
0xa2: {  	vm11 =	vlt.u32 v44, $0x10000;
	v2 =	vand.u32 $0x380, v2;
	v3 =	vor.u32 v46, v3  }
0xa3: {  	v47 =	vld [tilespmem:s16+$0x13030];
	v2 =	vor.u32 v2, v3;
	_ =	sdelay $0x4  }
0xa4: {  	[tilespmem:v2+s2+$0x0] =	vst.idx.add.s32.msk vm11, v47  }
0xa5: {  	v2 =	vld [tilespmem:s16+$0x11040];
	_ =	sdelay $0x4  }
0xa6: {  	v3 =	vshll.u32 v2, $0x3  }
0xa7: {  	v48 =	vsub.s32 v2, v0;
	v49 =	vand.u32 $0x7F, v2;
	v3 =	vand.u32 $0x1C00, v3  }
0xa8: {  	v2 =	vshrl.u32 v2, $0x3;
	v50 =	vand.u32 $0xFFFFE000, v48;
	v3 =	vor.u32 v49, v3  }
0xa9: {  	vm12 =	vlt.u32 v48, $0x10000;
	v2 =	vand.u32 $0x380, v2;
	v3 =	vor.u32 v50, v3  }
0xaa: {  	v51 =	vld [tilespmem:s16+$0x13040];
	v2 =	vor.u32 v2, v3;
	_ =	sdelay $0x4  }
0xab: {  	[tilespmem:v2+s2+$0x0] =	vst.idx.add.s32.msk vm12, v51  }
0xac: {  	v2 =	vld [tilespmem:s16+$0x11050];
	_ =	sdelay $0x4  }
0xad: {  	v3 =	vshll.u32 v2, $0x3  }
0xae: {  	v52 =	vsub.s32 v2, v0;
	v53 =	vand.u32 $0x7F, v2;
	v3 =	vand.u32 $0x1C00, v3  }
0xaf: {  	v2 =	vshrl.u32 v2, $0x3;
	v54 =	vand.u32 $0xFFFFE000, v52;
	v3 =	vor.u32 v53, v3  }
0xb0: {  	vm13 =	vlt.u32 v52, $0x10000;
	v2 =	vand.u32 $0x380, v2;
	v3 =	vor.u32 v54, v3  }
0xb1: {  	v55 =	vld [tilespmem:s16+$0x13050];
	v2 =	vor.u32 v2, v3;
	_ =	sdelay $0x4  }
0xb2: {  	[tilespmem:v2+s2+$0x0] =	vst.idx.add.s32.msk vm13, v55  }
0xb3: {  	v2 =	vld [tilespmem:s16+$0x11060];
	_ =	sdelay $0x4  }
0xb4: {  	v3 =	vshll.u32 v2, $0x3  }
0xb5: {  	v56 =	vsub.s32 v2, v0;
	v57 =	vand.u32 $0x7F, v2;
	v3 =	vand.u32 $0x1C00, v3  }
0xb6: {  	v2 =	vshrl.u32 v2, $0x3;
	v58 =	vand.u32 $0xFFFFE000, v56;
	v3 =	vor.u32 v57, v3  }
0xb7: {  	vm14 =	vlt.u32 v56, $0x10000;
	v2 =	vand.u32 $0x380, v2;
	v3 =	vor.u32 v58, v3  }
0xb8: {  	v59 =	vld [tilespmem:s16+$0x13060];
	v2 =	vor.u32 v2, v3;
	_ =	sdelay $0x4  }
0xb9: {  	[tilespmem:v2+s2+$0x0] =	vst.idx.add.s32.msk vm14, v59  }
0xba: {  	v2 =	vld [tilespmem:s16+$0x11070];
	_ =	sdelay $0x4  }
0xbb: {  	v3 =	vshll.u32 v2, $0x3  }
0xbc: {  	v60 =	vsub.s32 v2, v0;
	v61 =	vand.u32 $0x7F, v2;
	v3 =	vand.u32 $0x1C00, v3  }
0xbd: {  	v2 =	vshrl.u32 v2, $0x3;
	v62 =	vand.u32 $0xFFFFE000, v60;
	v3 =	vor.u32 v61, v3  }
0xbe: {  	vm15 =	vlt.u32 v60, $0x10000;
	v2 =	vand.u32 $0x380, v2;
	v3 =	vor.u32 v62, v3  }
0xbf: {  	p0 =	sne.s32 s15, $0x3E00;
	v63 =	vld [tilespmem:s16+$0x13070];
	v2 =	vor.u32 v2, v3  }
.Ltmp2:
0xc0: {  	_ = 	snop;
	(pc) =	sbr.rel @p0 .LBB2_6-.Ltmp2, $2  }
0xc1: {  	_ =	sdelay $0x2  }
0xc2: {  	s15 =	sadd.s32 $0x200, s15;
	[tilespmem:v2+s2+$0x0] =	vst.idx.add.s32.msk vm15, v63  }
0xc3: {  	_ =	swait.ge [sflag:s9], $0x1000  }
0xc4: {  	[sflag:s9] =	ssyncset.done $0x0  }
0xc5: {  	[sflag:s9] =	ssyncadd.s32 $0xFFFFF000  }
0xc6: {  	_ =	swait.ge [sflag:s9], $0x1000  }
0xc7: {  	[sflag:s9] =	ssyncset.done $0x0  }
0xc8: {  	s15 =	simm.s32 $0x0;
	s16 =	rddreg [dreg:$0x8];
	[sflag:s9] =	ssyncadd.s32 $0xFFFFF000  }
0xc9: {  	[tilespmem:s10], [sflag:$0x2] =	stream.linear.gather [hbm4b:s16+s15], $0x1000, $0x38;
	[tilespmem:$0x14000] =	vst v63  }
0xca: {  	s20 =	rddreg [dreg:$0x9]  }
0xcb: {  	[tilespmem:s11], [sflag:$0x2] =	stream.linear.gather [hbm4b:s20+s15], $0x1000, $0x38;
	[tilespmem:$0x14000] =	vst v63  }
.LBB2_8:
0xcc: {  	s16 =	sshra.s32 s15, $0x2  }
0xcd: {  	v2 =	vld [tilespmem:s16+$0x10000];
	_ =	sdelay $0x4  }
0xce: {  	v3 =	vshll.u32 v2, $0x3  }
0xcf: {  	v4 =	vsub.s32 v2, v0;
	v5 =	vand.u32 $0x7F, v2;
	v3 =	vand.u32 $0x1C00, v3  }
0xd0: {  	v2 =	vshrl.u32 v2, $0x3;
	v6 =	vand.u32 $0xFFFFE000, v4;
	v3 =	vor.u32 v5, v3  }
0xd1: {  	vm0 =	vlt.u32 v4, $0x10000;
	v2 =	vand.u32 $0x380, v2;
	v3 =	vor.u32 v6, v3  }
0xd2: {  	v35 =	vld [tilespmem:s16+$0x12000];
	v2 =	vor.u32 v2, v3;
	_ =	sdelay $0x4  }
0xd3: {  	[tilespmem:v2+s2+$0x0] =	vst.idx.add.s32.msk vm0, v35  }
0xd4: {  	v2 =	vld [tilespmem:s16+$0x10010];
	_ =	sdelay $0x4  }
0xd5: {  	v3 =	vshll.u32 v2, $0x3  }
0xd6: {  	v36 =	vsub.s32 v2, v0;
	v37 =	vand.u32 $0x7F, v2;
	v3 =	vand.u32 $0x1C00, v3  }
0xd7: {  	v2 =	vshrl.u32 v2, $0x3;
	v38 =	vand.u32 $0xFFFFE000, v36;
	v3 =	vor.u32 v37, v3  }
0xd8: {  	vm9 =	vlt.u32 v36, $0x10000;
	v2 =	vand.u32 $0x380, v2;
	v3 =	vor.u32 v38, v3  }
0xd9: {  	v39 =	vld [tilespmem:s16+$0x12010];
	v2 =	vor.u32 v2, v3;
	_ =	sdelay $0x4  }
0xda: {  	[tilespmem:v2+s2+$0x0] =	vst.idx.add.s32.msk vm9, v39  }
0xdb: {  	v2 =	vld [tilespmem:s16+$0x10020];
	_ =	sdelay $0x4  }
0xdc: {  	v3 =	vshll.u32 v2, $0x3  }
0xdd: {  	v40 =	vsub.s32 v2, v0;
	v41 =	vand.u32 $0x7F, v2;
	v3 =	vand.u32 $0x1C00, v3  }
0xde: {  	v2 =	vshrl.u32 v2, $0x3;
	v42 =	vand.u32 $0xFFFFE000, v40;
	v3 =	vor.u32 v41, v3  }
0xdf: {  	vm10 =	vlt.u32 v40, $0x10000;
	v2 =	vand.u32 $0x380, v2;
	v3 =	vor.u32 v42, v3  }
0xe0: {  	v43 =	vld [tilespmem:s16+$0x12020];
	v2 =	vor.u32 v2, v3;
	_ =	sdelay $0x4  }
0xe1: {  	[tilespmem:v2+s2+$0x0] =	vst.idx.add.s32.msk vm10, v43  }
0xe2: {  	v2 =	vld [tilespmem:s16+$0x10030];
	_ =	sdelay $0x4  }
0xe3: {  	v3 =	vshll.u32 v2, $0x3  }
0xe4: {  	v44 =	vsub.s32 v2, v0;
	v45 =	vand.u32 $0x7F, v2;
	v3 =	vand.u32 $0x1C00, v3  }
0xe5: {  	v2 =	vshrl.u32 v2, $0x3;
	v46 =	vand.u32 $0xFFFFE000, v44;
	v3 =	vor.u32 v45, v3  }
0xe6: {  	vm11 =	vlt.u32 v44, $0x10000;
	v2 =	vand.u32 $0x380, v2;
	v3 =	vor.u32 v46, v3  }
0xe7: {  	v47 =	vld [tilespmem:s16+$0x12030];
	v2 =	vor.u32 v2, v3;
	_ =	sdelay $0x4  }
0xe8: {  	[tilespmem:v2+s2+$0x0] =	vst.idx.add.s32.msk vm11, v47  }
0xe9: {  	v2 =	vld [tilespmem:s16+$0x10040];
	_ =	sdelay $0x4  }
0xea: {  	v3 =	vshll.u32 v2, $0x3  }
0xeb: {  	v48 =	vsub.s32 v2, v0;
	v49 =	vand.u32 $0x7F, v2;
	v3 =	vand.u32 $0x1C00, v3  }
0xec: {  	v2 =	vshrl.u32 v2, $0x3;
	v50 =	vand.u32 $0xFFFFE000, v48;
	v3 =	vor.u32 v49, v3  }
0xed: {  	vm12 =	vlt.u32 v48, $0x10000;
	v2 =	vand.u32 $0x380, v2;
	v3 =	vor.u32 v50, v3  }
0xee: {  	v51 =	vld [tilespmem:s16+$0x12040];
	v2 =	vor.u32 v2, v3;
	_ =	sdelay $0x4  }
0xef: {  	[tilespmem:v2+s2+$0x0] =	vst.idx.add.s32.msk vm12, v51  }
0xf0: {  	v2 =	vld [tilespmem:s16+$0x10050];
	_ =	sdelay $0x4  }
0xf1: {  	v3 =	vshll.u32 v2, $0x3  }
0xf2: {  	v52 =	vsub.s32 v2, v0;
	v53 =	vand.u32 $0x7F, v2;
	v3 =	vand.u32 $0x1C00, v3  }
0xf3: {  	v2 =	vshrl.u32 v2, $0x3;
	v54 =	vand.u32 $0xFFFFE000, v52;
	v3 =	vor.u32 v53, v3  }
0xf4: {  	vm13 =	vlt.u32 v52, $0x10000;
	v2 =	vand.u32 $0x380, v2;
	v3 =	vor.u32 v54, v3  }
0xf5: {  	v55 =	vld [tilespmem:s16+$0x12050];
	v2 =	vor.u32 v2, v3;
	_ =	sdelay $0x4  }
0xf6: {  	[tilespmem:v2+s2+$0x0] =	vst.idx.add.s32.msk vm13, v55  }
0xf7: {  	v2 =	vld [tilespmem:s16+$0x10060];
	_ =	sdelay $0x4  }
0xf8: {  	v3 =	vshll.u32 v2, $0x3  }
0xf9: {  	v56 =	vsub.s32 v2, v0;
	v57 =	vand.u32 $0x7F, v2;
	v3 =	vand.u32 $0x1C00, v3  }
0xfa: {  	v2 =	vshrl.u32 v2, $0x3;
	v58 =	vand.u32 $0xFFFFE000, v56;
	v3 =	vor.u32 v57, v3  }
0xfb: {  	vm14 =	vlt.u32 v56, $0x10000;
	v2 =	vand.u32 $0x380, v2;
	v3 =	vor.u32 v58, v3  }
0xfc: {  	v59 =	vld [tilespmem:s16+$0x12060];
	v2 =	vor.u32 v2, v3;
	_ =	sdelay $0x4  }
0xfd: {  	[tilespmem:v2+s2+$0x0] =	vst.idx.add.s32.msk vm14, v59  }
0xfe: {  	v2 =	vld [tilespmem:s16+$0x10070];
	_ =	sdelay $0x4  }
0xff: {  	v3 =	vshll.u32 v2, $0x3  }
0x100: {  	v60 =	vsub.s32 v2, v0;
	v61 =	vand.u32 $0x7F, v2;
	v3 =	vand.u32 $0x1C00, v3  }
0x101: {  	v2 =	vshrl.u32 v2, $0x3;
	v62 =	vand.u32 $0xFFFFE000, v60;
	v3 =	vor.u32 v61, v3  }
0x102: {  	vm15 =	vlt.u32 v60, $0x10000;
	v2 =	vand.u32 $0x380, v2;
	v3 =	vor.u32 v62, v3  }
0x103: {  	p0 =	sne.s32 s15, $0x3E00;
	v63 =	vld [tilespmem:s16+$0x12070];
	v2 =	vor.u32 v2, v3  }
.Ltmp3:
0x104: {  	_ = 	snop;
	(pc) =	sbr.rel @p0 .LBB2_8-.Ltmp3, $2  }
0x105: {  	_ =	sdelay $0x2  }
0x106: {  	s15 =	sadd.s32 $0x200, s15;
	[tilespmem:v2+s2+$0x0] =	vst.idx.add.s32.msk vm15, v63  }
0x107: {  	_ =	swait.ge [sflag:s12], $0x1000  }
0x108: {  	[sflag:s12] =	ssyncset.done $0x0  }
0x109: {  	[sflag:s12] =	ssyncadd.s32 $0xFFFFF000  }
0x10a: {  	_ =	swait.ge [sflag:s12], $0x1000  }
0x10b: {  	[sflag:s12] =	ssyncset.done $0x0  }
0x10c: {  	s15 =	simm.s32 $0x0;
	s16 =	rddreg [dreg:$0xa];
	[sflag:s12] =	ssyncadd.s32 $0xFFFFF000  }
0x10d: {  	[tilespmem:s7], [sflag:$0x1] =	stream.linear.gather [hbm4b:s16+s15], $0x1000, $0x38;
	[tilespmem:$0x14000] =	vst v63  }
0x10e: {  	s20 =	rddreg [dreg:$0xb]  }
0x10f: {  	[tilespmem:s8], [sflag:$0x1] =	stream.linear.gather [hbm4b:s20+s15], $0x1000, $0x38;
	[tilespmem:$0x14000] =	vst v63  }
.LBB2_10:
0x110: {  	s16 =	sshra.s32 s15, $0x2  }
0x111: {  	v2 =	vld [tilespmem:s16+$0x11000];
	_ =	sdelay $0x4  }
0x112: {  	v3 =	vshll.u32 v2, $0x3  }
0x113: {  	v4 =	vsub.s32 v2, v0;
	v5 =	vand.u32 $0x7F, v2;
	v3 =	vand.u32 $0x1C00, v3  }
0x114: {  	v2 =	vshrl.u32 v2, $0x3;
	v6 =	vand.u32 $0xFFFFE000, v4;
	v3 =	vor.u32 v5, v3  }
0x115: {  	vm0 =	vlt.u32 v4, $0x10000;
	v2 =	vand.u32 $0x380, v2;
	v3 =	vor.u32 v6, v3  }
0x116: {  	v35 =	vld [tilespmem:s16+$0x13000];
	v2 =	vor.u32 v2, v3;
	_ =	sdelay $0x4  }
0x117: {  	[tilespmem:v2+s2+$0x0] =	vst.idx.add.s32.msk vm0, v35  }
0x118: {  	v2 =	vld [tilespmem:s16+$0x11010];
	_ =	sdelay $0x4  }
0x119: {  	v3 =	vshll.u32 v2, $0x3  }
0x11a: {  	v36 =	vsub.s32 v2, v0;
	v37 =	vand.u32 $0x7F, v2;
	v3 =	vand.u32 $0x1C00, v3  }
0x11b: {  	v2 =	vshrl.u32 v2, $0x3;
	v38 =	vand.u32 $0xFFFFE000, v36;
	v3 =	vor.u32 v37, v3  }
0x11c: {  	vm9 =	vlt.u32 v36, $0x10000;
	v2 =	vand.u32 $0x380, v2;
	v3 =	vor.u32 v38, v3  }
0x11d: {  	v39 =	vld [tilespmem:s16+$0x13010];
	v2 =	vor.u32 v2, v3;
	_ =	sdelay $0x4  }
0x11e: {  	[tilespmem:v2+s2+$0x0] =	vst.idx.add.s32.msk vm9, v39  }
0x11f: {  	v2 =	vld [tilespmem:s16+$0x11020];
	_ =	sdelay $0x4  }
0x120: {  	v3 =	vshll.u32 v2, $0x3  }
0x121: {  	v40 =	vsub.s32 v2, v0;
	v41 =	vand.u32 $0x7F, v2;
	v3 =	vand.u32 $0x1C00, v3  }
0x122: {  	v2 =	vshrl.u32 v2, $0x3;
	v42 =	vand.u32 $0xFFFFE000, v40;
	v3 =	vor.u32 v41, v3  }
0x123: {  	vm10 =	vlt.u32 v40, $0x10000;
	v2 =	vand.u32 $0x380, v2;
	v3 =	vor.u32 v42, v3  }
0x124: {  	v43 =	vld [tilespmem:s16+$0x13020];
	v2 =	vor.u32 v2, v3;
	_ =	sdelay $0x4  }
0x125: {  	[tilespmem:v2+s2+$0x0] =	vst.idx.add.s32.msk vm10, v43  }
0x126: {  	v2 =	vld [tilespmem:s16+$0x11030];
	_ =	sdelay $0x4  }
0x127: {  	v3 =	vshll.u32 v2, $0x3  }
0x128: {  	v44 =	vsub.s32 v2, v0;
	v45 =	vand.u32 $0x7F, v2;
	v3 =	vand.u32 $0x1C00, v3  }
0x129: {  	v2 =	vshrl.u32 v2, $0x3;
	v46 =	vand.u32 $0xFFFFE000, v44;
	v3 =	vor.u32 v45, v3  }
0x12a: {  	vm11 =	vlt.u32 v44, $0x10000;
	v2 =	vand.u32 $0x380, v2;
	v3 =	vor.u32 v46, v3  }
0x12b: {  	v47 =	vld [tilespmem:s16+$0x13030];
	v2 =	vor.u32 v2, v3;
	_ =	sdelay $0x4  }
0x12c: {  	[tilespmem:v2+s2+$0x0] =	vst.idx.add.s32.msk vm11, v47  }
0x12d: {  	v2 =	vld [tilespmem:s16+$0x11040];
	_ =	sdelay $0x4  }
0x12e: {  	v3 =	vshll.u32 v2, $0x3  }
0x12f: {  	v48 =	vsub.s32 v2, v0;
	v49 =	vand.u32 $0x7F, v2;
	v3 =	vand.u32 $0x1C00, v3  }
0x130: {  	v2 =	vshrl.u32 v2, $0x3;
	v50 =	vand.u32 $0xFFFFE000, v48;
	v3 =	vor.u32 v49, v3  }
0x131: {  	vm12 =	vlt.u32 v48, $0x10000;
	v2 =	vand.u32 $0x380, v2;
	v3 =	vor.u32 v50, v3  }
0x132: {  	v51 =	vld [tilespmem:s16+$0x13040];
	v2 =	vor.u32 v2, v3;
	_ =	sdelay $0x4  }
0x133: {  	[tilespmem:v2+s2+$0x0] =	vst.idx.add.s32.msk vm12, v51  }
0x134: {  	v2 =	vld [tilespmem:s16+$0x11050];
	_ =	sdelay $0x4  }
0x135: {  	v3 =	vshll.u32 v2, $0x3  }
0x136: {  	v52 =	vsub.s32 v2, v0;
	v53 =	vand.u32 $0x7F, v2;
	v3 =	vand.u32 $0x1C00, v3  }
0x137: {  	v2 =	vshrl.u32 v2, $0x3;
	v54 =	vand.u32 $0xFFFFE000, v52;
	v3 =	vor.u32 v53, v3  }
0x138: {  	vm13 =	vlt.u32 v52, $0x10000;
	v2 =	vand.u32 $0x380, v2;
	v3 =	vor.u32 v54, v3  }
0x139: {  	v55 =	vld [tilespmem:s16+$0x13050];
	v2 =	vor.u32 v2, v3;
	_ =	sdelay $0x4  }
0x13a: {  	[tilespmem:v2+s2+$0x0] =	vst.idx.add.s32.msk vm13, v55  }
0x13b: {  	v2 =	vld [tilespmem:s16+$0x11060];
	_ =	sdelay $0x4  }
0x13c: {  	v3 =	vshll.u32 v2, $0x3  }
0x13d: {  	v56 =	vsub.s32 v2, v0;
	v57 =	vand.u32 $0x7F, v2;
	v3 =	vand.u32 $0x1C00, v3  }
0x13e: {  	v2 =	vshrl.u32 v2, $0x3;
	v58 =	vand.u32 $0xFFFFE000, v56;
	v3 =	vor.u32 v57, v3  }
0x13f: {  	vm14 =	vlt.u32 v56, $0x10000;
	v2 =	vand.u32 $0x380, v2;
	v3 =	vor.u32 v58, v3  }
0x140: {  	v59 =	vld [tilespmem:s16+$0x13060];
	v2 =	vor.u32 v2, v3;
	_ =	sdelay $0x4  }
0x141: {  	[tilespmem:v2+s2+$0x0] =	vst.idx.add.s32.msk vm14, v59  }
0x142: {  	v2 =	vld [tilespmem:s16+$0x11070];
	_ =	sdelay $0x4  }
0x143: {  	v3 =	vshll.u32 v2, $0x3  }
0x144: {  	v60 =	vsub.s32 v2, v0;
	v61 =	vand.u32 $0x7F, v2;
	v3 =	vand.u32 $0x1C00, v3  }
0x145: {  	v2 =	vshrl.u32 v2, $0x3;
	v62 =	vand.u32 $0xFFFFE000, v60;
	v3 =	vor.u32 v61, v3  }
0x146: {  	vm15 =	vlt.u32 v60, $0x10000;
	v2 =	vand.u32 $0x380, v2;
	v3 =	vor.u32 v62, v3  }
0x147: {  	p0 =	sne.s32 s15, $0x3E00;
	v63 =	vld [tilespmem:s16+$0x13070];
	v2 =	vor.u32 v2, v3  }
.Ltmp4:
0x148: {  	_ = 	snop;
	(pc) =	sbr.rel @p0 .LBB2_10-.Ltmp4, $2  }
0x149: {  	_ =	sdelay $0x2  }
0x14a: {  	s15 =	sadd.s32 $0x200, s15;
	[tilespmem:v2+s2+$0x0] =	vst.idx.add.s32.msk vm15, v63  }
0x14b: {  	_ =	swait.ge [sflag:s9], $0x1000  }
0x14c: {  	[sflag:s9] =	ssyncset.done $0x0  }
0x14d: {  	[sflag:s9] =	ssyncadd.s32 $0xFFFFF000  }
0x14e: {  	_ =	swait.ge [sflag:s9], $0x1000  }
0x14f: {  	[sflag:s9] =	ssyncset.done $0x0  }
0x150: {  	s15 =	simm.s32 $0x0;
	s16 =	rddreg [dreg:$0xc];
	[sflag:s9] =	ssyncadd.s32 $0xFFFFF000  }
0x151: {  	[tilespmem:s10], [sflag:$0x2] =	stream.linear.gather [hbm4b:s16+s15], $0x1000, $0x38;
	[tilespmem:$0x14000] =	vst v63  }
0x152: {  	s20 =	rddreg [dreg:$0xd]  }
0x153: {  	[tilespmem:s11], [sflag:$0x2] =	stream.linear.gather [hbm4b:s20+s15], $0x1000, $0x38;
	[tilespmem:$0x14000] =	vst v63  }
.LBB2_12:
0x154: {  	s16 =	sshra.s32 s15, $0x2  }
0x155: {  	v2 =	vld [tilespmem:s16+$0x10000];
	_ =	sdelay $0x4  }
0x156: {  	v3 =	vshll.u32 v2, $0x3  }
0x157: {  	v4 =	vsub.s32 v2, v0;
	v5 =	vand.u32 $0x7F, v2;
	v3 =	vand.u32 $0x1C00, v3  }
0x158: {  	v2 =	vshrl.u32 v2, $0x3;
	v6 =	vand.u32 $0xFFFFE000, v4;
	v3 =	vor.u32 v5, v3  }
0x159: {  	vm0 =	vlt.u32 v4, $0x10000;
	v2 =	vand.u32 $0x380, v2;
	v3 =	vor.u32 v6, v3  }
0x15a: {  	v35 =	vld [tilespmem:s16+$0x12000];
	v2 =	vor.u32 v2, v3;
	_ =	sdelay $0x4  }
0x15b: {  	[tilespmem:v2+s2+$0x0] =	vst.idx.add.s32.msk vm0, v35  }
0x15c: {  	v2 =	vld [tilespmem:s16+$0x10010];
	_ =	sdelay $0x4  }
0x15d: {  	v3 =	vshll.u32 v2, $0x3  }
0x15e: {  	v36 =	vsub.s32 v2, v0;
	v37 =	vand.u32 $0x7F, v2;
	v3 =	vand.u32 $0x1C00, v3  }
0x15f: {  	v2 =	vshrl.u32 v2, $0x3;
	v38 =	vand.u32 $0xFFFFE000, v36;
	v3 =	vor.u32 v37, v3  }
0x160: {  	vm9 =	vlt.u32 v36, $0x10000;
	v2 =	vand.u32 $0x380, v2;
	v3 =	vor.u32 v38, v3  }
0x161: {  	v39 =	vld [tilespmem:s16+$0x12010];
	v2 =	vor.u32 v2, v3;
	_ =	sdelay $0x4  }
0x162: {  	[tilespmem:v2+s2+$0x0] =	vst.idx.add.s32.msk vm9, v39  }
0x163: {  	v2 =	vld [tilespmem:s16+$0x10020];
	_ =	sdelay $0x4  }
0x164: {  	v3 =	vshll.u32 v2, $0x3  }
0x165: {  	v40 =	vsub.s32 v2, v0;
	v41 =	vand.u32 $0x7F, v2;
	v3 =	vand.u32 $0x1C00, v3  }
0x166: {  	v2 =	vshrl.u32 v2, $0x3;
	v42 =	vand.u32 $0xFFFFE000, v40;
	v3 =	vor.u32 v41, v3  }
0x167: {  	vm10 =	vlt.u32 v40, $0x10000;
	v2 =	vand.u32 $0x380, v2;
	v3 =	vor.u32 v42, v3  }
0x168: {  	v43 =	vld [tilespmem:s16+$0x12020];
	v2 =	vor.u32 v2, v3;
	_ =	sdelay $0x4  }
0x169: {  	[tilespmem:v2+s2+$0x0] =	vst.idx.add.s32.msk vm10, v43  }
0x16a: {  	v2 =	vld [tilespmem:s16+$0x10030];
	_ =	sdelay $0x4  }
0x16b: {  	v3 =	vshll.u32 v2, $0x3  }
0x16c: {  	v44 =	vsub.s32 v2, v0;
	v45 =	vand.u32 $0x7F, v2;
	v3 =	vand.u32 $0x1C00, v3  }
0x16d: {  	v2 =	vshrl.u32 v2, $0x3;
	v46 =	vand.u32 $0xFFFFE000, v44;
	v3 =	vor.u32 v45, v3  }
0x16e: {  	vm11 =	vlt.u32 v44, $0x10000;
	v2 =	vand.u32 $0x380, v2;
	v3 =	vor.u32 v46, v3  }
0x16f: {  	v47 =	vld [tilespmem:s16+$0x12030];
	v2 =	vor.u32 v2, v3;
	_ =	sdelay $0x4  }
0x170: {  	[tilespmem:v2+s2+$0x0] =	vst.idx.add.s32.msk vm11, v47  }
0x171: {  	v2 =	vld [tilespmem:s16+$0x10040];
	_ =	sdelay $0x4  }
0x172: {  	v3 =	vshll.u32 v2, $0x3  }
0x173: {  	v48 =	vsub.s32 v2, v0;
	v49 =	vand.u32 $0x7F, v2;
	v3 =	vand.u32 $0x1C00, v3  }
0x174: {  	v2 =	vshrl.u32 v2, $0x3;
	v50 =	vand.u32 $0xFFFFE000, v48;
	v3 =	vor.u32 v49, v3  }
0x175: {  	vm12 =	vlt.u32 v48, $0x10000;
	v2 =	vand.u32 $0x380, v2;
	v3 =	vor.u32 v50, v3  }
0x176: {  	v51 =	vld [tilespmem:s16+$0x12040];
	v2 =	vor.u32 v2, v3;
	_ =	sdelay $0x4  }
0x177: {  	[tilespmem:v2+s2+$0x0] =	vst.idx.add.s32.msk vm12, v51  }
0x178: {  	v2 =	vld [tilespmem:s16+$0x10050];
	_ =	sdelay $0x4  }
0x179: {  	v3 =	vshll.u32 v2, $0x3  }
0x17a: {  	v52 =	vsub.s32 v2, v0;
	v53 =	vand.u32 $0x7F, v2;
	v3 =	vand.u32 $0x1C00, v3  }
0x17b: {  	v2 =	vshrl.u32 v2, $0x3;
	v54 =	vand.u32 $0xFFFFE000, v52;
	v3 =	vor.u32 v53, v3  }
0x17c: {  	vm13 =	vlt.u32 v52, $0x10000;
	v2 =	vand.u32 $0x380, v2;
	v3 =	vor.u32 v54, v3  }
0x17d: {  	v55 =	vld [tilespmem:s16+$0x12050];
	v2 =	vor.u32 v2, v3;
	_ =	sdelay $0x4  }
0x17e: {  	[tilespmem:v2+s2+$0x0] =	vst.idx.add.s32.msk vm13, v55  }
0x17f: {  	v2 =	vld [tilespmem:s16+$0x10060];
	_ =	sdelay $0x4  }
0x180: {  	v3 =	vshll.u32 v2, $0x3  }
0x181: {  	v56 =	vsub.s32 v2, v0;
	v57 =	vand.u32 $0x7F, v2;
	v3 =	vand.u32 $0x1C00, v3  }
0x182: {  	v2 =	vshrl.u32 v2, $0x3;
	v58 =	vand.u32 $0xFFFFE000, v56;
	v3 =	vor.u32 v57, v3  }
0x183: {  	vm14 =	vlt.u32 v56, $0x10000;
	v2 =	vand.u32 $0x380, v2;
	v3 =	vor.u32 v58, v3  }
0x184: {  	v59 =	vld [tilespmem:s16+$0x12060];
	v2 =	vor.u32 v2, v3;
	_ =	sdelay $0x4  }
0x185: {  	[tilespmem:v2+s2+$0x0] =	vst.idx.add.s32.msk vm14, v59  }
0x186: {  	v2 =	vld [tilespmem:s16+$0x10070];
	_ =	sdelay $0x4  }
0x187: {  	v3 =	vshll.u32 v2, $0x3  }
0x188: {  	v60 =	vsub.s32 v2, v0;
	v61 =	vand.u32 $0x7F, v2;
	v3 =	vand.u32 $0x1C00, v3  }
0x189: {  	v2 =	vshrl.u32 v2, $0x3;
	v62 =	vand.u32 $0xFFFFE000, v60;
	v3 =	vor.u32 v61, v3  }
0x18a: {  	vm15 =	vlt.u32 v60, $0x10000;
	v2 =	vand.u32 $0x380, v2;
	v3 =	vor.u32 v62, v3  }
0x18b: {  	p0 =	sne.s32 s15, $0x3E00;
	v63 =	vld [tilespmem:s16+$0x12070];
	v2 =	vor.u32 v2, v3  }
.Ltmp5:
0x18c: {  	_ = 	snop;
	(pc) =	sbr.rel @p0 .LBB2_12-.Ltmp5, $2  }
0x18d: {  	_ =	sdelay $0x2  }
0x18e: {  	s15 =	sadd.s32 $0x200, s15;
	[tilespmem:v2+s2+$0x0] =	vst.idx.add.s32.msk vm15, v63  }
0x18f: {  	_ =	swait.ge [sflag:s12], $0x1000  }
0x190: {  	[sflag:s12] =	ssyncset.done $0x0  }
0x191: {  	[sflag:s12] =	ssyncadd.s32 $0xFFFFF000  }
0x192: {  	_ =	swait.ge [sflag:s12], $0x1000  }
0x193: {  	[sflag:s12] =	ssyncset.done $0x0  }
0x194: {  	s15 =	simm.s32 $0x0;
	s16 =	rddreg [dreg:$0xe];
	[sflag:s12] =	ssyncadd.s32 $0xFFFFF000  }
0x195: {  	[tilespmem:s7], [sflag:$0x1] =	stream.linear.gather [hbm4b:s16+s15], $0x1000, $0x38;
	[tilespmem:$0x14000] =	vst v63  }
0x196: {  	s20 =	rddreg [dreg:$0xf]  }
0x197: {  	[tilespmem:s8], [sflag:$0x1] =	stream.linear.gather [hbm4b:s20+s15], $0x1000, $0x38;
	[tilespmem:$0x14000] =	vst v63  }
.LBB2_14:
0x198: {  	s16 =	sshra.s32 s15, $0x2  }
0x199: {  	v2 =	vld [tilespmem:s16+$0x11000];
	_ =	sdelay $0x4  }
0x19a: {  	v3 =	vshll.u32 v2, $0x3  }
0x19b: {  	v4 =	vsub.s32 v2, v0;
	v5 =	vand.u32 $0x7F, v2;
	v3 =	vand.u32 $0x1C00, v3  }
0x19c: {  	v2 =	vshrl.u32 v2, $0x3;
	v6 =	vand.u32 $0xFFFFE000, v4;
	v3 =	vor.u32 v5, v3  }
0x19d: {  	vm0 =	vlt.u32 v4, $0x10000;
	v2 =	vand.u32 $0x380, v2;
	v3 =	vor.u32 v6, v3  }
0x19e: {  	v35 =	vld [tilespmem:s16+$0x13000];
	v2 =	vor.u32 v2, v3;
	_ =	sdelay $0x4  }
0x19f: {  	[tilespmem:v2+s2+$0x0] =	vst.idx.add.s32.msk vm0, v35  }
0x1a0: {  	v2 =	vld [tilespmem:s16+$0x11010];
	_ =	sdelay $0x4  }
0x1a1: {  	v3 =	vshll.u32 v2, $0x3  }
0x1a2: {  	v36 =	vsub.s32 v2, v0;
	v37 =	vand.u32 $0x7F, v2;
	v3 =	vand.u32 $0x1C00, v3  }
0x1a3: {  	v2 =	vshrl.u32 v2, $0x3;
	v38 =	vand.u32 $0xFFFFE000, v36;
	v3 =	vor.u32 v37, v3  }
0x1a4: {  	vm9 =	vlt.u32 v36, $0x10000;
	v2 =	vand.u32 $0x380, v2;
	v3 =	vor.u32 v38, v3  }
0x1a5: {  	v39 =	vld [tilespmem:s16+$0x13010];
	v2 =	vor.u32 v2, v3;
	_ =	sdelay $0x4  }
0x1a6: {  	[tilespmem:v2+s2+$0x0] =	vst.idx.add.s32.msk vm9, v39  }
0x1a7: {  	v2 =	vld [tilespmem:s16+$0x11020];
	_ =	sdelay $0x4  }
0x1a8: {  	v3 =	vshll.u32 v2, $0x3  }
0x1a9: {  	v40 =	vsub.s32 v2, v0;
	v41 =	vand.u32 $0x7F, v2;
	v3 =	vand.u32 $0x1C00, v3  }
0x1aa: {  	v2 =	vshrl.u32 v2, $0x3;
	v42 =	vand.u32 $0xFFFFE000, v40;
	v3 =	vor.u32 v41, v3  }
0x1ab: {  	vm10 =	vlt.u32 v40, $0x10000;
	v2 =	vand.u32 $0x380, v2;
	v3 =	vor.u32 v42, v3  }
0x1ac: {  	v43 =	vld [tilespmem:s16+$0x13020];
	v2 =	vor.u32 v2, v3;
	_ =	sdelay $0x4  }
0x1ad: {  	[tilespmem:v2+s2+$0x0] =	vst.idx.add.s32.msk vm10, v43  }
0x1ae: {  	v2 =	vld [tilespmem:s16+$0x11030];
	_ =	sdelay $0x4  }
0x1af: {  	v3 =	vshll.u32 v2, $0x3  }
0x1b0: {  	v44 =	vsub.s32 v2, v0;
	v45 =	vand.u32 $0x7F, v2;
	v3 =	vand.u32 $0x1C00, v3  }
0x1b1: {  	v2 =	vshrl.u32 v2, $0x3;
	v46 =	vand.u32 $0xFFFFE000, v44;
	v3 =	vor.u32 v45, v3  }
0x1b2: {  	vm11 =	vlt.u32 v44, $0x10000;
	v2 =	vand.u32 $0x380, v2;
	v3 =	vor.u32 v46, v3  }
0x1b3: {  	v47 =	vld [tilespmem:s16+$0x13030];
	v2 =	vor.u32 v2, v3;
	_ =	sdelay $0x4  }
0x1b4: {  	[tilespmem:v2+s2+$0x0] =	vst.idx.add.s32.msk vm11, v47  }
0x1b5: {  	v2 =	vld [tilespmem:s16+$0x11040];
	_ =	sdelay $0x4  }
0x1b6: {  	v3 =	vshll.u32 v2, $0x3  }
0x1b7: {  	v48 =	vsub.s32 v2, v0;
	v49 =	vand.u32 $0x7F, v2;
	v3 =	vand.u32 $0x1C00, v3  }
0x1b8: {  	v2 =	vshrl.u32 v2, $0x3;
	v50 =	vand.u32 $0xFFFFE000, v48;
	v3 =	vor.u32 v49, v3  }
0x1b9: {  	vm12 =	vlt.u32 v48, $0x10000;
	v2 =	vand.u32 $0x380, v2;
	v3 =	vor.u32 v50, v3  }
0x1ba: {  	v51 =	vld [tilespmem:s16+$0x13040];
	v2 =	vor.u32 v2, v3;
	_ =	sdelay $0x4  }
0x1bb: {  	[tilespmem:v2+s2+$0x0] =	vst.idx.add.s32.msk vm12, v51  }
0x1bc: {  	v2 =	vld [tilespmem:s16+$0x11050];
	_ =	sdelay $0x4  }
0x1bd: {  	v3 =	vshll.u32 v2, $0x3  }
0x1be: {  	v52 =	vsub.s32 v2, v0;
	v53 =	vand.u32 $0x7F, v2;
	v3 =	vand.u32 $0x1C00, v3  }
0x1bf: {  	v2 =	vshrl.u32 v2, $0x3;
	v54 =	vand.u32 $0xFFFFE000, v52;
	v3 =	vor.u32 v53, v3  }
0x1c0: {  	vm13 =	vlt.u32 v52, $0x10000;
	v2 =	vand.u32 $0x380, v2;
	v3 =	vor.u32 v54, v3  }
0x1c1: {  	v55 =	vld [tilespmem:s16+$0x13050];
	v2 =	vor.u32 v2, v3;
	_ =	sdelay $0x4  }
0x1c2: {  	[tilespmem:v2+s2+$0x0] =	vst.idx.add.s32.msk vm13, v55  }
0x1c3: {  	v2 =	vld [tilespmem:s16+$0x11060];
	_ =	sdelay $0x4  }
0x1c4: {  	v3 =	vshll.u32 v2, $0x3  }
0x1c5: {  	v56 =	vsub.s32 v2, v0;
	v57 =	vand.u32 $0x7F, v2;
	v3 =	vand.u32 $0x1C00, v3  }
0x1c6: {  	v2 =	vshrl.u32 v2, $0x3;
	v58 =	vand.u32 $0xFFFFE000, v56;
	v3 =	vor.u32 v57, v3  }
0x1c7: {  	vm14 =	vlt.u32 v56, $0x10000;
	v2 =	vand.u32 $0x380, v2;
	v3 =	vor.u32 v58, v3  }
0x1c8: {  	v59 =	vld [tilespmem:s16+$0x13060];
	v2 =	vor.u32 v2, v3;
	_ =	sdelay $0x4  }
0x1c9: {  	[tilespmem:v2+s2+$0x0] =	vst.idx.add.s32.msk vm14, v59  }
0x1ca: {  	v2 =	vld [tilespmem:s16+$0x11070];
	_ =	sdelay $0x4  }
0x1cb: {  	v3 =	vshll.u32 v2, $0x3  }
0x1cc: {  	v60 =	vsub.s32 v2, v0;
	v61 =	vand.u32 $0x7F, v2;
	v3 =	vand.u32 $0x1C00, v3  }
0x1cd: {  	v2 =	vshrl.u32 v2, $0x3;
	v62 =	vand.u32 $0xFFFFE000, v60;
	v3 =	vor.u32 v61, v3  }
0x1ce: {  	vm15 =	vlt.u32 v60, $0x10000;
	v2 =	vand.u32 $0x380, v2;
	v3 =	vor.u32 v62, v3  }
0x1cf: {  	p0 =	sne.s32 s15, $0x3E00;
	v63 =	vld [tilespmem:s16+$0x13070];
	v2 =	vor.u32 v2, v3  }
.Ltmp6:
0x1d0: {  	_ = 	snop;
	(pc) =	sbr.rel @p0 .LBB2_14-.Ltmp6, $2  }
0x1d1: {  	_ =	sdelay $0x2  }
0x1d2: {  	s15 =	sadd.s32 $0x200, s15;
	[tilespmem:v2+s2+$0x0] =	vst.idx.add.s32.msk vm15, v63  }
0x1d3: {  	_ =	swait.ge [sflag:s9], $0x1000  }
0x1d4: {  	[sflag:s9] =	ssyncset.done $0x0  }
0x1d5: {  	[sflag:s9] =	ssyncadd.s32 $0xFFFFF000  }
0x1d6: {  	_ =	swait.ge [sflag:s9], $0x1000  }
0x1d7: {  	[sflag:s9] =	ssyncset.done $0x0  }
0x1d8: {  	s15 =	simm.s32 $0x0;
	s16 =	rddreg [dreg:$0x10];
	[sflag:s9] =	ssyncadd.s32 $0xFFFFF000  }
0x1d9: {  	[tilespmem:s10], [sflag:$0x2] =	stream.linear.gather [hbm4b:s16+s15], $0x1000, $0x38;
	[tilespmem:$0x14000] =	vst v63  }
0x1da: {  	s20 =	rddreg [dreg:$0x11]  }
0x1db: {  	[tilespmem:s11], [sflag:$0x2] =	stream.linear.gather [hbm4b:s20+s15], $0x1000, $0x38;
	[tilespmem:$0x14000] =	vst v63  }
.LBB2_16:
0x1dc: {  	s16 =	sshra.s32 s15, $0x2  }
0x1dd: {  	v2 =	vld [tilespmem:s16+$0x10000];
	_ =	sdelay $0x4  }
0x1de: {  	v3 =	vshll.u32 v2, $0x3  }
0x1df: {  	v4 =	vsub.s32 v2, v0;
	v5 =	vand.u32 $0x7F, v2;
	v3 =	vand.u32 $0x1C00, v3  }
0x1e0: {  	v2 =	vshrl.u32 v2, $0x3;
	v6 =	vand.u32 $0xFFFFE000, v4;
	v3 =	vor.u32 v5, v3  }
0x1e1: {  	vm0 =	vlt.u32 v4, $0x10000;
	v2 =	vand.u32 $0x380, v2;
	v3 =	vor.u32 v6, v3  }
0x1e2: {  	v35 =	vld [tilespmem:s16+$0x12000];
	v2 =	vor.u32 v2, v3;
	_ =	sdelay $0x4  }
0x1e3: {  	[tilespmem:v2+s2+$0x0] =	vst.idx.add.s32.msk vm0, v35  }
0x1e4: {  	v2 =	vld [tilespmem:s16+$0x10010];
	_ =	sdelay $0x4  }
0x1e5: {  	v3 =	vshll.u32 v2, $0x3  }
0x1e6: {  	v36 =	vsub.s32 v2, v0;
	v37 =	vand.u32 $0x7F, v2;
	v3 =	vand.u32 $0x1C00, v3  }
0x1e7: {  	v2 =	vshrl.u32 v2, $0x3;
	v38 =	vand.u32 $0xFFFFE000, v36;
	v3 =	vor.u32 v37, v3  }
0x1e8: {  	vm9 =	vlt.u32 v36, $0x10000;
	v2 =	vand.u32 $0x380, v2;
	v3 =	vor.u32 v38, v3  }
0x1e9: {  	v39 =	vld [tilespmem:s16+$0x12010];
	v2 =	vor.u32 v2, v3;
	_ =	sdelay $0x4  }
0x1ea: {  	[tilespmem:v2+s2+$0x0] =	vst.idx.add.s32.msk vm9, v39  }
0x1eb: {  	v2 =	vld [tilespmem:s16+$0x10020];
	_ =	sdelay $0x4  }
0x1ec: {  	v3 =	vshll.u32 v2, $0x3  }
0x1ed: {  	v40 =	vsub.s32 v2, v0;
	v41 =	vand.u32 $0x7F, v2;
	v3 =	vand.u32 $0x1C00, v3  }
0x1ee: {  	v2 =	vshrl.u32 v2, $0x3;
	v42 =	vand.u32 $0xFFFFE000, v40;
	v3 =	vor.u32 v41, v3  }
0x1ef: {  	vm10 =	vlt.u32 v40, $0x10000;
	v2 =	vand.u32 $0x380, v2;
	v3 =	vor.u32 v42, v3  }
0x1f0: {  	v43 =	vld [tilespmem:s16+$0x12020];
	v2 =	vor.u32 v2, v3;
	_ =	sdelay $0x4  }
0x1f1: {  	[tilespmem:v2+s2+$0x0] =	vst.idx.add.s32.msk vm10, v43  }
0x1f2: {  	v2 =	vld [tilespmem:s16+$0x10030];
	_ =	sdelay $0x4  }
0x1f3: {  	v3 =	vshll.u32 v2, $0x3  }
0x1f4: {  	v44 =	vsub.s32 v2, v0;
	v45 =	vand.u32 $0x7F, v2;
	v3 =	vand.u32 $0x1C00, v3  }
0x1f5: {  	v2 =	vshrl.u32 v2, $0x3;
	v46 =	vand.u32 $0xFFFFE000, v44;
	v3 =	vor.u32 v45, v3  }
0x1f6: {  	vm11 =	vlt.u32 v44, $0x10000;
	v2 =	vand.u32 $0x380, v2;
	v3 =	vor.u32 v46, v3  }
0x1f7: {  	v47 =	vld [tilespmem:s16+$0x12030];
	v2 =	vor.u32 v2, v3;
	_ =	sdelay $0x4  }
0x1f8: {  	[tilespmem:v2+s2+$0x0] =	vst.idx.add.s32.msk vm11, v47  }
0x1f9: {  	v2 =	vld [tilespmem:s16+$0x10040];
	_ =	sdelay $0x4  }
0x1fa: {  	v3 =	vshll.u32 v2, $0x3  }
0x1fb: {  	v48 =	vsub.s32 v2, v0;
	v49 =	vand.u32 $0x7F, v2;
	v3 =	vand.u32 $0x1C00, v3  }
0x1fc: {  	v2 =	vshrl.u32 v2, $0x3;
	v50 =	vand.u32 $0xFFFFE000, v48;
	v3 =	vor.u32 v49, v3  }
0x1fd: {  	vm12 =	vlt.u32 v48, $0x10000;
	v2 =	vand.u32 $0x380, v2;
	v3 =	vor.u32 v50, v3  }
0x1fe: {  	v51 =	vld [tilespmem:s16+$0x12040];
	v2 =	vor.u32 v2, v3;
	_ =	sdelay $0x4  }
0x1ff: {  	[tilespmem:v2+s2+$0x0] =	vst.idx.add.s32.msk vm12, v51  }
0x200: {  	v2 =	vld [tilespmem:s16+$0x10050];
	_ =	sdelay $0x4  }
0x201: {  	v3 =	vshll.u32 v2, $0x3  }
0x202: {  	v52 =	vsub.s32 v2, v0;
	v53 =	vand.u32 $0x7F, v2;
	v3 =	vand.u32 $0x1C00, v3  }
0x203: {  	v2 =	vshrl.u32 v2, $0x3;
	v54 =	vand.u32 $0xFFFFE000, v52;
	v3 =	vor.u32 v53, v3  }
0x204: {  	vm13 =	vlt.u32 v52, $0x10000;
	v2 =	vand.u32 $0x380, v2;
	v3 =	vor.u32 v54, v3  }
0x205: {  	v55 =	vld [tilespmem:s16+$0x12050];
	v2 =	vor.u32 v2, v3;
	_ =	sdelay $0x4  }
0x206: {  	[tilespmem:v2+s2+$0x0] =	vst.idx.add.s32.msk vm13, v55  }
0x207: {  	v2 =	vld [tilespmem:s16+$0x10060];
	_ =	sdelay $0x4  }
0x208: {  	v3 =	vshll.u32 v2, $0x3  }
0x209: {  	v56 =	vsub.s32 v2, v0;
	v57 =	vand.u32 $0x7F, v2;
	v3 =	vand.u32 $0x1C00, v3  }
0x20a: {  	v2 =	vshrl.u32 v2, $0x3;
	v58 =	vand.u32 $0xFFFFE000, v56;
	v3 =	vor.u32 v57, v3  }
0x20b: {  	vm14 =	vlt.u32 v56, $0x10000;
	v2 =	vand.u32 $0x380, v2;
	v3 =	vor.u32 v58, v3  }
0x20c: {  	v59 =	vld [tilespmem:s16+$0x12060];
	v2 =	vor.u32 v2, v3;
	_ =	sdelay $0x4  }
0x20d: {  	[tilespmem:v2+s2+$0x0] =	vst.idx.add.s32.msk vm14, v59  }
0x20e: {  	v2 =	vld [tilespmem:s16+$0x10070];
	_ =	sdelay $0x4  }
0x20f: {  	v3 =	vshll.u32 v2, $0x3  }
0x210: {  	v60 =	vsub.s32 v2, v0;
	v61 =	vand.u32 $0x7F, v2;
	v3 =	vand.u32 $0x1C00, v3  }
0x211: {  	v2 =	vshrl.u32 v2, $0x3;
	v62 =	vand.u32 $0xFFFFE000, v60;
	v3 =	vor.u32 v61, v3  }
0x212: {  	vm15 =	vlt.u32 v60, $0x10000;
	v2 =	vand.u32 $0x380, v2;
	v3 =	vor.u32 v62, v3  }
0x213: {  	p0 =	sne.s32 s15, $0x3E00;
	v63 =	vld [tilespmem:s16+$0x12070];
	v2 =	vor.u32 v2, v3  }
.Ltmp7:
0x214: {  	_ = 	snop;
	(pc) =	sbr.rel @p0 .LBB2_16-.Ltmp7, $2  }
0x215: {  	_ =	sdelay $0x2  }
0x216: {  	s15 =	sadd.s32 $0x200, s15;
	[tilespmem:v2+s2+$0x0] =	vst.idx.add.s32.msk vm15, v63  }
0x217: {  	_ =	swait.ge [sflag:s12], $0x1000  }
0x218: {  	[sflag:s12] =	ssyncset.done $0x0  }
0x219: {  	[sflag:s12] =	ssyncadd.s32 $0xFFFFF000  }
0x21a: {  	_ =	swait.ge [sflag:s12], $0x1000  }
0x21b: {  	[sflag:s12] =	ssyncset.done $0x0  }
0x21c: {  	s15 =	simm.s32 $0x0;
	s16 =	rddreg [dreg:$0x12];
	[sflag:s12] =	ssyncadd.s32 $0xFFFFF000  }
0x21d: {  	[tilespmem:s7], [sflag:$0x1] =	stream.linear.gather [hbm4b:s16+s15], $0x1000, $0x38;
	[tilespmem:$0x14000] =	vst v63  }
0x21e: {  	s20 =	rddreg [dreg:$0x13]  }
0x21f: {  	[tilespmem:s8], [sflag:$0x1] =	stream.linear.gather [hbm4b:s20+s15], $0x1000, $0x38;
	[tilespmem:$0x14000] =	vst v63  }
.LBB2_18:
0x220: {  	s16 =	sshra.s32 s15, $0x2  }
0x221: {  	v2 =	vld [tilespmem:s16+$0x11000];
	_ =	sdelay $0x4  }
0x222: {  	v3 =	vshll.u32 v2, $0x3  }
0x223: {  	v4 =	vsub.s32 v2, v0;
	v5 =	vand.u32 $0x7F, v2;
	v3 =	vand.u32 $0x1C00, v3  }
0x224: {  	v2 =	vshrl.u32 v2, $0x3;
	v6 =	vand.u32 $0xFFFFE000, v4;
	v3 =	vor.u32 v5, v3  }
0x225: {  	vm0 =	vlt.u32 v4, $0x10000;
	v2 =	vand.u32 $0x380, v2;
	v3 =	vor.u32 v6, v3  }
0x226: {  	v35 =	vld [tilespmem:s16+$0x13000];
	v2 =	vor.u32 v2, v3;
	_ =	sdelay $0x4  }
0x227: {  	[tilespmem:v2+s2+$0x0] =	vst.idx.add.s32.msk vm0, v35  }
0x228: {  	v2 =	vld [tilespmem:s16+$0x11010];
	_ =	sdelay $0x4  }
0x229: {  	v3 =	vshll.u32 v2, $0x3  }
0x22a: {  	v36 =	vsub.s32 v2, v0;
	v37 =	vand.u32 $0x7F, v2;
	v3 =	vand.u32 $0x1C00, v3  }
0x22b: {  	v2 =	vshrl.u32 v2, $0x3;
	v38 =	vand.u32 $0xFFFFE000, v36;
	v3 =	vor.u32 v37, v3  }
0x22c: {  	vm9 =	vlt.u32 v36, $0x10000;
	v2 =	vand.u32 $0x380, v2;
	v3 =	vor.u32 v38, v3  }
0x22d: {  	v39 =	vld [tilespmem:s16+$0x13010];
	v2 =	vor.u32 v2, v3;
	_ =	sdelay $0x4  }
0x22e: {  	[tilespmem:v2+s2+$0x0] =	vst.idx.add.s32.msk vm9, v39  }
0x22f: {  	v2 =	vld [tilespmem:s16+$0x11020];
	_ =	sdelay $0x4  }
0x230: {  	v3 =	vshll.u32 v2, $0x3  }
0x231: {  	v40 =	vsub.s32 v2, v0;
	v41 =	vand.u32 $0x7F, v2;
	v3 =	vand.u32 $0x1C00, v3  }
0x232: {  	v2 =	vshrl.u32 v2, $0x3;
	v42 =	vand.u32 $0xFFFFE000, v40;
	v3 =	vor.u32 v41, v3  }
0x233: {  	vm10 =	vlt.u32 v40, $0x10000;
	v2 =	vand.u32 $0x380, v2;
	v3 =	vor.u32 v42, v3  }
0x234: {  	v43 =	vld [tilespmem:s16+$0x13020];
	v2 =	vor.u32 v2, v3;
	_ =	sdelay $0x4  }
0x235: {  	[tilespmem:v2+s2+$0x0] =	vst.idx.add.s32.msk vm10, v43  }
0x236: {  	v2 =	vld [tilespmem:s16+$0x11030];
	_ =	sdelay $0x4  }
0x237: {  	v3 =	vshll.u32 v2, $0x3  }
0x238: {  	v44 =	vsub.s32 v2, v0;
	v45 =	vand.u32 $0x7F, v2;
	v3 =	vand.u32 $0x1C00, v3  }
0x239: {  	v2 =	vshrl.u32 v2, $0x3;
	v46 =	vand.u32 $0xFFFFE000, v44;
	v3 =	vor.u32 v45, v3  }
0x23a: {  	vm11 =	vlt.u32 v44, $0x10000;
	v2 =	vand.u32 $0x380, v2;
	v3 =	vor.u32 v46, v3  }
0x23b: {  	v47 =	vld [tilespmem:s16+$0x13030];
	v2 =	vor.u32 v2, v3;
	_ =	sdelay $0x4  }
0x23c: {  	[tilespmem:v2+s2+$0x0] =	vst.idx.add.s32.msk vm11, v47  }
0x23d: {  	v2 =	vld [tilespmem:s16+$0x11040];
	_ =	sdelay $0x4  }
0x23e: {  	v3 =	vshll.u32 v2, $0x3  }
0x23f: {  	v48 =	vsub.s32 v2, v0;
	v49 =	vand.u32 $0x7F, v2;
	v3 =	vand.u32 $0x1C00, v3  }
0x240: {  	v2 =	vshrl.u32 v2, $0x3;
	v50 =	vand.u32 $0xFFFFE000, v48;
	v3 =	vor.u32 v49, v3  }
0x241: {  	vm12 =	vlt.u32 v48, $0x10000;
	v2 =	vand.u32 $0x380, v2;
	v3 =	vor.u32 v50, v3  }
0x242: {  	v51 =	vld [tilespmem:s16+$0x13040];
	v2 =	vor.u32 v2, v3;
	_ =	sdelay $0x4  }
0x243: {  	[tilespmem:v2+s2+$0x0] =	vst.idx.add.s32.msk vm12, v51  }
0x244: {  	v2 =	vld [tilespmem:s16+$0x11050];
	_ =	sdelay $0x4  }
0x245: {  	v3 =	vshll.u32 v2, $0x3  }
0x246: {  	v52 =	vsub.s32 v2, v0;
	v53 =	vand.u32 $0x7F, v2;
	v3 =	vand.u32 $0x1C00, v3  }
0x247: {  	v2 =	vshrl.u32 v2, $0x3;
	v54 =	vand.u32 $0xFFFFE000, v52;
	v3 =	vor.u32 v53, v3  }
0x248: {  	vm13 =	vlt.u32 v52, $0x10000;
	v2 =	vand.u32 $0x380, v2;
	v3 =	vor.u32 v54, v3  }
0x249: {  	v55 =	vld [tilespmem:s16+$0x13050];
	v2 =	vor.u32 v2, v3;
	_ =	sdelay $0x4  }
0x24a: {  	[tilespmem:v2+s2+$0x0] =	vst.idx.add.s32.msk vm13, v55  }
0x24b: {  	v2 =	vld [tilespmem:s16+$0x11060];
	_ =	sdelay $0x4  }
0x24c: {  	v3 =	vshll.u32 v2, $0x3  }
0x24d: {  	v56 =	vsub.s32 v2, v0;
	v57 =	vand.u32 $0x7F, v2;
	v3 =	vand.u32 $0x1C00, v3  }
0x24e: {  	v2 =	vshrl.u32 v2, $0x3;
	v58 =	vand.u32 $0xFFFFE000, v56;
	v3 =	vor.u32 v57, v3  }
0x24f: {  	vm14 =	vlt.u32 v56, $0x10000;
	v2 =	vand.u32 $0x380, v2;
	v3 =	vor.u32 v58, v3  }
0x250: {  	v59 =	vld [tilespmem:s16+$0x13060];
	v2 =	vor.u32 v2, v3;
	_ =	sdelay $0x4  }
0x251: {  	[tilespmem:v2+s2+$0x0] =	vst.idx.add.s32.msk vm14, v59  }
0x252: {  	v2 =	vld [tilespmem:s16+$0x11070];
	_ =	sdelay $0x4  }
0x253: {  	v3 =	vshll.u32 v2, $0x3  }
0x254: {  	v60 =	vsub.s32 v2, v0;
	v61 =	vand.u32 $0x7F, v2;
	v3 =	vand.u32 $0x1C00, v3  }
0x255: {  	v2 =	vshrl.u32 v2, $0x3;
	v62 =	vand.u32 $0xFFFFE000, v60;
	v3 =	vor.u32 v61, v3  }
0x256: {  	vm15 =	vlt.u32 v60, $0x10000;
	v2 =	vand.u32 $0x380, v2;
	v3 =	vor.u32 v62, v3  }
0x257: {  	p0 =	sne.s32 s15, $0x3E00;
	v63 =	vld [tilespmem:s16+$0x13070];
	v2 =	vor.u32 v2, v3  }
.Ltmp8:
0x258: {  	_ = 	snop;
	(pc) =	sbr.rel @p0 .LBB2_18-.Ltmp8, $2  }
0x259: {  	_ =	sdelay $0x2  }
0x25a: {  	s15 =	sadd.s32 $0x200, s15;
	[tilespmem:v2+s2+$0x0] =	vst.idx.add.s32.msk vm15, v63  }
0x25b: {  	_ =	swait.ge [sflag:s9], $0x1000  }
0x25c: {  	[sflag:s9] =	ssyncset.done $0x0  }
0x25d: {  	[sflag:s9] =	ssyncadd.s32 $0xFFFFF000  }
0x25e: {  	_ =	swait.ge [sflag:s9], $0x1000  }
0x25f: {  	[sflag:s9] =	ssyncset.done $0x0  }
0x260: {  	s15 =	simm.s32 $0x0;
	[sflag:s9] =	ssyncadd.s32 $0xFFFFF000  }
0x261: {  	[tilespmem:s10], [sflag:$0x2] =	stream.linear.gather [hbm4b:s21+s15], $0x1000, $0x38;
	[tilespmem:$0x14000] =	vst v63  }
0x262: {  	_ = 	snop  }
0x263: {  	[tilespmem:s11], [sflag:$0x2] =	stream.linear.gather [hbm4b:s22+s15], $0x1000, $0x38;
	[tilespmem:$0x14000] =	vst v63  }
.LBB2_20:
0x264: {  	s16 =	sshra.s32 s15, $0x2  }
0x265: {  	v2 =	vld [tilespmem:s16+$0x10000];
	_ =	sdelay $0x4  }
0x266: {  	v3 =	vshll.u32 v2, $0x3  }
0x267: {  	v4 =	vsub.s32 v2, v0;
	v5 =	vand.u32 $0x7F, v2;
	v3 =	vand.u32 $0x1C00, v3  }
0x268: {  	v2 =	vshrl.u32 v2, $0x3;
	v6 =	vand.u32 $0xFFFFE000, v4;
	v3 =	vor.u32 v5, v3  }
0x269: {  	vm0 =	vlt.u32 v4, $0x10000;
	v2 =	vand.u32 $0x380, v2;
	v3 =	vor.u32 v6, v3  }
0x26a: {  	v35 =	vld [tilespmem:s16+$0x12000];
	v2 =	vor.u32 v2, v3;
	_ =	sdelay $0x4  }
0x26b: {  	[tilespmem:v2+s2+$0x0] =	vst.idx.add.s32.msk vm0, v35  }
0x26c: {  	v2 =	vld [tilespmem:s16+$0x10010];
	_ =	sdelay $0x4  }
0x26d: {  	v3 =	vshll.u32 v2, $0x3  }
0x26e: {  	v36 =	vsub.s32 v2, v0;
	v37 =	vand.u32 $0x7F, v2;
	v3 =	vand.u32 $0x1C00, v3  }
0x26f: {  	v2 =	vshrl.u32 v2, $0x3;
	v38 =	vand.u32 $0xFFFFE000, v36;
	v3 =	vor.u32 v37, v3  }
0x270: {  	vm9 =	vlt.u32 v36, $0x10000;
	v2 =	vand.u32 $0x380, v2;
	v3 =	vor.u32 v38, v3  }
0x271: {  	v39 =	vld [tilespmem:s16+$0x12010];
	v2 =	vor.u32 v2, v3;
	_ =	sdelay $0x4  }
0x272: {  	[tilespmem:v2+s2+$0x0] =	vst.idx.add.s32.msk vm9, v39  }
0x273: {  	v2 =	vld [tilespmem:s16+$0x10020];
	_ =	sdelay $0x4  }
0x274: {  	v3 =	vshll.u32 v2, $0x3  }
0x275: {  	v40 =	vsub.s32 v2, v0;
	v41 =	vand.u32 $0x7F, v2;
	v3 =	vand.u32 $0x1C00, v3  }
0x276: {  	v2 =	vshrl.u32 v2, $0x3;
	v42 =	vand.u32 $0xFFFFE000, v40;
	v3 =	vor.u32 v41, v3  }
0x277: {  	vm10 =	vlt.u32 v40, $0x10000;
	v2 =	vand.u32 $0x380, v2;
	v3 =	vor.u32 v42, v3  }
0x278: {  	v43 =	vld [tilespmem:s16+$0x12020];
	v2 =	vor.u32 v2, v3;
	_ =	sdelay $0x4  }
0x279: {  	[tilespmem:v2+s2+$0x0] =	vst.idx.add.s32.msk vm10, v43  }
0x27a: {  	v2 =	vld [tilespmem:s16+$0x10030];
	_ =	sdelay $0x4  }
0x27b: {  	v3 =	vshll.u32 v2, $0x3  }
0x27c: {  	v44 =	vsub.s32 v2, v0;
	v45 =	vand.u32 $0x7F, v2;
	v3 =	vand.u32 $0x1C00, v3  }
0x27d: {  	v2 =	vshrl.u32 v2, $0x3;
	v46 =	vand.u32 $0xFFFFE000, v44;
	v3 =	vor.u32 v45, v3  }
0x27e: {  	vm11 =	vlt.u32 v44, $0x10000;
	v2 =	vand.u32 $0x380, v2;
	v3 =	vor.u32 v46, v3  }
0x27f: {  	v47 =	vld [tilespmem:s16+$0x12030];
	v2 =	vor.u32 v2, v3;
	_ =	sdelay $0x4  }
0x280: {  	[tilespmem:v2+s2+$0x0] =	vst.idx.add.s32.msk vm11, v47  }
0x281: {  	v2 =	vld [tilespmem:s16+$0x10040];
	_ =	sdelay $0x4  }
0x282: {  	v3 =	vshll.u32 v2, $0x3  }
0x283: {  	v48 =	vsub.s32 v2, v0;
	v49 =	vand.u32 $0x7F, v2;
	v3 =	vand.u32 $0x1C00, v3  }
0x284: {  	v2 =	vshrl.u32 v2, $0x3;
	v50 =	vand.u32 $0xFFFFE000, v48;
	v3 =	vor.u32 v49, v3  }
0x285: {  	vm12 =	vlt.u32 v48, $0x10000;
	v2 =	vand.u32 $0x380, v2;
	v3 =	vor.u32 v50, v3  }
0x286: {  	v51 =	vld [tilespmem:s16+$0x12040];
	v2 =	vor.u32 v2, v3;
	_ =	sdelay $0x4  }
0x287: {  	[tilespmem:v2+s2+$0x0] =	vst.idx.add.s32.msk vm12, v51  }
0x288: {  	v2 =	vld [tilespmem:s16+$0x10050];
	_ =	sdelay $0x4  }
0x289: {  	v3 =	vshll.u32 v2, $0x3  }
0x28a: {  	v52 =	vsub.s32 v2, v0;
	v53 =	vand.u32 $0x7F, v2;
	v3 =	vand.u32 $0x1C00, v3  }
0x28b: {  	v2 =	vshrl.u32 v2, $0x3;
	v54 =	vand.u32 $0xFFFFE000, v52;
	v3 =	vor.u32 v53, v3  }
0x28c: {  	vm13 =	vlt.u32 v52, $0x10000;
	v2 =	vand.u32 $0x380, v2;
	v3 =	vor.u32 v54, v3  }
0x28d: {  	v55 =	vld [tilespmem:s16+$0x12050];
	v2 =	vor.u32 v2, v3;
	_ =	sdelay $0x4  }
0x28e: {  	[tilespmem:v2+s2+$0x0] =	vst.idx.add.s32.msk vm13, v55  }
0x28f: {  	v2 =	vld [tilespmem:s16+$0x10060];
	_ =	sdelay $0x4  }
0x290: {  	v3 =	vshll.u32 v2, $0x3  }
0x291: {  	v56 =	vsub.s32 v2, v0;
	v57 =	vand.u32 $0x7F, v2;
	v3 =	vand.u32 $0x1C00, v3  }
0x292: {  	v2 =	vshrl.u32 v2, $0x3;
	v58 =	vand.u32 $0xFFFFE000, v56;
	v3 =	vor.u32 v57, v3  }
0x293: {  	vm14 =	vlt.u32 v56, $0x10000;
	v2 =	vand.u32 $0x380, v2;
	v3 =	vor.u32 v58, v3  }
0x294: {  	v59 =	vld [tilespmem:s16+$0x12060];
	v2 =	vor.u32 v2, v3;
	_ =	sdelay $0x4  }
0x295: {  	[tilespmem:v2+s2+$0x0] =	vst.idx.add.s32.msk vm14, v59  }
0x296: {  	v2 =	vld [tilespmem:s16+$0x10070];
	_ =	sdelay $0x4  }
0x297: {  	v3 =	vshll.u32 v2, $0x3  }
0x298: {  	v60 =	vsub.s32 v2, v0;
	v61 =	vand.u32 $0x7F, v2;
	v3 =	vand.u32 $0x1C00, v3  }
0x299: {  	v2 =	vshrl.u32 v2, $0x3;
	v62 =	vand.u32 $0xFFFFE000, v60;
	v3 =	vor.u32 v61, v3  }
0x29a: {  	vm15 =	vlt.u32 v60, $0x10000;
	v2 =	vand.u32 $0x380, v2;
	v3 =	vor.u32 v62, v3  }
0x29b: {  	p0 =	sne.s32 s15, $0x3E00;
	v63 =	vld [tilespmem:s16+$0x12070];
	v2 =	vor.u32 v2, v3  }
.Ltmp9:
0x29c: {  	_ = 	snop;
	(pc) =	sbr.rel @p0 .LBB2_20-.Ltmp9, $2  }
0x29d: {  	_ =	sdelay $0x2  }
0x29e: {  	s15 =	sadd.s32 $0x200, s15;
	[tilespmem:v2+s2+$0x0] =	vst.idx.add.s32.msk vm15, v63  }
0x29f: {  	_ =	swait.ge [sflag:s12], $0x1000  }
0x2a0: {  	[sflag:s12] =	ssyncset.done $0x0  }
0x2a1: {  	[sflag:s12] =	ssyncadd.s32 $0xFFFFF000  }
0x2a2: {  	_ =	swait.ge [sflag:s12], $0x1000  }
0x2a3: {  	[sflag:s12] =	ssyncset.done $0x0  }
0x2a4: {  	s15 =	simm.s32 $0x0;
	[sflag:s12] =	ssyncadd.s32 $0xFFFFF000  }
0x2a5: {  	[tilespmem:s7], [sflag:$0x1] =	stream.linear.gather [hbm4b:s23+s15], $0x1000, $0x38;
	[tilespmem:$0x14000] =	vst v63  }
0x2a6: {  	_ = 	snop  }
0x2a7: {  	[tilespmem:s8], [sflag:$0x1] =	stream.linear.gather [hbm4b:s24+s15], $0x1000, $0x38;
	[tilespmem:$0x14000] =	vst v63  }
.LBB2_22:
0x2a8: {  	s16 =	sshra.s32 s15, $0x2  }
0x2a9: {  	v2 =	vld [tilespmem:s16+$0x11000];
	_ =	sdelay $0x4  }
0x2aa: {  	v3 =	vshll.u32 v2, $0x3  }
0x2ab: {  	v4 =	vsub.s32 v2, v0;
	v5 =	vand.u32 $0x7F, v2;
	v3 =	vand.u32 $0x1C00, v3  }
0x2ac: {  	v2 =	vshrl.u32 v2, $0x3;
	v6 =	vand.u32 $0xFFFFE000, v4;
	v3 =	vor.u32 v5, v3  }
0x2ad: {  	vm0 =	vlt.u32 v4, $0x10000;
	v2 =	vand.u32 $0x380, v2;
	v3 =	vor.u32 v6, v3  }
0x2ae: {  	v35 =	vld [tilespmem:s16+$0x13000];
	v2 =	vor.u32 v2, v3;
	_ =	sdelay $0x4  }
0x2af: {  	[tilespmem:v2+s2+$0x0] =	vst.idx.add.s32.msk vm0, v35  }
0x2b0: {  	v2 =	vld [tilespmem:s16+$0x11010];
	_ =	sdelay $0x4  }
0x2b1: {  	v3 =	vshll.u32 v2, $0x3  }
0x2b2: {  	v36 =	vsub.s32 v2, v0;
	v37 =	vand.u32 $0x7F, v2;
	v3 =	vand.u32 $0x1C00, v3  }
0x2b3: {  	v2 =	vshrl.u32 v2, $0x3;
	v38 =	vand.u32 $0xFFFFE000, v36;
	v3 =	vor.u32 v37, v3  }
0x2b4: {  	vm9 =	vlt.u32 v36, $0x10000;
	v2 =	vand.u32 $0x380, v2;
	v3 =	vor.u32 v38, v3  }
0x2b5: {  	v39 =	vld [tilespmem:s16+$0x13010];
	v2 =	vor.u32 v2, v3;
	_ =	sdelay $0x4  }
0x2b6: {  	[tilespmem:v2+s2+$0x0] =	vst.idx.add.s32.msk vm9, v39  }
0x2b7: {  	v2 =	vld [tilespmem:s16+$0x11020];
	_ =	sdelay $0x4  }
0x2b8: {  	v3 =	vshll.u32 v2, $0x3  }
0x2b9: {  	v40 =	vsub.s32 v2, v0;
	v41 =	vand.u32 $0x7F, v2;
	v3 =	vand.u32 $0x1C00, v3  }
0x2ba: {  	v2 =	vshrl.u32 v2, $0x3;
	v42 =	vand.u32 $0xFFFFE000, v40;
	v3 =	vor.u32 v41, v3  }
0x2bb: {  	vm10 =	vlt.u32 v40, $0x10000;
	v2 =	vand.u32 $0x380, v2;
	v3 =	vor.u32 v42, v3  }
0x2bc: {  	v43 =	vld [tilespmem:s16+$0x13020];
	v2 =	vor.u32 v2, v3;
	_ =	sdelay $0x4  }
0x2bd: {  	[tilespmem:v2+s2+$0x0] =	vst.idx.add.s32.msk vm10, v43  }
0x2be: {  	v2 =	vld [tilespmem:s16+$0x11030];
	_ =	sdelay $0x4  }
0x2bf: {  	v3 =	vshll.u32 v2, $0x3  }
0x2c0: {  	v44 =	vsub.s32 v2, v0;
	v45 =	vand.u32 $0x7F, v2;
	v3 =	vand.u32 $0x1C00, v3  }
0x2c1: {  	v2 =	vshrl.u32 v2, $0x3;
	v46 =	vand.u32 $0xFFFFE000, v44;
	v3 =	vor.u32 v45, v3  }
0x2c2: {  	vm11 =	vlt.u32 v44, $0x10000;
	v2 =	vand.u32 $0x380, v2;
	v3 =	vor.u32 v46, v3  }
0x2c3: {  	v47 =	vld [tilespmem:s16+$0x13030];
	v2 =	vor.u32 v2, v3;
	_ =	sdelay $0x4  }
0x2c4: {  	[tilespmem:v2+s2+$0x0] =	vst.idx.add.s32.msk vm11, v47  }
0x2c5: {  	v2 =	vld [tilespmem:s16+$0x11040];
	_ =	sdelay $0x4  }
0x2c6: {  	v3 =	vshll.u32 v2, $0x3  }
0x2c7: {  	v48 =	vsub.s32 v2, v0;
	v49 =	vand.u32 $0x7F, v2;
	v3 =	vand.u32 $0x1C00, v3  }
0x2c8: {  	v2 =	vshrl.u32 v2, $0x3;
	v50 =	vand.u32 $0xFFFFE000, v48;
	v3 =	vor.u32 v49, v3  }
0x2c9: {  	vm12 =	vlt.u32 v48, $0x10000;
	v2 =	vand.u32 $0x380, v2;
	v3 =	vor.u32 v50, v3  }
0x2ca: {  	v51 =	vld [tilespmem:s16+$0x13040];
	v2 =	vor.u32 v2, v3;
	_ =	sdelay $0x4  }
0x2cb: {  	[tilespmem:v2+s2+$0x0] =	vst.idx.add.s32.msk vm12, v51  }
0x2cc: {  	v2 =	vld [tilespmem:s16+$0x11050];
	_ =	sdelay $0x4  }
0x2cd: {  	v3 =	vshll.u32 v2, $0x3  }
0x2ce: {  	v52 =	vsub.s32 v2, v0;
	v53 =	vand.u32 $0x7F, v2;
	v3 =	vand.u32 $0x1C00, v3  }
0x2cf: {  	v2 =	vshrl.u32 v2, $0x3;
	v54 =	vand.u32 $0xFFFFE000, v52;
	v3 =	vor.u32 v53, v3  }
0x2d0: {  	vm13 =	vlt.u32 v52, $0x10000;
	v2 =	vand.u32 $0x380, v2;
	v3 =	vor.u32 v54, v3  }
0x2d1: {  	v55 =	vld [tilespmem:s16+$0x13050];
	v2 =	vor.u32 v2, v3;
	_ =	sdelay $0x4  }
0x2d2: {  	[tilespmem:v2+s2+$0x0] =	vst.idx.add.s32.msk vm13, v55  }
0x2d3: {  	v2 =	vld [tilespmem:s16+$0x11060];
	_ =	sdelay $0x4  }
0x2d4: {  	v3 =	vshll.u32 v2, $0x3  }
0x2d5: {  	v56 =	vsub.s32 v2, v0;
	v57 =	vand.u32 $0x7F, v2;
	v3 =	vand.u32 $0x1C00, v3  }
0x2d6: {  	v2 =	vshrl.u32 v2, $0x3;
	v58 =	vand.u32 $0xFFFFE000, v56;
	v3 =	vor.u32 v57, v3  }
0x2d7: {  	vm14 =	vlt.u32 v56, $0x10000;
	v2 =	vand.u32 $0x380, v2;
	v3 =	vor.u32 v58, v3  }
0x2d8: {  	v59 =	vld [tilespmem:s16+$0x13060];
	v2 =	vor.u32 v2, v3;
	_ =	sdelay $0x4  }
0x2d9: {  	[tilespmem:v2+s2+$0x0] =	vst.idx.add.s32.msk vm14, v59  }
0x2da: {  	v2 =	vld [tilespmem:s16+$0x11070];
	_ =	sdelay $0x4  }
0x2db: {  	v3 =	vshll.u32 v2, $0x3  }
0x2dc: {  	v60 =	vsub.s32 v2, v0;
	v61 =	vand.u32 $0x7F, v2;
	v3 =	vand.u32 $0x1C00, v3  }
0x2dd: {  	v2 =	vshrl.u32 v2, $0x3;
	v62 =	vand.u32 $0xFFFFE000, v60;
	v3 =	vor.u32 v61, v3  }
0x2de: {  	vm15 =	vlt.u32 v60, $0x10000;
	v2 =	vand.u32 $0x380, v2;
	v3 =	vor.u32 v62, v3  }
0x2df: {  	p0 =	sne.s32 s15, $0x3E00;
	v63 =	vld [tilespmem:s16+$0x13070];
	v2 =	vor.u32 v2, v3  }
.Ltmp10:
0x2e0: {  	_ = 	snop;
	(pc) =	sbr.rel @p0 .LBB2_22-.Ltmp10, $2  }
0x2e1: {  	_ =	sdelay $0x2  }
0x2e2: {  	s15 =	sadd.s32 $0x200, s15;
	[tilespmem:v2+s2+$0x0] =	vst.idx.add.s32.msk vm15, v63  }
0x2e3: {  	_ =	swait.ge [sflag:s9], $0x1000  }
0x2e4: {  	[sflag:s9] =	ssyncset.done $0x0  }
0x2e5: {  	[sflag:s9] =	ssyncadd.s32 $0xFFFFF000  }
0x2e6: {  	_ =	swait.ge [sflag:s9], $0x1000  }
0x2e7: {  	[sflag:s9] =	ssyncset.done $0x0  }
0x2e8: {  	s15 =	simm.s32 $0x0;
	[sflag:s9] =	ssyncadd.s32 $0xFFFFF000  }
0x2e9: {  	[tilespmem:s10], [sflag:$0x2] =	stream.linear.gather [hbm4b:s25+s15], $0x1000, $0x38;
	[tilespmem:$0x14000] =	vst v63  }
0x2ea: {  	_ = 	snop  }
0x2eb: {  	[tilespmem:s11], [sflag:$0x2] =	stream.linear.gather [hbm4b:s26+s15], $0x1000, $0x38;
	[tilespmem:$0x14000] =	vst v63  }
.LBB2_24:
0x2ec: {  	s16 =	sshra.s32 s15, $0x2  }
0x2ed: {  	v2 =	vld [tilespmem:s16+$0x10000];
	_ =	sdelay $0x4  }
0x2ee: {  	v3 =	vshll.u32 v2, $0x3  }
0x2ef: {  	v4 =	vsub.s32 v2, v0;
	v5 =	vand.u32 $0x7F, v2;
	v3 =	vand.u32 $0x1C00, v3  }
0x2f0: {  	v2 =	vshrl.u32 v2, $0x3;
	v6 =	vand.u32 $0xFFFFE000, v4;
	v3 =	vor.u32 v5, v3  }
0x2f1: {  	vm0 =	vlt.u32 v4, $0x10000;
	v2 =	vand.u32 $0x380, v2;
	v3 =	vor.u32 v6, v3  }
0x2f2: {  	v35 =	vld [tilespmem:s16+$0x12000];
	v2 =	vor.u32 v2, v3;
	_ =	sdelay $0x4  }
0x2f3: {  	[tilespmem:v2+s2+$0x0] =	vst.idx.add.s32.msk vm0, v35  }
0x2f4: {  	v2 =	vld [tilespmem:s16+$0x10010];
	_ =	sdelay $0x4  }
0x2f5: {  	v3 =	vshll.u32 v2, $0x3  }
0x2f6: {  	v36 =	vsub.s32 v2, v0;
	v37 =	vand.u32 $0x7F, v2;
	v3 =	vand.u32 $0x1C00, v3  }
0x2f7: {  	v2 =	vshrl.u32 v2, $0x3;
	v38 =	vand.u32 $0xFFFFE000, v36;
	v3 =	vor.u32 v37, v3  }
0x2f8: {  	vm9 =	vlt.u32 v36, $0x10000;
	v2 =	vand.u32 $0x380, v2;
	v3 =	vor.u32 v38, v3  }
0x2f9: {  	v39 =	vld [tilespmem:s16+$0x12010];
	v2 =	vor.u32 v2, v3;
	_ =	sdelay $0x4  }
0x2fa: {  	[tilespmem:v2+s2+$0x0] =	vst.idx.add.s32.msk vm9, v39  }
0x2fb: {  	v2 =	vld [tilespmem:s16+$0x10020];
	_ =	sdelay $0x4  }
0x2fc: {  	v3 =	vshll.u32 v2, $0x3  }
0x2fd: {  	v40 =	vsub.s32 v2, v0;
	v41 =	vand.u32 $0x7F, v2;
	v3 =	vand.u32 $0x1C00, v3  }
0x2fe: {  	v2 =	vshrl.u32 v2, $0x3;
	v42 =	vand.u32 $0xFFFFE000, v40;
	v3 =	vor.u32 v41, v3  }
0x2ff: {  	vm10 =	vlt.u32 v40, $0x10000;
	v2 =	vand.u32 $0x380, v2;
	v3 =	vor.u32 v42, v3  }
0x300: {  	v43 =	vld [tilespmem:s16+$0x12020];
	v2 =	vor.u32 v2, v3;
	_ =	sdelay $0x4  }
0x301: {  	[tilespmem:v2+s2+$0x0] =	vst.idx.add.s32.msk vm10, v43  }
0x302: {  	v2 =	vld [tilespmem:s16+$0x10030];
	_ =	sdelay $0x4  }
0x303: {  	v3 =	vshll.u32 v2, $0x3  }
0x304: {  	v44 =	vsub.s32 v2, v0;
	v45 =	vand.u32 $0x7F, v2;
	v3 =	vand.u32 $0x1C00, v3  }
0x305: {  	v2 =	vshrl.u32 v2, $0x3;
	v46 =	vand.u32 $0xFFFFE000, v44;
	v3 =	vor.u32 v45, v3  }
0x306: {  	vm11 =	vlt.u32 v44, $0x10000;
	v2 =	vand.u32 $0x380, v2;
	v3 =	vor.u32 v46, v3  }
0x307: {  	v47 =	vld [tilespmem:s16+$0x12030];
	v2 =	vor.u32 v2, v3;
	_ =	sdelay $0x4  }
0x308: {  	[tilespmem:v2+s2+$0x0] =	vst.idx.add.s32.msk vm11, v47  }
0x309: {  	v2 =	vld [tilespmem:s16+$0x10040];
	_ =	sdelay $0x4  }
0x30a: {  	v3 =	vshll.u32 v2, $0x3  }
0x30b: {  	v48 =	vsub.s32 v2, v0;
	v49 =	vand.u32 $0x7F, v2;
	v3 =	vand.u32 $0x1C00, v3  }
0x30c: {  	v2 =	vshrl.u32 v2, $0x3;
	v50 =	vand.u32 $0xFFFFE000, v48;
	v3 =	vor.u32 v49, v3  }
0x30d: {  	vm12 =	vlt.u32 v48, $0x10000;
	v2 =	vand.u32 $0x380, v2;
	v3 =	vor.u32 v50, v3  }
0x30e: {  	v51 =	vld [tilespmem:s16+$0x12040];
	v2 =	vor.u32 v2, v3;
	_ =	sdelay $0x4  }
0x30f: {  	[tilespmem:v2+s2+$0x0] =	vst.idx.add.s32.msk vm12, v51  }
0x310: {  	v2 =	vld [tilespmem:s16+$0x10050];
	_ =	sdelay $0x4  }
0x311: {  	v3 =	vshll.u32 v2, $0x3  }
0x312: {  	v52 =	vsub.s32 v2, v0;
	v53 =	vand.u32 $0x7F, v2;
	v3 =	vand.u32 $0x1C00, v3  }
0x313: {  	v2 =	vshrl.u32 v2, $0x3;
	v54 =	vand.u32 $0xFFFFE000, v52;
	v3 =	vor.u32 v53, v3  }
0x314: {  	vm13 =	vlt.u32 v52, $0x10000;
	v2 =	vand.u32 $0x380, v2;
	v3 =	vor.u32 v54, v3  }
0x315: {  	v55 =	vld [tilespmem:s16+$0x12050];
	v2 =	vor.u32 v2, v3;
	_ =	sdelay $0x4  }
0x316: {  	[tilespmem:v2+s2+$0x0] =	vst.idx.add.s32.msk vm13, v55  }
0x317: {  	v2 =	vld [tilespmem:s16+$0x10060];
	_ =	sdelay $0x4  }
0x318: {  	v3 =	vshll.u32 v2, $0x3  }
0x319: {  	v56 =	vsub.s32 v2, v0;
	v57 =	vand.u32 $0x7F, v2;
	v3 =	vand.u32 $0x1C00, v3  }
0x31a: {  	v2 =	vshrl.u32 v2, $0x3;
	v58 =	vand.u32 $0xFFFFE000, v56;
	v3 =	vor.u32 v57, v3  }
0x31b: {  	vm14 =	vlt.u32 v56, $0x10000;
	v2 =	vand.u32 $0x380, v2;
	v3 =	vor.u32 v58, v3  }
0x31c: {  	v59 =	vld [tilespmem:s16+$0x12060];
	v2 =	vor.u32 v2, v3;
	_ =	sdelay $0x4  }
0x31d: {  	[tilespmem:v2+s2+$0x0] =	vst.idx.add.s32.msk vm14, v59  }
0x31e: {  	v2 =	vld [tilespmem:s16+$0x10070];
	_ =	sdelay $0x4  }
0x31f: {  	v3 =	vshll.u32 v2, $0x3  }
0x320: {  	v60 =	vsub.s32 v2, v0;
	v61 =	vand.u32 $0x7F, v2;
	v3 =	vand.u32 $0x1C00, v3  }
0x321: {  	v2 =	vshrl.u32 v2, $0x3;
	v62 =	vand.u32 $0xFFFFE000, v60;
	v3 =	vor.u32 v61, v3  }
0x322: {  	vm15 =	vlt.u32 v60, $0x10000;
	v2 =	vand.u32 $0x380, v2;
	v3 =	vor.u32 v62, v3  }
0x323: {  	p0 =	sne.s32 s15, $0x3E00;
	v63 =	vld [tilespmem:s16+$0x12070];
	v2 =	vor.u32 v2, v3  }
.Ltmp11:
0x324: {  	_ = 	snop;
	(pc) =	sbr.rel @p0 .LBB2_24-.Ltmp11, $2  }
0x325: {  	_ =	sdelay $0x2  }
0x326: {  	s15 =	sadd.s32 $0x200, s15;
	[tilespmem:v2+s2+$0x0] =	vst.idx.add.s32.msk vm15, v63  }
0x327: {  	_ =	swait.ge [sflag:s12], $0x1000  }
0x328: {  	[sflag:s12] =	ssyncset.done $0x0  }
0x329: {  	[sflag:s12] =	ssyncadd.s32 $0xFFFFF000  }
0x32a: {  	_ =	swait.ge [sflag:s12], $0x1000  }
0x32b: {  	[sflag:s12] =	ssyncset.done $0x0  }
0x32c: {  	s15 =	simm.s32 $0x0;
	[sflag:s12] =	ssyncadd.s32 $0xFFFFF000  }
0x32d: {  	[tilespmem:s7], [sflag:$0x1] =	stream.linear.gather [hbm4b:s28+s15], $0x1000, $0x38;
	[tilespmem:$0x14000] =	vst v63  }
0x32e: {  	_ = 	snop  }
0x32f: {  	[tilespmem:s8], [sflag:$0x1] =	stream.linear.gather [hbm4b:s29+s15], $0x1000, $0x38;
	[tilespmem:$0x14000] =	vst v63  }
.LBB2_26:
0x330: {  	s16 =	sshra.s32 s15, $0x2  }
0x331: {  	v2 =	vld [tilespmem:s16+$0x11000];
	_ =	sdelay $0x4  }
0x332: {  	v3 =	vshll.u32 v2, $0x3  }
0x333: {  	v4 =	vsub.s32 v2, v0;
	v5 =	vand.u32 $0x7F, v2;
	v3 =	vand.u32 $0x1C00, v3  }
0x334: {  	v2 =	vshrl.u32 v2, $0x3;
	v6 =	vand.u32 $0xFFFFE000, v4;
	v3 =	vor.u32 v5, v3  }
0x335: {  	vm0 =	vlt.u32 v4, $0x10000;
	v2 =	vand.u32 $0x380, v2;
	v3 =	vor.u32 v6, v3  }
0x336: {  	v35 =	vld [tilespmem:s16+$0x13000];
	v2 =	vor.u32 v2, v3;
	_ =	sdelay $0x4  }
0x337: {  	[tilespmem:v2+s2+$0x0] =	vst.idx.add.s32.msk vm0, v35  }
0x338: {  	v2 =	vld [tilespmem:s16+$0x11010];
	_ =	sdelay $0x4  }
0x339: {  	v3 =	vshll.u32 v2, $0x3  }
0x33a: {  	v36 =	vsub.s32 v2, v0;
	v37 =	vand.u32 $0x7F, v2;
	v3 =	vand.u32 $0x1C00, v3  }
0x33b: {  	v2 =	vshrl.u32 v2, $0x3;
	v38 =	vand.u32 $0xFFFFE000, v36;
	v3 =	vor.u32 v37, v3  }
0x33c: {  	vm9 =	vlt.u32 v36, $0x10000;
	v2 =	vand.u32 $0x380, v2;
	v3 =	vor.u32 v38, v3  }
0x33d: {  	v39 =	vld [tilespmem:s16+$0x13010];
	v2 =	vor.u32 v2, v3;
	_ =	sdelay $0x4  }
0x33e: {  	[tilespmem:v2+s2+$0x0] =	vst.idx.add.s32.msk vm9, v39  }
0x33f: {  	v2 =	vld [tilespmem:s16+$0x11020];
	_ =	sdelay $0x4  }
0x340: {  	v3 =	vshll.u32 v2, $0x3  }
0x341: {  	v40 =	vsub.s32 v2, v0;
	v41 =	vand.u32 $0x7F, v2;
	v3 =	vand.u32 $0x1C00, v3  }
0x342: {  	v2 =	vshrl.u32 v2, $0x3;
	v42 =	vand.u32 $0xFFFFE000, v40;
	v3 =	vor.u32 v41, v3  }
0x343: {  	vm10 =	vlt.u32 v40, $0x10000;
	v2 =	vand.u32 $0x380, v2;
	v3 =	vor.u32 v42, v3  }
0x344: {  	v43 =	vld [tilespmem:s16+$0x13020];
	v2 =	vor.u32 v2, v3;
	_ =	sdelay $0x4  }
0x345: {  	[tilespmem:v2+s2+$0x0] =	vst.idx.add.s32.msk vm10, v43  }
0x346: {  	v2 =	vld [tilespmem:s16+$0x11030];
	_ =	sdelay $0x4  }
0x347: {  	v3 =	vshll.u32 v2, $0x3  }
0x348: {  	v44 =	vsub.s32 v2, v0;
	v45 =	vand.u32 $0x7F, v2;
	v3 =	vand.u32 $0x1C00, v3  }
0x349: {  	v2 =	vshrl.u32 v2, $0x3;
	v46 =	vand.u32 $0xFFFFE000, v44;
	v3 =	vor.u32 v45, v3  }
0x34a: {  	vm11 =	vlt.u32 v44, $0x10000;
	v2 =	vand.u32 $0x380, v2;
	v3 =	vor.u32 v46, v3  }
0x34b: {  	v47 =	vld [tilespmem:s16+$0x13030];
	v2 =	vor.u32 v2, v3;
	_ =	sdelay $0x4  }
0x34c: {  	[tilespmem:v2+s2+$0x0] =	vst.idx.add.s32.msk vm11, v47  }
0x34d: {  	v2 =	vld [tilespmem:s16+$0x11040];
	_ =	sdelay $0x4  }
0x34e: {  	v3 =	vshll.u32 v2, $0x3  }
0x34f: {  	v48 =	vsub.s32 v2, v0;
	v49 =	vand.u32 $0x7F, v2;
	v3 =	vand.u32 $0x1C00, v3  }
0x350: {  	v2 =	vshrl.u32 v2, $0x3;
	v50 =	vand.u32 $0xFFFFE000, v48;
	v3 =	vor.u32 v49, v3  }
0x351: {  	vm12 =	vlt.u32 v48, $0x10000;
	v2 =	vand.u32 $0x380, v2;
	v3 =	vor.u32 v50, v3  }
0x352: {  	v51 =	vld [tilespmem:s16+$0x13040];
	v2 =	vor.u32 v2, v3;
	_ =	sdelay $0x4  }
0x353: {  	[tilespmem:v2+s2+$0x0] =	vst.idx.add.s32.msk vm12, v51  }
0x354: {  	v2 =	vld [tilespmem:s16+$0x11050];
	_ =	sdelay $0x4  }
0x355: {  	v3 =	vshll.u32 v2, $0x3  }
0x356: {  	v52 =	vsub.s32 v2, v0;
	v53 =	vand.u32 $0x7F, v2;
	v3 =	vand.u32 $0x1C00, v3  }
0x357: {  	v2 =	vshrl.u32 v2, $0x3;
	v54 =	vand.u32 $0xFFFFE000, v52;
	v3 =	vor.u32 v53, v3  }
0x358: {  	vm13 =	vlt.u32 v52, $0x10000;
	v2 =	vand.u32 $0x380, v2;
	v3 =	vor.u32 v54, v3  }
0x359: {  	v55 =	vld [tilespmem:s16+$0x13050];
	v2 =	vor.u32 v2, v3;
	_ =	sdelay $0x4  }
0x35a: {  	[tilespmem:v2+s2+$0x0] =	vst.idx.add.s32.msk vm13, v55  }
0x35b: {  	v2 =	vld [tilespmem:s16+$0x11060];
	_ =	sdelay $0x4  }
0x35c: {  	v3 =	vshll.u32 v2, $0x3  }
0x35d: {  	v56 =	vsub.s32 v2, v0;
	v57 =	vand.u32 $0x7F, v2;
	v3 =	vand.u32 $0x1C00, v3  }
0x35e: {  	v2 =	vshrl.u32 v2, $0x3;
	v58 =	vand.u32 $0xFFFFE000, v56;
	v3 =	vor.u32 v57, v3  }
0x35f: {  	vm14 =	vlt.u32 v56, $0x10000;
	v2 =	vand.u32 $0x380, v2;
	v3 =	vor.u32 v58, v3  }
0x360: {  	v59 =	vld [tilespmem:s16+$0x13060];
	v2 =	vor.u32 v2, v3;
	_ =	sdelay $0x4  }
0x361: {  	[tilespmem:v2+s2+$0x0] =	vst.idx.add.s32.msk vm14, v59  }
0x362: {  	v2 =	vld [tilespmem:s16+$0x11070];
	_ =	sdelay $0x4  }
0x363: {  	v3 =	vshll.u32 v2, $0x3  }
0x364: {  	v60 =	vsub.s32 v2, v0;
	v61 =	vand.u32 $0x7F, v2;
	v3 =	vand.u32 $0x1C00, v3  }
0x365: {  	v2 =	vshrl.u32 v2, $0x3;
	v62 =	vand.u32 $0xFFFFE000, v60;
	v3 =	vor.u32 v61, v3  }
0x366: {  	vm15 =	vlt.u32 v60, $0x10000;
	v2 =	vand.u32 $0x380, v2;
	v3 =	vor.u32 v62, v3  }
0x367: {  	p0 =	sne.s32 s15, $0x3E00;
	v63 =	vld [tilespmem:s16+$0x13070];
	v2 =	vor.u32 v2, v3  }
.Ltmp12:
0x368: {  	_ = 	snop;
	(pc) =	sbr.rel @p0 .LBB2_26-.Ltmp12, $2  }
0x369: {  	_ =	sdelay $0x2  }
0x36a: {  	s15 =	sadd.s32 $0x200, s15;
	[tilespmem:v2+s2+$0x0] =	vst.idx.add.s32.msk vm15, v63  }
0x36b: {  	_ =	swait.ge [sflag:s9], $0x1000  }
0x36c: {  	[sflag:s9] =	ssyncset.done $0x0  }
0x36d: {  	[sflag:s9] =	ssyncadd.s32 $0xFFFFF000  }
0x36e: {  	_ =	swait.ge [sflag:s9], $0x1000  }
0x36f: {  	[sflag:s9] =	ssyncset.done $0x0  }
0x370: {  	s15 =	simm.s32 $0x0;
	[sflag:s9] =	ssyncadd.s32 $0xFFFFF000  }
0x371: {  	[tilespmem:s10], [sflag:$0x2] =	stream.linear.gather [hbm4b:s30+s15], $0x1000, $0x38;
	[tilespmem:$0x14000] =	vst v63  }
0x372: {  	_ = 	snop  }
0x373: {  	[tilespmem:s11], [sflag:$0x2] =	stream.linear.gather [hbm4b:s31+s15], $0x1000, $0x38;
	[tilespmem:$0x14000] =	vst v63  }
.LBB2_28:
0x374: {  	s16 =	sshra.s32 s15, $0x2  }
0x375: {  	v2 =	vld [tilespmem:s16+$0x10000];
	_ =	sdelay $0x4  }
0x376: {  	v3 =	vshll.u32 v2, $0x3  }
0x377: {  	v4 =	vsub.s32 v2, v0;
	v5 =	vand.u32 $0x7F, v2;
	v3 =	vand.u32 $0x1C00, v3  }
0x378: {  	v2 =	vshrl.u32 v2, $0x3;
	v6 =	vand.u32 $0xFFFFE000, v4;
	v3 =	vor.u32 v5, v3  }
0x379: {  	vm0 =	vlt.u32 v4, $0x10000;
	v2 =	vand.u32 $0x380, v2;
	v3 =	vor.u32 v6, v3  }
0x37a: {  	v35 =	vld [tilespmem:s16+$0x12000];
	v2 =	vor.u32 v2, v3;
	_ =	sdelay $0x4  }
0x37b: {  	[tilespmem:v2+s2+$0x0] =	vst.idx.add.s32.msk vm0, v35  }
0x37c: {  	v2 =	vld [tilespmem:s16+$0x10010];
	_ =	sdelay $0x4  }
0x37d: {  	v3 =	vshll.u32 v2, $0x3  }
0x37e: {  	v36 =	vsub.s32 v2, v0;
	v37 =	vand.u32 $0x7F, v2;
	v3 =	vand.u32 $0x1C00, v3  }
0x37f: {  	v2 =	vshrl.u32 v2, $0x3;
	v38 =	vand.u32 $0xFFFFE000, v36;
	v3 =	vor.u32 v37, v3  }
0x380: {  	vm9 =	vlt.u32 v36, $0x10000;
	v2 =	vand.u32 $0x380, v2;
	v3 =	vor.u32 v38, v3  }
0x381: {  	v39 =	vld [tilespmem:s16+$0x12010];
	v2 =	vor.u32 v2, v3;
	_ =	sdelay $0x4  }
0x382: {  	[tilespmem:v2+s2+$0x0] =	vst.idx.add.s32.msk vm9, v39  }
0x383: {  	v2 =	vld [tilespmem:s16+$0x10020];
	_ =	sdelay $0x4  }
0x384: {  	v3 =	vshll.u32 v2, $0x3  }
0x385: {  	v40 =	vsub.s32 v2, v0;
	v41 =	vand.u32 $0x7F, v2;
	v3 =	vand.u32 $0x1C00, v3  }
0x386: {  	v2 =	vshrl.u32 v2, $0x3;
	v42 =	vand.u32 $0xFFFFE000, v40;
	v3 =	vor.u32 v41, v3  }
0x387: {  	vm10 =	vlt.u32 v40, $0x10000;
	v2 =	vand.u32 $0x380, v2;
	v3 =	vor.u32 v42, v3  }
0x388: {  	v43 =	vld [tilespmem:s16+$0x12020];
	v2 =	vor.u32 v2, v3;
	_ =	sdelay $0x4  }
0x389: {  	[tilespmem:v2+s2+$0x0] =	vst.idx.add.s32.msk vm10, v43  }
0x38a: {  	v2 =	vld [tilespmem:s16+$0x10030];
	_ =	sdelay $0x4  }
0x38b: {  	v3 =	vshll.u32 v2, $0x3  }
0x38c: {  	v44 =	vsub.s32 v2, v0;
	v45 =	vand.u32 $0x7F, v2;
	v3 =	vand.u32 $0x1C00, v3  }
0x38d: {  	v2 =	vshrl.u32 v2, $0x3;
	v46 =	vand.u32 $0xFFFFE000, v44;
	v3 =	vor.u32 v45, v3  }
0x38e: {  	vm11 =	vlt.u32 v44, $0x10000;
	v2 =	vand.u32 $0x380, v2;
	v3 =	vor.u32 v46, v3  }
0x38f: {  	v47 =	vld [tilespmem:s16+$0x12030];
	v2 =	vor.u32 v2, v3;
	_ =	sdelay $0x4  }
0x390: {  	[tilespmem:v2+s2+$0x0] =	vst.idx.add.s32.msk vm11, v47  }
0x391: {  	v2 =	vld [tilespmem:s16+$0x10040];
	_ =	sdelay $0x4  }
0x392: {  	v3 =	vshll.u32 v2, $0x3  }
0x393: {  	v48 =	vsub.s32 v2, v0;
	v49 =	vand.u32 $0x7F, v2;
	v3 =	vand.u32 $0x1C00, v3  }
0x394: {  	v2 =	vshrl.u32 v2, $0x3;
	v50 =	vand.u32 $0xFFFFE000, v48;
	v3 =	vor.u32 v49, v3  }
0x395: {  	vm12 =	vlt.u32 v48, $0x10000;
	v2 =	vand.u32 $0x380, v2;
	v3 =	vor.u32 v50, v3  }
0x396: {  	v51 =	vld [tilespmem:s16+$0x12040];
	v2 =	vor.u32 v2, v3;
	_ =	sdelay $0x4  }
0x397: {  	[tilespmem:v2+s2+$0x0] =	vst.idx.add.s32.msk vm12, v51  }
0x398: {  	v2 =	vld [tilespmem:s16+$0x10050];
	_ =	sdelay $0x4  }
0x399: {  	v3 =	vshll.u32 v2, $0x3  }
0x39a: {  	v52 =	vsub.s32 v2, v0;
	v53 =	vand.u32 $0x7F, v2;
	v3 =	vand.u32 $0x1C00, v3  }
0x39b: {  	v2 =	vshrl.u32 v2, $0x3;
	v54 =	vand.u32 $0xFFFFE000, v52;
	v3 =	vor.u32 v53, v3  }
0x39c: {  	vm13 =	vlt.u32 v52, $0x10000;
	v2 =	vand.u32 $0x380, v2;
	v3 =	vor.u32 v54, v3  }
0x39d: {  	v55 =	vld [tilespmem:s16+$0x12050];
	v2 =	vor.u32 v2, v3;
	_ =	sdelay $0x4  }
0x39e: {  	[tilespmem:v2+s2+$0x0] =	vst.idx.add.s32.msk vm13, v55  }
0x39f: {  	v2 =	vld [tilespmem:s16+$0x10060];
	_ =	sdelay $0x4  }
0x3a0: {  	v3 =	vshll.u32 v2, $0x3  }
0x3a1: {  	v56 =	vsub.s32 v2, v0;
	v57 =	vand.u32 $0x7F, v2;
	v3 =	vand.u32 $0x1C00, v3  }
0x3a2: {  	v2 =	vshrl.u32 v2, $0x3;
	v58 =	vand.u32 $0xFFFFE000, v56;
	v3 =	vor.u32 v57, v3  }
0x3a3: {  	vm14 =	vlt.u32 v56, $0x10000;
	v2 =	vand.u32 $0x380, v2;
	v3 =	vor.u32 v58, v3  }
0x3a4: {  	v59 =	vld [tilespmem:s16+$0x12060];
	v2 =	vor.u32 v2, v3;
	_ =	sdelay $0x4  }
0x3a5: {  	[tilespmem:v2+s2+$0x0] =	vst.idx.add.s32.msk vm14, v59  }
0x3a6: {  	v2 =	vld [tilespmem:s16+$0x10070];
	_ =	sdelay $0x4  }
0x3a7: {  	v3 =	vshll.u32 v2, $0x3  }
0x3a8: {  	v60 =	vsub.s32 v2, v0;
	v61 =	vand.u32 $0x7F, v2;
	v3 =	vand.u32 $0x1C00, v3  }
0x3a9: {  	v2 =	vshrl.u32 v2, $0x3;
	v62 =	vand.u32 $0xFFFFE000, v60;
	v3 =	vor.u32 v61, v3  }
0x3aa: {  	vm15 =	vlt.u32 v60, $0x10000;
	v2 =	vand.u32 $0x380, v2;
	v3 =	vor.u32 v62, v3  }
0x3ab: {  	p0 =	sne.s32 s15, $0x3E00;
	v63 =	vld [tilespmem:s16+$0x12070];
	v2 =	vor.u32 v2, v3  }
.Ltmp13:
0x3ac: {  	_ = 	snop;
	(pc) =	sbr.rel @p0 .LBB2_28-.Ltmp13, $2  }
0x3ad: {  	_ =	sdelay $0x2  }
0x3ae: {  	s15 =	sadd.s32 $0x200, s15;
	[tilespmem:v2+s2+$0x0] =	vst.idx.add.s32.msk vm15, v63  }
0x3af: {  	_ =	swait.ge [sflag:s12], $0x1000  }
0x3b0: {  	[sflag:s12] =	ssyncset.done $0x0  }
0x3b1: {  	[sflag:s12] =	ssyncadd.s32 $0xFFFFF000  }
0x3b2: {  	_ =	swait.ge [sflag:s12], $0x1000  }
0x3b3: {  	[sflag:s12] =	ssyncset.done $0x0  }
0x3b4: {  	s15 =	simm.s32 $0x0;
	[sflag:s12] =	ssyncadd.s32 $0xFFFFF000  }
0x3b5: {  	[tilespmem:s7], [sflag:$0x1] =	stream.linear.gather [hbm4b:s0+s15], $0x1000, $0x38;
	[tilespmem:$0x14000] =	vst v63  }
0x3b6: {  	_ = 	snop  }
0x3b7: {  	[tilespmem:s8], [sflag:$0x1] =	stream.linear.gather [hbm4b:s1+s15], $0x1000, $0x38;
	[tilespmem:$0x14000] =	vst v63  }
.LBB2_30:
0x3b8: {  	s16 =	sshra.s32 s15, $0x2  }
0x3b9: {  	v2 =	vld [tilespmem:s16+$0x11000];
	_ =	sdelay $0x4  }
0x3ba: {  	v3 =	vshll.u32 v2, $0x3  }
0x3bb: {  	v4 =	vsub.s32 v2, v0;
	v5 =	vand.u32 $0x7F, v2;
	v3 =	vand.u32 $0x1C00, v3  }
0x3bc: {  	v2 =	vshrl.u32 v2, $0x3;
	v6 =	vand.u32 $0xFFFFE000, v4;
	v3 =	vor.u32 v5, v3  }
0x3bd: {  	vm0 =	vlt.u32 v4, $0x10000;
	v2 =	vand.u32 $0x380, v2;
	v3 =	vor.u32 v6, v3  }
0x3be: {  	v35 =	vld [tilespmem:s16+$0x13000];
	v2 =	vor.u32 v2, v3;
	_ =	sdelay $0x4  }
0x3bf: {  	[tilespmem:v2+s2+$0x0] =	vst.idx.add.s32.msk vm0, v35  }
0x3c0: {  	v2 =	vld [tilespmem:s16+$0x11010];
	_ =	sdelay $0x4  }
0x3c1: {  	v3 =	vshll.u32 v2, $0x3  }
0x3c2: {  	v36 =	vsub.s32 v2, v0;
	v37 =	vand.u32 $0x7F, v2;
	v3 =	vand.u32 $0x1C00, v3  }
0x3c3: {  	v2 =	vshrl.u32 v2, $0x3;
	v38 =	vand.u32 $0xFFFFE000, v36;
	v3 =	vor.u32 v37, v3  }
0x3c4: {  	vm9 =	vlt.u32 v36, $0x10000;
	v2 =	vand.u32 $0x380, v2;
	v3 =	vor.u32 v38, v3  }
0x3c5: {  	v39 =	vld [tilespmem:s16+$0x13010];
	v2 =	vor.u32 v2, v3;
	_ =	sdelay $0x4  }
0x3c6: {  	[tilespmem:v2+s2+$0x0] =	vst.idx.add.s32.msk vm9, v39  }
0x3c7: {  	v2 =	vld [tilespmem:s16+$0x11020];
	_ =	sdelay $0x4  }
0x3c8: {  	v3 =	vshll.u32 v2, $0x3  }
0x3c9: {  	v40 =	vsub.s32 v2, v0;
	v41 =	vand.u32 $0x7F, v2;
	v3 =	vand.u32 $0x1C00, v3  }
0x3ca: {  	v2 =	vshrl.u32 v2, $0x3;
	v42 =	vand.u32 $0xFFFFE000, v40;
	v3 =	vor.u32 v41, v3  }
0x3cb: {  	vm10 =	vlt.u32 v40, $0x10000;
	v2 =	vand.u32 $0x380, v2;
	v3 =	vor.u32 v42, v3  }
0x3cc: {  	v43 =	vld [tilespmem:s16+$0x13020];
	v2 =	vor.u32 v2, v3;
	_ =	sdelay $0x4  }
0x3cd: {  	[tilespmem:v2+s2+$0x0] =	vst.idx.add.s32.msk vm10, v43  }
0x3ce: {  	v2 =	vld [tilespmem:s16+$0x11030];
	_ =	sdelay $0x4  }
0x3cf: {  	v3 =	vshll.u32 v2, $0x3  }
0x3d0: {  	v44 =	vsub.s32 v2, v0;
	v45 =	vand.u32 $0x7F, v2;
	v3 =	vand.u32 $0x1C00, v3  }
0x3d1: {  	v2 =	vshrl.u32 v2, $0x3;
	v46 =	vand.u32 $0xFFFFE000, v44;
	v3 =	vor.u32 v45, v3  }
0x3d2: {  	vm11 =	vlt.u32 v44, $0x10000;
	v2 =	vand.u32 $0x380, v2;
	v3 =	vor.u32 v46, v3  }
0x3d3: {  	v47 =	vld [tilespmem:s16+$0x13030];
	v2 =	vor.u32 v2, v3;
	_ =	sdelay $0x4  }
0x3d4: {  	[tilespmem:v2+s2+$0x0] =	vst.idx.add.s32.msk vm11, v47  }
0x3d5: {  	v2 =	vld [tilespmem:s16+$0x11040];
	_ =	sdelay $0x4  }
0x3d6: {  	v3 =	vshll.u32 v2, $0x3  }
0x3d7: {  	v48 =	vsub.s32 v2, v0;
	v49 =	vand.u32 $0x7F, v2;
	v3 =	vand.u32 $0x1C00, v3  }
0x3d8: {  	v2 =	vshrl.u32 v2, $0x3;
	v50 =	vand.u32 $0xFFFFE000, v48;
	v3 =	vor.u32 v49, v3  }
0x3d9: {  	vm12 =	vlt.u32 v48, $0x10000;
	v2 =	vand.u32 $0x380, v2;
	v3 =	vor.u32 v50, v3  }
0x3da: {  	v51 =	vld [tilespmem:s16+$0x13040];
	v2 =	vor.u32 v2, v3;
	_ =	sdelay $0x4  }
0x3db: {  	[tilespmem:v2+s2+$0x0] =	vst.idx.add.s32.msk vm12, v51  }
0x3dc: {  	v2 =	vld [tilespmem:s16+$0x11050];
	_ =	sdelay $0x4  }
0x3dd: {  	v3 =	vshll.u32 v2, $0x3  }
0x3de: {  	v52 =	vsub.s32 v2, v0;
	v53 =	vand.u32 $0x7F, v2;
	v3 =	vand.u32 $0x1C00, v3  }
0x3df: {  	v2 =	vshrl.u32 v2, $0x3;
	v54 =	vand.u32 $0xFFFFE000, v52;
	v3 =	vor.u32 v53, v3  }
0x3e0: {  	vm13 =	vlt.u32 v52, $0x10000;
	v2 =	vand.u32 $0x380, v2;
	v3 =	vor.u32 v54, v3  }
0x3e1: {  	v55 =	vld [tilespmem:s16+$0x13050];
	v2 =	vor.u32 v2, v3;
	_ =	sdelay $0x4  }
0x3e2: {  	[tilespmem:v2+s2+$0x0] =	vst.idx.add.s32.msk vm13, v55  }
0x3e3: {  	v2 =	vld [tilespmem:s16+$0x11060];
	_ =	sdelay $0x4  }
0x3e4: {  	v3 =	vshll.u32 v2, $0x3  }
0x3e5: {  	v56 =	vsub.s32 v2, v0;
	v57 =	vand.u32 $0x7F, v2;
	v3 =	vand.u32 $0x1C00, v3  }
0x3e6: {  	v2 =	vshrl.u32 v2, $0x3;
	v58 =	vand.u32 $0xFFFFE000, v56;
	v3 =	vor.u32 v57, v3  }
0x3e7: {  	vm14 =	vlt.u32 v56, $0x10000;
	v2 =	vand.u32 $0x380, v2;
	v3 =	vor.u32 v58, v3  }
0x3e8: {  	v59 =	vld [tilespmem:s16+$0x13060];
	v2 =	vor.u32 v2, v3;
	_ =	sdelay $0x4  }
0x3e9: {  	[tilespmem:v2+s2+$0x0] =	vst.idx.add.s32.msk vm14, v59  }
0x3ea: {  	v2 =	vld [tilespmem:s16+$0x11070];
	_ =	sdelay $0x4  }
0x3eb: {  	v3 =	vshll.u32 v2, $0x3  }
0x3ec: {  	v60 =	vsub.s32 v2, v0;
	v61 =	vand.u32 $0x7F, v2;
	v3 =	vand.u32 $0x1C00, v3  }
0x3ed: {  	v2 =	vshrl.u32 v2, $0x3;
	v62 =	vand.u32 $0xFFFFE000, v60;
	v3 =	vor.u32 v61, v3  }
0x3ee: {  	vm15 =	vlt.u32 v60, $0x10000;
	v2 =	vand.u32 $0x380, v2;
	v3 =	vor.u32 v62, v3  }
0x3ef: {  	p0 =	sne.s32 s15, $0x3E00;
	v63 =	vld [tilespmem:s16+$0x13070];
	v2 =	vor.u32 v2, v3  }
.Ltmp14:
0x3f0: {  	_ = 	snop;
	(pc) =	sbr.rel @p0 .LBB2_30-.Ltmp14, $2  }
0x3f1: {  	_ =	sdelay $0x2  }
0x3f2: {  	s15 =	sadd.s32 $0x200, s15;
	[tilespmem:v2+s2+$0x0] =	vst.idx.add.s32.msk vm15, v63  }
0x3f3: {  	_ =	swait.ge [sflag:s9], $0x1000  }
0x3f4: {  	[sflag:s9] =	ssyncset.done $0x0  }
0x3f5: {  	[sflag:s9] =	ssyncadd.s32 $0xFFFFF000  }
0x3f6: {  	_ =	swait.ge [sflag:s9], $0x1000  }
0x3f7: {  	[sflag:s9] =	ssyncset.done $0x0  }
0x3f8: {  	s15 =	simm.s32 $0x0;
	[sflag:s9] =	ssyncadd.s32 $0xFFFFF000  }
0x3f9: {  	[tilespmem:s10], [sflag:$0x2] =	stream.linear.gather [hbm4b:s3+s15], $0x1000, $0x38;
	[tilespmem:$0x14000] =	vst v63  }
0x3fa: {  	_ = 	snop  }
0x3fb: {  	[tilespmem:s11], [sflag:$0x2] =	stream.linear.gather [hbm4b:s4+s15], $0x1000, $0x38;
	[tilespmem:$0x14000] =	vst v63  }
.LBB2_32:
0x3fc: {  	s16 =	sshra.s32 s15, $0x2  }
0x3fd: {  	v2 =	vld [tilespmem:s16+$0x10000];
	_ =	sdelay $0x4  }
0x3fe: {  	v3 =	vshll.u32 v2, $0x3  }
0x3ff: {  	v4 =	vsub.s32 v2, v0;
	v5 =	vand.u32 $0x7F, v2;
	v3 =	vand.u32 $0x1C00, v3  }
0x400: {  	v2 =	vshrl.u32 v2, $0x3;
	v6 =	vand.u32 $0xFFFFE000, v4;
	v3 =	vor.u32 v5, v3  }
0x401: {  	vm0 =	vlt.u32 v4, $0x10000;
	v2 =	vand.u32 $0x380, v2;
	v3 =	vor.u32 v6, v3  }
0x402: {  	v35 =	vld [tilespmem:s16+$0x12000];
	v2 =	vor.u32 v2, v3;
	_ =	sdelay $0x4  }
0x403: {  	[tilespmem:v2+s2+$0x0] =	vst.idx.add.s32.msk vm0, v35  }
0x404: {  	v2 =	vld [tilespmem:s16+$0x10010];
	_ =	sdelay $0x4  }
0x405: {  	v3 =	vshll.u32 v2, $0x3  }
0x406: {  	v36 =	vsub.s32 v2, v0;
	v37 =	vand.u32 $0x7F, v2;
	v3 =	vand.u32 $0x1C00, v3  }
0x407: {  	v2 =	vshrl.u32 v2, $0x3;
	v38 =	vand.u32 $0xFFFFE000, v36;
	v3 =	vor.u32 v37, v3  }
0x408: {  	vm9 =	vlt.u32 v36, $0x10000;
	v2 =	vand.u32 $0x380, v2;
	v3 =	vor.u32 v38, v3  }
0x409: {  	v39 =	vld [tilespmem:s16+$0x12010];
	v2 =	vor.u32 v2, v3;
	_ =	sdelay $0x4  }
0x40a: {  	[tilespmem:v2+s2+$0x0] =	vst.idx.add.s32.msk vm9, v39  }
0x40b: {  	v2 =	vld [tilespmem:s16+$0x10020];
	_ =	sdelay $0x4  }
0x40c: {  	v3 =	vshll.u32 v2, $0x3  }
0x40d: {  	v40 =	vsub.s32 v2, v0;
	v41 =	vand.u32 $0x7F, v2;
	v3 =	vand.u32 $0x1C00, v3  }
0x40e: {  	v2 =	vshrl.u32 v2, $0x3;
	v42 =	vand.u32 $0xFFFFE000, v40;
	v3 =	vor.u32 v41, v3  }
0x40f: {  	vm10 =	vlt.u32 v40, $0x10000;
	v2 =	vand.u32 $0x380, v2;
	v3 =	vor.u32 v42, v3  }
0x410: {  	v43 =	vld [tilespmem:s16+$0x12020];
	v2 =	vor.u32 v2, v3;
	_ =	sdelay $0x4  }
0x411: {  	[tilespmem:v2+s2+$0x0] =	vst.idx.add.s32.msk vm10, v43  }
0x412: {  	v2 =	vld [tilespmem:s16+$0x10030];
	_ =	sdelay $0x4  }
0x413: {  	v3 =	vshll.u32 v2, $0x3  }
0x414: {  	v44 =	vsub.s32 v2, v0;
	v45 =	vand.u32 $0x7F, v2;
	v3 =	vand.u32 $0x1C00, v3  }
0x415: {  	v2 =	vshrl.u32 v2, $0x3;
	v46 =	vand.u32 $0xFFFFE000, v44;
	v3 =	vor.u32 v45, v3  }
0x416: {  	vm11 =	vlt.u32 v44, $0x10000;
	v2 =	vand.u32 $0x380, v2;
	v3 =	vor.u32 v46, v3  }
0x417: {  	v47 =	vld [tilespmem:s16+$0x12030];
	v2 =	vor.u32 v2, v3;
	_ =	sdelay $0x4  }
0x418: {  	[tilespmem:v2+s2+$0x0] =	vst.idx.add.s32.msk vm11, v47  }
0x419: {  	v2 =	vld [tilespmem:s16+$0x10040];
	_ =	sdelay $0x4  }
0x41a: {  	v3 =	vshll.u32 v2, $0x3  }
0x41b: {  	v48 =	vsub.s32 v2, v0;
	v49 =	vand.u32 $0x7F, v2;
	v3 =	vand.u32 $0x1C00, v3  }
0x41c: {  	v2 =	vshrl.u32 v2, $0x3;
	v50 =	vand.u32 $0xFFFFE000, v48;
	v3 =	vor.u32 v49, v3  }
0x41d: {  	vm12 =	vlt.u32 v48, $0x10000;
	v2 =	vand.u32 $0x380, v2;
	v3 =	vor.u32 v50, v3  }
0x41e: {  	v51 =	vld [tilespmem:s16+$0x12040];
	v2 =	vor.u32 v2, v3;
	_ =	sdelay $0x4  }
0x41f: {  	[tilespmem:v2+s2+$0x0] =	vst.idx.add.s32.msk vm12, v51  }
0x420: {  	v2 =	vld [tilespmem:s16+$0x10050];
	_ =	sdelay $0x4  }
0x421: {  	v3 =	vshll.u32 v2, $0x3  }
0x422: {  	v52 =	vsub.s32 v2, v0;
	v53 =	vand.u32 $0x7F, v2;
	v3 =	vand.u32 $0x1C00, v3  }
0x423: {  	v2 =	vshrl.u32 v2, $0x3;
	v54 =	vand.u32 $0xFFFFE000, v52;
	v3 =	vor.u32 v53, v3  }
0x424: {  	vm13 =	vlt.u32 v52, $0x10000;
	v2 =	vand.u32 $0x380, v2;
	v3 =	vor.u32 v54, v3  }
0x425: {  	v55 =	vld [tilespmem:s16+$0x12050];
	v2 =	vor.u32 v2, v3;
	_ =	sdelay $0x4  }
0x426: {  	[tilespmem:v2+s2+$0x0] =	vst.idx.add.s32.msk vm13, v55  }
0x427: {  	v2 =	vld [tilespmem:s16+$0x10060];
	_ =	sdelay $0x4  }
0x428: {  	v3 =	vshll.u32 v2, $0x3  }
0x429: {  	v56 =	vsub.s32 v2, v0;
	v57 =	vand.u32 $0x7F, v2;
	v3 =	vand.u32 $0x1C00, v3  }
0x42a: {  	v2 =	vshrl.u32 v2, $0x3;
	v58 =	vand.u32 $0xFFFFE000, v56;
	v3 =	vor.u32 v57, v3  }
0x42b: {  	vm14 =	vlt.u32 v56, $0x10000;
	v2 =	vand.u32 $0x380, v2;
	v3 =	vor.u32 v58, v3  }
0x42c: {  	v59 =	vld [tilespmem:s16+$0x12060];
	v2 =	vor.u32 v2, v3;
	_ =	sdelay $0x4  }
0x42d: {  	[tilespmem:v2+s2+$0x0] =	vst.idx.add.s32.msk vm14, v59  }
0x42e: {  	v2 =	vld [tilespmem:s16+$0x10070];
	_ =	sdelay $0x4  }
0x42f: {  	v3 =	vshll.u32 v2, $0x3  }
0x430: {  	v60 =	vsub.s32 v2, v0;
	v61 =	vand.u32 $0x7F, v2;
	v3 =	vand.u32 $0x1C00, v3  }
0x431: {  	v2 =	vshrl.u32 v2, $0x3;
	v62 =	vand.u32 $0xFFFFE000, v60;
	v3 =	vor.u32 v61, v3  }
0x432: {  	vm15 =	vlt.u32 v60, $0x10000;
	v2 =	vand.u32 $0x380, v2;
	v3 =	vor.u32 v62, v3  }
0x433: {  	p0 =	sne.s32 s15, $0x3E00;
	v63 =	vld [tilespmem:s16+$0x12070];
	v2 =	vor.u32 v2, v3  }
.Ltmp15:
0x434: {  	_ = 	snop;
	(pc) =	sbr.rel @p0 .LBB2_32-.Ltmp15, $2  }
0x435: {  	_ =	sdelay $0x2  }
0x436: {  	s15 =	sadd.s32 $0x200, s15;
	[tilespmem:v2+s2+$0x0] =	vst.idx.add.s32.msk vm15, v63  }
0x437: {  	_ =	swait.ge [sflag:s12], $0x1000  }
0x438: {  	[sflag:s12] =	ssyncset.done $0x0  }
0x439: {  	[sflag:s12] =	ssyncadd.s32 $0xFFFFF000  }
0x43a: {  	_ =	swait.ge [sflag:s12], $0x1000  }
0x43b: {  	[sflag:s12] =	ssyncset.done $0x0  }
0x43c: {  	s15 =	simm.s32 $0x0;
	[sflag:s12] =	ssyncadd.s32 $0xFFFFF000  }
.LBB2_34:
0x43d: {  	s16 =	sshra.s32 s15, $0x2  }
0x43e: {  	v2 =	vld [tilespmem:s16+$0x11000];
	_ =	sdelay $0x4  }
0x43f: {  	v3 =	vshll.u32 v2, $0x3  }
0x440: {  	v4 =	vsub.s32 v2, v0;
	v5 =	vand.u32 $0x7F, v2;
	v3 =	vand.u32 $0x1C00, v3  }
0x441: {  	v2 =	vshrl.u32 v2, $0x3;
	v6 =	vand.u32 $0xFFFFE000, v4;
	v3 =	vor.u32 v5, v3  }
0x442: {  	vm0 =	vlt.u32 v4, $0x10000;
	v2 =	vand.u32 $0x380, v2;
	v3 =	vor.u32 v6, v3  }
0x443: {  	v35 =	vld [tilespmem:s16+$0x13000];
	v2 =	vor.u32 v2, v3;
	_ =	sdelay $0x4  }
0x444: {  	[tilespmem:v2+s2+$0x0] =	vst.idx.add.s32.msk vm0, v35  }
0x445: {  	v2 =	vld [tilespmem:s16+$0x11010];
	_ =	sdelay $0x4  }
0x446: {  	v3 =	vshll.u32 v2, $0x3  }
0x447: {  	v36 =	vsub.s32 v2, v0;
	v37 =	vand.u32 $0x7F, v2;
	v3 =	vand.u32 $0x1C00, v3  }
0x448: {  	v2 =	vshrl.u32 v2, $0x3;
	v38 =	vand.u32 $0xFFFFE000, v36;
	v3 =	vor.u32 v37, v3  }
0x449: {  	vm9 =	vlt.u32 v36, $0x10000;
	v2 =	vand.u32 $0x380, v2;
	v3 =	vor.u32 v38, v3  }
0x44a: {  	v39 =	vld [tilespmem:s16+$0x13010];
	v2 =	vor.u32 v2, v3;
	_ =	sdelay $0x4  }
0x44b: {  	[tilespmem:v2+s2+$0x0] =	vst.idx.add.s32.msk vm9, v39  }
0x44c: {  	v2 =	vld [tilespmem:s16+$0x11020];
	_ =	sdelay $0x4  }
0x44d: {  	v3 =	vshll.u32 v2, $0x3  }
0x44e: {  	v40 =	vsub.s32 v2, v0;
	v41 =	vand.u32 $0x7F, v2;
	v3 =	vand.u32 $0x1C00, v3  }
0x44f: {  	v2 =	vshrl.u32 v2, $0x3;
	v42 =	vand.u32 $0xFFFFE000, v40;
	v3 =	vor.u32 v41, v3  }
0x450: {  	vm10 =	vlt.u32 v40, $0x10000;
	v2 =	vand.u32 $0x380, v2;
	v3 =	vor.u32 v42, v3  }
0x451: {  	v43 =	vld [tilespmem:s16+$0x13020];
	v2 =	vor.u32 v2, v3;
	_ =	sdelay $0x4  }
0x452: {  	[tilespmem:v2+s2+$0x0] =	vst.idx.add.s32.msk vm10, v43  }
0x453: {  	v2 =	vld [tilespmem:s16+$0x11030];
	_ =	sdelay $0x4  }
0x454: {  	v3 =	vshll.u32 v2, $0x3  }
0x455: {  	v44 =	vsub.s32 v2, v0;
	v45 =	vand.u32 $0x7F, v2;
	v3 =	vand.u32 $0x1C00, v3  }
0x456: {  	v2 =	vshrl.u32 v2, $0x3;
	v46 =	vand.u32 $0xFFFFE000, v44;
	v3 =	vor.u32 v45, v3  }
0x457: {  	vm11 =	vlt.u32 v44, $0x10000;
	v2 =	vand.u32 $0x380, v2;
	v3 =	vor.u32 v46, v3  }
0x458: {  	v47 =	vld [tilespmem:s16+$0x13030];
	v2 =	vor.u32 v2, v3;
	_ =	sdelay $0x4  }
0x459: {  	[tilespmem:v2+s2+$0x0] =	vst.idx.add.s32.msk vm11, v47  }
0x45a: {  	v2 =	vld [tilespmem:s16+$0x11040];
	_ =	sdelay $0x4  }
0x45b: {  	v3 =	vshll.u32 v2, $0x3  }
0x45c: {  	v48 =	vsub.s32 v2, v0;
	v49 =	vand.u32 $0x7F, v2;
	v3 =	vand.u32 $0x1C00, v3  }
0x45d: {  	v2 =	vshrl.u32 v2, $0x3;
	v50 =	vand.u32 $0xFFFFE000, v48;
	v3 =	vor.u32 v49, v3  }
0x45e: {  	vm12 =	vlt.u32 v48, $0x10000;
	v2 =	vand.u32 $0x380, v2;
	v3 =	vor.u32 v50, v3  }
0x45f: {  	v51 =	vld [tilespmem:s16+$0x13040];
	v2 =	vor.u32 v2, v3;
	_ =	sdelay $0x4  }
0x460: {  	[tilespmem:v2+s2+$0x0] =	vst.idx.add.s32.msk vm12, v51  }
0x461: {  	v2 =	vld [tilespmem:s16+$0x11050];
	_ =	sdelay $0x4  }
0x462: {  	v3 =	vshll.u32 v2, $0x3  }
0x463: {  	v52 =	vsub.s32 v2, v0;
	v53 =	vand.u32 $0x7F, v2;
	v3 =	vand.u32 $0x1C00, v3  }
0x464: {  	v2 =	vshrl.u32 v2, $0x3;
	v54 =	vand.u32 $0xFFFFE000, v52;
	v3 =	vor.u32 v53, v3  }
0x465: {  	vm13 =	vlt.u32 v52, $0x10000;
	v2 =	vand.u32 $0x380, v2;
	v3 =	vor.u32 v54, v3  }
0x466: {  	v55 =	vld [tilespmem:s16+$0x13050];
	v2 =	vor.u32 v2, v3;
	_ =	sdelay $0x4  }
0x467: {  	[tilespmem:v2+s2+$0x0] =	vst.idx.add.s32.msk vm13, v55  }
0x468: {  	v2 =	vld [tilespmem:s16+$0x11060];
	_ =	sdelay $0x4  }
0x469: {  	v3 =	vshll.u32 v2, $0x3  }
0x46a: {  	v56 =	vsub.s32 v2, v0;
	v57 =	vand.u32 $0x7F, v2;
	v3 =	vand.u32 $0x1C00, v3  }
0x46b: {  	v2 =	vshrl.u32 v2, $0x3;
	v58 =	vand.u32 $0xFFFFE000, v56;
	v3 =	vor.u32 v57, v3  }
0x46c: {  	vm14 =	vlt.u32 v56, $0x10000;
	v2 =	vand.u32 $0x380, v2;
	v3 =	vor.u32 v58, v3  }
0x46d: {  	v59 =	vld [tilespmem:s16+$0x13060];
	v2 =	vor.u32 v2, v3;
	_ =	sdelay $0x4  }
0x46e: {  	[tilespmem:v2+s2+$0x0] =	vst.idx.add.s32.msk vm14, v59  }
0x46f: {  	v2 =	vld [tilespmem:s16+$0x11070];
	_ =	sdelay $0x4  }
0x470: {  	v3 =	vshll.u32 v2, $0x3  }
0x471: {  	v60 =	vsub.s32 v2, v0;
	v61 =	vand.u32 $0x7F, v2;
	v3 =	vand.u32 $0x1C00, v3  }
0x472: {  	v2 =	vshrl.u32 v2, $0x3;
	v62 =	vand.u32 $0xFFFFE000, v60;
	v3 =	vor.u32 v61, v3  }
0x473: {  	vm15 =	vlt.u32 v60, $0x10000;
	v2 =	vand.u32 $0x380, v2;
	v3 =	vor.u32 v62, v3  }
0x474: {  	p0 =	sne.s32 s15, $0x3E00;
	v63 =	vld [tilespmem:s16+$0x13070];
	v2 =	vor.u32 v2, v3  }
.Ltmp16:
0x475: {  	_ = 	snop;
	(pc) =	sbr.rel @p0 .LBB2_34-.Ltmp16, $2  }
0x476: {  	_ =	sdelay $0x2  }
0x477: {  	s15 =	sadd.s32 $0x200, s15;
	[tilespmem:v2+s2+$0x0] =	vst.idx.add.s32.msk vm15, v63  }
0x478: {  	s14 =	sadd.s32 $0x1, s14  }
0x479: {  	p0 =	sne.s32 s14, s6  }
.Ltmp17:
0x47a: {  	_ = 	snop;
	(pc) =	sbr.rel @p0 .LBB2_1-.Ltmp17, $4  }
0x47b: {  	[hbm4b:s5+s2] =	stream.linear.scatter [tilespmem:s2], [sflag:$0x3], $0x10000, $0x38;
	[tilespmem:$0x14000] =	vst v63  }
0x47c: {  	_ =	swait.ge [sflag:s13], $0x10000  }
0x47d: {  	[sflag:s13] =	ssyncset.done $0x0  }
0x47e: {  	[sflag:s13] =	ssyncadd.s32 $0xFFFF0000  }
0x47f: {  	_ =	sfence.sel $0x180000  }
0x480: {  	[bflag:$0x0] =	sbarrier.arrive $0xFFFF  }
0x481: {  	_ =	strace $0x90000047  }
0x482: {  	s0 =	stileid.u32;
	[bflag:$0x2] =	sbarrier.arrive $0xFFFF  }
0x483: {  	p0 =	sne.s32 s0, $0x0;
	s0 =	rddreg [dreg:$0x1]  }
0x484: {  	s0 =	sadd.s32 @!p0 $0x100000, s0  }
0x485: {  	[sflag:s0] =	ssyncadd.tile.s32 @!p0 $0x1;
	_ =	shalt  }
.Lfunc_end2:
_tile_overlayer_lowered:
.L_overlay_start_2:
0x486: {  	(tag) =	ssettag $0x2  }
0x487: {  	s0 =	rddreg [dreg:$0x0];
	s2 =	stileid.u32  }
0x488: {  	s1 =	rddreg [dreg:$0x1];
	p0 =	sne.s32 s2, $0x0  }
0x489: {  	s3 =	rddreg [dreg:$0x2];
	[bflag:$0x3] =	sbarrier.arrive $0xFFFF;
	s2 =	simm.s32 @!p0 $0x1C03  }
0x48a: {  	[timem:s3], [sflag:s2] =	dma.local @!p0 [hbm:s0], s1  }
0x48b: {  	s0 =	simm.s32 @!p0 $0x3  }
0x48c: {  	_ =	swait.ge @!p0 [sflag:s0], s1  }
0x48d: {  	s1 =	ssub.s32 @!p0 $0x0, s1;
	[sflag:s0] =	ssyncset.done @!p0 $0x0  }
0x48e: {  	[sflag:s0] =	ssyncadd.s32 @!p0 s1  }
0x48f: {  	[bflag:$0x3] =	sbarrier.arrive $0xFFFF  }
0x490: {  	_ =	shalt  }

</sc_bundles>
